<compile_context>
chip_gen: v7x
topology: tpu7x:2x2x1
jax: 0.10.2.dev20260603
libtpu: 0.0.44.dev20260713+nightly
codegen_flags: <defaults>
</compile_context>

<pallas_src>
import functools

import jax
import jax.numpy as jnp
from jax import lax
from jax.experimental import pallas as pl
from jax.experimental.pallas import tpu as pltpu
from jax.experimental.pallas import tpu_sc as plsc

_NUM_ROWS = 1000000
_DIM = 64
_BATCH = 16384

_INFO = plsc.get_sparse_core_info()
_NC = _INFO.num_cores
_NS = _INFO.num_subcores
_NW = _NC * _NS
_B_PER_W = _BATCH // _NW
_RING = 8
_W = 16
_KB = _B_PER_W // 128
_NH = _B_PER_W // _RING


@functools.partial(
    pl.kernel,
    mesh=plsc.VectorSubcoreMesh(core_axis_name="c", subcore_axis_name="s"),
    out_type=jax.ShapeDtypeStruct((8, 8, _BATCH), jnp.float32),
    scratch_types=[
        pltpu.VMEM((_B_PER_W + 16,), jnp.int32),
        pltpu.VMEM((_RING, 8, 8, 128), jnp.float32),
        pltpu.VMEM((8, 8, _B_PER_W), jnp.float32),
        pltpu.SemaphoreType.DMA((_RING,)),
    ],
    compiler_params=pltpu.CompilerParams(needs_layout_passes=False),
)
def _emb_lookup_t(idx_hbm, tab_hbm, out_hbm, idx_v, blocks, outbuf, sems):
    wid = lax.axis_index("s") * _NC + lax.axis_index("c")
    base = wid * _B_PER_W
    pltpu.sync_copy(idx_hbm.at[pl.ds(base, _B_PER_W)],
                    idx_v.at[pl.ds(0, _B_PER_W)])

    lanes = lax.iota(jnp.int32, 16)
    a_vecs = [(lanes + 16 * d) >> 3 for d in range(4)]
    s_vecs = [(lanes + 16 * d) & 7 for d in range(4)]

    def fire(c, slot):
        start = pl.multiple_of((c >> 4) << 4, _W)
        pltpu.make_async_copy(
            tab_hbm.at[:, :, pl.ds(start, _W)],
            blocks.at[slot, :, :, pl.ds(0, _W)],
            sems.at[slot],
        ).start()

    def select(c, b, slot):
        pltpu.make_async_copy(
            tab_hbm.at[:, :, pl.ds(0, _W)],
            blocks.at[slot, :, :, pl.ds(0, _W)], sems.at[slot]
        ).wait()
        r = jnp.full((16,), c & (_W - 1), jnp.int32)
        bv = jnp.full((16,), b, jnp.int32)
        for d in range(4):
            vals = plsc.load_gather(blocks.at[slot], [a_vecs[d], s_vecs[d], r])
            plsc.store_scatter(outbuf, [a_vecs[d], s_vecs[d], bv], vals)

    cv0 = idx_v[pl.ds(0, 16)]
    for t in range(_RING):
        fire(cv0[t], t)

    def half_group(h, carry):
        b0 = h * _RING
        cv_cur = idx_v[pl.ds(b0, 16)]
        cv_nxt = idx_v[pl.ds(b0 + _RING, 16)]
        for t in range(_RING):
            select(cv_cur[t], b0 + t, t)
            fire(cv_nxt[t], t)
        return carry

    lax.fori_loop(0, _NH - 1, half_group, 0)
    b_last = _B_PER_W - _RING
    cv_last = idx_v[pl.ds(b_last, 16)]
    for t in range(_RING):
        select(cv_last[t], b_last + t, t)

    pltpu.sync_copy(outbuf, out_hbm.at[:, :, pl.ds(base, _B_PER_W)])


def kernel(problem_id, embedding_table):
    tab3 = embedding_table.T.reshape(8, 8, _NUM_ROWS)
    out3 = _emb_lookup_t(problem_id, tab3)
    return out3.reshape(_DIM, _BATCH).T

# --- scband reference (transcript-rebuilt; emitter-appended) ---
"""Pipeline reference for scband-problem-embedding-table-16793322127822 (READ-ONLY COPY).

The authoritative reference and input builder live on the scoring server;
editing this copy changes nothing except your own understanding.
"""

import jax, jax.numpy as jnp
import numpy as np

NUM_PROBLEMS = 1000000
EMBEDDING_DIM = 64
BATCH = 16384

def setup_inputs(seed: int = 0) -> dict:
    key = jax.random.key(seed)
    k_idx, k_tab = jax.random.split(key)
    problem_id = jax.random.randint(k_idx, (BATCH,), 0, NUM_PROBLEMS, dtype=jnp.int64 if jax.config.jax_enable_x64 else jnp.int32).astype(jnp.int32)
    embedding_table = (jax.random.normal(k_tab, (NUM_PROBLEMS, EMBEDDING_DIM), dtype=jnp.float32) * 0.1)
    return {"problem_id": problem_id, "embedding_table": embedding_table}

def reference(problem_id, embedding_table):
    # Faithful translation: nn.Embedding lookup -> gather rows from table
    return jnp.take(embedding_table, problem_id, axis=0)

if __name__ == "__main__":
    import jax
    _d = setup_inputs()
    print(jax.jit(kernel)(*tuple(_d.values())))

</pallas_src>

<mosaic_0001>
#map = affine_map<(d0, d1) -> (0)>
#map1 = affine_map<(d0, d1) -> (0, 0, 0)>
module attributes {stable_mosaic.version = 14 : i64} {
  func.func @_emb_lookup_t(%arg0: i32, %arg1: i32, %arg2: memref<16384xi32, #tpu.memory_space<hbm>>, %arg3: memref<8x8x1000000xf32, #tpu.memory_space<hbm>>, %arg4: memref<8x8x16384xf32, #tpu.memory_space<hbm>>, %arg5: memref<528xi32, #tpu.memory_space<vmem>>, %arg6: memref<8x8x8x128xf32, #tpu.memory_space<vmem>>, %arg7: memref<8x8x512xf32, #tpu.memory_space<vmem>>, %arg8: memref<8x!tpu.dma_semaphore, #tpu.memory_space<semaphore_mem>>) attributes {dimension_semantics = [#tpu.dimension_semantics<core_parallel>, #tpu.dimension_semantics<subcore_parallel>], iteration_bounds = array<i64: 2, 16>, scalar_prefetch = 0 : i64, scratch_operands = 4 : i64, tpu.core_type = #tpu.core_type<sc_vector_subcore>, window_params = [{transform_indices = #map}, {transform_indices = #map1}, {transform_indices = #map1}]} {
    %mul3A = arith.constant 2 : i32
    %mul3A_0 = arith.muli %arg1, %mul3A : i32
    %add3A = arith.addi %mul3A_0, %arg0 : i32
    %mul3A_1 = arith.constant 512 : i32
    %mul3A_2 = arith.muli %add3A, %mul3A_1 : i32
    "tpu.region"() ({
      %run_scoped3A = tpu.sem_alloc : memref<!tpu.dma_semaphore, #tpu.memory_space<semaphore_mem>>
      %dma_start3A_721 = arith.constant 0 : i32
      %dma_start3A_722 = tpu.memref_slice %arg5[%dma_start3A_721] : memref<528xi32, #tpu.memory_space<vmem>> -> memref<512xi32, #tpu.memory_space<vmem>>
      %dma_start3A_723 = tpu.memref_slice %arg2[%mul3A_2] : memref<16384xi32, #tpu.memory_space<hbm>> -> memref<512xi32, #tpu.memory_space<hbm>>
      %dma_start3A_724 = arith.constant 0 : i32
      %dma_start3A_725 = tpu.memref_slice %arg5[%dma_start3A_724] : memref<528xi32, #tpu.memory_space<vmem>> -> memref<512xi32, #tpu.memory_space<vmem>>
      %dma_start3A_726 = tpu.memref_slice %arg2[%mul3A_2] : memref<16384xi32, #tpu.memory_space<hbm>> -> memref<512xi32, #tpu.memory_space<hbm>>
      tpu.enqueue_dma source(%dma_start3A_726 : memref<512xi32, #tpu.memory_space<hbm>>) target(%dma_start3A_725 : memref<512xi32, #tpu.memory_space<vmem>>) target_semaphore(%run_scoped3A : memref<!tpu.dma_semaphore, #tpu.memory_space<semaphore_mem>>)
      %dma_wait3A_727 = arith.constant 0 : i32
      %dma_wait3A_728 = tpu.memref_slice %arg5[%dma_wait3A_727] : memref<528xi32, #tpu.memory_space<vmem>> -> memref<512xi32, #tpu.memory_space<vmem>>
      %dma_wait3A_729 = tpu.memref_slice %arg2[%mul3A_2] : memref<16384xi32, #tpu.memory_space<hbm>> -> memref<512xi32, #tpu.memory_space<hbm>>
      %dma_wait3A_730 = arith.constant 0 : i32
      %dma_wait3A_731 = tpu.memref_slice %arg5[%dma_wait3A_730] : memref<528xi32, #tpu.memory_space<vmem>> -> memref<512xi32, #tpu.memory_space<vmem>>
      %dma_wait3A_732 = tpu.memref_slice %arg2[%mul3A_2] : memref<16384xi32, #tpu.memory_space<hbm>> -> memref<512xi32, #tpu.memory_space<hbm>>
      tpu.wait_dma2 semaphore(%run_scoped3A : memref<!tpu.dma_semaphore, #tpu.memory_space<semaphore_mem>>) src(%dma_wait3A_732 : memref<512xi32, #tpu.memory_space<hbm>>) dst(%dma_wait3A_731 : memref<512xi32, #tpu.memory_space<vmem>>)
      tpu.yield
    }) : () -> ()
    %iota3A = tpu.iota {dimensions = array<i32: 0>} : vector<16xi32>
    %add3A_3 = arith.constant 0 : i32
    %add3A_4 = vector.broadcast %add3A_3 : i32 to vector<16xi32>
    %add3A_5 = arith.addi %iota3A, %add3A_4 : vector<16xi32>
    %shift_right_arithmetic3A = arith.constant 3 : i32
    %shift_right_arithmetic3A_6 = vector.broadcast %shift_right_arithmetic3A : i32 to vector<16xi32>
    %shift_right_arithmetic3A_7 = arith.shrsi %add3A_5, %shift_right_arithmetic3A_6 : vector<16xi32>
    %add3A_8 = arith.constant 16 : i32
    %add3A_9 = vector.broadcast %add3A_8 : i32 to vector<16xi32>
    %add3A_10 = arith.addi %iota3A, %add3A_9 : vector<16xi32>
    %shift_right_arithmetic3A_11 = arith.constant 3 : i32
    %shift_right_arithmetic3A_12 = vector.broadcast %shift_right_arithmetic3A_11 : i32 to vector<16xi32>
    %shift_right_arithmetic3A_13 = arith.shrsi %add3A_10, %shift_right_arithmetic3A_12 : vector<16xi32>
    %add3A_14 = arith.constant 32 : i32
    %add3A_15 = vector.broadcast %add3A_14 : i32 to vector<16xi32>
    %add3A_16 = arith.addi %iota3A, %add3A_15 : vector<16xi32>
    %shift_right_arithmetic3A_17 = arith.constant 3 : i32
    %shift_right_arithmetic3A_18 = vector.broadcast %shift_right_arithmetic3A_17 : i32 to vector<16xi32>
    %shift_right_arithmetic3A_19 = arith.shrsi %add3A_16, %shift_right_arithmetic3A_18 : vector<16xi32>
    %add3A_20 = arith.constant 48 : i32
    %add3A_21 = vector.broadcast %add3A_20 : i32 to vector<16xi32>
    %add3A_22 = arith.addi %iota3A, %add3A_21 : vector<16xi32>
    %shift_right_arithmetic3A_23 = arith.constant 3 : i32
    %shift_right_arithmetic3A_24 = vector.broadcast %shift_right_arithmetic3A_23 : i32 to vector<16xi32>
    %shift_right_arithmetic3A_25 = arith.shrsi %add3A_22, %shift_right_arithmetic3A_24 : vector<16xi32>
    %add3A_26 = arith.constant 0 : i32
    %add3A_27 = vector.broadcast %add3A_26 : i32 to vector<16xi32>
    %add3A_28 = arith.addi %iota3A, %add3A_27 : vector<16xi32>
    %and3A = arith.constant 7 : i32
    %and3A_29 = vector.broadcast %and3A : i32 to vector<16xi32>
    %and3A_30 = arith.andi %add3A_28, %and3A_29 : vector<16xi32>
    %add3A_31 = arith.constant 16 : i32
    %add3A_32 = vector.broadcast %add3A_31 : i32 to vector<16xi32>
    %add3A_33 = arith.addi %iota3A, %add3A_32 : vector<16xi32>
    %and3A_34 = arith.constant 7 : i32
    %and3A_35 = vector.broadcast %and3A_34 : i32 to vector<16xi32>
    %and3A_36 = arith.andi %add3A_33, %and3A_35 : vector<16xi32>
    %add3A_37 = arith.constant 32 : i32
    %add3A_38 = vector.broadcast %add3A_37 : i32 to vector<16xi32>
    %add3A_39 = arith.addi %iota3A, %add3A_38 : vector<16xi32>
    %and3A_40 = arith.constant 7 : i32
    %and3A_41 = vector.broadcast %and3A_40 : i32 to vector<16xi32>
    %and3A_42 = arith.andi %add3A_39, %and3A_41 : vector<16xi32>
    %add3A_43 = arith.constant 48 : i32
    %add3A_44 = vector.broadcast %add3A_43 : i32 to vector<16xi32>
    %add3A_45 = arith.addi %iota3A, %add3A_44 : vector<16xi32>
    %and3A_46 = arith.constant 7 : i32
    %and3A_47 = vector.broadcast %and3A_46 : i32 to vector<16xi32>
    %and3A_48 = arith.andi %add3A_45, %and3A_47 : vector<16xi32>
    %get3A = arith.constant 0 : index
    %get3A_49 = tpu.vector_load %arg5[%get3A] {strides = array<i32>} : memref<528xi32, #tpu.memory_space<vmem>>, vector<16xi32>,
    %slice3A = vector.extract_strided_slice %get3A_49 {offsets = [0], sizes = [1], strides = [1]} : vector<16xi32> to vector<1xi32>
    %squeeze3A = vector.extract %slice3A[0] : i32 from vector<1xi32>
    %shift_right_arithmetic3A_50 = arith.constant 4 : i32
    %shift_right_arithmetic3A_51 = arith.shrsi %squeeze3A, %shift_right_arithmetic3A_50 : i32
    %shift_left3A = arith.constant 4 : i32
    %shift_left3A_52 = arith.shli %shift_right_arithmetic3A_51, %shift_left3A : i32
    %multiple_of3A = tpu.assume_multiple %shift_left3A_52, 16 : i32
    %dma_start3A = arith.constant 0 : i32
    %dma_start3A_53 = arith.constant 0 : i32
    %dma_start3A_54 = arith.constant 0 : i32
    %dma_start3A_55 = arith.constant 0 : i32
    %dma_start3A_56 = arith.constant 0 : i32
    %dma_start3A_57 = tpu.memref_slice %arg6[%dma_start3A, %dma_start3A_54, %dma_start3A_55, %dma_start3A_56] : memref<8x8x8x128xf32, #tpu.memory_space<vmem>> -> memref<1x8x8x16xf32, #tpu.memory_space<vmem>>
    %dma_start3A_58 = tpu.memref_squeeze %dma_start3A_57 : memref<1x8x8x16xf32, #tpu.memory_space<vmem>> -> memref<8x8x16xf32, #tpu.memory_space<vmem>>
    %dma_start3A_59 = arith.constant 0 : i32
    %dma_start3A_60 = arith.constant 0 : i32
    %dma_start3A_61 = tpu.memref_slice %arg3[%dma_start3A_59, %dma_start3A_60, %multiple_of3A] : memref<8x8x1000000xf32, #tpu.memory_space<hbm>> -> memref<8x8x16xf32, #tpu.memory_space<hbm>>
    %dma_start3A_62 = tpu.memref_slice %arg8[%dma_start3A_53] : memref<8x!tpu.dma_semaphore, #tpu.memory_space<semaphore_mem>> -> memref<1x!tpu.dma_semaphore, #tpu.memory_space<semaphore_mem>>
    %dma_start3A_63 = tpu.memref_squeeze %dma_start3A_62 : memref<1x!tpu.dma_semaphore, #tpu.memory_space<semaphore_mem>> -> memref<!tpu.dma_semaphore, #tpu.memory_space<semaphore_mem>>
    %dma_start3A_64 = arith.constant 0 : i32
    %dma_start3A_65 = arith.constant 0 : i32
    %dma_start3A_66 = arith.constant 0 : i32
    %dma_start3A_67 = tpu.memref_slice %arg6[%dma_start3A, %dma_start3A_64, %dma_start3A_65, %dma_start3A_66] : memref<8x8x8x128xf32, #tpu.memory_space<vmem>> -> memref<1x8x8x16xf32, #tpu.memory_space<vmem>>
    %dma_start3A_68 = tpu.memref_squeeze %dma_start3A_67 : memref<1x8x8x16xf32, #tpu.memory_space<vmem>> -> memref<8x8x16xf32, #tpu.memory_space<vmem>>
    %dma_start3A_69 = arith.constant 0 : i32
    %dma_start3A_70 = arith.constant 0 : i32
    %dma_start3A_71 = tpu.memref_slice %arg3[%dma_start3A_69, %dma_start3A_70, %multiple_of3A] : memref<8x8x1000000xf32, #tpu.memory_space<hbm>> -> memref<8x8x16xf32, #tpu.memory_space<hbm>>
    tpu.enqueue_dma source(%dma_start3A_71 : memref<8x8x16xf32, #tpu.memory_space<hbm>>) target(%dma_start3A_68 : memref<8x8x16xf32, #tpu.memory_space<vmem>>) target_semaphore(%dma_start3A_63 : memref<!tpu.dma_semaphore, #tpu.memory_space<semaphore_mem>>)
    %slice3A_72 = vector.extract_strided_slice %get3A_49 {offsets = [1], sizes = [1], strides = [1]} : vector<16xi32> to vector<1xi32>
    %squeeze3A_73 = vector.extract %slice3A_72[0] : i32 from vector<1xi32>
    %shift_right_arithmetic3A_74 = arith.constant 4 : i32
    %shift_right_arithmetic3A_75 = arith.shrsi %squeeze3A_73, %shift_right_arithmetic3A_74 : i32
    %shift_left3A_76 = arith.constant 4 : i32
    %shift_left3A_77 = arith.shli %shift_right_arithmetic3A_75, %shift_left3A_76 : i32
    %multiple_of3A_78 = tpu.assume_multiple %shift_left3A_77, 16 : i32
    %dma_start3A_79 = arith.constant 1 : i32
    %dma_start3A_80 = arith.constant 1 : i32
    %dma_start3A_81 = arith.constant 0 : i32
    %dma_start3A_82 = arith.constant 0 : i32
    %dma_start3A_83 = arith.constant 0 : i32
    %dma_start3A_84 = tpu.memref_slice %arg6[%dma_start3A_79, %dma_start3A_81, %dma_start3A_82, %dma_start3A_83] : memref<8x8x8x128xf32, #tpu.memory_space<vmem>> -> memref<1x8x8x16xf32, #tpu.memory_space<vmem>>
    %dma_start3A_85 = tpu.memref_squeeze %dma_start3A_84 : memref<1x8x8x16xf32, #tpu.memory_space<vmem>> -> memref<8x8x16xf32, #tpu.memory_space<vmem>>
    %dma_start3A_86 = arith.constant 0 : i32
    %dma_start3A_87 = arith.constant 0 : i32
    %dma_start3A_88 = tpu.memref_slice %arg3[%dma_start3A_86, %dma_start3A_87, %multiple_of3A_78] : memref<8x8x1000000xf32, #tpu.memory_space<hbm>> -> memref<8x8x16xf32, #tpu.memory_space<hbm>>
    %dma_start3A_89 = tpu.memref_slice %arg8[%dma_start3A_80] : memref<8x!tpu.dma_semaphore, #tpu.memory_space<semaphore_mem>> -> memref<1x!tpu.dma_semaphore, #tpu.memory_space<semaphore_mem>>
    %dma_start3A_90 = tpu.memref_squeeze %dma_start3A_89 : memref<1x!tpu.dma_semaphore, #tpu.memory_space<semaphore_mem>> -> memref<!tpu.dma_semaphore, #tpu.memory_space<semaphore_mem>>
    %dma_start3A_91 = arith.constant 0 : i32
    %dma_start3A_92 = arith.constant 0 : i32
    %dma_start3A_93 = arith.constant 0 : i32
    %dma_start3A_94 = tpu.memref_slice %arg6[%dma_start3A_79, %dma_start3A_91, %dma_start3A_92, %dma_start3A_93] : memref<8x8x8x128xf32, #tpu.memory_space<vmem>> -> memref<1x8x8x16xf32, #tpu.memory_space<vmem>>
    %dma_start3A_95 = tpu.memref_squeeze %dma_start3A_94 : memref<1x8x8x16xf32, #tpu.memory_space<vmem>> -> memref<8x8x16xf32, #tpu.memory_space<vmem>>
    %dma_start3A_96 = arith.constant 0 : i32
    %dma_start3A_97 = arith.constant 0 : i32
    %dma_start3A_98 = tpu.memref_slice %arg3[%dma_start3A_96, %dma_start3A_97, %multiple_of3A_78] : memref<8x8x1000000xf32, #tpu.memory_space<hbm>> -> memref<8x8x16xf32, #tpu.memory_space<hbm>>
    tpu.enqueue_dma source(%dma_start3A_98 : memref<8x8x16xf32, #tpu.memory_space<hbm>>) target(%dma_start3A_95 : memref<8x8x16xf32, #tpu.memory_space<vmem>>) target_semaphore(%dma_start3A_90 : memref<!tpu.dma_semaphore, #tpu.memory_space<semaphore_mem>>)
    %slice3A_99 = vector.extract_strided_slice %get3A_49 {offsets = [2], sizes = [1], strides = [1]} : vector<16xi32> to vector<1xi32>
    %squeeze3A_100 = vector.extract %slice3A_99[0] : i32 from vector<1xi32>
    %shift_right_arithmetic3A_101 = arith.constant 4 : i32
    %shift_right_arithmetic3A_102 = arith.shrsi %squeeze3A_100, %shift_right_arithmetic3A_101 : i32
    %shift_left3A_103 = arith.constant 4 : i32
    %shift_left3A_104 = arith.shli %shift_right_arithmetic3A_102, %shift_left3A_103 : i32
    %multiple_of3A_105 = tpu.assume_multiple %shift_left3A_104, 16 : i32
    %dma_start3A_106 = arith.constant 2 : i32
    %dma_start3A_107 = arith.constant 2 : i32
    %dma_start3A_108 = arith.constant 0 : i32
    %dma_start3A_109 = arith.constant 0 : i32
    %dma_start3A_110 = arith.constant 0 : i32
    %dma_start3A_111 = tpu.memref_slice %arg6[%dma_start3A_106, %dma_start3A_108, %dma_start3A_109, %dma_start3A_110] : memref<8x8x8x128xf32, #tpu.memory_space<vmem>> -> memref<1x8x8x16xf32, #tpu.memory_space<vmem>>
    %dma_start3A_112 = tpu.memref_squeeze %dma_start3A_111 : memref<1x8x8x16xf32, #tpu.memory_space<vmem>> -> memref<8x8x16xf32, #tpu.memory_space<vmem>>
    %dma_start3A_113 = arith.constant 0 : i32
    %dma_start3A_114 = arith.constant 0 : i32
    %dma_start3A_115 = tpu.memref_slice %arg3[%dma_start3A_113, %dma_start3A_114, %multiple_of3A_105] : memref<8x8x1000000xf32, #tpu.memory_space<hbm>> -> memref<8x8x16xf32, #tpu.memory_space<hbm>>
    %dma_start3A_116 = tpu.memref_slice %arg8[%dma_start3A_107] : memref<8x!tpu.dma_semaphore, #tpu.memory_space<semaphore_mem>> -> memref<1x!tpu.dma_semaphore, #tpu.memory_space<semaphore_mem>>
    %dma_start3A_117 = tpu.memref_squeeze %dma_start3A_116 : memref<1x!tpu.dma_semaphore, #tpu.memory_space<semaphore_mem>> -> memref<!tpu.dma_semaphore, #tpu.memory_space<semaphore_mem>>
    %dma_start3A_118 = arith.constant 0 : i32
    %dma_start3A_119 = arith.constant 0 : i32
    %dma_start3A_120 = arith.constant 0 : i32
    %dma_start3A_121 = tpu.memref_slice %arg6[%dma_start3A_106, %dma_start3A_118, %dma_start3A_119, %dma_start3A_120] : memref<8x8x8x128xf32, #tpu.memory_space<vmem>> -> memref<1x8x8x16xf32, #tpu.memory_space<vmem>>
    %dma_start3A_122 = tpu.memref_squeeze %dma_start3A_121 : memref<1x8x8x16xf32, #tpu.memory_space<vmem>> -> memref<8x8x16xf32, #tpu.memory_space<vmem>>
    %dma_start3A_123 = arith.constant 0 : i32
    %dma_start3A_124 = arith.constant 0 : i32
    %dma_start3A_125 = tpu.memref_slice %arg3[%dma_start3A_123, %dma_start3A_124, %multiple_of3A_105] : memref<8x8x1000000xf32, #tpu.memory_space<hbm>> -> memref<8x8x16xf32, #tpu.memory_space<hbm>>
    tpu.enqueue_dma source(%dma_start3A_125 : memref<8x8x16xf32, #tpu.memory_space<hbm>>) target(%dma_start3A_122 : memref<8x8x16xf32, #tpu.memory_space<vmem>>) target_semaphore(%dma_start3A_117 : memref<!tpu.dma_semaphore, #tpu.memory_space<semaphore_mem>>)
    %slice3A_126 = vector.extract_strided_slice %get3A_49 {offsets = [3], sizes = [1], strides = [1]} : vector<16xi32> to vector<1xi32>
    %squeeze3A_127 = vector.extract %slice3A_126[0] : i32 from vector<1xi32>
    %shift_right_arithmetic3A_128 = arith.constant 4 : i32
    %shift_right_arithmetic3A_129 = arith.shrsi %squeeze3A_127, %shift_right_arithmetic3A_128 : i32
    %shift_left3A_130 = arith.constant 4 : i32
    %shift_left3A_131 = arith.shli %shift_right_arithmetic3A_129, %shift_left3A_130 : i32
    %multiple_of3A_132 = tpu.assume_multiple %shift_left3A_131, 16 : i32
    %dma_start3A_133 = arith.constant 3 : i32
    %dma_start3A_134 = arith.constant 3 : i32
    %dma_start3A_135 = arith.constant 0 : i32
    %dma_start3A_136 = arith.constant 0 : i32
    %dma_start3A_137 = arith.constant 0 : i32
    %dma_start3A_138 = tpu.memref_slice %arg6[%dma_start3A_133, %dma_start3A_135, %dma_start3A_136, %dma_start3A_137] : memref<8x8x8x128xf32, #tpu.memory_space<vmem>> -> memref<1x8x8x16xf32, #tpu.memory_space<vmem>>
    %dma_start3A_139 = tpu.memref_squeeze %dma_start3A_138 : memref<1x8x8x16xf32, #tpu.memory_space<vmem>> -> memref<8x8x16xf32, #tpu.memory_space<vmem>>
    %dma_start3A_140 = arith.constant 0 : i32
    %dma_start3A_141 = arith.constant 0 : i32
    %dma_start3A_142 = tpu.memref_slice %arg3[%dma_start3A_140, %dma_start3A_141, %multiple_of3A_132] : memref<8x8x1000000xf32, #tpu.memory_space<hbm>> -> memref<8x8x16xf32, #tpu.memory_space<hbm>>
    %dma_start3A_143 = tpu.memref_slice %arg8[%dma_start3A_134] : memref<8x!tpu.dma_semaphore, #tpu.memory_space<semaphore_mem>> -> memref<1x!tpu.dma_semaphore, #tpu.memory_space<semaphore_mem>>
    %dma_start3A_144 = tpu.memref_squeeze %dma_start3A_143 : memref<1x!tpu.dma_semaphore, #tpu.memory_space<semaphore_mem>> -> memref<!tpu.dma_semaphore, #tpu.memory_space<semaphore_mem>>
    %dma_start3A_145 = arith.constant 0 : i32
    %dma_start3A_146 = arith.constant 0 : i32
    %dma_start3A_147 = arith.constant 0 : i32
    %dma_start3A_148 = tpu.memref_slice %arg6[%dma_start3A_133, %dma_start3A_145, %dma_start3A_146, %dma_start3A_147] : memref<8x8x8x128xf32, #tpu.memory_space<vmem>> -> memref<1x8x8x16xf32, #tpu.memory_space<vmem>>
    %dma_start3A_149 = tpu.memref_squeeze %dma_start3A_148 : memref<1x8x8x16xf32, #tpu.memory_space<vmem>> -> memref<8x8x16xf32, #tpu.memory_space<vmem>>
    %dma_start3A_150 = arith.constant 0 : i32
    %dma_start3A_151 = arith.constant 0 : i32
    %dma_start3A_152 = tpu.memref_slice %arg3[%dma_start3A_150, %dma_start3A_151, %multiple_of3A_132] : memref<8x8x1000000xf32, #tpu.memory_space<hbm>> -> memref<8x8x16xf32, #tpu.memory_space<hbm>>
    tpu.enqueue_dma source(%dma_start3A_152 : memref<8x8x16xf32, #tpu.memory_space<hbm>>) target(%dma_start3A_149 : memref<8x8x16xf32, #tpu.memory_space<vmem>>) target_semaphore(%dma_start3A_144 : memref<!tpu.dma_semaphore, #tpu.memory_space<semaphore_mem>>)
    %slice3A_153 = vector.extract_strided_slice %get3A_49 {offsets = [4], sizes = [1], strides = [1]} : vector<16xi32> to vector<1xi32>
    %squeeze3A_154 = vector.extract %slice3A_153[0] : i32 from vector<1xi32>
    %shift_right_arithmetic3A_155 = arith.constant 4 : i32
    %shift_right_arithmetic3A_156 = arith.shrsi %squeeze3A_154, %shift_right_arithmetic3A_155 : i32
    %shift_left3A_157 = arith.constant 4 : i32
    %shift_left3A_158 = arith.shli %shift_right_arithmetic3A_156, %shift_left3A_157 : i32
    %multiple_of3A_159 = tpu.assume_multiple %shift_left3A_158, 16 : i32
    %dma_start3A_160 = arith.constant 4 : i32
    %dma_start3A_161 = arith.constant 4 : i32
    %dma_start3A_162 = arith.constant 0 : i32
    %dma_start3A_163 = arith.constant 0 : i32
    %dma_start3A_164 = arith.constant 0 : i32
    %dma_start3A_165 = tpu.memref_slice %arg6[%dma_start3A_160, %dma_start3A_162, %dma_start3A_163, %dma_start3A_164] : memref<8x8x8x128xf32, #tpu.memory_space<vmem>> -> memref<1x8x8x16xf32, #tpu.memory_space<vmem>>
    %dma_start3A_166 = tpu.memref_squeeze %dma_start3A_165 : memref<1x8x8x16xf32, #tpu.memory_space<vmem>> -> memref<8x8x16xf32, #tpu.memory_space<vmem>>
    %dma_start3A_167 = arith.constant 0 : i32
    %dma_start3A_168 = arith.constant 0 : i32
    %dma_start3A_169 = tpu.memref_slice %arg3[%dma_start3A_167, %dma_start3A_168, %multiple_of3A_159] : memref<8x8x1000000xf32, #tpu.memory_space<hbm>> -> memref<8x8x16xf32, #tpu.memory_space<hbm>>
    %dma_start3A_170 = tpu.memref_slice %arg8[%dma_start3A_161] : memref<8x!tpu.dma_semaphore, #tpu.memory_space<semaphore_mem>> -> memref<1x!tpu.dma_semaphore, #tpu.memory_space<semaphore_mem>>
    %dma_start3A_171 = tpu.memref_squeeze %dma_start3A_170 : memref<1x!tpu.dma_semaphore, #tpu.memory_space<semaphore_mem>> -> memref<!tpu.dma_semaphore, #tpu.memory_space<semaphore_mem>>
    %dma_start3A_172 = arith.constant 0 : i32
    %dma_start3A_173 = arith.constant 0 : i32
    %dma_start3A_174 = arith.constant 0 : i32
    %dma_start3A_175 = tpu.memref_slice %arg6[%dma_start3A_160, %dma_start3A_172, %dma_start3A_173, %dma_start3A_174] : memref<8x8x8x128xf32, #tpu.memory_space<vmem>> -> memref<1x8x8x16xf32, #tpu.memory_space<vmem>>
    %dma_start3A_176 = tpu.memref_squeeze %dma_start3A_175 : memref<1x8x8x16xf32, #tpu.memory_space<vmem>> -> memref<8x8x16xf32, #tpu.memory_space<vmem>>
    %dma_start3A_177 = arith.constant 0 : i32
    %dma_start3A_178 = arith.constant 0 : i32
    %dma_start3A_179 = tpu.memref_slice %arg3[%dma_start3A_177, %dma_start3A_178, %multiple_of3A_159] : memref<8x8x1000000xf32, #tpu.memory_space<hbm>> -> memref<8x8x16xf32, #tpu.memory_space<hbm>>
    tpu.enqueue_dma source(%dma_start3A_179 : memref<8x8x16xf32, #tpu.memory_space<hbm>>) target(%dma_start3A_176 : memref<8x8x16xf32, #tpu.memory_space<vmem>>) target_semaphore(%dma_start3A_171 : memref<!tpu.dma_semaphore, #tpu.memory_space<semaphore_mem>>)
    %slice3A_180 = vector.extract_strided_slice %get3A_49 {offsets = [5], sizes = [1], strides = [1]} : vector<16xi32> to vector<1xi32>
    %squeeze3A_181 = vector.extract %slice3A_180[0] : i32 from vector<1xi32>
    %shift_right_arithmetic3A_182 = arith.constant 4 : i32
    %shift_right_arithmetic3A_183 = arith.shrsi %squeeze3A_181, %shift_right_arithmetic3A_182 : i32
    %shift_left3A_184 = arith.constant 4 : i32
    %shift_left3A_185 = arith.shli %shift_right_arithmetic3A_183, %shift_left3A_184 : i32
    %multiple_of3A_186 = tpu.assume_multiple %shift_left3A_185, 16 : i32
    %dma_start3A_187 = arith.constant 5 : i32
    %dma_start3A_188 = arith.constant 5 : i32
    %dma_start3A_189 = arith.constant 0 : i32
    %dma_start3A_190 = arith.constant 0 : i32
    %dma_start3A_191 = arith.constant 0 : i32
    %dma_start3A_192 = tpu.memref_slice %arg6[%dma_start3A_187, %dma_start3A_189, %dma_start3A_190, %dma_start3A_191] : memref<8x8x8x128xf32, #tpu.memory_space<vmem>> -> memref<1x8x8x16xf32, #tpu.memory_space<vmem>>
    %dma_start3A_193 = tpu.memref_squeeze %dma_start3A_192 : memref<1x8x8x16xf32, #tpu.memory_space<vmem>> -> memref<8x8x16xf32, #tpu.memory_space<vmem>>
    %dma_start3A_194 = arith.constant 0 : i32
    %dma_start3A_195 = arith.constant 0 : i32
    %dma_start3A_196 = tpu.memref_slice %arg3[%dma_start3A_194, %dma_start3A_195, %multiple_of3A_186] : memref<8x8x1000000xf32, #tpu.memory_space<hbm>> -> memref<8x8x16xf32, #tpu.memory_space<hbm>>
    %dma_start3A_197 = tpu.memref_slice %arg8[%dma_start3A_188] : memref<8x!tpu.dma_semaphore, #tpu.memory_space<semaphore_mem>> -> memref<1x!tpu.dma_semaphore, #tpu.memory_space<semaphore_mem>>
    %dma_start3A_198 = tpu.memref_squeeze %dma_start3A_197 : memref<1x!tpu.dma_semaphore, #tpu.memory_space<semaphore_mem>> -> memref<!tpu.dma_semaphore, #tpu.memory_space<semaphore_mem>>
    %dma_start3A_199 = arith.constant 0 : i32
    %dma_start3A_200 = arith.constant 0 : i32
    %dma_start3A_201 = arith.constant 0 : i32
    %dma_start3A_202 = tpu.memref_slice %arg6[%dma_start3A_187, %dma_start3A_199, %dma_start3A_200, %dma_start3A_201] : memref<8x8x8x128xf32, #tpu.memory_space<vmem>> -> memref<1x8x8x16xf32, #tpu.memory_space<vmem>>
    %dma_start3A_203 = tpu.memref_squeeze %dma_start3A_202 : memref<1x8x8x16xf32, #tpu.memory_space<vmem>> -> memref<8x8x16xf32, #tpu.memory_space<vmem>>
    %dma_start3A_204 = arith.constant 0 : i32
    %dma_start3A_205 = arith.constant 0 : i32
    %dma_start3A_206 = tpu.memref_slice %arg3[%dma_start3A_204, %dma_start3A_205, %multiple_of3A_186] : memref<8x8x1000000xf32, #tpu.memory_space<hbm>> -> memref<8x8x16xf32, #tpu.memory_space<hbm>>
    tpu.enqueue_dma source(%dma_start3A_206 : memref<8x8x16xf32, #tpu.memory_space<hbm>>) target(%dma_start3A_203 : memref<8x8x16xf32, #tpu.memory_space<vmem>>) target_semaphore(%dma_start3A_198 : memref<!tpu.dma_semaphore, #tpu.memory_space<semaphore_mem>>)
    %slice3A_207 = vector.extract_strided_slice %get3A_49 {offsets = [6], sizes = [1], strides = [1]} : vector<16xi32> to vector<1xi32>
    %squeeze3A_208 = vector.extract %slice3A_207[0] : i32 from vector<1xi32>
    %shift_right_arithmetic3A_209 = arith.constant 4 : i32
    %shift_right_arithmetic3A_210 = arith.shrsi %squeeze3A_208, %shift_right_arithmetic3A_209 : i32
    %shift_left3A_211 = arith.constant 4 : i32
    %shift_left3A_212 = arith.shli %shift_right_arithmetic3A_210, %shift_left3A_211 : i32
    %multiple_of3A_213 = tpu.assume_multiple %shift_left3A_212, 16 : i32
    %dma_start3A_214 = arith.constant 6 : i32
    %dma_start3A_215 = arith.constant 6 : i32
    %dma_start3A_216 = arith.constant 0 : i32
    %dma_start3A_217 = arith.constant 0 : i32
    %dma_start3A_218 = arith.constant 0 : i32
    %dma_start3A_219 = tpu.memref_slice %arg6[%dma_start3A_214, %dma_start3A_216, %dma_start3A_217, %dma_start3A_218] : memref<8x8x8x128xf32, #tpu.memory_space<vmem>> -> memref<1x8x8x16xf32, #tpu.memory_space<vmem>>
    %dma_start3A_220 = tpu.memref_squeeze %dma_start3A_219 : memref<1x8x8x16xf32, #tpu.memory_space<vmem>> -> memref<8x8x16xf32, #tpu.memory_space<vmem>>
    %dma_start3A_221 = arith.constant 0 : i32
    %dma_start3A_222 = arith.constant 0 : i32
    %dma_start3A_223 = tpu.memref_slice %arg3[%dma_start3A_221, %dma_start3A_222, %multiple_of3A_213] : memref<8x8x1000000xf32, #tpu.memory_space<hbm>> -> memref<8x8x16xf32, #tpu.memory_space<hbm>>
    %dma_start3A_224 = tpu.memref_slice %arg8[%dma_start3A_215] : memref<8x!tpu.dma_semaphore, #tpu.memory_space<semaphore_mem>> -> memref<1x!tpu.dma_semaphore, #tpu.memory_space<semaphore_mem>>
    %dma_start3A_225 = tpu.memref_squeeze %dma_start3A_224 : memref<1x!tpu.dma_semaphore, #tpu.memory_space<semaphore_mem>> -> memref<!tpu.dma_semaphore, #tpu.memory_space<semaphore_mem>>
    %dma_start3A_226 = arith.constant 0 : i32
    %dma_start3A_227 = arith.constant 0 : i32
    %dma_start3A_228 = arith.constant 0 : i32
    %dma_start3A_229 = tpu.memref_slice %arg6[%dma_start3A_214, %dma_start3A_226, %dma_start3A_227, %dma_start3A_228] : memref<8x8x8x128xf32, #tpu.memory_space<vmem>> -> memref<1x8x8x16xf32, #tpu.memory_space<vmem>>
    %dma_start3A_230 = tpu.memref_squeeze %dma_start3A_229 : memref<1x8x8x16xf32, #tpu.memory_space<vmem>> -> memref<8x8x16xf32, #tpu.memory_space<vmem>>
    %dma_start3A_231 = arith.constant 0 : i32
    %dma_start3A_232 = arith.constant 0 : i32
    %dma_start3A_233 = tpu.memref_slice %arg3[%dma_start3A_231, %dma_start3A_232, %multiple_of3A_213] : memref<8x8x1000000xf32, #tpu.memory_space<hbm>> -> memref<8x8x16xf32, #tpu.memory_space<hbm>>
    tpu.enqueue_dma source(%dma_start3A_233 : memref<8x8x16xf32, #tpu.memory_space<hbm>>) target(%dma_start3A_230 : memref<8x8x16xf32, #tpu.memory_space<vmem>>) target_semaphore(%dma_start3A_225 : memref<!tpu.dma_semaphore, #tpu.memory_space<semaphore_mem>>)
    %slice3A_234 = vector.extract_strided_slice %get3A_49 {offsets = [7], sizes = [1], strides = [1]} : vector<16xi32> to vector<1xi32>
    %squeeze3A_235 = vector.extract %slice3A_234[0] : i32 from vector<1xi32>
    %shift_right_arithmetic3A_236 = arith.constant 4 : i32
    %shift_right_arithmetic3A_237 = arith.shrsi %squeeze3A_235, %shift_right_arithmetic3A_236 : i32
    %shift_left3A_238 = arith.constant 4 : i32
    %shift_left3A_239 = arith.shli %shift_right_arithmetic3A_237, %shift_left3A_238 : i32
    %multiple_of3A_240 = tpu.assume_multiple %shift_left3A_239, 16 : i32
    %dma_start3A_241 = arith.constant 7 : i32
    %dma_start3A_242 = arith.constant 7 : i32
    %dma_start3A_243 = arith.constant 0 : i32
    %dma_start3A_244 = arith.constant 0 : i32
    %dma_start3A_245 = arith.constant 0 : i32
    %dma_start3A_246 = tpu.memref_slice %arg6[%dma_start3A_241, %dma_start3A_243, %dma_start3A_244, %dma_start3A_245] : memref<8x8x8x128xf32, #tpu.memory_space<vmem>> -> memref<1x8x8x16xf32, #tpu.memory_space<vmem>>
    %dma_start3A_247 = tpu.memref_squeeze %dma_start3A_246 : memref<1x8x8x16xf32, #tpu.memory_space<vmem>> -> memref<8x8x16xf32, #tpu.memory_space<vmem>>
    %dma_start3A_248 = arith.constant 0 : i32
    %dma_start3A_249 = arith.constant 0 : i32
    %dma_start3A_250 = tpu.memref_slice %arg3[%dma_start3A_248, %dma_start3A_249, %multiple_of3A_240] : memref<8x8x1000000xf32, #tpu.memory_space<hbm>> -> memref<8x8x16xf32, #tpu.memory_space<hbm>>
    %dma_start3A_251 = tpu.memref_slice %arg8[%dma_start3A_242] : memref<8x!tpu.dma_semaphore, #tpu.memory_space<semaphore_mem>> -> memref<1x!tpu.dma_semaphore, #tpu.memory_space<semaphore_mem>>
    %dma_start3A_252 = tpu.memref_squeeze %dma_start3A_251 : memref<1x!tpu.dma_semaphore, #tpu.memory_space<semaphore_mem>> -> memref<!tpu.dma_semaphore, #tpu.memory_space<semaphore_mem>>
    %dma_start3A_253 = arith.constant 0 : i32
    %dma_start3A_254 = arith.constant 0 : i32
    %dma_start3A_255 = arith.constant 0 : i32
    %dma_start3A_256 = tpu.memref_slice %arg6[%dma_start3A_241, %dma_start3A_253, %dma_start3A_254, %dma_start3A_255] : memref<8x8x8x128xf32, #tpu.memory_space<vmem>> -> memref<1x8x8x16xf32, #tpu.memory_space<vmem>>
    %dma_start3A_257 = tpu.memref_squeeze %dma_start3A_256 : memref<1x8x8x16xf32, #tpu.memory_space<vmem>> -> memref<8x8x16xf32, #tpu.memory_space<vmem>>
    %dma_start3A_258 = arith.constant 0 : i32
    %dma_start3A_259 = arith.constant 0 : i32
    %dma_start3A_260 = tpu.memref_slice %arg3[%dma_start3A_258, %dma_start3A_259, %multiple_of3A_240] : memref<8x8x1000000xf32, #tpu.memory_space<hbm>> -> memref<8x8x16xf32, #tpu.memory_space<hbm>>
    tpu.enqueue_dma source(%dma_start3A_260 : memref<8x8x16xf32, #tpu.memory_space<hbm>>) target(%dma_start3A_257 : memref<8x8x16xf32, #tpu.memory_space<vmem>>) target_semaphore(%dma_start3A_252 : memref<!tpu.dma_semaphore, #tpu.memory_space<semaphore_mem>>)
    %scan3A = arith.constant 0 : i32
    %scan3A_261 = arith.constant 0 : i32
    %scan3A_262 = arith.constant 63 : i32
    %scan3A_263 = arith.addi %scan3A_261, %scan3A_262 : i32
    %scan3A_264 = arith.constant 1 : i32
    scf.for %scan3A_721 = %scan3A_261 to %scan3A_263 step %scan3A_264  : i32 {
      %mul3A_722 = arith.constant 8 : i32
      %mul3A_723 = arith.muli %scan3A_721, %mul3A_722 : i32
      %get3A_724 = arith.index_cast %mul3A_723 : i32 to index
      %get3A_725 = tpu.vector_load %arg5[%get3A_724] {strides = array<i32>} : memref<528xi32, #tpu.memory_space<vmem>>, vector<16xi32>,
      %add3A_726 = arith.constant 8 : i32
      %add3A_727 = arith.addi %mul3A_723, %add3A_726 : i32
      %get3A_728 = arith.index_cast %add3A_727 : i32 to index
      %get3A_729 = tpu.vector_load %arg5[%get3A_728] {strides = array<i32>} : memref<528xi32, #tpu.memory_space<vmem>>, vector<16xi32>,
      %slice3A_730 = vector.extract_strided_slice %get3A_725 {offsets = [0], sizes = [1], strides = [1]} : vector<16xi32> to vector<1xi32>
      %squeeze3A_731 = vector.extract %slice3A_730[0] : i32 from vector<1xi32>
      %add3A_732 = arith.constant 0 : i32
      %add3A_733 = arith.addi %mul3A_723, %add3A_732 : i32
      %dma_wait3A_734 = arith.constant 0 : i32
      %dma_wait3A_735 = arith.constant 0 : i32
      %dma_wait3A_736 = arith.constant 0 : i32
      %dma_wait3A_737 = arith.constant 0 : i32
      %dma_wait3A_738 = arith.constant 0 : i32
      %dma_wait3A_739 = tpu.memref_slice %arg6[%dma_wait3A_734, %dma_wait3A_736, %dma_wait3A_737, %dma_wait3A_738] : memref<8x8x8x128xf32, #tpu.memory_space<vmem>> -> memref<1x8x8x16xf32, #tpu.memory_space<vmem>>
      %dma_wait3A_740 = tpu.memref_squeeze %dma_wait3A_739 : memref<1x8x8x16xf32, #tpu.memory_space<vmem>> -> memref<8x8x16xf32, #tpu.memory_space<vmem>>
      %dma_wait3A_741 = arith.constant 0 : i32
      %dma_wait3A_742 = arith.constant 0 : i32
      %dma_wait3A_743 = arith.constant 0 : i32
      %dma_wait3A_744 = tpu.memref_slice %arg3[%dma_wait3A_741, %dma_wait3A_742, %dma_wait3A_743] : memref<8x8x1000000xf32, #tpu.memory_space<hbm>> -> memref<8x8x16xf32, #tpu.memory_space<hbm>>
      %dma_wait3A_745 = tpu.memref_slice %arg8[%dma_wait3A_735] : memref<8x!tpu.dma_semaphore, #tpu.memory_space<semaphore_mem>> -> memref<1x!tpu.dma_semaphore, #tpu.memory_space<semaphore_mem>>
      %dma_wait3A_746 = tpu.memref_squeeze %dma_wait3A_745 : memref<1x!tpu.dma_semaphore, #tpu.memory_space<semaphore_mem>> -> memref<!tpu.dma_semaphore, #tpu.memory_space<semaphore_mem>>
      %dma_wait3A_747 = arith.constant 0 : i32
      %dma_wait3A_748 = arith.constant 0 : i32
      %dma_wait3A_749 = arith.constant 0 : i32
      %dma_wait3A_750 = tpu.memref_slice %arg6[%dma_wait3A_734, %dma_wait3A_747, %dma_wait3A_748, %dma_wait3A_749] : memref<8x8x8x128xf32, #tpu.memory_space<vmem>> -> memref<1x8x8x16xf32, #tpu.memory_space<vmem>>
      %dma_wait3A_751 = tpu.memref_squeeze %dma_wait3A_750 : memref<1x8x8x16xf32, #tpu.memory_space<vmem>> -> memref<8x8x16xf32, #tpu.memory_space<vmem>>
      %dma_wait3A_752 = arith.constant 0 : i32
      %dma_wait3A_753 = arith.constant 0 : i32
      %dma_wait3A_754 = arith.constant 0 : i32
      %dma_wait3A_755 = tpu.memref_slice %arg3[%dma_wait3A_752, %dma_wait3A_753, %dma_wait3A_754] : memref<8x8x1000000xf32, #tpu.memory_space<hbm>> -> memref<8x8x16xf32, #tpu.memory_space<hbm>>
      tpu.wait_dma2 semaphore(%dma_wait3A_746 : memref<!tpu.dma_semaphore, #tpu.memory_space<semaphore_mem>>) src(%dma_wait3A_755 : memref<8x8x16xf32, #tpu.memory_space<hbm>>) dst(%dma_wait3A_751 : memref<8x8x16xf32, #tpu.memory_space<vmem>>)
      %and3A_756 = arith.constant 15 : i32
      %and3A_757 = arith.andi %squeeze3A_731, %and3A_756 : i32
      %broadcast_in_dim3A_758 = vector.broadcast %and3A_757 : i32 to vector<16xi32>
      %broadcast_in_dim3A_759 = vector.broadcast %add3A_733 : i32 to vector<16xi32>
      %gather3A_760 = arith.constant 0 : i32
      %gather3A_761 = arith.constant 0 : i32
      %gather3A_762 = arith.constant 0 : i32
      %gather3A_763 = arith.constant 0 : i32
      %gather3A_764 = tpu.memref_slice %arg6[%gather3A_760, %gather3A_761, %gather3A_762, %gather3A_763] : memref<8x8x8x128xf32, #tpu.memory_space<vmem>> -> memref<1x8x8x128xf32, #tpu.memory_space<vmem>>
      %gather3A_765 = tpu.memref_squeeze %gather3A_764 : memref<1x8x8x128xf32, #tpu.memory_space<vmem>> -> memref<8x8x128xf32, #tpu.memory_space<vmem>>
      %gather3A_766 = tpu.vector_load_idx %gather3A_765[%shift_right_arithmetic3A_7, %and3A_30, %broadcast_in_dim3A_758] : memref<8x8x128xf32, #tpu.memory_space<vmem>>[vector<16xi32>, vector<16xi32>, vector<16xi32>], vector<16xf32>,
      tpu.vector_store_idx %arg7[%shift_right_arithmetic3A_7, %and3A_30, %broadcast_in_dim3A_759], %gather3A_766 : memref<8x8x512xf32, #tpu.memory_space<vmem>>[vector<16xi32>, vector<16xi32>, vector<16xi32>], vector<16xf32>,
      %gather3A_767 = arith.constant 0 : i32
      %gather3A_768 = arith.constant 0 : i32
      %gather3A_769 = arith.constant 0 : i32
      %gather3A_770 = arith.constant 0 : i32
      %gather3A_771 = tpu.memref_slice %arg6[%gather3A_767, %gather3A_768, %gather3A_769, %gather3A_770] : memref<8x8x8x128xf32, #tpu.memory_space<vmem>> -> memref<1x8x8x128xf32, #tpu.memory_space<vmem>>
      %gather3A_772 = tpu.memref_squeeze %gather3A_771 : memref<1x8x8x128xf32, #tpu.memory_space<vmem>> -> memref<8x8x128xf32, #tpu.memory_space<vmem>>
      %gather3A_773 = tpu.vector_load_idx %gather3A_772[%shift_right_arithmetic3A_13, %and3A_36, %broadcast_in_dim3A_758] : memref<8x8x128xf32, #tpu.memory_space<vmem>>[vector<16xi32>, vector<16xi32>, vector<16xi32>], vector<16xf32>,
      tpu.vector_store_idx %arg7[%shift_right_arithmetic3A_13, %and3A_36, %broadcast_in_dim3A_759], %gather3A_773 : memref<8x8x512xf32, #tpu.memory_space<vmem>>[vector<16xi32>, vector<16xi32>, vector<16xi32>], vector<16xf32>,
      %gather3A_774 = arith.constant 0 : i32
      %gather3A_775 = arith.constant 0 : i32
      %gather3A_776 = arith.constant 0 : i32
      %gather3A_777 = arith.constant 0 : i32
      %gather3A_778 = tpu.memref_slice %arg6[%gather3A_774, %gather3A_775, %gather3A_776, %gather3A_777] : memref<8x8x8x128xf32, #tpu.memory_space<vmem>> -> memref<1x8x8x128xf32, #tpu.memory_space<vmem>>
      %gather3A_779 = tpu.memref_squeeze %gather3A_778 : memref<1x8x8x128xf32, #tpu.memory_space<vmem>> -> memref<8x8x128xf32, #tpu.memory_space<vmem>>
      %gather3A_780 = tpu.vector_load_idx %gather3A_779[%shift_right_arithmetic3A_19, %and3A_42, %broadcast_in_dim3A_758] : memref<8x8x128xf32, #tpu.memory_space<vmem>>[vector<16xi32>, vector<16xi32>, vector<16xi32>], vector<16xf32>,
      tpu.vector_store_idx %arg7[%shift_right_arithmetic3A_19, %and3A_42, %broadcast_in_dim3A_759], %gather3A_780 : memref<8x8x512xf32, #tpu.memory_space<vmem>>[vector<16xi32>, vector<16xi32>, vector<16xi32>], vector<16xf32>,
      %gather3A_781 = arith.constant 0 : i32
      %gather3A_782 = arith.constant 0 : i32
      %gather3A_783 = arith.constant 0 : i32
      %gather3A_784 = arith.constant 0 : i32
      %gather3A_785 = tpu.memref_slice %arg6[%gather3A_781, %gather3A_782, %gather3A_783, %gather3A_784] : memref<8x8x8x128xf32, #tpu.memory_space<vmem>> -> memref<1x8x8x128xf32, #tpu.memory_space<vmem>>
      %gather3A_786 = tpu.memref_squeeze %gather3A_785 : memref<1x8x8x128xf32, #tpu.memory_space<vmem>> -> memref<8x8x128xf32, #tpu.memory_space<vmem>>
      %gather3A_787 = tpu.vector_load_idx %gather3A_786[%shift_right_arithmetic3A_25, %and3A_48, %broadcast_in_dim3A_758] : memref<8x8x128xf32, #tpu.memory_space<vmem>>[vector<16xi32>, vector<16xi32>, vector<16xi32>], vector<16xf32>,
      tpu.vector_store_idx %arg7[%shift_right_arithmetic3A_25, %and3A_48, %broadcast_in_dim3A_759], %gather3A_787 : memref<8x8x512xf32, #tpu.memory_space<vmem>>[vector<16xi32>, vector<16xi32>, vector<16xi32>], vector<16xf32>,
      %slice3A_788 = vector.extract_strided_slice %get3A_729 {offsets = [0], sizes = [1], strides = [1]} : vector<16xi32> to vector<1xi32>
      %squeeze3A_789 = vector.extract %slice3A_788[0] : i32 from vector<1xi32>
      %shift_right_arithmetic3A_790 = arith.constant 4 : i32
      %shift_right_arithmetic3A_791 = arith.shrsi %squeeze3A_789, %shift_right_arithmetic3A_790 : i32
      %shift_left3A_792 = arith.constant 4 : i32
      %shift_left3A_793 = arith.shli %shift_right_arithmetic3A_791, %shift_left3A_792 : i32
      %multiple_of3A_794 = tpu.assume_multiple %shift_left3A_793, 16 : i32
      %dma_start3A_795 = arith.constant 0 : i32
      %dma_start3A_796 = arith.constant 0 : i32
      %dma_start3A_797 = arith.constant 0 : i32
      %dma_start3A_798 = arith.constant 0 : i32
      %dma_start3A_799 = arith.constant 0 : i32
      %dma_start3A_800 = tpu.memref_slice %arg6[%dma_start3A_795, %dma_start3A_797, %dma_start3A_798, %dma_start3A_799] : memref<8x8x8x128xf32, #tpu.memory_space<vmem>> -> memref<1x8x8x16xf32, #tpu.memory_space<vmem>>
      %dma_start3A_801 = tpu.memref_squeeze %dma_start3A_800 : memref<1x8x8x16xf32, #tpu.memory_space<vmem>> -> memref<8x8x16xf32, #tpu.memory_space<vmem>>
      %dma_start3A_802 = arith.constant 0 : i32
      %dma_start3A_803 = arith.constant 0 : i32
      %dma_start3A_804 = tpu.memref_slice %arg3[%dma_start3A_802, %dma_start3A_803, %multiple_of3A_794] : memref<8x8x1000000xf32, #tpu.memory_space<hbm>> -> memref<8x8x16xf32, #tpu.memory_space<hbm>>
      %dma_start3A_805 = tpu.memref_slice %arg8[%dma_start3A_796] : memref<8x!tpu.dma_semaphore, #tpu.memory_space<semaphore_mem>> -> memref<1x!tpu.dma_semaphore, #tpu.memory_space<semaphore_mem>>
      %dma_start3A_806 = tpu.memref_squeeze %dma_start3A_805 : memref<1x!tpu.dma_semaphore, #tpu.memory_space<semaphore_mem>> -> memref<!tpu.dma_semaphore, #tpu.memory_space<semaphore_mem>>
      %dma_start3A_807 = arith.constant 0 : i32
      %dma_start3A_808 = arith.constant 0 : i32
      %dma_start3A_809 = arith.constant 0 : i32
      %dma_start3A_810 = tpu.memref_slice %arg6[%dma_start3A_795, %dma_start3A_807, %dma_start3A_808, %dma_start3A_809] : memref<8x8x8x128xf32, #tpu.memory_space<vmem>> -> memref<1x8x8x16xf32, #tpu.memory_space<vmem>>
      %dma_start3A_811 = tpu.memref_squeeze %dma_start3A_810 : memref<1x8x8x16xf32, #tpu.memory_space<vmem>> -> memref<8x8x16xf32, #tpu.memory_space<vmem>>
      %dma_start3A_812 = arith.constant 0 : i32
      %dma_start3A_813 = arith.constant 0 : i32
      %dma_start3A_814 = tpu.memref_slice %arg3[%dma_start3A_812, %dma_start3A_813, %multiple_of3A_794] : memref<8x8x1000000xf32, #tpu.memory_space<hbm>> -> memref<8x8x16xf32, #tpu.memory_space<hbm>>
      tpu.enqueue_dma source(%dma_start3A_814 : memref<8x8x16xf32, #tpu.memory_space<hbm>>) target(%dma_start3A_811 : memref<8x8x16xf32, #tpu.memory_space<vmem>>) target_semaphore(%dma_start3A_806 : memref<!tpu.dma_semaphore, #tpu.memory_space<semaphore_mem>>)
      %slice3A_815 = vector.extract_strided_slice %get3A_725 {offsets = [1], sizes = [1], strides = [1]} : vector<16xi32> to vector<1xi32>
      %squeeze3A_816 = vector.extract %slice3A_815[0] : i32 from vector<1xi32>
      %add3A_817 = arith.constant 1 : i32
      %add3A_818 = arith.addi %mul3A_723, %add3A_817 : i32
      %dma_wait3A_819 = arith.constant 1 : i32
      %dma_wait3A_820 = arith.constant 1 : i32
      %dma_wait3A_821 = arith.constant 0 : i32
      %dma_wait3A_822 = arith.constant 0 : i32
      %dma_wait3A_823 = arith.constant 0 : i32
      %dma_wait3A_824 = tpu.memref_slice %arg6[%dma_wait3A_819, %dma_wait3A_821, %dma_wait3A_822, %dma_wait3A_823] : memref<8x8x8x128xf32, #tpu.memory_space<vmem>> -> memref<1x8x8x16xf32, #tpu.memory_space<vmem>>
      %dma_wait3A_825 = tpu.memref_squeeze %dma_wait3A_824 : memref<1x8x8x16xf32, #tpu.memory_space<vmem>> -> memref<8x8x16xf32, #tpu.memory_space<vmem>>
      %dma_wait3A_826 = arith.constant 0 : i32
      %dma_wait3A_827 = arith.constant 0 : i32
      %dma_wait3A_828 = arith.constant 0 : i32
      %dma_wait3A_829 = tpu.memref_slice %arg3[%dma_wait3A_826, %dma_wait3A_827, %dma_wait3A_828] : memref<8x8x1000000xf32, #tpu.memory_space<hbm>> -> memref<8x8x16xf32, #tpu.memory_space<hbm>>
      %dma_wait3A_830 = tpu.memref_slice %arg8[%dma_wait3A_820] : memref<8x!tpu.dma_semaphore, #tpu.memory_space<semaphore_mem>> -> memref<1x!tpu.dma_semaphore, #tpu.memory_space<semaphore_mem>>
      %dma_wait3A_831 = tpu.memref_squeeze %dma_wait3A_830 : memref<1x!tpu.dma_semaphore, #tpu.memory_space<semaphore_mem>> -> memref<!tpu.dma_semaphore, #tpu.memory_space<semaphore_mem>>
      %dma_wait3A_832 = arith.constant 0 : i32
      %dma_wait3A_833 = arith.constant 0 : i32
      %dma_wait3A_834 = arith.constant 0 : i32
      %dma_wait3A_835 = tpu.memref_slice %arg6[%dma_wait3A_819, %dma_wait3A_832, %dma_wait3A_833, %dma_wait3A_834] : memref<8x8x8x128xf32, #tpu.memory_space<vmem>> -> memref<1x8x8x16xf32, #tpu.memory_space<vmem>>
      %dma_wait3A_836 = tpu.memref_squeeze %dma_wait3A_835 : memref<1x8x8x16xf32, #tpu.memory_space<vmem>> -> memref<8x8x16xf32, #tpu.memory_space<vmem>>
      %dma_wait3A_837 = arith.constant 0 : i32
      %dma_wait3A_838 = arith.constant 0 : i32
      %dma_wait3A_839 = arith.constant 0 : i32
      %dma_wait3A_840 = tpu.memref_slice %arg3[%dma_wait3A_837, %dma_wait3A_838, %dma_wait3A_839] : memref<8x8x1000000xf32, #tpu.memory_space<hbm>> -> memref<8x8x16xf32, #tpu.memory_space<hbm>>
      tpu.wait_dma2 semaphore(%dma_wait3A_831 : memref<!tpu.dma_semaphore, #tpu.memory_space<semaphore_mem>>) src(%dma_wait3A_840 : memref<8x8x16xf32, #tpu.memory_space<hbm>>) dst(%dma_wait3A_836 : memref<8x8x16xf32, #tpu.memory_space<vmem>>)
      %and3A_841 = arith.constant 15 : i32
      %and3A_842 = arith.andi %squeeze3A_816, %and3A_841 : i32
      %broadcast_in_dim3A_843 = vector.broadcast %and3A_842 : i32 to vector<16xi32>
      %broadcast_in_dim3A_844 = vector.broadcast %add3A_818 : i32 to vector<16xi32>
      %gather3A_845 = arith.constant 1 : i32
      %gather3A_846 = arith.constant 0 : i32
      %gather3A_847 = arith.constant 0 : i32
      %gather3A_848 = arith.constant 0 : i32
      %gather3A_849 = tpu.memref_slice %arg6[%gather3A_845, %gather3A_846, %gather3A_847, %gather3A_848] : memref<8x8x8x128xf32, #tpu.memory_space<vmem>> -> memref<1x8x8x128xf32, #tpu.memory_space<vmem>>
      %gather3A_850 = tpu.memref_squeeze %gather3A_849 : memref<1x8x8x128xf32, #tpu.memory_space<vmem>> -> memref<8x8x128xf32, #tpu.memory_space<vmem>>
      %gather3A_851 = tpu.vector_load_idx %gather3A_850[%shift_right_arithmetic3A_7, %and3A_30, %broadcast_in_dim3A_843] : memref<8x8x128xf32, #tpu.memory_space<vmem>>[vector<16xi32>, vector<16xi32>, vector<16xi32>], vector<16xf32>,
      tpu.vector_store_idx %arg7[%shift_right_arithmetic3A_7, %and3A_30, %broadcast_in_dim3A_844], %gather3A_851 : memref<8x8x512xf32, #tpu.memory_space<vmem>>[vector<16xi32>, vector<16xi32>, vector<16xi32>], vector<16xf32>,
      %gather3A_852 = arith.constant 1 : i32
      %gather3A_853 = arith.constant 0 : i32
      %gather3A_854 = arith.constant 0 : i32
      %gather3A_855 = arith.constant 0 : i32
      %gather3A_856 = tpu.memref_slice %arg6[%gather3A_852, %gather3A_853, %gather3A_854, %gather3A_855] : memref<8x8x8x128xf32, #tpu.memory_space<vmem>> -> memref<1x8x8x128xf32, #tpu.memory_space<vmem>>
      %gather3A_857 = tpu.memref_squeeze %gather3A_856 : memref<1x8x8x128xf32, #tpu.memory_space<vmem>> -> memref<8x8x128xf32, #tpu.memory_space<vmem>>
      %gather3A_858 = tpu.vector_load_idx %gather3A_857[%shift_right_arithmetic3A_13, %and3A_36, %broadcast_in_dim3A_843] : memref<8x8x128xf32, #tpu.memory_space<vmem>>[vector<16xi32>, vector<16xi32>, vector<16xi32>], vector<16xf32>,
      tpu.vector_store_idx %arg7[%shift_right_arithmetic3A_13, %and3A_36, %broadcast_in_dim3A_844], %gather3A_858 : memref<8x8x512xf32, #tpu.memory_space<vmem>>[vector<16xi32>, vector<16xi32>, vector<16xi32>], vector<16xf32>,
      %gather3A_859 = arith.constant 1 : i32
      %gather3A_860 = arith.constant 0 : i32
      %gather3A_861 = arith.constant 0 : i32
      %gather3A_862 = arith.constant 0 : i32
      %gather3A_863 = tpu.memref_slice %arg6[%gather3A_859, %gather3A_860, %gather3A_861, %gather3A_862] : memref<8x8x8x128xf32, #tpu.memory_space<vmem>> -> memref<1x8x8x128xf32, #tpu.memory_space<vmem>>
      %gather3A_864 = tpu.memref_squeeze %gather3A_863 : memref<1x8x8x128xf32, #tpu.memory_space<vmem>> -> memref<8x8x128xf32, #tpu.memory_space<vmem>>
      %gather3A_865 = tpu.vector_load_idx %gather3A_864[%shift_right_arithmetic3A_19, %and3A_42, %broadcast_in_dim3A_843] : memref<8x8x128xf32, #tpu.memory_space<vmem>>[vector<16xi32>, vector<16xi32>, vector<16xi32>], vector<16xf32>,
      tpu.vector_store_idx %arg7[%shift_right_arithmetic3A_19, %and3A_42, %broadcast_in_dim3A_844], %gather3A_865 : memref<8x8x512xf32, #tpu.memory_space<vmem>>[vector<16xi32>, vector<16xi32>, vector<16xi32>], vector<16xf32>,
      %gather3A_866 = arith.constant 1 : i32
      %gather3A_867 = arith.constant 0 : i32
      %gather3A_868 = arith.constant 0 : i32
      %gather3A_869 = arith.constant 0 : i32
      %gather3A_870 = tpu.memref_slice %arg6[%gather3A_866, %gather3A_867, %gather3A_868, %gather3A_869] : memref<8x8x8x128xf32, #tpu.memory_space<vmem>> -> memref<1x8x8x128xf32, #tpu.memory_space<vmem>>
      %gather3A_871 = tpu.memref_squeeze %gather3A_870 : memref<1x8x8x128xf32, #tpu.memory_space<vmem>> -> memref<8x8x128xf32, #tpu.memory_space<vmem>>
      %gather3A_872 = tpu.vector_load_idx %gather3A_871[%shift_right_arithmetic3A_25, %and3A_48, %broadcast_in_dim3A_843] : memref<8x8x128xf32, #tpu.memory_space<vmem>>[vector<16xi32>, vector<16xi32>, vector<16xi32>], vector<16xf32>,
      tpu.vector_store_idx %arg7[%shift_right_arithmetic3A_25, %and3A_48, %broadcast_in_dim3A_844], %gather3A_872 : memref<8x8x512xf32, #tpu.memory_space<vmem>>[vector<16xi32>, vector<16xi32>, vector<16xi32>], vector<16xf32>,
      %slice3A_873 = vector.extract_strided_slice %get3A_729 {offsets = [1], sizes = [1], strides = [1]} : vector<16xi32> to vector<1xi32>
      %squeeze3A_874 = vector.extract %slice3A_873[0] : i32 from vector<1xi32>
      %shift_right_arithmetic3A_875 = arith.constant 4 : i32
      %shift_right_arithmetic3A_876 = arith.shrsi %squeeze3A_874, %shift_right_arithmetic3A_875 : i32
      %shift_left3A_877 = arith.constant 4 : i32
      %shift_left3A_878 = arith.shli %shift_right_arithmetic3A_876, %shift_left3A_877 : i32
      %multiple_of3A_879 = tpu.assume_multiple %shift_left3A_878, 16 : i32
      %dma_start3A_880 = arith.constant 1 : i32
      %dma_start3A_881 = arith.constant 1 : i32
      %dma_start3A_882 = arith.constant 0 : i32
      %dma_start3A_883 = arith.constant 0 : i32
      %dma_start3A_884 = arith.constant 0 : i32
      %dma_start3A_885 = tpu.memref_slice %arg6[%dma_start3A_880, %dma_start3A_882, %dma_start3A_883, %dma_start3A_884] : memref<8x8x8x128xf32, #tpu.memory_space<vmem>> -> memref<1x8x8x16xf32, #tpu.memory_space<vmem>>
      %dma_start3A_886 = tpu.memref_squeeze %dma_start3A_885 : memref<1x8x8x16xf32, #tpu.memory_space<vmem>> -> memref<8x8x16xf32, #tpu.memory_space<vmem>>
      %dma_start3A_887 = arith.constant 0 : i32
      %dma_start3A_888 = arith.constant 0 : i32
      %dma_start3A_889 = tpu.memref_slice %arg3[%dma_start3A_887, %dma_start3A_888, %multiple_of3A_879] : memref<8x8x1000000xf32, #tpu.memory_space<hbm>> -> memref<8x8x16xf32, #tpu.memory_space<hbm>>
      %dma_start3A_890 = tpu.memref_slice %arg8[%dma_start3A_881] : memref<8x!tpu.dma_semaphore, #tpu.memory_space<semaphore_mem>> -> memref<1x!tpu.dma_semaphore, #tpu.memory_space<semaphore_mem>>
      %dma_start3A_891 = tpu.memref_squeeze %dma_start3A_890 : memref<1x!tpu.dma_semaphore, #tpu.memory_space<semaphore_mem>> -> memref<!tpu.dma_semaphore, #tpu.memory_space<semaphore_mem>>
      %dma_start3A_892 = arith.constant 0 : i32
      %dma_start3A_893 = arith.constant 0 : i32
      %dma_start3A_894 = arith.constant 0 : i32
      %dma_start3A_895 = tpu.memref_slice %arg6[%dma_start3A_880, %dma_start3A_892, %dma_start3A_893, %dma_start3A_894] : memref<8x8x8x128xf32, #tpu.memory_space<vmem>> -> memref<1x8x8x16xf32, #tpu.memory_space<vmem>>
      %dma_start3A_896 = tpu.memref_squeeze %dma_start3A_895 : memref<1x8x8x16xf32, #tpu.memory_space<vmem>> -> memref<8x8x16xf32, #tpu.memory_space<vmem>>
      %dma_start3A_897 = arith.constant 0 : i32
      %dma_start3A_898 = arith.constant 0 : i32
      %dma_start3A_899 = tpu.memref_slice %arg3[%dma_start3A_897, %dma_start3A_898, %multiple_of3A_879] : memref<8x8x1000000xf32, #tpu.memory_space<hbm>> -> memref<8x8x16xf32, #tpu.memory_space<hbm>>
      tpu.enqueue_dma source(%dma_start3A_899 : memref<8x8x16xf32, #tpu.memory_space<hbm>>) target(%dma_start3A_896 : memref<8x8x16xf32, #tpu.memory_space<vmem>>) target_semaphore(%dma_start3A_891 : memref<!tpu.dma_semaphore, #tpu.memory_space<semaphore_mem>>)
      %slice3A_900 = vector.extract_strided_slice %get3A_725 {offsets = [2], sizes = [1], strides = [1]} : vector<16xi32> to vector<1xi32>
      %squeeze3A_901 = vector.extract %slice3A_900[0] : i32 from vector<1xi32>
      %add3A_902 = arith.constant 2 : i32
      %add3A_903 = arith.addi %mul3A_723, %add3A_902 : i32
      %dma_wait3A_904 = arith.constant 2 : i32
      %dma_wait3A_905 = arith.constant 2 : i32
      %dma_wait3A_906 = arith.constant 0 : i32
      %dma_wait3A_907 = arith.constant 0 : i32
      %dma_wait3A_908 = arith.constant 0 : i32
      %dma_wait3A_909 = tpu.memref_slice %arg6[%dma_wait3A_904, %dma_wait3A_906, %dma_wait3A_907, %dma_wait3A_908] : memref<8x8x8x128xf32, #tpu.memory_space<vmem>> -> memref<1x8x8x16xf32, #tpu.memory_space<vmem>>
      %dma_wait3A_910 = tpu.memref_squeeze %dma_wait3A_909 : memref<1x8x8x16xf32, #tpu.memory_space<vmem>> -> memref<8x8x16xf32, #tpu.memory_space<vmem>>
      %dma_wait3A_911 = arith.constant 0 : i32
      %dma_wait3A_912 = arith.constant 0 : i32
      %dma_wait3A_913 = arith.constant 0 : i32
      %dma_wait3A_914 = tpu.memref_slice %arg3[%dma_wait3A_911, %dma_wait3A_912, %dma_wait3A_913] : memref<8x8x1000000xf32, #tpu.memory_space<hbm>> -> memref<8x8x16xf32, #tpu.memory_space<hbm>>
      %dma_wait3A_915 = tpu.memref_slice %arg8[%dma_wait3A_905] : memref<8x!tpu.dma_semaphore, #tpu.memory_space<semaphore_mem>> -> memref<1x!tpu.dma_semaphore, #tpu.memory_space<semaphore_mem>>
      %dma_wait3A_916 = tpu.memref_squeeze %dma_wait3A_915 : memref<1x!tpu.dma_semaphore, #tpu.memory_space<semaphore_mem>> -> memref<!tpu.dma_semaphore, #tpu.memory_space<semaphore_mem>>
      %dma_wait3A_917 = arith.constant 0 : i32
      %dma_wait3A_918 = arith.constant 0 : i32
      %dma_wait3A_919 = arith.constant 0 : i32
      %dma_wait3A_920 = tpu.memref_slice %arg6[%dma_wait3A_904, %dma_wait3A_917, %dma_wait3A_918, %dma_wait3A_919] : memref<8x8x8x128xf32, #tpu.memory_space<vmem>> -> memref<1x8x8x16xf32, #tpu.memory_space<vmem>>
      %dma_wait3A_921 = tpu.memref_squeeze %dma_wait3A_920 : memref<1x8x8x16xf32, #tpu.memory_space<vmem>> -> memref<8x8x16xf32, #tpu.memory_space<vmem>>
      %dma_wait3A_922 = arith.constant 0 : i32
      %dma_wait3A_923 = arith.constant 0 : i32
      %dma_wait3A_924 = arith.constant 0 : i32
      %dma_wait3A_925 = tpu.memref_slice %arg3[%dma_wait3A_922, %dma_wait3A_923, %dma_wait3A_924] : memref<8x8x1000000xf32, #tpu.memory_space<hbm>> -> memref<8x8x16xf32, #tpu.memory_space<hbm>>
      tpu.wait_dma2 semaphore(%dma_wait3A_916 : memref<!tpu.dma_semaphore, #tpu.memory_space<semaphore_mem>>) src(%dma_wait3A_925 : memref<8x8x16xf32, #tpu.memory_space<hbm>>) dst(%dma_wait3A_921 : memref<8x8x16xf32, #tpu.memory_space<vmem>>)
      %and3A_926 = arith.constant 15 : i32
      %and3A_927 = arith.andi %squeeze3A_901, %and3A_926 : i32
      %broadcast_in_dim3A_928 = vector.broadcast %and3A_927 : i32 to vector<16xi32>
      %broadcast_in_dim3A_929 = vector.broadcast %add3A_903 : i32 to vector<16xi32>
      %gather3A_930 = arith.constant 2 : i32
      %gather3A_931 = arith.constant 0 : i32
      %gather3A_932 = arith.constant 0 : i32
      %gather3A_933 = arith.constant 0 : i32
      %gather3A_934 = tpu.memref_slice %arg6[%gather3A_930, %gather3A_931, %gather3A_932, %gather3A_933] : memref<8x8x8x128xf32, #tpu.memory_space<vmem>> -> memref<1x8x8x128xf32, #tpu.memory_space<vmem>>
      %gather3A_935 = tpu.memref_squeeze %gather3A_934 : memref<1x8x8x128xf32, #tpu.memory_space<vmem>> -> memref<8x8x128xf32, #tpu.memory_space<vmem>>
      %gather3A_936 = tpu.vector_load_idx %gather3A_935[%shift_right_arithmetic3A_7, %and3A_30, %broadcast_in_dim3A_928] : memref<8x8x128xf32, #tpu.memory_space<vmem>>[vector<16xi32>, vector<16xi32>, vector<16xi32>], vector<16xf32>,
      tpu.vector_store_idx %arg7[%shift_right_arithmetic3A_7, %and3A_30, %broadcast_in_dim3A_929], %gather3A_936 : memref<8x8x512xf32, #tpu.memory_space<vmem>>[vector<16xi32>, vector<16xi32>, vector<16xi32>], vector<16xf32>,
      %gather3A_937 = arith.constant 2 : i32
      %gather3A_938 = arith.constant 0 : i32
      %gather3A_939 = arith.constant 0 : i32
      %gather3A_940 = arith.constant 0 : i32
      %gather3A_941 = tpu.memref_slice %arg6[%gather3A_937, %gather3A_938, %gather3A_939, %gather3A_940] : memref<8x8x8x128xf32, #tpu.memory_space<vmem>> -> memref<1x8x8x128xf32, #tpu.memory_space<vmem>>
      %gather3A_942 = tpu.memref_squeeze %gather3A_941 : memref<1x8x8x128xf32, #tpu.memory_space<vmem>> -> memref<8x8x128xf32, #tpu.memory_space<vmem>>
      %gather3A_943 = tpu.vector_load_idx %gather3A_942[%shift_right_arithmetic3A_13, %and3A_36, %broadcast_in_dim3A_928] : memref<8x8x128xf32, #tpu.memory_space<vmem>>[vector<16xi32>, vector<16xi32>, vector<16xi32>], vector<16xf32>,
      tpu.vector_store_idx %arg7[%shift_right_arithmetic3A_13, %and3A_36, %broadcast_in_dim3A_929], %gather3A_943 : memref<8x8x512xf32, #tpu.memory_space<vmem>>[vector<16xi32>, vector<16xi32>, vector<16xi32>], vector<16xf32>,
      %gather3A_944 = arith.constant 2 : i32
      %gather3A_945 = arith.constant 0 : i32
      %gather3A_946 = arith.constant 0 : i32
      %gather3A_947 = arith.constant 0 : i32
      %gather3A_948 = tpu.memref_slice %arg6[%gather3A_944, %gather3A_945, %gather3A_946, %gather3A_947] : memref<8x8x8x128xf32, #tpu.memory_space<vmem>> -> memref<1x8x8x128xf32, #tpu.memory_space<vmem>>
      %gather3A_949 = tpu.memref_squeeze %gather3A_948 : memref<1x8x8x128xf32, #tpu.memory_space<vmem>> -> memref<8x8x128xf32, #tpu.memory_space<vmem>>
      %gather3A_950 = tpu.vector_load_idx %gather3A_949[%shift_right_arithmetic3A_19, %and3A_42, %broadcast_in_dim3A_928] : memref<8x8x128xf32, #tpu.memory_space<vmem>>[vector<16xi32>, vector<16xi32>, vector<16xi32>], vector<16xf32>,
      tpu.vector_store_idx %arg7[%shift_right_arithmetic3A_19, %and3A_42, %broadcast_in_dim3A_929], %gather3A_950 : memref<8x8x512xf32, #tpu.memory_space<vmem>>[vector<16xi32>, vector<16xi32>, vector<16xi32>], vector<16xf32>,
      %gather3A_951 = arith.constant 2 : i32
      %gather3A_952 = arith.constant 0 : i32
      %gather3A_953 = arith.constant 0 : i32
      %gather3A_954 = arith.constant 0 : i32
      %gather3A_955 = tpu.memref_slice %arg6[%gather3A_951, %gather3A_952, %gather3A_953, %gather3A_954] : memref<8x8x8x128xf32, #tpu.memory_space<vmem>> -> memref<1x8x8x128xf32, #tpu.memory_space<vmem>>
      %gather3A_956 = tpu.memref_squeeze %gather3A_955 : memref<1x8x8x128xf32, #tpu.memory_space<vmem>> -> memref<8x8x128xf32, #tpu.memory_space<vmem>>
      %gather3A_957 = tpu.vector_load_idx %gather3A_956[%shift_right_arithmetic3A_25, %and3A_48, %broadcast_in_dim3A_928] : memref<8x8x128xf32, #tpu.memory_space<vmem>>[vector<16xi32>, vector<16xi32>, vector<16xi32>], vector<16xf32>,
      tpu.vector_store_idx %arg7[%shift_right_arithmetic3A_25, %and3A_48, %broadcast_in_dim3A_929], %gather3A_957 : memref<8x8x512xf32, #tpu.memory_space<vmem>>[vector<16xi32>, vector<16xi32>, vector<16xi32>], vector<16xf32>,
      %slice3A_958 = vector.extract_strided_slice %get3A_729 {offsets = [2], sizes = [1], strides = [1]} : vector<16xi32> to vector<1xi32>
      %squeeze3A_959 = vector.extract %slice3A_958[0] : i32 from vector<1xi32>
      %shift_right_arithmetic3A_960 = arith.constant 4 : i32
      %shift_right_arithmetic3A_961 = arith.shrsi %squeeze3A_959, %shift_right_arithmetic3A_960 : i32
      %shift_left3A_962 = arith.constant 4 : i32
      %shift_left3A_963 = arith.shli %shift_right_arithmetic3A_961, %shift_left3A_962 : i32
      %multiple_of3A_964 = tpu.assume_multiple %shift_left3A_963, 16 : i32
      %dma_start3A_965 = arith.constant 2 : i32
      %dma_start3A_966 = arith.constant 2 : i32
      %dma_start3A_967 = arith.constant 0 : i32
      %dma_start3A_968 = arith.constant 0 : i32
      %dma_start3A_969 = arith.constant 0 : i32
      %dma_start3A_970 = tpu.memref_slice %arg6[%dma_start3A_965, %dma_start3A_967, %dma_start3A_968, %dma_start3A_969] : memref<8x8x8x128xf32, #tpu.memory_space<vmem>> -> memref<1x8x8x16xf32, #tpu.memory_space<vmem>>
      %dma_start3A_971 = tpu.memref_squeeze %dma_start3A_970 : memref<1x8x8x16xf32, #tpu.memory_space<vmem>> -> memref<8x8x16xf32, #tpu.memory_space<vmem>>
      %dma_start3A_972 = arith.constant 0 : i32
      %dma_start3A_973 = arith.constant 0 : i32
      %dma_start3A_974 = tpu.memref_slice %arg3[%dma_start3A_972, %dma_start3A_973, %multiple_of3A_964] : memref<8x8x1000000xf32, #tpu.memory_space<hbm>> -> memref<8x8x16xf32, #tpu.memory_space<hbm>>
      %dma_start3A_975 = tpu.memref_slice %arg8[%dma_start3A_966] : memref<8x!tpu.dma_semaphore, #tpu.memory_space<semaphore_mem>> -> memref<1x!tpu.dma_semaphore, #tpu.memory_space<semaphore_mem>>
      %dma_start3A_976 = tpu.memref_squeeze %dma_start3A_975 : memref<1x!tpu.dma_semaphore, #tpu.memory_space<semaphore_mem>> -> memref<!tpu.dma_semaphore, #tpu.memory_space<semaphore_mem>>
      %dma_start3A_977 = arith.constant 0 : i32
      %dma_start3A_978 = arith.constant 0 : i32
      %dma_start3A_979 = arith.constant 0 : i32
      %dma_start3A_980 = tpu.memref_slice %arg6[%dma_start3A_965, %dma_start3A_977, %dma_start3A_978, %dma_start3A_979] : memref<8x8x8x128xf32, #tpu.memory_space<vmem>> -> memref<1x8x8x16xf32, #tpu.memory_space<vmem>>
      %dma_start3A_981 = tpu.memref_squeeze %dma_start3A_980 : memref<1x8x8x16xf32, #tpu.memory_space<vmem>> -> memref<8x8x16xf32, #tpu.memory_space<vmem>>
      %dma_start3A_982 = arith.constant 0 : i32
      %dma_start3A_983 = arith.constant 0 : i32
      %dma_start3A_984 = tpu.memref_slice %arg3[%dma_start3A_982, %dma_start3A_983, %multiple_of3A_964] : memref<8x8x1000000xf32, #tpu.memory_space<hbm>> -> memref<8x8x16xf32, #tpu.memory_space<hbm>>
      tpu.enqueue_dma source(%dma_start3A_984 : memref<8x8x16xf32, #tpu.memory_space<hbm>>) target(%dma_start3A_981 : memref<8x8x16xf32, #tpu.memory_space<vmem>>) target_semaphore(%dma_start3A_976 : memref<!tpu.dma_semaphore, #tpu.memory_space<semaphore_mem>>)
      %slice3A_985 = vector.extract_strided_slice %get3A_725 {offsets = [3], sizes = [1], strides = [1]} : vector<16xi32> to vector<1xi32>
      %squeeze3A_986 = vector.extract %slice3A_985[0] : i32 from vector<1xi32>
      %add3A_987 = arith.constant 3 : i32
      %add3A_988 = arith.addi %mul3A_723, %add3A_987 : i32
      %dma_wait3A_989 = arith.constant 3 : i32
      %dma_wait3A_990 = arith.constant 3 : i32
      %dma_wait3A_991 = arith.constant 0 : i32
      %dma_wait3A_992 = arith.constant 0 : i32
      %dma_wait3A_993 = arith.constant 0 : i32
      %dma_wait3A_994 = tpu.memref_slice %arg6[%dma_wait3A_989, %dma_wait3A_991, %dma_wait3A_992, %dma_wait3A_993] : memref<8x8x8x128xf32, #tpu.memory_space<vmem>> -> memref<1x8x8x16xf32, #tpu.memory_space<vmem>>
      %dma_wait3A_995 = tpu.memref_squeeze %dma_wait3A_994 : memref<1x8x8x16xf32, #tpu.memory_space<vmem>> -> memref<8x8x16xf32, #tpu.memory_space<vmem>>
      %dma_wait3A_996 = arith.constant 0 : i32
      %dma_wait3A_997 = arith.constant 0 : i32
      %dma_wait3A_998 = arith.constant 0 : i32
      %dma_wait3A_999 = tpu.memref_slice %arg3[%dma_wait3A_996, %dma_wait3A_997, %dma_wait3A_998] : memref<8x8x1000000xf32, #tpu.memory_space<hbm>> -> memref<8x8x16xf32, #tpu.memory_space<hbm>>
      %dma_wait3A_1000 = tpu.memref_slice %arg8[%dma_wait3A_990] : memref<8x!tpu.dma_semaphore, #tpu.memory_space<semaphore_mem>> -> memref<1x!tpu.dma_semaphore, #tpu.memory_space<semaphore_mem>>
      %dma_wait3A_1001 = tpu.memref_squeeze %dma_wait3A_1000 : memref<1x!tpu.dma_semaphore, #tpu.memory_space<semaphore_mem>> -> memref<!tpu.dma_semaphore, #tpu.memory_space<semaphore_mem>>
      %dma_wait3A_1002 = arith.constant 0 : i32
      %dma_wait3A_1003 = arith.constant 0 : i32
      %dma_wait3A_1004 = arith.constant 0 : i32
      %dma_wait3A_1005 = tpu.memref_slice %arg6[%dma_wait3A_989, %dma_wait3A_1002, %dma_wait3A_1003, %dma_wait3A_1004] : memref<8x8x8x128xf32, #tpu.memory_space<vmem>> -> memref<1x8x8x16xf32, #tpu.memory_space<vmem>>
      %dma_wait3A_1006 = tpu.memref_squeeze %dma_wait3A_1005 : memref<1x8x8x16xf32, #tpu.memory_space<vmem>> -> memref<8x8x16xf32, #tpu.memory_space<vmem>>
      %dma_wait3A_1007 = arith.constant 0 : i32
      %dma_wait3A_1008 = arith.constant 0 : i32
      %dma_wait3A_1009 = arith.constant 0 : i32
      %dma_wait3A_1010 = tpu.memref_slice %arg3[%dma_wait3A_1007, %dma_wait3A_1008, %dma_wait3A_1009] : memref<8x8x1000000xf32, #tpu.memory_space<hbm>> -> memref<8x8x16xf32, #tpu.memory_space<hbm>>
      tpu.wait_dma2 semaphore(%dma_wait3A_1001 : memref<!tpu.dma_semaphore, #tpu.memory_space<semaphore_mem>>) src(%dma_wait3A_1010 : memref<8x8x16xf32, #tpu.memory_space<hbm>>) dst(%dma_wait3A_1006 : memref<8x8x16xf32, #tpu.memory_space<vmem>>)
      %and3A_1011 = arith.constant 15 : i32
      %and3A_1012 = arith.andi %squeeze3A_986, %and3A_1011 : i32
      %broadcast_in_dim3A_1013 = vector.broadcast %and3A_1012 : i32 to vector<16xi32>
      %broadcast_in_dim3A_1014 = vector.broadcast %add3A_988 : i32 to vector<16xi32>
      %gather3A_1015 = arith.constant 3 : i32
      %gather3A_1016 = arith.constant 0 : i32
      %gather3A_1017 = arith.constant 0 : i32
      %gather3A_1018 = arith.constant 0 : i32
      %gather3A_1019 = tpu.memref_slice %arg6[%gather3A_1015, %gather3A_1016, %gather3A_1017, %gather3A_1018] : memref<8x8x8x128xf32, #tpu.memory_space<vmem>> -> memref<1x8x8x128xf32, #tpu.memory_space<vmem>>
      %gather3A_1020 = tpu.memref_squeeze %gather3A_1019 : memref<1x8x8x128xf32, #tpu.memory_space<vmem>> -> memref<8x8x128xf32, #tpu.memory_space<vmem>>
      %gather3A_1021 = tpu.vector_load_idx %gather3A_1020[%shift_right_arithmetic3A_7, %and3A_30, %broadcast_in_dim3A_1013] : memref<8x8x128xf32, #tpu.memory_space<vmem>>[vector<16xi32>, vector<16xi32>, vector<16xi32>], vector<16xf32>,
      tpu.vector_store_idx %arg7[%shift_right_arithmetic3A_7, %and3A_30, %broadcast_in_dim3A_1014], %gather3A_1021 : memref<8x8x512xf32, #tpu.memory_space<vmem>>[vector<16xi32>, vector<16xi32>, vector<16xi32>], vector<16xf32>,
      %gather3A_1022 = arith.constant 3 : i32
      %gather3A_1023 = arith.constant 0 : i32
      %gather3A_1024 = arith.constant 0 : i32
      %gather3A_1025 = arith.constant 0 : i32
      %gather3A_1026 = tpu.memref_slice %arg6[%gather3A_1022, %gather3A_1023, %gather3A_1024, %gather3A_1025] : memref<8x8x8x128xf32, #tpu.memory_space<vmem>> -> memref<1x8x8x128xf32, #tpu.memory_space<vmem>>
      %gather3A_1027 = tpu.memref_squeeze %gather3A_1026 : memref<1x8x8x128xf32, #tpu.memory_space<vmem>> -> memref<8x8x128xf32, #tpu.memory_space<vmem>>
      %gather3A_1028 = tpu.vector_load_idx %gather3A_1027[%shift_right_arithmetic3A_13, %and3A_36, %broadcast_in_dim3A_1013] : memref<8x8x128xf32, #tpu.memory_space<vmem>>[vector<16xi32>, vector<16xi32>, vector<16xi32>], vector<16xf32>,
      tpu.vector_store_idx %arg7[%shift_right_arithmetic3A_13, %and3A_36, %broadcast_in_dim3A_1014], %gather3A_1028 : memref<8x8x512xf32, #tpu.memory_space<vmem>>[vector<16xi32>, vector<16xi32>, vector<16xi32>], vector<16xf32>,
      %gather3A_1029 = arith.constant 3 : i32
      %gather3A_1030 = arith.constant 0 : i32
      %gather3A_1031 = arith.constant 0 : i32
      %gather3A_1032 = arith.constant 0 : i32
      %gather3A_1033 = tpu.memref_slice %arg6[%gather3A_1029, %gather3A_1030, %gather3A_1031, %gather3A_1032] : memref<8x8x8x128xf32, #tpu.memory_space<vmem>> -> memref<1x8x8x128xf32, #tpu.memory_space<vmem>>
      %gather3A_1034 = tpu.memref_squeeze %gather3A_1033 : memref<1x8x8x128xf32, #tpu.memory_space<vmem>> -> memref<8x8x128xf32, #tpu.memory_space<vmem>>
      %gather3A_1035 = tpu.vector_load_idx %gather3A_1034[%shift_right_arithmetic3A_19, %and3A_42, %broadcast_in_dim3A_1013] : memref<8x8x128xf32, #tpu.memory_space<vmem>>[vector<16xi32>, vector<16xi32>, vector<16xi32>], vector<16xf32>,
      tpu.vector_store_idx %arg7[%shift_right_arithmetic3A_19, %and3A_42, %broadcast_in_dim3A_1014], %gather3A_1035 : memref<8x8x512xf32, #tpu.memory_space<vmem>>[vector<16xi32>, vector<16xi32>, vector<16xi32>], vector<16xf32>,
      %gather3A_1036 = arith.constant 3 : i32
      %gather3A_1037 = arith.constant 0 : i32
      %gather3A_1038 = arith.constant 0 : i32
      %gather3A_1039 = arith.constant 0 : i32
      %gather3A_1040 = tpu.memref_slice %arg6[%gather3A_1036, %gather3A_1037, %gather3A_1038, %gather3A_1039] : memref<8x8x8x128xf32, #tpu.memory_space<vmem>> -> memref<1x8x8x128xf32, #tpu.memory_space<vmem>>
      %gather3A_1041 = tpu.memref_squeeze %gather3A_1040 : memref<1x8x8x128xf32, #tpu.memory_space<vmem>> -> memref<8x8x128xf32, #tpu.memory_space<vmem>>
      %gather3A_1042 = tpu.vector_load_idx %gather3A_1041[%shift_right_arithmetic3A_25, %and3A_48, %broadcast_in_dim3A_1013] : memref<8x8x128xf32, #tpu.memory_space<vmem>>[vector<16xi32>, vector<16xi32>, vector<16xi32>], vector<16xf32>,
      tpu.vector_store_idx %arg7[%shift_right_arithmetic3A_25, %and3A_48, %broadcast_in_dim3A_1014], %gather3A_1042 : memref<8x8x512xf32, #tpu.memory_space<vmem>>[vector<16xi32>, vector<16xi32>, vector<16xi32>], vector<16xf32>,
      %slice3A_1043 = vector.extract_strided_slice %get3A_729 {offsets = [3], sizes = [1], strides = [1]} : vector<16xi32> to vector<1xi32>
      %squeeze3A_1044 = vector.extract %slice3A_1043[0] : i32 from vector<1xi32>
      %shift_right_arithmetic3A_1045 = arith.constant 4 : i32
      %shift_right_arithmetic3A_1046 = arith.shrsi %squeeze3A_1044, %shift_right_arithmetic3A_1045 : i32
      %shift_left3A_1047 = arith.constant 4 : i32
      %shift_left3A_1048 = arith.shli %shift_right_arithmetic3A_1046, %shift_left3A_1047 : i32
      %multiple_of3A_1049 = tpu.assume_multiple %shift_left3A_1048, 16 : i32
      %dma_start3A_1050 = arith.constant 3 : i32
      %dma_start3A_1051 = arith.constant 3 : i32
      %dma_start3A_1052 = arith.constant 0 : i32
      %dma_start3A_1053 = arith.constant 0 : i32
      %dma_start3A_1054 = arith.constant 0 : i32
      %dma_start3A_1055 = tpu.memref_slice %arg6[%dma_start3A_1050, %dma_start3A_1052, %dma_start3A_1053, %dma_start3A_1054] : memref<8x8x8x128xf32, #tpu.memory_space<vmem>> -> memref<1x8x8x16xf32, #tpu.memory_space<vmem>>
      %dma_start3A_1056 = tpu.memref_squeeze %dma_start3A_1055 : memref<1x8x8x16xf32, #tpu.memory_space<vmem>> -> memref<8x8x16xf32, #tpu.memory_space<vmem>>
      %dma_start3A_1057 = arith.constant 0 : i32
      %dma_start3A_1058 = arith.constant 0 : i32
      %dma_start3A_1059 = tpu.memref_slice %arg3[%dma_start3A_1057, %dma_start3A_1058, %multiple_of3A_1049] : memref<8x8x1000000xf32, #tpu.memory_space<hbm>> -> memref<8x8x16xf32, #tpu.memory_space<hbm>>
      %dma_start3A_1060 = tpu.memref_slice %arg8[%dma_start3A_1051] : memref<8x!tpu.dma_semaphore, #tpu.memory_space<semaphore_mem>> -> memref<1x!tpu.dma_semaphore, #tpu.memory_space<semaphore_mem>>
      %dma_start3A_1061 = tpu.memref_squeeze %dma_start3A_1060 : memref<1x!tpu.dma_semaphore, #tpu.memory_space<semaphore_mem>> -> memref<!tpu.dma_semaphore, #tpu.memory_space<semaphore_mem>>
      %dma_start3A_1062 = arith.constant 0 : i32
      %dma_start3A_1063 = arith.constant 0 : i32
      %dma_start3A_1064 = arith.constant 0 : i32
      %dma_start3A_1065 = tpu.memref_slice %arg6[%dma_start3A_1050, %dma_start3A_1062, %dma_start3A_1063, %dma_start3A_1064] : memref<8x8x8x128xf32, #tpu.memory_space<vmem>> -> memref<1x8x8x16xf32, #tpu.memory_space<vmem>>
      %dma_start3A_1066 = tpu.memref_squeeze %dma_start3A_1065 : memref<1x8x8x16xf32, #tpu.memory_space<vmem>> -> memref<8x8x16xf32, #tpu.memory_space<vmem>>
      %dma_start3A_1067 = arith.constant 0 : i32
      %dma_start3A_1068 = arith.constant 0 : i32
      %dma_start3A_1069 = tpu.memref_slice %arg3[%dma_start3A_1067, %dma_start3A_1068, %multiple_of3A_1049] : memref<8x8x1000000xf32, #tpu.memory_space<hbm>> -> memref<8x8x16xf32, #tpu.memory_space<hbm>>
      tpu.enqueue_dma source(%dma_start3A_1069 : memref<8x8x16xf32, #tpu.memory_space<hbm>>) target(%dma_start3A_1066 : memref<8x8x16xf32, #tpu.memory_space<vmem>>) target_semaphore(%dma_start3A_1061 : memref<!tpu.dma_semaphore, #tpu.memory_space<semaphore_mem>>)
      %slice3A_1070 = vector.extract_strided_slice %get3A_725 {offsets = [4], sizes = [1], strides = [1]} : vector<16xi32> to vector<1xi32>
      %squeeze3A_1071 = vector.extract %slice3A_1070[0] : i32 from vector<1xi32>
      %add3A_1072 = arith.constant 4 : i32
      %add3A_1073 = arith.addi %mul3A_723, %add3A_1072 : i32
      %dma_wait3A_1074 = arith.constant 4 : i32
      %dma_wait3A_1075 = arith.constant 4 : i32
      %dma_wait3A_1076 = arith.constant 0 : i32
      %dma_wait3A_1077 = arith.constant 0 : i32
      %dma_wait3A_1078 = arith.constant 0 : i32
      %dma_wait3A_1079 = tpu.memref_slice %arg6[%dma_wait3A_1074, %dma_wait3A_1076, %dma_wait3A_1077, %dma_wait3A_1078] : memref<8x8x8x128xf32, #tpu.memory_space<vmem>> -> memref<1x8x8x16xf32, #tpu.memory_space<vmem>>
      %dma_wait3A_1080 = tpu.memref_squeeze %dma_wait3A_1079 : memref<1x8x8x16xf32, #tpu.memory_space<vmem>> -> memref<8x8x16xf32, #tpu.memory_space<vmem>>
      %dma_wait3A_1081 = arith.constant 0 : i32
      %dma_wait3A_1082 = arith.constant 0 : i32
      %dma_wait3A_1083 = arith.constant 0 : i32
      %dma_wait3A_1084 = tpu.memref_slice %arg3[%dma_wait3A_1081, %dma_wait3A_1082, %dma_wait3A_1083] : memref<8x8x1000000xf32, #tpu.memory_space<hbm>> -> memref<8x8x16xf32, #tpu.memory_space<hbm>>
      %dma_wait3A_1085 = tpu.memref_slice %arg8[%dma_wait3A_1075] : memref<8x!tpu.dma_semaphore, #tpu.memory_space<semaphore_mem>> -> memref<1x!tpu.dma_semaphore, #tpu.memory_space<semaphore_mem>>
      %dma_wait3A_1086 = tpu.memref_squeeze %dma_wait3A_1085 : memref<1x!tpu.dma_semaphore, #tpu.memory_space<semaphore_mem>> -> memref<!tpu.dma_semaphore, #tpu.memory_space<semaphore_mem>>
      %dma_wait3A_1087 = arith.constant 0 : i32
      %dma_wait3A_1088 = arith.constant 0 : i32
      %dma_wait3A_1089 = arith.constant 0 : i32
      %dma_wait3A_1090 = tpu.memref_slice %arg6[%dma_wait3A_1074, %dma_wait3A_1087, %dma_wait3A_1088, %dma_wait3A_1089] : memref<8x8x8x128xf32, #tpu.memory_space<vmem>> -> memref<1x8x8x16xf32, #tpu.memory_space<vmem>>
      %dma_wait3A_1091 = tpu.memref_squeeze %dma_wait3A_1090 : memref<1x8x8x16xf32, #tpu.memory_space<vmem>> -> memref<8x8x16xf32, #tpu.memory_space<vmem>>
      %dma_wait3A_1092 = arith.constant 0 : i32
      %dma_wait3A_1093 = arith.constant 0 : i32
      %dma_wait3A_1094 = arith.constant 0 : i32
      %dma_wait3A_1095 = tpu.memref_slice %arg3[%dma_wait3A_1092, %dma_wait3A_1093, %dma_wait3A_1094] : memref<8x8x1000000xf32, #tpu.memory_space<hbm>> -> memref<8x8x16xf32, #tpu.memory_space<hbm>>
      tpu.wait_dma2 semaphore(%dma_wait3A_1086 : memref<!tpu.dma_semaphore, #tpu.memory_space<semaphore_mem>>) src(%dma_wait3A_1095 : memref<8x8x16xf32, #tpu.memory_space<hbm>>) dst(%dma_wait3A_1091 : memref<8x8x16xf32, #tpu.memory_space<vmem>>)
      %and3A_1096 = arith.constant 15 : i32
      %and3A_1097 = arith.andi %squeeze3A_1071, %and3A_1096 : i32
      %broadcast_in_dim3A_1098 = vector.broadcast %and3A_1097 : i32 to vector<16xi32>
      %broadcast_in_dim3A_1099 = vector.broadcast %add3A_1073 : i32 to vector<16xi32>
      %gather3A_1100 = arith.constant 4 : i32
      %gather3A_1101 = arith.constant 0 : i32
      %gather3A_1102 = arith.constant 0 : i32
      %gather3A_1103 = arith.constant 0 : i32
      %gather3A_1104 = tpu.memref_slice %arg6[%gather3A_1100, %gather3A_1101, %gather3A_1102, %gather3A_1103] : memref<8x8x8x128xf32, #tpu.memory_space<vmem>> -> memref<1x8x8x128xf32, #tpu.memory_space<vmem>>
      %gather3A_1105 = tpu.memref_squeeze %gather3A_1104 : memref<1x8x8x128xf32, #tpu.memory_space<vmem>> -> memref<8x8x128xf32, #tpu.memory_space<vmem>>
      %gather3A_1106 = tpu.vector_load_idx %gather3A_1105[%shift_right_arithmetic3A_7, %and3A_30, %broadcast_in_dim3A_1098] : memref<8x8x128xf32, #tpu.memory_space<vmem>>[vector<16xi32>, vector<16xi32>, vector<16xi32>], vector<16xf32>,
      tpu.vector_store_idx %arg7[%shift_right_arithmetic3A_7, %and3A_30, %broadcast_in_dim3A_1099], %gather3A_1106 : memref<8x8x512xf32, #tpu.memory_space<vmem>>[vector<16xi32>, vector<16xi32>, vector<16xi32>], vector<16xf32>,
      %gather3A_1107 = arith.constant 4 : i32
      %gather3A_1108 = arith.constant 0 : i32
      %gather3A_1109 = arith.constant 0 : i32
      %gather3A_1110 = arith.constant 0 : i32
      %gather3A_1111 = tpu.memref_slice %arg6[%gather3A_1107, %gather3A_1108, %gather3A_1109, %gather3A_1110] : memref<8x8x8x128xf32, #tpu.memory_space<vmem>> -> memref<1x8x8x128xf32, #tpu.memory_space<vmem>>
      %gather3A_1112 = tpu.memref_squeeze %gather3A_1111 : memref<1x8x8x128xf32, #tpu.memory_space<vmem>> -> memref<8x8x128xf32, #tpu.memory_space<vmem>>
      %gather3A_1113 = tpu.vector_load_idx %gather3A_1112[%shift_right_arithmetic3A_13, %and3A_36, %broadcast_in_dim3A_1098] : memref<8x8x128xf32, #tpu.memory_space<vmem>>[vector<16xi32>, vector<16xi32>, vector<16xi32>], vector<16xf32>,
      tpu.vector_store_idx %arg7[%shift_right_arithmetic3A_13, %and3A_36, %broadcast_in_dim3A_1099], %gather3A_1113 : memref<8x8x512xf32, #tpu.memory_space<vmem>>[vector<16xi32>, vector<16xi32>, vector<16xi32>], vector<16xf32>,
      %gather3A_1114 = arith.constant 4 : i32
      %gather3A_1115 = arith.constant 0 : i32
      %gather3A_1116 = arith.constant 0 : i32
      %gather3A_1117 = arith.constant 0 : i32
      %gather3A_1118 = tpu.memref_slice %arg6[%gather3A_1114, %gather3A_1115, %gather3A_1116, %gather3A_1117] : memref<8x8x8x128xf32, #tpu.memory_space<vmem>> -> memref<1x8x8x128xf32, #tpu.memory_space<vmem>>
      %gather3A_1119 = tpu.memref_squeeze %gather3A_1118 : memref<1x8x8x128xf32, #tpu.memory_space<vmem>> -> memref<8x8x128xf32, #tpu.memory_space<vmem>>
      %gather3A_1120 = tpu.vector_load_idx %gather3A_1119[%shift_right_arithmetic3A_19, %and3A_42, %broadcast_in_dim3A_1098] : memref<8x8x128xf32, #tpu.memory_space<vmem>>[vector<16xi32>, vector<16xi32>, vector<16xi32>], vector<16xf32>,
      tpu.vector_store_idx %arg7[%shift_right_arithmetic3A_19, %and3A_42, %broadcast_in_dim3A_1099], %gather3A_1120 : memref<8x8x512xf32, #tpu.memory_space<vmem>>[vector<16xi32>, vector<16xi32>, vector<16xi32>], vector<16xf32>,
      %gather3A_1121 = arith.constant 4 : i32
      %gather3A_1122 = arith.constant 0 : i32
      %gather3A_1123 = arith.constant 0 : i32
      %gather3A_1124 = arith.constant 0 : i32
      %gather3A_1125 = tpu.memref_slice %arg6[%gather3A_1121, %gather3A_1122, %gather3A_1123, %gather3A_1124] : memref<8x8x8x128xf32, #tpu.memory_space<vmem>> -> memref<1x8x8x128xf32, #tpu.memory_space<vmem>>
      %gather3A_1126 = tpu.memref_squeeze %gather3A_1125 : memref<1x8x8x128xf32, #tpu.memory_space<vmem>> -> memref<8x8x128xf32, #tpu.memory_space<vmem>>
      %gather3A_1127 = tpu.vector_load_idx %gather3A_1126[%shift_right_arithmetic3A_25, %and3A_48, %broadcast_in_dim3A_1098] : memref<8x8x128xf32, #tpu.memory_space<vmem>>[vector<16xi32>, vector<16xi32>, vector<16xi32>], vector<16xf32>,
      tpu.vector_store_idx %arg7[%shift_right_arithmetic3A_25, %and3A_48, %broadcast_in_dim3A_1099], %gather3A_1127 : memref<8x8x512xf32, #tpu.memory_space<vmem>>[vector<16xi32>, vector<16xi32>, vector<16xi32>], vector<16xf32>,
      %slice3A_1128 = vector.extract_strided_slice %get3A_729 {offsets = [4], sizes = [1], strides = [1]} : vector<16xi32> to vector<1xi32>
      %squeeze3A_1129 = vector.extract %slice3A_1128[0] : i32 from vector<1xi32>
      %shift_right_arithmetic3A_1130 = arith.constant 4 : i32
      %shift_right_arithmetic3A_1131 = arith.shrsi %squeeze3A_1129, %shift_right_arithmetic3A_1130 : i32
      %shift_left3A_1132 = arith.constant 4 : i32
      %shift_left3A_1133 = arith.shli %shift_right_arithmetic3A_1131, %shift_left3A_1132 : i32
      %multiple_of3A_1134 = tpu.assume_multiple %shift_left3A_1133, 16 : i32
      %dma_start3A_1135 = arith.constant 4 : i32
      %dma_start3A_1136 = arith.constant 4 : i32
      %dma_start3A_1137 = arith.constant 0 : i32
      %dma_start3A_1138 = arith.constant 0 : i32
      %dma_start3A_1139 = arith.constant 0 : i32
      %dma_start3A_1140 = tpu.memref_slice %arg6[%dma_start3A_1135, %dma_start3A_1137, %dma_start3A_1138, %dma_start3A_1139] : memref<8x8x8x128xf32, #tpu.memory_space<vmem>> -> memref<1x8x8x16xf32, #tpu.memory_space<vmem>>
      %dma_start3A_1141 = tpu.memref_squeeze %dma_start3A_1140 : memref<1x8x8x16xf32, #tpu.memory_space<vmem>> -> memref<8x8x16xf32, #tpu.memory_space<vmem>>
      %dma_start3A_1142 = arith.constant 0 : i32
      %dma_start3A_1143 = arith.constant 0 : i32
      %dma_start3A_1144 = tpu.memref_slice %arg3[%dma_start3A_1142, %dma_start3A_1143, %multiple_of3A_1134] : memref<8x8x1000000xf32, #tpu.memory_space<hbm>> -> memref<8x8x16xf32, #tpu.memory_space<hbm>>
      %dma_start3A_1145 = tpu.memref_slice %arg8[%dma_start3A_1136] : memref<8x!tpu.dma_semaphore, #tpu.memory_space<semaphore_mem>> -> memref<1x!tpu.dma_semaphore, #tpu.memory_space<semaphore_mem>>
      %dma_start3A_1146 = tpu.memref_squeeze %dma_start3A_1145 : memref<1x!tpu.dma_semaphore, #tpu.memory_space<semaphore_mem>> -> memref<!tpu.dma_semaphore, #tpu.memory_space<semaphore_mem>>
      %dma_start3A_1147 = arith.constant 0 : i32
      %dma_start3A_1148 = arith.constant 0 : i32
      %dma_start3A_1149 = arith.constant 0 : i32
      %dma_start3A_1150 = tpu.memref_slice %arg6[%dma_start3A_1135, %dma_start3A_1147, %dma_start3A_1148, %dma_start3A_1149] : memref<8x8x8x128xf32, #tpu.memory_space<vmem>> -> memref<1x8x8x16xf32, #tpu.memory_space<vmem>>
      %dma_start3A_1151 = tpu.memref_squeeze %dma_start3A_1150 : memref<1x8x8x16xf32, #tpu.memory_space<vmem>> -> memref<8x8x16xf32, #tpu.memory_space<vmem>>
      %dma_start3A_1152 = arith.constant 0 : i32
      %dma_start3A_1153 = arith.constant 0 : i32
      %dma_start3A_1154 = tpu.memref_slice %arg3[%dma_start3A_1152, %dma_start3A_1153, %multiple_of3A_1134] : memref<8x8x1000000xf32, #tpu.memory_space<hbm>> -> memref<8x8x16xf32, #tpu.memory_space<hbm>>
      tpu.enqueue_dma source(%dma_start3A_1154 : memref<8x8x16xf32, #tpu.memory_space<hbm>>) target(%dma_start3A_1151 : memref<8x8x16xf32, #tpu.memory_space<vmem>>) target_semaphore(%dma_start3A_1146 : memref<!tpu.dma_semaphore, #tpu.memory_space<semaphore_mem>>)
      %slice3A_1155 = vector.extract_strided_slice %get3A_725 {offsets = [5], sizes = [1], strides = [1]} : vector<16xi32> to vector<1xi32>
      %squeeze3A_1156 = vector.extract %slice3A_1155[0] : i32 from vector<1xi32>
      %add3A_1157 = arith.constant 5 : i32
      %add3A_1158 = arith.addi %mul3A_723, %add3A_1157 : i32
      %dma_wait3A_1159 = arith.constant 5 : i32
      %dma_wait3A_1160 = arith.constant 5 : i32
      %dma_wait3A_1161 = arith.constant 0 : i32
      %dma_wait3A_1162 = arith.constant 0 : i32
      %dma_wait3A_1163 = arith.constant 0 : i32
      %dma_wait3A_1164 = tpu.memref_slice %arg6[%dma_wait3A_1159, %dma_wait3A_1161, %dma_wait3A_1162, %dma_wait3A_1163] : memref<8x8x8x128xf32, #tpu.memory_space<vmem>> -> memref<1x8x8x16xf32, #tpu.memory_space<vmem>>
      %dma_wait3A_1165 = tpu.memref_squeeze %dma_wait3A_1164 : memref<1x8x8x16xf32, #tpu.memory_space<vmem>> -> memref<8x8x16xf32, #tpu.memory_space<vmem>>
      %dma_wait3A_1166 = arith.constant 0 : i32
      %dma_wait3A_1167 = arith.constant 0 : i32
      %dma_wait3A_1168 = arith.constant 0 : i32
      %dma_wait3A_1169 = tpu.memref_slice %arg3[%dma_wait3A_1166, %dma_wait3A_1167, %dma_wait3A_1168] : memref<8x8x1000000xf32, #tpu.memory_space<hbm>> -> memref<8x8x16xf32, #tpu.memory_space<hbm>>
      %dma_wait3A_1170 = tpu.memref_slice %arg8[%dma_wait3A_1160] : memref<8x!tpu.dma_semaphore, #tpu.memory_space<semaphore_mem>> -> memref<1x!tpu.dma_semaphore, #tpu.memory_space<semaphore_mem>>
      %dma_wait3A_1171 = tpu.memref_squeeze %dma_wait3A_1170 : memref<1x!tpu.dma_semaphore, #tpu.memory_space<semaphore_mem>> -> memref<!tpu.dma_semaphore, #tpu.memory_space<semaphore_mem>>
      %dma_wait3A_1172 = arith.constant 0 : i32
      %dma_wait3A_1173 = arith.constant 0 : i32
      %dma_wait3A_1174 = arith.constant 0 : i32
      %dma_wait3A_1175 = tpu.memref_slice %arg6[%dma_wait3A_1159, %dma_wait3A_1172, %dma_wait3A_1173, %dma_wait3A_1174] : memref<8x8x8x128xf32, #tpu.memory_space<vmem>> -> memref<1x8x8x16xf32, #tpu.memory_space<vmem>>
      %dma_wait3A_1176 = tpu.memref_squeeze %dma_wait3A_1175 : memref<1x8x8x16xf32, #tpu.memory_space<vmem>> -> memref<8x8x16xf32, #tpu.memory_space<vmem>>
      %dma_wait3A_1177 = arith.constant 0 : i32
      %dma_wait3A_1178 = arith.constant 0 : i32
      %dma_wait3A_1179 = arith.constant 0 : i32
      %dma_wait3A_1180 = tpu.memref_slice %arg3[%dma_wait3A_1177, %dma_wait3A_1178, %dma_wait3A_1179] : memref<8x8x1000000xf32, #tpu.memory_space<hbm>> -> memref<8x8x16xf32, #tpu.memory_space<hbm>>
      tpu.wait_dma2 semaphore(%dma_wait3A_1171 : memref<!tpu.dma_semaphore, #tpu.memory_space<semaphore_mem>>) src(%dma_wait3A_1180 : memref<8x8x16xf32, #tpu.memory_space<hbm>>) dst(%dma_wait3A_1176 : memref<8x8x16xf32, #tpu.memory_space<vmem>>)
      %and3A_1181 = arith.constant 15 : i32
      %and3A_1182 = arith.andi %squeeze3A_1156, %and3A_1181 : i32
      %broadcast_in_dim3A_1183 = vector.broadcast %and3A_1182 : i32 to vector<16xi32>
      %broadcast_in_dim3A_1184 = vector.broadcast %add3A_1158 : i32 to vector<16xi32>
      %gather3A_1185 = arith.constant 5 : i32
      %gather3A_1186 = arith.constant 0 : i32
      %gather3A_1187 = arith.constant 0 : i32
      %gather3A_1188 = arith.constant 0 : i32
      %gather3A_1189 = tpu.memref_slice %arg6[%gather3A_1185, %gather3A_1186, %gather3A_1187, %gather3A_1188] : memref<8x8x8x128xf32, #tpu.memory_space<vmem>> -> memref<1x8x8x128xf32, #tpu.memory_space<vmem>>
      %gather3A_1190 = tpu.memref_squeeze %gather3A_1189 : memref<1x8x8x128xf32, #tpu.memory_space<vmem>> -> memref<8x8x128xf32, #tpu.memory_space<vmem>>
      %gather3A_1191 = tpu.vector_load_idx %gather3A_1190[%shift_right_arithmetic3A_7, %and3A_30, %broadcast_in_dim3A_1183] : memref<8x8x128xf32, #tpu.memory_space<vmem>>[vector<16xi32>, vector<16xi32>, vector<16xi32>], vector<16xf32>,
      tpu.vector_store_idx %arg7[%shift_right_arithmetic3A_7, %and3A_30, %broadcast_in_dim3A_1184], %gather3A_1191 : memref<8x8x512xf32, #tpu.memory_space<vmem>>[vector<16xi32>, vector<16xi32>, vector<16xi32>], vector<16xf32>,
      %gather3A_1192 = arith.constant 5 : i32
      %gather3A_1193 = arith.constant 0 : i32
      %gather3A_1194 = arith.constant 0 : i32
      %gather3A_1195 = arith.constant 0 : i32
      %gather3A_1196 = tpu.memref_slice %arg6[%gather3A_1192, %gather3A_1193, %gather3A_1194, %gather3A_1195] : memref<8x8x8x128xf32, #tpu.memory_space<vmem>> -> memref<1x8x8x128xf32, #tpu.memory_space<vmem>>
      %gather3A_1197 = tpu.memref_squeeze %gather3A_1196 : memref<1x8x8x128xf32, #tpu.memory_space<vmem>> -> memref<8x8x128xf32, #tpu.memory_space<vmem>>
      %gather3A_1198 = tpu.vector_load_idx %gather3A_1197[%shift_right_arithmetic3A_13, %and3A_36, %broadcast_in_dim3A_1183] : memref<8x8x128xf32, #tpu.memory_space<vmem>>[vector<16xi32>, vector<16xi32>, vector<16xi32>], vector<16xf32>,
      tpu.vector_store_idx %arg7[%shift_right_arithmetic3A_13, %and3A_36, %broadcast_in_dim3A_1184], %gather3A_1198 : memref<8x8x512xf32, #tpu.memory_space<vmem>>[vector<16xi32>, vector<16xi32>, vector<16xi32>], vector<16xf32>,
      %gather3A_1199 = arith.constant 5 : i32
      %gather3A_1200 = arith.constant 0 : i32
      %gather3A_1201 = arith.constant 0 : i32
      %gather3A_1202 = arith.constant 0 : i32
      %gather3A_1203 = tpu.memref_slice %arg6[%gather3A_1199, %gather3A_1200, %gather3A_1201, %gather3A_1202] : memref<8x8x8x128xf32, #tpu.memory_space<vmem>> -> memref<1x8x8x128xf32, #tpu.memory_space<vmem>>
      %gather3A_1204 = tpu.memref_squeeze %gather3A_1203 : memref<1x8x8x128xf32, #tpu.memory_space<vmem>> -> memref<8x8x128xf32, #tpu.memory_space<vmem>>
      %gather3A_1205 = tpu.vector_load_idx %gather3A_1204[%shift_right_arithmetic3A_19, %and3A_42, %broadcast_in_dim3A_1183] : memref<8x8x128xf32, #tpu.memory_space<vmem>>[vector<16xi32>, vector<16xi32>, vector<16xi32>], vector<16xf32>,
      tpu.vector_store_idx %arg7[%shift_right_arithmetic3A_19, %and3A_42, %broadcast_in_dim3A_1184], %gather3A_1205 : memref<8x8x512xf32, #tpu.memory_space<vmem>>[vector<16xi32>, vector<16xi32>, vector<16xi32>], vector<16xf32>,
      %gather3A_1206 = arith.constant 5 : i32
      %gather3A_1207 = arith.constant 0 : i32
      %gather3A_1208 = arith.constant 0 : i32
      %gather3A_1209 = arith.constant 0 : i32
      %gather3A_1210 = tpu.memref_slice %arg6[%gather3A_1206, %gather3A_1207, %gather3A_1208, %gather3A_1209] : memref<8x8x8x128xf32, #tpu.memory_space<vmem>> -> memref<1x8x8x128xf32, #tpu.memory_space<vmem>>
      %gather3A_1211 = tpu.memref_squeeze %gather3A_1210 : memref<1x8x8x128xf32, #tpu.memory_space<vmem>> -> memref<8x8x128xf32, #tpu.memory_space<vmem>>
      %gather3A_1212 = tpu.vector_load_idx %gather3A_1211[%shift_right_arithmetic3A_25, %and3A_48, %broadcast_in_dim3A_1183] : memref<8x8x128xf32, #tpu.memory_space<vmem>>[vector<16xi32>, vector<16xi32>, vector<16xi32>], vector<16xf32>,
      tpu.vector_store_idx %arg7[%shift_right_arithmetic3A_25, %and3A_48, %broadcast_in_dim3A_1184], %gather3A_1212 : memref<8x8x512xf32, #tpu.memory_space<vmem>>[vector<16xi32>, vector<16xi32>, vector<16xi32>], vector<16xf32>,
      %slice3A_1213 = vector.extract_strided_slice %get3A_729 {offsets = [5], sizes = [1], strides = [1]} : vector<16xi32> to vector<1xi32>
      %squeeze3A_1214 = vector.extract %slice3A_1213[0] : i32 from vector<1xi32>
      %shift_right_arithmetic3A_1215 = arith.constant 4 : i32
      %shift_right_arithmetic3A_1216 = arith.shrsi %squeeze3A_1214, %shift_right_arithmetic3A_1215 : i32
      %shift_left3A_1217 = arith.constant 4 : i32
      %shift_left3A_1218 = arith.shli %shift_right_arithmetic3A_1216, %shift_left3A_1217 : i32
      %multiple_of3A_1219 = tpu.assume_multiple %shift_left3A_1218, 16 : i32
      %dma_start3A_1220 = arith.constant 5 : i32
      %dma_start3A_1221 = arith.constant 5 : i32
      %dma_start3A_1222 = arith.constant 0 : i32
      %dma_start3A_1223 = arith.constant 0 : i32
      %dma_start3A_1224 = arith.constant 0 : i32
      %dma_start3A_1225 = tpu.memref_slice %arg6[%dma_start3A_1220, %dma_start3A_1222, %dma_start3A_1223, %dma_start3A_1224] : memref<8x8x8x128xf32, #tpu.memory_space<vmem>> -> memref<1x8x8x16xf32, #tpu.memory_space<vmem>>
      %dma_start3A_1226 = tpu.memref_squeeze %dma_start3A_1225 : memref<1x8x8x16xf32, #tpu.memory_space<vmem>> -> memref<8x8x16xf32, #tpu.memory_space<vmem>>
      %dma_start3A_1227 = arith.constant 0 : i32
      %dma_start3A_1228 = arith.constant 0 : i32
      %dma_start3A_1229 = tpu.memref_slice %arg3[%dma_start3A_1227, %dma_start3A_1228, %multiple_of3A_1219] : memref<8x8x1000000xf32, #tpu.memory_space<hbm>> -> memref<8x8x16xf32, #tpu.memory_space<hbm>>
      %dma_start3A_1230 = tpu.memref_slice %arg8[%dma_start3A_1221] : memref<8x!tpu.dma_semaphore, #tpu.memory_space<semaphore_mem>> -> memref<1x!tpu.dma_semaphore, #tpu.memory_space<semaphore_mem>>
      %dma_start3A_1231 = tpu.memref_squeeze %dma_start3A_1230 : memref<1x!tpu.dma_semaphore, #tpu.memory_space<semaphore_mem>> -> memref<!tpu.dma_semaphore, #tpu.memory_space<semaphore_mem>>
      %dma_start3A_1232 = arith.constant 0 : i32
      %dma_start3A_1233 = arith.constant 0 : i32
      %dma_start3A_1234 = arith.constant 0 : i32
      %dma_start3A_1235 = tpu.memref_slice %arg6[%dma_start3A_1220, %dma_start3A_1232, %dma_start3A_1233, %dma_start3A_1234] : memref<8x8x8x128xf32, #tpu.memory_space<vmem>> -> memref<1x8x8x16xf32, #tpu.memory_space<vmem>>
      %dma_start3A_1236 = tpu.memref_squeeze %dma_start3A_1235 : memref<1x8x8x16xf32, #tpu.memory_space<vmem>> -> memref<8x8x16xf32, #tpu.memory_space<vmem>>
      %dma_start3A_1237 = arith.constant 0 : i32
      %dma_start3A_1238 = arith.constant 0 : i32
      %dma_start3A_1239 = tpu.memref_slice %arg3[%dma_start3A_1237, %dma_start3A_1238, %multiple_of3A_1219] : memref<8x8x1000000xf32, #tpu.memory_space<hbm>> -> memref<8x8x16xf32, #tpu.memory_space<hbm>>
      tpu.enqueue_dma source(%dma_start3A_1239 : memref<8x8x16xf32, #tpu.memory_space<hbm>>) target(%dma_start3A_1236 : memref<8x8x16xf32, #tpu.memory_space<vmem>>) target_semaphore(%dma_start3A_1231 : memref<!tpu.dma_semaphore, #tpu.memory_space<semaphore_mem>>)
      %slice3A_1240 = vector.extract_strided_slice %get3A_725 {offsets = [6], sizes = [1], strides = [1]} : vector<16xi32> to vector<1xi32>
      %squeeze3A_1241 = vector.extract %slice3A_1240[0] : i32 from vector<1xi32>
      %add3A_1242 = arith.constant 6 : i32
      %add3A_1243 = arith.addi %mul3A_723, %add3A_1242 : i32
      %dma_wait3A_1244 = arith.constant 6 : i32
      %dma_wait3A_1245 = arith.constant 6 : i32
      %dma_wait3A_1246 = arith.constant 0 : i32
      %dma_wait3A_1247 = arith.constant 0 : i32
      %dma_wait3A_1248 = arith.constant 0 : i32
      %dma_wait3A_1249 = tpu.memref_slice %arg6[%dma_wait3A_1244, %dma_wait3A_1246, %dma_wait3A_1247, %dma_wait3A_1248] : memref<8x8x8x128xf32, #tpu.memory_space<vmem>> -> memref<1x8x8x16xf32, #tpu.memory_space<vmem>>
      %dma_wait3A_1250 = tpu.memref_squeeze %dma_wait3A_1249 : memref<1x8x8x16xf32, #tpu.memory_space<vmem>> -> memref<8x8x16xf32, #tpu.memory_space<vmem>>
      %dma_wait3A_1251 = arith.constant 0 : i32
      %dma_wait3A_1252 = arith.constant 0 : i32
      %dma_wait3A_1253 = arith.constant 0 : i32
      %dma_wait3A_1254 = tpu.memref_slice %arg3[%dma_wait3A_1251, %dma_wait3A_1252, %dma_wait3A_1253] : memref<8x8x1000000xf32, #tpu.memory_space<hbm>> -> memref<8x8x16xf32, #tpu.memory_space<hbm>>
      %dma_wait3A_1255 = tpu.memref_slice %arg8[%dma_wait3A_1245] : memref<8x!tpu.dma_semaphore, #tpu.memory_space<semaphore_mem>> -> memref<1x!tpu.dma_semaphore, #tpu.memory_space<semaphore_mem>>
      %dma_wait3A_1256 = tpu.memref_squeeze %dma_wait3A_1255 : memref<1x!tpu.dma_semaphore, #tpu.memory_space<semaphore_mem>> -> memref<!tpu.dma_semaphore, #tpu.memory_space<semaphore_mem>>
      %dma_wait3A_1257 = arith.constant 0 : i32
      %dma_wait3A_1258 = arith.constant 0 : i32
      %dma_wait3A_1259 = arith.constant 0 : i32
      %dma_wait3A_1260 = tpu.memref_slice %arg6[%dma_wait3A_1244, %dma_wait3A_1257, %dma_wait3A_1258, %dma_wait3A_1259] : memref<8x8x8x128xf32, #tpu.memory_space<vmem>> -> memref<1x8x8x16xf32, #tpu.memory_space<vmem>>
      %dma_wait3A_1261 = tpu.memref_squeeze %dma_wait3A_1260 : memref<1x8x8x16xf32, #tpu.memory_space<vmem>> -> memref<8x8x16xf32, #tpu.memory_space<vmem>>
      %dma_wait3A_1262 = arith.constant 0 : i32
      %dma_wait3A_1263 = arith.constant 0 : i32
      %dma_wait3A_1264 = arith.constant 0 : i32
      %dma_wait3A_1265 = tpu.memref_slice %arg3[%dma_wait3A_1262, %dma_wait3A_1263, %dma_wait3A_1264] : memref<8x8x1000000xf32, #tpu.memory_space<hbm>> -> memref<8x8x16xf32, #tpu.memory_space<hbm>>
      tpu.wait_dma2 semaphore(%dma_wait3A_1256 : memref<!tpu.dma_semaphore, #tpu.memory_space<semaphore_mem>>) src(%dma_wait3A_1265 : memref<8x8x16xf32, #tpu.memory_space<hbm>>) dst(%dma_wait3A_1261 : memref<8x8x16xf32, #tpu.memory_space<vmem>>)
      %and3A_1266 = arith.constant 15 : i32
      %and3A_1267 = arith.andi %squeeze3A_1241, %and3A_1266 : i32
      %broadcast_in_dim3A_1268 = vector.broadcast %and3A_1267 : i32 to vector<16xi32>
      %broadcast_in_dim3A_1269 = vector.broadcast %add3A_1243 : i32 to vector<16xi32>
      %gather3A_1270 = arith.constant 6 : i32
      %gather3A_1271 = arith.constant 0 : i32
      %gather3A_1272 = arith.constant 0 : i32
      %gather3A_1273 = arith.constant 0 : i32
      %gather3A_1274 = tpu.memref_slice %arg6[%gather3A_1270, %gather3A_1271, %gather3A_1272, %gather3A_1273] : memref<8x8x8x128xf32, #tpu.memory_space<vmem>> -> memref<1x8x8x128xf32, #tpu.memory_space<vmem>>
      %gather3A_1275 = tpu.memref_squeeze %gather3A_1274 : memref<1x8x8x128xf32, #tpu.memory_space<vmem>> -> memref<8x8x128xf32, #tpu.memory_space<vmem>>
      %gather3A_1276 = tpu.vector_load_idx %gather3A_1275[%shift_right_arithmetic3A_7, %and3A_30, %broadcast_in_dim3A_1268] : memref<8x8x128xf32, #tpu.memory_space<vmem>>[vector<16xi32>, vector<16xi32>, vector<16xi32>], vector<16xf32>,
      tpu.vector_store_idx %arg7[%shift_right_arithmetic3A_7, %and3A_30, %broadcast_in_dim3A_1269], %gather3A_1276 : memref<8x8x512xf32, #tpu.memory_space<vmem>>[vector<16xi32>, vector<16xi32>, vector<16xi32>], vector<16xf32>,
      %gather3A_1277 = arith.constant 6 : i32
      %gather3A_1278 = arith.constant 0 : i32
      %gather3A_1279 = arith.constant 0 : i32
      %gather3A_1280 = arith.constant 0 : i32
      %gather3A_1281 = tpu.memref_slice %arg6[%gather3A_1277, %gather3A_1278, %gather3A_1279, %gather3A_1280] : memref<8x8x8x128xf32, #tpu.memory_space<vmem>> -> memref<1x8x8x128xf32, #tpu.memory_space<vmem>>
      %gather3A_1282 = tpu.memref_squeeze %gather3A_1281 : memref<1x8x8x128xf32, #tpu.memory_space<vmem>> -> memref<8x8x128xf32, #tpu.memory_space<vmem>>
      %gather3A_1283 = tpu.vector_load_idx %gather3A_1282[%shift_right_arithmetic3A_13, %and3A_36, %broadcast_in_dim3A_1268] : memref<8x8x128xf32, #tpu.memory_space<vmem>>[vector<16xi32>, vector<16xi32>, vector<16xi32>], vector<16xf32>,
      tpu.vector_store_idx %arg7[%shift_right_arithmetic3A_13, %and3A_36, %broadcast_in_dim3A_1269], %gather3A_1283 : memref<8x8x512xf32, #tpu.memory_space<vmem>>[vector<16xi32>, vector<16xi32>, vector<16xi32>], vector<16xf32>,
      %gather3A_1284 = arith.constant 6 : i32
      %gather3A_1285 = arith.constant 0 : i32
      %gather3A_1286 = arith.constant 0 : i32
      %gather3A_1287 = arith.constant 0 : i32
      %gather3A_1288 = tpu.memref_slice %arg6[%gather3A_1284, %gather3A_1285, %gather3A_1286, %gather3A_1287] : memref<8x8x8x128xf32, #tpu.memory_space<vmem>> -> memref<1x8x8x128xf32, #tpu.memory_space<vmem>>
      %gather3A_1289 = tpu.memref_squeeze %gather3A_1288 : memref<1x8x8x128xf32, #tpu.memory_space<vmem>> -> memref<8x8x128xf32, #tpu.memory_space<vmem>>
      %gather3A_1290 = tpu.vector_load_idx %gather3A_1289[%shift_right_arithmetic3A_19, %and3A_42, %broadcast_in_dim3A_1268] : memref<8x8x128xf32, #tpu.memory_space<vmem>>[vector<16xi32>, vector<16xi32>, vector<16xi32>], vector<16xf32>,
      tpu.vector_store_idx %arg7[%shift_right_arithmetic3A_19, %and3A_42, %broadcast_in_dim3A_1269], %gather3A_1290 : memref<8x8x512xf32, #tpu.memory_space<vmem>>[vector<16xi32>, vector<16xi32>, vector<16xi32>], vector<16xf32>,
      %gather3A_1291 = arith.constant 6 : i32
      %gather3A_1292 = arith.constant 0 : i32
      %gather3A_1293 = arith.constant 0 : i32
      %gather3A_1294 = arith.constant 0 : i32
      %gather3A_1295 = tpu.memref_slice %arg6[%gather3A_1291, %gather3A_1292, %gather3A_1293, %gather3A_1294] : memref<8x8x8x128xf32, #tpu.memory_space<vmem>> -> memref<1x8x8x128xf32, #tpu.memory_space<vmem>>
      %gather3A_1296 = tpu.memref_squeeze %gather3A_1295 : memref<1x8x8x128xf32, #tpu.memory_space<vmem>> -> memref<8x8x128xf32, #tpu.memory_space<vmem>>
      %gather3A_1297 = tpu.vector_load_idx %gather3A_1296[%shift_right_arithmetic3A_25, %and3A_48, %broadcast_in_dim3A_1268] : memref<8x8x128xf32, #tpu.memory_space<vmem>>[vector<16xi32>, vector<16xi32>, vector<16xi32>], vector<16xf32>,
      tpu.vector_store_idx %arg7[%shift_right_arithmetic3A_25, %and3A_48, %broadcast_in_dim3A_1269], %gather3A_1297 : memref<8x8x512xf32, #tpu.memory_space<vmem>>[vector<16xi32>, vector<16xi32>, vector<16xi32>], vector<16xf32>,
      %slice3A_1298 = vector.extract_strided_slice %get3A_729 {offsets = [6], sizes = [1], strides = [1]} : vector<16xi32> to vector<1xi32>
      %squeeze3A_1299 = vector.extract %slice3A_1298[0] : i32 from vector<1xi32>
      %shift_right_arithmetic3A_1300 = arith.constant 4 : i32
      %shift_right_arithmetic3A_1301 = arith.shrsi %squeeze3A_1299, %shift_right_arithmetic3A_1300 : i32
      %shift_left3A_1302 = arith.constant 4 : i32
      %shift_left3A_1303 = arith.shli %shift_right_arithmetic3A_1301, %shift_left3A_1302 : i32
      %multiple_of3A_1304 = tpu.assume_multiple %shift_left3A_1303, 16 : i32
      %dma_start3A_1305 = arith.constant 6 : i32
      %dma_start3A_1306 = arith.constant 6 : i32
      %dma_start3A_1307 = arith.constant 0 : i32
      %dma_start3A_1308 = arith.constant 0 : i32
      %dma_start3A_1309 = arith.constant 0 : i32
      %dma_start3A_1310 = tpu.memref_slice %arg6[%dma_start3A_1305, %dma_start3A_1307, %dma_start3A_1308, %dma_start3A_1309] : memref<8x8x8x128xf32, #tpu.memory_space<vmem>> -> memref<1x8x8x16xf32, #tpu.memory_space<vmem>>
      %dma_start3A_1311 = tpu.memref_squeeze %dma_start3A_1310 : memref<1x8x8x16xf32, #tpu.memory_space<vmem>> -> memref<8x8x16xf32, #tpu.memory_space<vmem>>
      %dma_start3A_1312 = arith.constant 0 : i32
      %dma_start3A_1313 = arith.constant 0 : i32
      %dma_start3A_1314 = tpu.memref_slice %arg3[%dma_start3A_1312, %dma_start3A_1313, %multiple_of3A_1304] : memref<8x8x1000000xf32, #tpu.memory_space<hbm>> -> memref<8x8x16xf32, #tpu.memory_space<hbm>>
      %dma_start3A_1315 = tpu.memref_slice %arg8[%dma_start3A_1306] : memref<8x!tpu.dma_semaphore, #tpu.memory_space<semaphore_mem>> -> memref<1x!tpu.dma_semaphore, #tpu.memory_space<semaphore_mem>>
      %dma_start3A_1316 = tpu.memref_squeeze %dma_start3A_1315 : memref<1x!tpu.dma_semaphore, #tpu.memory_space<semaphore_mem>> -> memref<!tpu.dma_semaphore, #tpu.memory_space<semaphore_mem>>
      %dma_start3A_1317 = arith.constant 0 : i32
      %dma_start3A_1318 = arith.constant 0 : i32
      %dma_start3A_1319 = arith.constant 0 : i32
      %dma_start3A_1320 = tpu.memref_slice %arg6[%dma_start3A_1305, %dma_start3A_1317, %dma_start3A_1318, %dma_start3A_1319] : memref<8x8x8x128xf32, #tpu.memory_space<vmem>> -> memref<1x8x8x16xf32, #tpu.memory_space<vmem>>
      %dma_start3A_1321 = tpu.memref_squeeze %dma_start3A_1320 : memref<1x8x8x16xf32, #tpu.memory_space<vmem>> -> memref<8x8x16xf32, #tpu.memory_space<vmem>>
      %dma_start3A_1322 = arith.constant 0 : i32
      %dma_start3A_1323 = arith.constant 0 : i32
      %dma_start3A_1324 = tpu.memref_slice %arg3[%dma_start3A_1322, %dma_start3A_1323, %multiple_of3A_1304] : memref<8x8x1000000xf32, #tpu.memory_space<hbm>> -> memref<8x8x16xf32, #tpu.memory_space<hbm>>
      tpu.enqueue_dma source(%dma_start3A_1324 : memref<8x8x16xf32, #tpu.memory_space<hbm>>) target(%dma_start3A_1321 : memref<8x8x16xf32, #tpu.memory_space<vmem>>) target_semaphore(%dma_start3A_1316 : memref<!tpu.dma_semaphore, #tpu.memory_space<semaphore_mem>>)
      %slice3A_1325 = vector.extract_strided_slice %get3A_725 {offsets = [7], sizes = [1], strides = [1]} : vector<16xi32> to vector<1xi32>
      %squeeze3A_1326 = vector.extract %slice3A_1325[0] : i32 from vector<1xi32>
      %add3A_1327 = arith.constant 7 : i32
      %add3A_1328 = arith.addi %mul3A_723, %add3A_1327 : i32
      %dma_wait3A_1329 = arith.constant 7 : i32
      %dma_wait3A_1330 = arith.constant 7 : i32
      %dma_wait3A_1331 = arith.constant 0 : i32
      %dma_wait3A_1332 = arith.constant 0 : i32
      %dma_wait3A_1333 = arith.constant 0 : i32
      %dma_wait3A_1334 = tpu.memref_slice %arg6[%dma_wait3A_1329, %dma_wait3A_1331, %dma_wait3A_1332, %dma_wait3A_1333] : memref<8x8x8x128xf32, #tpu.memory_space<vmem>> -> memref<1x8x8x16xf32, #tpu.memory_space<vmem>>
      %dma_wait3A_1335 = tpu.memref_squeeze %dma_wait3A_1334 : memref<1x8x8x16xf32, #tpu.memory_space<vmem>> -> memref<8x8x16xf32, #tpu.memory_space<vmem>>
      %dma_wait3A_1336 = arith.constant 0 : i32
      %dma_wait3A_1337 = arith.constant 0 : i32
      %dma_wait3A_1338 = arith.constant 0 : i32
      %dma_wait3A_1339 = tpu.memref_slice %arg3[%dma_wait3A_1336, %dma_wait3A_1337, %dma_wait3A_1338] : memref<8x8x1000000xf32, #tpu.memory_space<hbm>> -> memref<8x8x16xf32, #tpu.memory_space<hbm>>
      %dma_wait3A_1340 = tpu.memref_slice %arg8[%dma_wait3A_1330] : memref<8x!tpu.dma_semaphore, #tpu.memory_space<semaphore_mem>> -> memref<1x!tpu.dma_semaphore, #tpu.memory_space<semaphore_mem>>
      %dma_wait3A_1341 = tpu.memref_squeeze %dma_wait3A_1340 : memref<1x!tpu.dma_semaphore, #tpu.memory_space<semaphore_mem>> -> memref<!tpu.dma_semaphore, #tpu.memory_space<semaphore_mem>>
      %dma_wait3A_1342 = arith.constant 0 : i32
      %dma_wait3A_1343 = arith.constant 0 : i32
      %dma_wait3A_1344 = arith.constant 0 : i32
      %dma_wait3A_1345 = tpu.memref_slice %arg6[%dma_wait3A_1329, %dma_wait3A_1342, %dma_wait3A_1343, %dma_wait3A_1344] : memref<8x8x8x128xf32, #tpu.memory_space<vmem>> -> memref<1x8x8x16xf32, #tpu.memory_space<vmem>>
      %dma_wait3A_1346 = tpu.memref_squeeze %dma_wait3A_1345 : memref<1x8x8x16xf32, #tpu.memory_space<vmem>> -> memref<8x8x16xf32, #tpu.memory_space<vmem>>
      %dma_wait3A_1347 = arith.constant 0 : i32
      %dma_wait3A_1348 = arith.constant 0 : i32
      %dma_wait3A_1349 = arith.constant 0 : i32
      %dma_wait3A_1350 = tpu.memref_slice %arg3[%dma_wait3A_1347, %dma_wait3A_1348, %dma_wait3A_1349] : memref<8x8x1000000xf32, #tpu.memory_space<hbm>> -> memref<8x8x16xf32, #tpu.memory_space<hbm>>
      tpu.wait_dma2 semaphore(%dma_wait3A_1341 : memref<!tpu.dma_semaphore, #tpu.memory_space<semaphore_mem>>) src(%dma_wait3A_1350 : memref<8x8x16xf32, #tpu.memory_space<hbm>>) dst(%dma_wait3A_1346 : memref<8x8x16xf32, #tpu.memory_space<vmem>>)
      %and3A_1351 = arith.constant 15 : i32
      %and3A_1352 = arith.andi %squeeze3A_1326, %and3A_1351 : i32
      %broadcast_in_dim3A_1353 = vector.broadcast %and3A_1352 : i32 to vector<16xi32>
      %broadcast_in_dim3A_1354 = vector.broadcast %add3A_1328 : i32 to vector<16xi32>
      %gather3A_1355 = arith.constant 7 : i32
      %gather3A_1356 = arith.constant 0 : i32
      %gather3A_1357 = arith.constant 0 : i32
      %gather3A_1358 = arith.constant 0 : i32
      %gather3A_1359 = tpu.memref_slice %arg6[%gather3A_1355, %gather3A_1356, %gather3A_1357, %gather3A_1358] : memref<8x8x8x128xf32, #tpu.memory_space<vmem>> -> memref<1x8x8x128xf32, #tpu.memory_space<vmem>>
      %gather3A_1360 = tpu.memref_squeeze %gather3A_1359 : memref<1x8x8x128xf32, #tpu.memory_space<vmem>> -> memref<8x8x128xf32, #tpu.memory_space<vmem>>
      %gather3A_1361 = tpu.vector_load_idx %gather3A_1360[%shift_right_arithmetic3A_7, %and3A_30, %broadcast_in_dim3A_1353] : memref<8x8x128xf32, #tpu.memory_space<vmem>>[vector<16xi32>, vector<16xi32>, vector<16xi32>], vector<16xf32>,
      tpu.vector_store_idx %arg7[%shift_right_arithmetic3A_7, %and3A_30, %broadcast_in_dim3A_1354], %gather3A_1361 : memref<8x8x512xf32, #tpu.memory_space<vmem>>[vector<16xi32>, vector<16xi32>, vector<16xi32>], vector<16xf32>,
      %gather3A_1362 = arith.constant 7 : i32
      %gather3A_1363 = arith.constant 0 : i32
      %gather3A_1364 = arith.constant 0 : i32
      %gather3A_1365 = arith.constant 0 : i32
      %gather3A_1366 = tpu.memref_slice %arg6[%gather3A_1362, %gather3A_1363, %gather3A_1364, %gather3A_1365] : memref<8x8x8x128xf32, #tpu.memory_space<vmem>> -> memref<1x8x8x128xf32, #tpu.memory_space<vmem>>
      %gather3A_1367 = tpu.memref_squeeze %gather3A_1366 : memref<1x8x8x128xf32, #tpu.memory_space<vmem>> -> memref<8x8x128xf32, #tpu.memory_space<vmem>>
      %gather3A_1368 = tpu.vector_load_idx %gather3A_1367[%shift_right_arithmetic3A_13, %and3A_36, %broadcast_in_dim3A_1353] : memref<8x8x128xf32, #tpu.memory_space<vmem>>[vector<16xi32>, vector<16xi32>, vector<16xi32>], vector<16xf32>,
      tpu.vector_store_idx %arg7[%shift_right_arithmetic3A_13, %and3A_36, %broadcast_in_dim3A_1354], %gather3A_1368 : memref<8x8x512xf32, #tpu.memory_space<vmem>>[vector<16xi32>, vector<16xi32>, vector<16xi32>], vector<16xf32>,
      %gather3A_1369 = arith.constant 7 : i32
      %gather3A_1370 = arith.constant 0 : i32
      %gather3A_1371 = arith.constant 0 : i32
      %gather3A_1372 = arith.constant 0 : i32
      %gather3A_1373 = tpu.memref_slice %arg6[%gather3A_1369, %gather3A_1370, %gather3A_1371, %gather3A_1372] : memref<8x8x8x128xf32, #tpu.memory_space<vmem>> -> memref<1x8x8x128xf32, #tpu.memory_space<vmem>>
      %gather3A_1374 = tpu.memref_squeeze %gather3A_1373 : memref<1x8x8x128xf32, #tpu.memory_space<vmem>> -> memref<8x8x128xf32, #tpu.memory_space<vmem>>
      %gather3A_1375 = tpu.vector_load_idx %gather3A_1374[%shift_right_arithmetic3A_19, %and3A_42, %broadcast_in_dim3A_1353] : memref<8x8x128xf32, #tpu.memory_space<vmem>>[vector<16xi32>, vector<16xi32>, vector<16xi32>], vector<16xf32>,
      tpu.vector_store_idx %arg7[%shift_right_arithmetic3A_19, %and3A_42, %broadcast_in_dim3A_1354], %gather3A_1375 : memref<8x8x512xf32, #tpu.memory_space<vmem>>[vector<16xi32>, vector<16xi32>, vector<16xi32>], vector<16xf32>,
      %gather3A_1376 = arith.constant 7 : i32
      %gather3A_1377 = arith.constant 0 : i32
      %gather3A_1378 = arith.constant 0 : i32
      %gather3A_1379 = arith.constant 0 : i32
      %gather3A_1380 = tpu.memref_slice %arg6[%gather3A_1376, %gather3A_1377, %gather3A_1378, %gather3A_1379] : memref<8x8x8x128xf32, #tpu.memory_space<vmem>> -> memref<1x8x8x128xf32, #tpu.memory_space<vmem>>
      %gather3A_1381 = tpu.memref_squeeze %gather3A_1380 : memref<1x8x8x128xf32, #tpu.memory_space<vmem>> -> memref<8x8x128xf32, #tpu.memory_space<vmem>>
      %gather3A_1382 = tpu.vector_load_idx %gather3A_1381[%shift_right_arithmetic3A_25, %and3A_48, %broadcast_in_dim3A_1353] : memref<8x8x128xf32, #tpu.memory_space<vmem>>[vector<16xi32>, vector<16xi32>, vector<16xi32>], vector<16xf32>,
      tpu.vector_store_idx %arg7[%shift_right_arithmetic3A_25, %and3A_48, %broadcast_in_dim3A_1354], %gather3A_1382 : memref<8x8x512xf32, #tpu.memory_space<vmem>>[vector<16xi32>, vector<16xi32>, vector<16xi32>], vector<16xf32>,
      %slice3A_1383 = vector.extract_strided_slice %get3A_729 {offsets = [7], sizes = [1], strides = [1]} : vector<16xi32> to vector<1xi32>
      %squeeze3A_1384 = vector.extract %slice3A_1383[0] : i32 from vector<1xi32>
      %shift_right_arithmetic3A_1385 = arith.constant 4 : i32
      %shift_right_arithmetic3A_1386 = arith.shrsi %squeeze3A_1384, %shift_right_arithmetic3A_1385 : i32
      %shift_left3A_1387 = arith.constant 4 : i32
      %shift_left3A_1388 = arith.shli %shift_right_arithmetic3A_1386, %shift_left3A_1387 : i32
      %multiple_of3A_1389 = tpu.assume_multiple %shift_left3A_1388, 16 : i32
      %dma_start3A_1390 = arith.constant 7 : i32
      %dma_start3A_1391 = arith.constant 7 : i32
      %dma_start3A_1392 = arith.constant 0 : i32
      %dma_start3A_1393 = arith.constant 0 : i32
      %dma_start3A_1394 = arith.constant 0 : i32
      %dma_start3A_1395 = tpu.memref_slice %arg6[%dma_start3A_1390, %dma_start3A_1392, %dma_start3A_1393, %dma_start3A_1394] : memref<8x8x8x128xf32, #tpu.memory_space<vmem>> -> memref<1x8x8x16xf32, #tpu.memory_space<vmem>>
      %dma_start3A_1396 = tpu.memref_squeeze %dma_start3A_1395 : memref<1x8x8x16xf32, #tpu.memory_space<vmem>> -> memref<8x8x16xf32, #tpu.memory_space<vmem>>
      %dma_start3A_1397 = arith.constant 0 : i32
      %dma_start3A_1398 = arith.constant 0 : i32
      %dma_start3A_1399 = tpu.memref_slice %arg3[%dma_start3A_1397, %dma_start3A_1398, %multiple_of3A_1389] : memref<8x8x1000000xf32, #tpu.memory_space<hbm>> -> memref<8x8x16xf32, #tpu.memory_space<hbm>>
      %dma_start3A_1400 = tpu.memref_slice %arg8[%dma_start3A_1391] : memref<8x!tpu.dma_semaphore, #tpu.memory_space<semaphore_mem>> -> memref<1x!tpu.dma_semaphore, #tpu.memory_space<semaphore_mem>>
      %dma_start3A_1401 = tpu.memref_squeeze %dma_start3A_1400 : memref<1x!tpu.dma_semaphore, #tpu.memory_space<semaphore_mem>> -> memref<!tpu.dma_semaphore, #tpu.memory_space<semaphore_mem>>
      %dma_start3A_1402 = arith.constant 0 : i32
      %dma_start3A_1403 = arith.constant 0 : i32
      %dma_start3A_1404 = arith.constant 0 : i32
      %dma_start3A_1405 = tpu.memref_slice %arg6[%dma_start3A_1390, %dma_start3A_1402, %dma_start3A_1403, %dma_start3A_1404] : memref<8x8x8x128xf32, #tpu.memory_space<vmem>> -> memref<1x8x8x16xf32, #tpu.memory_space<vmem>>
      %dma_start3A_1406 = tpu.memref_squeeze %dma_start3A_1405 : memref<1x8x8x16xf32, #tpu.memory_space<vmem>> -> memref<8x8x16xf32, #tpu.memory_space<vmem>>
      %dma_start3A_1407 = arith.constant 0 : i32
      %dma_start3A_1408 = arith.constant 0 : i32
      %dma_start3A_1409 = tpu.memref_slice %arg3[%dma_start3A_1407, %dma_start3A_1408, %multiple_of3A_1389] : memref<8x8x1000000xf32, #tpu.memory_space<hbm>> -> memref<8x8x16xf32, #tpu.memory_space<hbm>>
      tpu.enqueue_dma source(%dma_start3A_1409 : memref<8x8x16xf32, #tpu.memory_space<hbm>>) target(%dma_start3A_1406 : memref<8x8x16xf32, #tpu.memory_space<vmem>>) target_semaphore(%dma_start3A_1401 : memref<!tpu.dma_semaphore, #tpu.memory_space<semaphore_mem>>)
    }
    %scan3A_265 = arith.constant 63 : i32
    %get3A_266 = arith.constant 504 : index
    %get3A_267 = tpu.vector_load %arg5[%get3A_266] {strides = array<i32>} : memref<528xi32, #tpu.memory_space<vmem>>, vector<16xi32>,
    %slice3A_268 = vector.extract_strided_slice %get3A_267 {offsets = [0], sizes = [1], strides = [1]} : vector<16xi32> to vector<1xi32>
    %squeeze3A_269 = vector.extract %slice3A_268[0] : i32 from vector<1xi32>
    %dma_wait3A = arith.constant 0 : i32
    %dma_wait3A_270 = arith.constant 0 : i32
    %dma_wait3A_271 = arith.constant 0 : i32
    %dma_wait3A_272 = arith.constant 0 : i32
    %dma_wait3A_273 = arith.constant 0 : i32
    %dma_wait3A_274 = tpu.memref_slice %arg6[%dma_wait3A, %dma_wait3A_271, %dma_wait3A_272, %dma_wait3A_273] : memref<8x8x8x128xf32, #tpu.memory_space<vmem>> -> memref<1x8x8x16xf32, #tpu.memory_space<vmem>>
    %dma_wait3A_275 = tpu.memref_squeeze %dma_wait3A_274 : memref<1x8x8x16xf32, #tpu.memory_space<vmem>> -> memref<8x8x16xf32, #tpu.memory_space<vmem>>
    %dma_wait3A_276 = arith.constant 0 : i32
    %dma_wait3A_277 = arith.constant 0 : i32
    %dma_wait3A_278 = arith.constant 0 : i32
    %dma_wait3A_279 = tpu.memref_slice %arg3[%dma_wait3A_276, %dma_wait3A_277, %dma_wait3A_278] : memref<8x8x1000000xf32, #tpu.memory_space<hbm>> -> memref<8x8x16xf32, #tpu.memory_space<hbm>>
    %dma_wait3A_280 = tpu.memref_slice %arg8[%dma_wait3A_270] : memref<8x!tpu.dma_semaphore, #tpu.memory_space<semaphore_mem>> -> memref<1x!tpu.dma_semaphore, #tpu.memory_space<semaphore_mem>>
    %dma_wait3A_281 = tpu.memref_squeeze %dma_wait3A_280 : memref<1x!tpu.dma_semaphore, #tpu.memory_space<semaphore_mem>> -> memref<!tpu.dma_semaphore, #tpu.memory_space<semaphore_mem>>
    %dma_wait3A_282 = arith.constant 0 : i32
    %dma_wait3A_283 = arith.constant 0 : i32
    %dma_wait3A_284 = arith.constant 0 : i32
    %dma_wait3A_285 = tpu.memref_slice %arg6[%dma_wait3A, %dma_wait3A_282, %dma_wait3A_283, %dma_wait3A_284] : memref<8x8x8x128xf32, #tpu.memory_space<vmem>> -> memref<1x8x8x16xf32, #tpu.memory_space<vmem>>
    %dma_wait3A_286 = tpu.memref_squeeze %dma_wait3A_285 : memref<1x8x8x16xf32, #tpu.memory_space<vmem>> -> memref<8x8x16xf32, #tpu.memory_space<vmem>>
    %dma_wait3A_287 = arith.constant 0 : i32
    %dma_wait3A_288 = arith.constant 0 : i32
    %dma_wait3A_289 = arith.constant 0 : i32
    %dma_wait3A_290 = tpu.memref_slice %arg3[%dma_wait3A_287, %dma_wait3A_288, %dma_wait3A_289] : memref<8x8x1000000xf32, #tpu.memory_space<hbm>> -> memref<8x8x16xf32, #tpu.memory_space<hbm>>
    tpu.wait_dma2 semaphore(%dma_wait3A_281 : memref<!tpu.dma_semaphore, #tpu.memory_space<semaphore_mem>>) src(%dma_wait3A_290 : memref<8x8x16xf32, #tpu.memory_space<hbm>>) dst(%dma_wait3A_286 : memref<8x8x16xf32, #tpu.memory_space<vmem>>)
    %and3A_291 = arith.constant 15 : i32
    %and3A_292 = arith.andi %squeeze3A_269, %and3A_291 : i32
    %broadcast_in_dim3A = vector.broadcast %and3A_292 : i32 to vector<16xi32>
    %broadcast_in_dim3A_293 = arith.constant 504 : i32
    %broadcast_in_dim3A_294 = vector.broadcast %broadcast_in_dim3A_293 : i32 to vector<16xi32>
    %gather3A = arith.constant 0 : i32
    %gather3A_295 = arith.constant 0 : i32
    %gather3A_296 = arith.constant 0 : i32
    %gather3A_297 = arith.constant 0 : i32
    %gather3A_298 = tpu.memref_slice %arg6[%gather3A, %gather3A_295, %gather3A_296, %gather3A_297] : memref<8x8x8x128xf32, #tpu.memory_space<vmem>> -> memref<1x8x8x128xf32, #tpu.memory_space<vmem>>
    %gather3A_299 = tpu.memref_squeeze %gather3A_298 : memref<1x8x8x128xf32, #tpu.memory_space<vmem>> -> memref<8x8x128xf32, #tpu.memory_space<vmem>>
    %gather3A_300 = tpu.vector_load_idx %gather3A_299[%shift_right_arithmetic3A_7, %and3A_30, %broadcast_in_dim3A] : memref<8x8x128xf32, #tpu.memory_space<vmem>>[vector<16xi32>, vector<16xi32>, vector<16xi32>], vector<16xf32>,
    tpu.vector_store_idx %arg7[%shift_right_arithmetic3A_7, %and3A_30, %broadcast_in_dim3A_294], %gather3A_300 : memref<8x8x512xf32, #tpu.memory_space<vmem>>[vector<16xi32>, vector<16xi32>, vector<16xi32>], vector<16xf32>,
    %gather3A_301 = arith.constant 0 : i32
    %gather3A_302 = arith.constant 0 : i32
    %gather3A_303 = arith.constant 0 : i32
    %gather3A_304 = arith.constant 0 : i32
    %gather3A_305 = tpu.memref_slice %arg6[%gather3A_301, %gather3A_302, %gather3A_303, %gather3A_304] : memref<8x8x8x128xf32, #tpu.memory_space<vmem>> -> memref<1x8x8x128xf32, #tpu.memory_space<vmem>>
    %gather3A_306 = tpu.memref_squeeze %gather3A_305 : memref<1x8x8x128xf32, #tpu.memory_space<vmem>> -> memref<8x8x128xf32, #tpu.memory_space<vmem>>
    %gather3A_307 = tpu.vector_load_idx %gather3A_306[%shift_right_arithmetic3A_13, %and3A_36, %broadcast_in_dim3A] : memref<8x8x128xf32, #tpu.memory_space<vmem>>[vector<16xi32>, vector<16xi32>, vector<16xi32>], vector<16xf32>,
    tpu.vector_store_idx %arg7[%shift_right_arithmetic3A_13, %and3A_36, %broadcast_in_dim3A_294], %gather3A_307 : memref<8x8x512xf32, #tpu.memory_space<vmem>>[vector<16xi32>, vector<16xi32>, vector<16xi32>], vector<16xf32>,
    %gather3A_308 = arith.constant 0 : i32
    %gather3A_309 = arith.constant 0 : i32
    %gather3A_310 = arith.constant 0 : i32
    %gather3A_311 = arith.constant 0 : i32
    %gather3A_312 = tpu.memref_slice %arg6[%gather3A_308, %gather3A_309, %gather3A_310, %gather3A_311] : memref<8x8x8x128xf32, #tpu.memory_space<vmem>> -> memref<1x8x8x128xf32, #tpu.memory_space<vmem>>
    %gather3A_313 = tpu.memref_squeeze %gather3A_312 : memref<1x8x8x128xf32, #tpu.memory_space<vmem>> -> memref<8x8x128xf32, #tpu.memory_space<vmem>>
    %gather3A_314 = tpu.vector_load_idx %gather3A_313[%shift_right_arithmetic3A_19, %and3A_42, %broadcast_in_dim3A] : memref<8x8x128xf32, #tpu.memory_space<vmem>>[vector<16xi32>, vector<16xi32>, vector<16xi32>], vector<16xf32>,
    tpu.vector_store_idx %arg7[%shift_right_arithmetic3A_19, %and3A_42, %broadcast_in_dim3A_294], %gather3A_314 : memref<8x8x512xf32, #tpu.memory_space<vmem>>[vector<16xi32>, vector<16xi32>, vector<16xi32>], vector<16xf32>,
    %gather3A_315 = arith.constant 0 : i32
    %gather3A_316 = arith.constant 0 : i32
    %gather3A_317 = arith.constant 0 : i32
    %gather3A_318 = arith.constant 0 : i32
    %gather3A_319 = tpu.memref_slice %arg6[%gather3A_315, %gather3A_316, %gather3A_317, %gather3A_318] : memref<8x8x8x128xf32, #tpu.memory_space<vmem>> -> memref<1x8x8x128xf32, #tpu.memory_space<vmem>>
    %gather3A_320 = tpu.memref_squeeze %gather3A_319 : memref<1x8x8x128xf32, #tpu.memory_space<vmem>> -> memref<8x8x128xf32, #tpu.memory_space<vmem>>
    %gather3A_321 = tpu.vector_load_idx %gather3A_320[%shift_right_arithmetic3A_25, %and3A_48, %broadcast_in_dim3A] : memref<8x8x128xf32, #tpu.memory_space<vmem>>[vector<16xi32>, vector<16xi32>, vector<16xi32>], vector<16xf32>,
    tpu.vector_store_idx %arg7[%shift_right_arithmetic3A_25, %and3A_48, %broadcast_in_dim3A_294], %gather3A_321 : memref<8x8x512xf32, #tpu.memory_space<vmem>>[vector<16xi32>, vector<16xi32>, vector<16xi32>], vector<16xf32>,
    %slice3A_322 = vector.extract_strided_slice %get3A_267 {offsets = [1], sizes = [1], strides = [1]} : vector<16xi32> to vector<1xi32>
    %squeeze3A_323 = vector.extract %slice3A_322[0] : i32 from vector<1xi32>
    %dma_wait3A_324 = arith.constant 1 : i32
    %dma_wait3A_325 = arith.constant 1 : i32
    %dma_wait3A_326 = arith.constant 0 : i32
    %dma_wait3A_327 = arith.constant 0 : i32
    %dma_wait3A_328 = arith.constant 0 : i32
    %dma_wait3A_329 = tpu.memref_slice %arg6[%dma_wait3A_324, %dma_wait3A_326, %dma_wait3A_327, %dma_wait3A_328] : memref<8x8x8x128xf32, #tpu.memory_space<vmem>> -> memref<1x8x8x16xf32, #tpu.memory_space<vmem>>
    %dma_wait3A_330 = tpu.memref_squeeze %dma_wait3A_329 : memref<1x8x8x16xf32, #tpu.memory_space<vmem>> -> memref<8x8x16xf32, #tpu.memory_space<vmem>>
    %dma_wait3A_331 = arith.constant 0 : i32
    %dma_wait3A_332 = arith.constant 0 : i32
    %dma_wait3A_333 = arith.constant 0 : i32
    %dma_wait3A_334 = tpu.memref_slice %arg3[%dma_wait3A_331, %dma_wait3A_332, %dma_wait3A_333] : memref<8x8x1000000xf32, #tpu.memory_space<hbm>> -> memref<8x8x16xf32, #tpu.memory_space<hbm>>
    %dma_wait3A_335 = tpu.memref_slice %arg8[%dma_wait3A_325] : memref<8x!tpu.dma_semaphore, #tpu.memory_space<semaphore_mem>> -> memref<1x!tpu.dma_semaphore, #tpu.memory_space<semaphore_mem>>
    %dma_wait3A_336 = tpu.memref_squeeze %dma_wait3A_335 : memref<1x!tpu.dma_semaphore, #tpu.memory_space<semaphore_mem>> -> memref<!tpu.dma_semaphore, #tpu.memory_space<semaphore_mem>>
    %dma_wait3A_337 = arith.constant 0 : i32
    %dma_wait3A_338 = arith.constant 0 : i32
    %dma_wait3A_339 = arith.constant 0 : i32
    %dma_wait3A_340 = tpu.memref_slice %arg6[%dma_wait3A_324, %dma_wait3A_337, %dma_wait3A_338, %dma_wait3A_339] : memref<8x8x8x128xf32, #tpu.memory_space<vmem>> -> memref<1x8x8x16xf32, #tpu.memory_space<vmem>>
    %dma_wait3A_341 = tpu.memref_squeeze %dma_wait3A_340 : memref<1x8x8x16xf32, #tpu.memory_space<vmem>> -> memref<8x8x16xf32, #tpu.memory_space<vmem>>
    %dma_wait3A_342 = arith.constant 0 : i32
    %dma_wait3A_343 = arith.constant 0 : i32
    %dma_wait3A_344 = arith.constant 0 : i32
    %dma_wait3A_345 = tpu.memref_slice %arg3[%dma_wait3A_342, %dma_wait3A_343, %dma_wait3A_344] : memref<8x8x1000000xf32, #tpu.memory_space<hbm>> -> memref<8x8x16xf32, #tpu.memory_space<hbm>>
    tpu.wait_dma2 semaphore(%dma_wait3A_336 : memref<!tpu.dma_semaphore, #tpu.memory_space<semaphore_mem>>) src(%dma_wait3A_345 : memref<8x8x16xf32, #tpu.memory_space<hbm>>) dst(%dma_wait3A_341 : memref<8x8x16xf32, #tpu.memory_space<vmem>>)
    %and3A_346 = arith.constant 15 : i32
    %and3A_347 = arith.andi %squeeze3A_323, %and3A_346 : i32
    %broadcast_in_dim3A_348 = vector.broadcast %and3A_347 : i32 to vector<16xi32>
    %broadcast_in_dim3A_349 = arith.constant 505 : i32
    %broadcast_in_dim3A_350 = vector.broadcast %broadcast_in_dim3A_349 : i32 to vector<16xi32>
    %gather3A_351 = arith.constant 1 : i32
    %gather3A_352 = arith.constant 0 : i32
    %gather3A_353 = arith.constant 0 : i32
    %gather3A_354 = arith.constant 0 : i32
    %gather3A_355 = tpu.memref_slice %arg6[%gather3A_351, %gather3A_352, %gather3A_353, %gather3A_354] : memref<8x8x8x128xf32, #tpu.memory_space<vmem>> -> memref<1x8x8x128xf32, #tpu.memory_space<vmem>>
    %gather3A_356 = tpu.memref_squeeze %gather3A_355 : memref<1x8x8x128xf32, #tpu.memory_space<vmem>> -> memref<8x8x128xf32, #tpu.memory_space<vmem>>
    %gather3A_357 = tpu.vector_load_idx %gather3A_356[%shift_right_arithmetic3A_7, %and3A_30, %broadcast_in_dim3A_348] : memref<8x8x128xf32, #tpu.memory_space<vmem>>[vector<16xi32>, vector<16xi32>, vector<16xi32>], vector<16xf32>,
    tpu.vector_store_idx %arg7[%shift_right_arithmetic3A_7, %and3A_30, %broadcast_in_dim3A_350], %gather3A_357 : memref<8x8x512xf32, #tpu.memory_space<vmem>>[vector<16xi32>, vector<16xi32>, vector<16xi32>], vector<16xf32>,
    %gather3A_358 = arith.constant 1 : i32
    %gather3A_359 = arith.constant 0 : i32
    %gather3A_360 = arith.constant 0 : i32
    %gather3A_361 = arith.constant 0 : i32
    %gather3A_362 = tpu.memref_slice %arg6[%gather3A_358, %gather3A_359, %gather3A_360, %gather3A_361] : memref<8x8x8x128xf32, #tpu.memory_space<vmem>> -> memref<1x8x8x128xf32, #tpu.memory_space<vmem>>
    %gather3A_363 = tpu.memref_squeeze %gather3A_362 : memref<1x8x8x128xf32, #tpu.memory_space<vmem>> -> memref<8x8x128xf32, #tpu.memory_space<vmem>>
    %gather3A_364 = tpu.vector_load_idx %gather3A_363[%shift_right_arithmetic3A_13, %and3A_36, %broadcast_in_dim3A_348] : memref<8x8x128xf32, #tpu.memory_space<vmem>>[vector<16xi32>, vector<16xi32>, vector<16xi32>], vector<16xf32>,
    tpu.vector_store_idx %arg7[%shift_right_arithmetic3A_13, %and3A_36, %broadcast_in_dim3A_350], %gather3A_364 : memref<8x8x512xf32, #tpu.memory_space<vmem>>[vector<16xi32>, vector<16xi32>, vector<16xi32>], vector<16xf32>,
    %gather3A_365 = arith.constant 1 : i32
    %gather3A_366 = arith.constant 0 : i32
    %gather3A_367 = arith.constant 0 : i32
    %gather3A_368 = arith.constant 0 : i32
    %gather3A_369 = tpu.memref_slice %arg6[%gather3A_365, %gather3A_366, %gather3A_367, %gather3A_368] : memref<8x8x8x128xf32, #tpu.memory_space<vmem>> -> memref<1x8x8x128xf32, #tpu.memory_space<vmem>>
    %gather3A_370 = tpu.memref_squeeze %gather3A_369 : memref<1x8x8x128xf32, #tpu.memory_space<vmem>> -> memref<8x8x128xf32, #tpu.memory_space<vmem>>
    %gather3A_371 = tpu.vector_load_idx %gather3A_370[%shift_right_arithmetic3A_19, %and3A_42, %broadcast_in_dim3A_348] : memref<8x8x128xf32, #tpu.memory_space<vmem>>[vector<16xi32>, vector<16xi32>, vector<16xi32>], vector<16xf32>,
    tpu.vector_store_idx %arg7[%shift_right_arithmetic3A_19, %and3A_42, %broadcast_in_dim3A_350], %gather3A_371 : memref<8x8x512xf32, #tpu.memory_space<vmem>>[vector<16xi32>, vector<16xi32>, vector<16xi32>], vector<16xf32>,
    %gather3A_372 = arith.constant 1 : i32
    %gather3A_373 = arith.constant 0 : i32
    %gather3A_374 = arith.constant 0 : i32
    %gather3A_375 = arith.constant 0 : i32
    %gather3A_376 = tpu.memref_slice %arg6[%gather3A_372, %gather3A_373, %gather3A_374, %gather3A_375] : memref<8x8x8x128xf32, #tpu.memory_space<vmem>> -> memref<1x8x8x128xf32, #tpu.memory_space<vmem>>
    %gather3A_377 = tpu.memref_squeeze %gather3A_376 : memref<1x8x8x128xf32, #tpu.memory_space<vmem>> -> memref<8x8x128xf32, #tpu.memory_space<vmem>>
    %gather3A_378 = tpu.vector_load_idx %gather3A_377[%shift_right_arithmetic3A_25, %and3A_48, %broadcast_in_dim3A_348] : memref<8x8x128xf32, #tpu.memory_space<vmem>>[vector<16xi32>, vector<16xi32>, vector<16xi32>], vector<16xf32>,
    tpu.vector_store_idx %arg7[%shift_right_arithmetic3A_25, %and3A_48, %broadcast_in_dim3A_350], %gather3A_378 : memref<8x8x512xf32, #tpu.memory_space<vmem>>[vector<16xi32>, vector<16xi32>, vector<16xi32>], vector<16xf32>,
    %slice3A_379 = vector.extract_strided_slice %get3A_267 {offsets = [2], sizes = [1], strides = [1]} : vector<16xi32> to vector<1xi32>
    %squeeze3A_380 = vector.extract %slice3A_379[0] : i32 from vector<1xi32>
    %dma_wait3A_381 = arith.constant 2 : i32
    %dma_wait3A_382 = arith.constant 2 : i32
    %dma_wait3A_383 = arith.constant 0 : i32
    %dma_wait3A_384 = arith.constant 0 : i32
    %dma_wait3A_385 = arith.constant 0 : i32
    %dma_wait3A_386 = tpu.memref_slice %arg6[%dma_wait3A_381, %dma_wait3A_383, %dma_wait3A_384, %dma_wait3A_385] : memref<8x8x8x128xf32, #tpu.memory_space<vmem>> -> memref<1x8x8x16xf32, #tpu.memory_space<vmem>>
    %dma_wait3A_387 = tpu.memref_squeeze %dma_wait3A_386 : memref<1x8x8x16xf32, #tpu.memory_space<vmem>> -> memref<8x8x16xf32, #tpu.memory_space<vmem>>
    %dma_wait3A_388 = arith.constant 0 : i32
    %dma_wait3A_389 = arith.constant 0 : i32
    %dma_wait3A_390 = arith.constant 0 : i32
    %dma_wait3A_391 = tpu.memref_slice %arg3[%dma_wait3A_388, %dma_wait3A_389, %dma_wait3A_390] : memref<8x8x1000000xf32, #tpu.memory_space<hbm>> -> memref<8x8x16xf32, #tpu.memory_space<hbm>>
    %dma_wait3A_392 = tpu.memref_slice %arg8[%dma_wait3A_382] : memref<8x!tpu.dma_semaphore, #tpu.memory_space<semaphore_mem>> -> memref<1x!tpu.dma_semaphore, #tpu.memory_space<semaphore_mem>>
    %dma_wait3A_393 = tpu.memref_squeeze %dma_wait3A_392 : memref<1x!tpu.dma_semaphore, #tpu.memory_space<semaphore_mem>> -> memref<!tpu.dma_semaphore, #tpu.memory_space<semaphore_mem>>
    %dma_wait3A_394 = arith.constant 0 : i32
    %dma_wait3A_395 = arith.constant 0 : i32
    %dma_wait3A_396 = arith.constant 0 : i32
    %dma_wait3A_397 = tpu.memref_slice %arg6[%dma_wait3A_381, %dma_wait3A_394, %dma_wait3A_395, %dma_wait3A_396] : memref<8x8x8x128xf32, #tpu.memory_space<vmem>> -> memref<1x8x8x16xf32, #tpu.memory_space<vmem>>
    %dma_wait3A_398 = tpu.memref_squeeze %dma_wait3A_397 : memref<1x8x8x16xf32, #tpu.memory_space<vmem>> -> memref<8x8x16xf32, #tpu.memory_space<vmem>>
    %dma_wait3A_399 = arith.constant 0 : i32
    %dma_wait3A_400 = arith.constant 0 : i32
    %dma_wait3A_401 = arith.constant 0 : i32
    %dma_wait3A_402 = tpu.memref_slice %arg3[%dma_wait3A_399, %dma_wait3A_400, %dma_wait3A_401] : memref<8x8x1000000xf32, #tpu.memory_space<hbm>> -> memref<8x8x16xf32, #tpu.memory_space<hbm>>
    tpu.wait_dma2 semaphore(%dma_wait3A_393 : memref<!tpu.dma_semaphore, #tpu.memory_space<semaphore_mem>>) src(%dma_wait3A_402 : memref<8x8x16xf32, #tpu.memory_space<hbm>>) dst(%dma_wait3A_398 : memref<8x8x16xf32, #tpu.memory_space<vmem>>)
    %and3A_403 = arith.constant 15 : i32
    %and3A_404 = arith.andi %squeeze3A_380, %and3A_403 : i32
    %broadcast_in_dim3A_405 = vector.broadcast %and3A_404 : i32 to vector<16xi32>
    %broadcast_in_dim3A_406 = arith.constant 506 : i32
    %broadcast_in_dim3A_407 = vector.broadcast %broadcast_in_dim3A_406 : i32 to vector<16xi32>
    %gather3A_408 = arith.constant 2 : i32
    %gather3A_409 = arith.constant 0 : i32
    %gather3A_410 = arith.constant 0 : i32
    %gather3A_411 = arith.constant 0 : i32
    %gather3A_412 = tpu.memref_slice %arg6[%gather3A_408, %gather3A_409, %gather3A_410, %gather3A_411] : memref<8x8x8x128xf32, #tpu.memory_space<vmem>> -> memref<1x8x8x128xf32, #tpu.memory_space<vmem>>
    %gather3A_413 = tpu.memref_squeeze %gather3A_412 : memref<1x8x8x128xf32, #tpu.memory_space<vmem>> -> memref<8x8x128xf32, #tpu.memory_space<vmem>>
    %gather3A_414 = tpu.vector_load_idx %gather3A_413[%shift_right_arithmetic3A_7, %and3A_30, %broadcast_in_dim3A_405] : memref<8x8x128xf32, #tpu.memory_space<vmem>>[vector<16xi32>, vector<16xi32>, vector<16xi32>], vector<16xf32>,
    tpu.vector_store_idx %arg7[%shift_right_arithmetic3A_7, %and3A_30, %broadcast_in_dim3A_407], %gather3A_414 : memref<8x8x512xf32, #tpu.memory_space<vmem>>[vector<16xi32>, vector<16xi32>, vector<16xi32>], vector<16xf32>,
    %gather3A_415 = arith.constant 2 : i32
    %gather3A_416 = arith.constant 0 : i32
    %gather3A_417 = arith.constant 0 : i32
    %gather3A_418 = arith.constant 0 : i32
    %gather3A_419 = tpu.memref_slice %arg6[%gather3A_415, %gather3A_416, %gather3A_417, %gather3A_418] : memref<8x8x8x128xf32, #tpu.memory_space<vmem>> -> memref<1x8x8x128xf32, #tpu.memory_space<vmem>>
    %gather3A_420 = tpu.memref_squeeze %gather3A_419 : memref<1x8x8x128xf32, #tpu.memory_space<vmem>> -> memref<8x8x128xf32, #tpu.memory_space<vmem>>
    %gather3A_421 = tpu.vector_load_idx %gather3A_420[%shift_right_arithmetic3A_13, %and3A_36, %broadcast_in_dim3A_405] : memref<8x8x128xf32, #tpu.memory_space<vmem>>[vector<16xi32>, vector<16xi32>, vector<16xi32>], vector<16xf32>,
    tpu.vector_store_idx %arg7[%shift_right_arithmetic3A_13, %and3A_36, %broadcast_in_dim3A_407], %gather3A_421 : memref<8x8x512xf32, #tpu.memory_space<vmem>>[vector<16xi32>, vector<16xi32>, vector<16xi32>], vector<16xf32>,
    %gather3A_422 = arith.constant 2 : i32
    %gather3A_423 = arith.constant 0 : i32
    %gather3A_424 = arith.constant 0 : i32
    %gather3A_425 = arith.constant 0 : i32
    %gather3A_426 = tpu.memref_slice %arg6[%gather3A_422, %gather3A_423, %gather3A_424, %gather3A_425] : memref<8x8x8x128xf32, #tpu.memory_space<vmem>> -> memref<1x8x8x128xf32, #tpu.memory_space<vmem>>
    %gather3A_427 = tpu.memref_squeeze %gather3A_426 : memref<1x8x8x128xf32, #tpu.memory_space<vmem>> -> memref<8x8x128xf32, #tpu.memory_space<vmem>>
    %gather3A_428 = tpu.vector_load_idx %gather3A_427[%shift_right_arithmetic3A_19, %and3A_42, %broadcast_in_dim3A_405] : memref<8x8x128xf32, #tpu.memory_space<vmem>>[vector<16xi32>, vector<16xi32>, vector<16xi32>], vector<16xf32>,
    tpu.vector_store_idx %arg7[%shift_right_arithmetic3A_19, %and3A_42, %broadcast_in_dim3A_407], %gather3A_428 : memref<8x8x512xf32, #tpu.memory_space<vmem>>[vector<16xi32>, vector<16xi32>, vector<16xi32>], vector<16xf32>,
    %gather3A_429 = arith.constant 2 : i32
    %gather3A_430 = arith.constant 0 : i32
    %gather3A_431 = arith.constant 0 : i32
    %gather3A_432 = arith.constant 0 : i32
    %gather3A_433 = tpu.memref_slice %arg6[%gather3A_429, %gather3A_430, %gather3A_431, %gather3A_432] : memref<8x8x8x128xf32, #tpu.memory_space<vmem>> -> memref<1x8x8x128xf32, #tpu.memory_space<vmem>>
    %gather3A_434 = tpu.memref_squeeze %gather3A_433 : memref<1x8x8x128xf32, #tpu.memory_space<vmem>> -> memref<8x8x128xf32, #tpu.memory_space<vmem>>
    %gather3A_435 = tpu.vector_load_idx %gather3A_434[%shift_right_arithmetic3A_25, %and3A_48, %broadcast_in_dim3A_405] : memref<8x8x128xf32, #tpu.memory_space<vmem>>[vector<16xi32>, vector<16xi32>, vector<16xi32>], vector<16xf32>,
    tpu.vector_store_idx %arg7[%shift_right_arithmetic3A_25, %and3A_48, %broadcast_in_dim3A_407], %gather3A_435 : memref<8x8x512xf32, #tpu.memory_space<vmem>>[vector<16xi32>, vector<16xi32>, vector<16xi32>], vector<16xf32>,
    %slice3A_436 = vector.extract_strided_slice %get3A_267 {offsets = [3], sizes = [1], strides = [1]} : vector<16xi32> to vector<1xi32>
    %squeeze3A_437 = vector.extract %slice3A_436[0] : i32 from vector<1xi32>
    %dma_wait3A_438 = arith.constant 3 : i32
    %dma_wait3A_439 = arith.constant 3 : i32
    %dma_wait3A_440 = arith.constant 0 : i32
    %dma_wait3A_441 = arith.constant 0 : i32
    %dma_wait3A_442 = arith.constant 0 : i32
    %dma_wait3A_443 = tpu.memref_slice %arg6[%dma_wait3A_438, %dma_wait3A_440, %dma_wait3A_441, %dma_wait3A_442] : memref<8x8x8x128xf32, #tpu.memory_space<vmem>> -> memref<1x8x8x16xf32, #tpu.memory_space<vmem>>
    %dma_wait3A_444 = tpu.memref_squeeze %dma_wait3A_443 : memref<1x8x8x16xf32, #tpu.memory_space<vmem>> -> memref<8x8x16xf32, #tpu.memory_space<vmem>>
    %dma_wait3A_445 = arith.constant 0 : i32
    %dma_wait3A_446 = arith.constant 0 : i32
    %dma_wait3A_447 = arith.constant 0 : i32
    %dma_wait3A_448 = tpu.memref_slice %arg3[%dma_wait3A_445, %dma_wait3A_446, %dma_wait3A_447] : memref<8x8x1000000xf32, #tpu.memory_space<hbm>> -> memref<8x8x16xf32, #tpu.memory_space<hbm>>
    %dma_wait3A_449 = tpu.memref_slice %arg8[%dma_wait3A_439] : memref<8x!tpu.dma_semaphore, #tpu.memory_space<semaphore_mem>> -> memref<1x!tpu.dma_semaphore, #tpu.memory_space<semaphore_mem>>
    %dma_wait3A_450 = tpu.memref_squeeze %dma_wait3A_449 : memref<1x!tpu.dma_semaphore, #tpu.memory_space<semaphore_mem>> -> memref<!tpu.dma_semaphore, #tpu.memory_space<semaphore_mem>>
    %dma_wait3A_451 = arith.constant 0 : i32
    %dma_wait3A_452 = arith.constant 0 : i32
    %dma_wait3A_453 = arith.constant 0 : i32
    %dma_wait3A_454 = tpu.memref_slice %arg6[%dma_wait3A_438, %dma_wait3A_451, %dma_wait3A_452, %dma_wait3A_453] : memref<8x8x8x128xf32, #tpu.memory_space<vmem>> -> memref<1x8x8x16xf32, #tpu.memory_space<vmem>>
    %dma_wait3A_455 = tpu.memref_squeeze %dma_wait3A_454 : memref<1x8x8x16xf32, #tpu.memory_space<vmem>> -> memref<8x8x16xf32, #tpu.memory_space<vmem>>
    %dma_wait3A_456 = arith.constant 0 : i32
    %dma_wait3A_457 = arith.constant 0 : i32
    %dma_wait3A_458 = arith.constant 0 : i32
    %dma_wait3A_459 = tpu.memref_slice %arg3[%dma_wait3A_456, %dma_wait3A_457, %dma_wait3A_458] : memref<8x8x1000000xf32, #tpu.memory_space<hbm>> -> memref<8x8x16xf32, #tpu.memory_space<hbm>>
    tpu.wait_dma2 semaphore(%dma_wait3A_450 : memref<!tpu.dma_semaphore, #tpu.memory_space<semaphore_mem>>) src(%dma_wait3A_459 : memref<8x8x16xf32, #tpu.memory_space<hbm>>) dst(%dma_wait3A_455 : memref<8x8x16xf32, #tpu.memory_space<vmem>>)
    %and3A_460 = arith.constant 15 : i32
    %and3A_461 = arith.andi %squeeze3A_437, %and3A_460 : i32
    %broadcast_in_dim3A_462 = vector.broadcast %and3A_461 : i32 to vector<16xi32>
    %broadcast_in_dim3A_463 = arith.constant 507 : i32
    %broadcast_in_dim3A_464 = vector.broadcast %broadcast_in_dim3A_463 : i32 to vector<16xi32>
    %gather3A_465 = arith.constant 3 : i32
    %gather3A_466 = arith.constant 0 : i32
    %gather3A_467 = arith.constant 0 : i32
    %gather3A_468 = arith.constant 0 : i32
    %gather3A_469 = tpu.memref_slice %arg6[%gather3A_465, %gather3A_466, %gather3A_467, %gather3A_468] : memref<8x8x8x128xf32, #tpu.memory_space<vmem>> -> memref<1x8x8x128xf32, #tpu.memory_space<vmem>>
    %gather3A_470 = tpu.memref_squeeze %gather3A_469 : memref<1x8x8x128xf32, #tpu.memory_space<vmem>> -> memref<8x8x128xf32, #tpu.memory_space<vmem>>
    %gather3A_471 = tpu.vector_load_idx %gather3A_470[%shift_right_arithmetic3A_7, %and3A_30, %broadcast_in_dim3A_462] : memref<8x8x128xf32, #tpu.memory_space<vmem>>[vector<16xi32>, vector<16xi32>, vector<16xi32>], vector<16xf32>,
    tpu.vector_store_idx %arg7[%shift_right_arithmetic3A_7, %and3A_30, %broadcast_in_dim3A_464], %gather3A_471 : memref<8x8x512xf32, #tpu.memory_space<vmem>>[vector<16xi32>, vector<16xi32>, vector<16xi32>], vector<16xf32>,
    %gather3A_472 = arith.constant 3 : i32
    %gather3A_473 = arith.constant 0 : i32
    %gather3A_474 = arith.constant 0 : i32
    %gather3A_475 = arith.constant 0 : i32
    %gather3A_476 = tpu.memref_slice %arg6[%gather3A_472, %gather3A_473, %gather3A_474, %gather3A_475] : memref<8x8x8x128xf32, #tpu.memory_space<vmem>> -> memref<1x8x8x128xf32, #tpu.memory_space<vmem>>
    %gather3A_477 = tpu.memref_squeeze %gather3A_476 : memref<1x8x8x128xf32, #tpu.memory_space<vmem>> -> memref<8x8x128xf32, #tpu.memory_space<vmem>>
    %gather3A_478 = tpu.vector_load_idx %gather3A_477[%shift_right_arithmetic3A_13, %and3A_36, %broadcast_in_dim3A_462] : memref<8x8x128xf32, #tpu.memory_space<vmem>>[vector<16xi32>, vector<16xi32>, vector<16xi32>], vector<16xf32>,
    tpu.vector_store_idx %arg7[%shift_right_arithmetic3A_13, %and3A_36, %broadcast_in_dim3A_464], %gather3A_478 : memref<8x8x512xf32, #tpu.memory_space<vmem>>[vector<16xi32>, vector<16xi32>, vector<16xi32>], vector<16xf32>,
    %gather3A_479 = arith.constant 3 : i32
    %gather3A_480 = arith.constant 0 : i32
    %gather3A_481 = arith.constant 0 : i32
    %gather3A_482 = arith.constant 0 : i32
    %gather3A_483 = tpu.memref_slice %arg6[%gather3A_479, %gather3A_480, %gather3A_481, %gather3A_482] : memref<8x8x8x128xf32, #tpu.memory_space<vmem>> -> memref<1x8x8x128xf32, #tpu.memory_space<vmem>>
    %gather3A_484 = tpu.memref_squeeze %gather3A_483 : memref<1x8x8x128xf32, #tpu.memory_space<vmem>> -> memref<8x8x128xf32, #tpu.memory_space<vmem>>
    %gather3A_485 = tpu.vector_load_idx %gather3A_484[%shift_right_arithmetic3A_19, %and3A_42, %broadcast_in_dim3A_462] : memref<8x8x128xf32, #tpu.memory_space<vmem>>[vector<16xi32>, vector<16xi32>, vector<16xi32>], vector<16xf32>,
    tpu.vector_store_idx %arg7[%shift_right_arithmetic3A_19, %and3A_42, %broadcast_in_dim3A_464], %gather3A_485 : memref<8x8x512xf32, #tpu.memory_space<vmem>>[vector<16xi32>, vector<16xi32>, vector<16xi32>], vector<16xf32>,
    %gather3A_486 = arith.constant 3 : i32
    %gather3A_487 = arith.constant 0 : i32
    %gather3A_488 = arith.constant 0 : i32
    %gather3A_489 = arith.constant 0 : i32
    %gather3A_490 = tpu.memref_slice %arg6[%gather3A_486, %gather3A_487, %gather3A_488, %gather3A_489] : memref<8x8x8x128xf32, #tpu.memory_space<vmem>> -> memref<1x8x8x128xf32, #tpu.memory_space<vmem>>
    %gather3A_491 = tpu.memref_squeeze %gather3A_490 : memref<1x8x8x128xf32, #tpu.memory_space<vmem>> -> memref<8x8x128xf32, #tpu.memory_space<vmem>>
    %gather3A_492 = tpu.vector_load_idx %gather3A_491[%shift_right_arithmetic3A_25, %and3A_48, %broadcast_in_dim3A_462] : memref<8x8x128xf32, #tpu.memory_space<vmem>>[vector<16xi32>, vector<16xi32>, vector<16xi32>], vector<16xf32>,
    tpu.vector_store_idx %arg7[%shift_right_arithmetic3A_25, %and3A_48, %broadcast_in_dim3A_464], %gather3A_492 : memref<8x8x512xf32, #tpu.memory_space<vmem>>[vector<16xi32>, vector<16xi32>, vector<16xi32>], vector<16xf32>,
    %slice3A_493 = vector.extract_strided_slice %get3A_267 {offsets = [4], sizes = [1], strides = [1]} : vector<16xi32> to vector<1xi32>
    %squeeze3A_494 = vector.extract %slice3A_493[0] : i32 from vector<1xi32>
    %dma_wait3A_495 = arith.constant 4 : i32
    %dma_wait3A_496 = arith.constant 4 : i32
    %dma_wait3A_497 = arith.constant 0 : i32
    %dma_wait3A_498 = arith.constant 0 : i32
    %dma_wait3A_499 = arith.constant 0 : i32
    %dma_wait3A_500 = tpu.memref_slice %arg6[%dma_wait3A_495, %dma_wait3A_497, %dma_wait3A_498, %dma_wait3A_499] : memref<8x8x8x128xf32, #tpu.memory_space<vmem>> -> memref<1x8x8x16xf32, #tpu.memory_space<vmem>>
    %dma_wait3A_501 = tpu.memref_squeeze %dma_wait3A_500 : memref<1x8x8x16xf32, #tpu.memory_space<vmem>> -> memref<8x8x16xf32, #tpu.memory_space<vmem>>
    %dma_wait3A_502 = arith.constant 0 : i32
    %dma_wait3A_503 = arith.constant 0 : i32
    %dma_wait3A_504 = arith.constant 0 : i32
    %dma_wait3A_505 = tpu.memref_slice %arg3[%dma_wait3A_502, %dma_wait3A_503, %dma_wait3A_504] : memref<8x8x1000000xf32, #tpu.memory_space<hbm>> -> memref<8x8x16xf32, #tpu.memory_space<hbm>>
    %dma_wait3A_506 = tpu.memref_slice %arg8[%dma_wait3A_496] : memref<8x!tpu.dma_semaphore, #tpu.memory_space<semaphore_mem>> -> memref<1x!tpu.dma_semaphore, #tpu.memory_space<semaphore_mem>>
    %dma_wait3A_507 = tpu.memref_squeeze %dma_wait3A_506 : memref<1x!tpu.dma_semaphore, #tpu.memory_space<semaphore_mem>> -> memref<!tpu.dma_semaphore, #tpu.memory_space<semaphore_mem>>
    %dma_wait3A_508 = arith.constant 0 : i32
    %dma_wait3A_509 = arith.constant 0 : i32
    %dma_wait3A_510 = arith.constant 0 : i32
    %dma_wait3A_511 = tpu.memref_slice %arg6[%dma_wait3A_495, %dma_wait3A_508, %dma_wait3A_509, %dma_wait3A_510] : memref<8x8x8x128xf32, #tpu.memory_space<vmem>> -> memref<1x8x8x16xf32, #tpu.memory_space<vmem>>
    %dma_wait3A_512 = tpu.memref_squeeze %dma_wait3A_511 : memref<1x8x8x16xf32, #tpu.memory_space<vmem>> -> memref<8x8x16xf32, #tpu.memory_space<vmem>>
    %dma_wait3A_513 = arith.constant 0 : i32
    %dma_wait3A_514 = arith.constant 0 : i32
    %dma_wait3A_515 = arith.constant 0 : i32
    %dma_wait3A_516 = tpu.memref_slice %arg3[%dma_wait3A_513, %dma_wait3A_514, %dma_wait3A_515] : memref<8x8x1000000xf32, #tpu.memory_space<hbm>> -> memref<8x8x16xf32, #tpu.memory_space<hbm>>
    tpu.wait_dma2 semaphore(%dma_wait3A_507 : memref<!tpu.dma_semaphore, #tpu.memory_space<semaphore_mem>>) src(%dma_wait3A_516 : memref<8x8x16xf32, #tpu.memory_space<hbm>>) dst(%dma_wait3A_512 : memref<8x8x16xf32, #tpu.memory_space<vmem>>)
    %and3A_517 = arith.constant 15 : i32
    %and3A_518 = arith.andi %squeeze3A_494, %and3A_517 : i32
    %broadcast_in_dim3A_519 = vector.broadcast %and3A_518 : i32 to vector<16xi32>
    %broadcast_in_dim3A_520 = arith.constant 508 : i32
    %broadcast_in_dim3A_521 = vector.broadcast %broadcast_in_dim3A_520 : i32 to vector<16xi32>
    %gather3A_522 = arith.constant 4 : i32
    %gather3A_523 = arith.constant 0 : i32
    %gather3A_524 = arith.constant 0 : i32
    %gather3A_525 = arith.constant 0 : i32
    %gather3A_526 = tpu.memref_slice %arg6[%gather3A_522, %gather3A_523, %gather3A_524, %gather3A_525] : memref<8x8x8x128xf32, #tpu.memory_space<vmem>> -> memref<1x8x8x128xf32, #tpu.memory_space<vmem>>
    %gather3A_527 = tpu.memref_squeeze %gather3A_526 : memref<1x8x8x128xf32, #tpu.memory_space<vmem>> -> memref<8x8x128xf32, #tpu.memory_space<vmem>>
    %gather3A_528 = tpu.vector_load_idx %gather3A_527[%shift_right_arithmetic3A_7, %and3A_30, %broadcast_in_dim3A_519] : memref<8x8x128xf32, #tpu.memory_space<vmem>>[vector<16xi32>, vector<16xi32>, vector<16xi32>], vector<16xf32>,
    tpu.vector_store_idx %arg7[%shift_right_arithmetic3A_7, %and3A_30, %broadcast_in_dim3A_521], %gather3A_528 : memref<8x8x512xf32, #tpu.memory_space<vmem>>[vector<16xi32>, vector<16xi32>, vector<16xi32>], vector<16xf32>,
    %gather3A_529 = arith.constant 4 : i32
    %gather3A_530 = arith.constant 0 : i32
    %gather3A_531 = arith.constant 0 : i32
    %gather3A_532 = arith.constant 0 : i32
    %gather3A_533 = tpu.memref_slice %arg6[%gather3A_529, %gather3A_530, %gather3A_531, %gather3A_532] : memref<8x8x8x128xf32, #tpu.memory_space<vmem>> -> memref<1x8x8x128xf32, #tpu.memory_space<vmem>>
    %gather3A_534 = tpu.memref_squeeze %gather3A_533 : memref<1x8x8x128xf32, #tpu.memory_space<vmem>> -> memref<8x8x128xf32, #tpu.memory_space<vmem>>
    %gather3A_535 = tpu.vector_load_idx %gather3A_534[%shift_right_arithmetic3A_13, %and3A_36, %broadcast_in_dim3A_519] : memref<8x8x128xf32, #tpu.memory_space<vmem>>[vector<16xi32>, vector<16xi32>, vector<16xi32>], vector<16xf32>,
    tpu.vector_store_idx %arg7[%shift_right_arithmetic3A_13, %and3A_36, %broadcast_in_dim3A_521], %gather3A_535 : memref<8x8x512xf32, #tpu.memory_space<vmem>>[vector<16xi32>, vector<16xi32>, vector<16xi32>], vector<16xf32>,
    %gather3A_536 = arith.constant 4 : i32
    %gather3A_537 = arith.constant 0 : i32
    %gather3A_538 = arith.constant 0 : i32
    %gather3A_539 = arith.constant 0 : i32
    %gather3A_540 = tpu.memref_slice %arg6[%gather3A_536, %gather3A_537, %gather3A_538, %gather3A_539] : memref<8x8x8x128xf32, #tpu.memory_space<vmem>> -> memref<1x8x8x128xf32, #tpu.memory_space<vmem>>
    %gather3A_541 = tpu.memref_squeeze %gather3A_540 : memref<1x8x8x128xf32, #tpu.memory_space<vmem>> -> memref<8x8x128xf32, #tpu.memory_space<vmem>>
    %gather3A_542 = tpu.vector_load_idx %gather3A_541[%shift_right_arithmetic3A_19, %and3A_42, %broadcast_in_dim3A_519] : memref<8x8x128xf32, #tpu.memory_space<vmem>>[vector<16xi32>, vector<16xi32>, vector<16xi32>], vector<16xf32>,
    tpu.vector_store_idx %arg7[%shift_right_arithmetic3A_19, %and3A_42, %broadcast_in_dim3A_521], %gather3A_542 : memref<8x8x512xf32, #tpu.memory_space<vmem>>[vector<16xi32>, vector<16xi32>, vector<16xi32>], vector<16xf32>,
    %gather3A_543 = arith.constant 4 : i32
    %gather3A_544 = arith.constant 0 : i32
    %gather3A_545 = arith.constant 0 : i32
    %gather3A_546 = arith.constant 0 : i32
    %gather3A_547 = tpu.memref_slice %arg6[%gather3A_543, %gather3A_544, %gather3A_545, %gather3A_546] : memref<8x8x8x128xf32, #tpu.memory_space<vmem>> -> memref<1x8x8x128xf32, #tpu.memory_space<vmem>>
    %gather3A_548 = tpu.memref_squeeze %gather3A_547 : memref<1x8x8x128xf32, #tpu.memory_space<vmem>> -> memref<8x8x128xf32, #tpu.memory_space<vmem>>
    %gather3A_549 = tpu.vector_load_idx %gather3A_548[%shift_right_arithmetic3A_25, %and3A_48, %broadcast_in_dim3A_519] : memref<8x8x128xf32, #tpu.memory_space<vmem>>[vector<16xi32>, vector<16xi32>, vector<16xi32>], vector<16xf32>,
    tpu.vector_store_idx %arg7[%shift_right_arithmetic3A_25, %and3A_48, %broadcast_in_dim3A_521], %gather3A_549 : memref<8x8x512xf32, #tpu.memory_space<vmem>>[vector<16xi32>, vector<16xi32>, vector<16xi32>], vector<16xf32>,
    %slice3A_550 = vector.extract_strided_slice %get3A_267 {offsets = [5], sizes = [1], strides = [1]} : vector<16xi32> to vector<1xi32>
    %squeeze3A_551 = vector.extract %slice3A_550[0] : i32 from vector<1xi32>
    %dma_wait3A_552 = arith.constant 5 : i32
    %dma_wait3A_553 = arith.constant 5 : i32
    %dma_wait3A_554 = arith.constant 0 : i32
    %dma_wait3A_555 = arith.constant 0 : i32
    %dma_wait3A_556 = arith.constant 0 : i32
    %dma_wait3A_557 = tpu.memref_slice %arg6[%dma_wait3A_552, %dma_wait3A_554, %dma_wait3A_555, %dma_wait3A_556] : memref<8x8x8x128xf32, #tpu.memory_space<vmem>> -> memref<1x8x8x16xf32, #tpu.memory_space<vmem>>
    %dma_wait3A_558 = tpu.memref_squeeze %dma_wait3A_557 : memref<1x8x8x16xf32, #tpu.memory_space<vmem>> -> memref<8x8x16xf32, #tpu.memory_space<vmem>>
    %dma_wait3A_559 = arith.constant 0 : i32
    %dma_wait3A_560 = arith.constant 0 : i32
    %dma_wait3A_561 = arith.constant 0 : i32
    %dma_wait3A_562 = tpu.memref_slice %arg3[%dma_wait3A_559, %dma_wait3A_560, %dma_wait3A_561] : memref<8x8x1000000xf32, #tpu.memory_space<hbm>> -> memref<8x8x16xf32, #tpu.memory_space<hbm>>
    %dma_wait3A_563 = tpu.memref_slice %arg8[%dma_wait3A_553] : memref<8x!tpu.dma_semaphore, #tpu.memory_space<semaphore_mem>> -> memref<1x!tpu.dma_semaphore, #tpu.memory_space<semaphore_mem>>
    %dma_wait3A_564 = tpu.memref_squeeze %dma_wait3A_563 : memref<1x!tpu.dma_semaphore, #tpu.memory_space<semaphore_mem>> -> memref<!tpu.dma_semaphore, #tpu.memory_space<semaphore_mem>>
    %dma_wait3A_565 = arith.constant 0 : i32
    %dma_wait3A_566 = arith.constant 0 : i32
    %dma_wait3A_567 = arith.constant 0 : i32
    %dma_wait3A_568 = tpu.memref_slice %arg6[%dma_wait3A_552, %dma_wait3A_565, %dma_wait3A_566, %dma_wait3A_567] : memref<8x8x8x128xf32, #tpu.memory_space<vmem>> -> memref<1x8x8x16xf32, #tpu.memory_space<vmem>>
    %dma_wait3A_569 = tpu.memref_squeeze %dma_wait3A_568 : memref<1x8x8x16xf32, #tpu.memory_space<vmem>> -> memref<8x8x16xf32, #tpu.memory_space<vmem>>
    %dma_wait3A_570 = arith.constant 0 : i32
    %dma_wait3A_571 = arith.constant 0 : i32
    %dma_wait3A_572 = arith.constant 0 : i32
    %dma_wait3A_573 = tpu.memref_slice %arg3[%dma_wait3A_570, %dma_wait3A_571, %dma_wait3A_572] : memref<8x8x1000000xf32, #tpu.memory_space<hbm>> -> memref<8x8x16xf32, #tpu.memory_space<hbm>>
    tpu.wait_dma2 semaphore(%dma_wait3A_564 : memref<!tpu.dma_semaphore, #tpu.memory_space<semaphore_mem>>) src(%dma_wait3A_573 : memref<8x8x16xf32, #tpu.memory_space<hbm>>) dst(%dma_wait3A_569 : memref<8x8x16xf32, #tpu.memory_space<vmem>>)
    %and3A_574 = arith.constant 15 : i32
    %and3A_575 = arith.andi %squeeze3A_551, %and3A_574 : i32
    %broadcast_in_dim3A_576 = vector.broadcast %and3A_575 : i32 to vector<16xi32>
    %broadcast_in_dim3A_577 = arith.constant 509 : i32
    %broadcast_in_dim3A_578 = vector.broadcast %broadcast_in_dim3A_577 : i32 to vector<16xi32>
    %gather3A_579 = arith.constant 5 : i32
    %gather3A_580 = arith.constant 0 : i32
    %gather3A_581 = arith.constant 0 : i32
    %gather3A_582 = arith.constant 0 : i32
    %gather3A_583 = tpu.memref_slice %arg6[%gather3A_579, %gather3A_580, %gather3A_581, %gather3A_582] : memref<8x8x8x128xf32, #tpu.memory_space<vmem>> -> memref<1x8x8x128xf32, #tpu.memory_space<vmem>>
    %gather3A_584 = tpu.memref_squeeze %gather3A_583 : memref<1x8x8x128xf32, #tpu.memory_space<vmem>> -> memref<8x8x128xf32, #tpu.memory_space<vmem>>
    %gather3A_585 = tpu.vector_load_idx %gather3A_584[%shift_right_arithmetic3A_7, %and3A_30, %broadcast_in_dim3A_576] : memref<8x8x128xf32, #tpu.memory_space<vmem>>[vector<16xi32>, vector<16xi32>, vector<16xi32>], vector<16xf32>,
    tpu.vector_store_idx %arg7[%shift_right_arithmetic3A_7, %and3A_30, %broadcast_in_dim3A_578], %gather3A_585 : memref<8x8x512xf32, #tpu.memory_space<vmem>>[vector<16xi32>, vector<16xi32>, vector<16xi32>], vector<16xf32>,
    %gather3A_586 = arith.constant 5 : i32
    %gather3A_587 = arith.constant 0 : i32
    %gather3A_588 = arith.constant 0 : i32
    %gather3A_589 = arith.constant 0 : i32
    %gather3A_590 = tpu.memref_slice %arg6[%gather3A_586, %gather3A_587, %gather3A_588, %gather3A_589] : memref<8x8x8x128xf32, #tpu.memory_space<vmem>> -> memref<1x8x8x128xf32, #tpu.memory_space<vmem>>
    %gather3A_591 = tpu.memref_squeeze %gather3A_590 : memref<1x8x8x128xf32, #tpu.memory_space<vmem>> -> memref<8x8x128xf32, #tpu.memory_space<vmem>>
    %gather3A_592 = tpu.vector_load_idx %gather3A_591[%shift_right_arithmetic3A_13, %and3A_36, %broadcast_in_dim3A_576] : memref<8x8x128xf32, #tpu.memory_space<vmem>>[vector<16xi32>, vector<16xi32>, vector<16xi32>], vector<16xf32>,
    tpu.vector_store_idx %arg7[%shift_right_arithmetic3A_13, %and3A_36, %broadcast_in_dim3A_578], %gather3A_592 : memref<8x8x512xf32, #tpu.memory_space<vmem>>[vector<16xi32>, vector<16xi32>, vector<16xi32>], vector<16xf32>,
    %gather3A_593 = arith.constant 5 : i32
    %gather3A_594 = arith.constant 0 : i32
    %gather3A_595 = arith.constant 0 : i32
    %gather3A_596 = arith.constant 0 : i32
    %gather3A_597 = tpu.memref_slice %arg6[%gather3A_593, %gather3A_594, %gather3A_595, %gather3A_596] : memref<8x8x8x128xf32, #tpu.memory_space<vmem>> -> memref<1x8x8x128xf32, #tpu.memory_space<vmem>>
    %gather3A_598 = tpu.memref_squeeze %gather3A_597 : memref<1x8x8x128xf32, #tpu.memory_space<vmem>> -> memref<8x8x128xf32, #tpu.memory_space<vmem>>
    %gather3A_599 = tpu.vector_load_idx %gather3A_598[%shift_right_arithmetic3A_19, %and3A_42, %broadcast_in_dim3A_576] : memref<8x8x128xf32, #tpu.memory_space<vmem>>[vector<16xi32>, vector<16xi32>, vector<16xi32>], vector<16xf32>,
    tpu.vector_store_idx %arg7[%shift_right_arithmetic3A_19, %and3A_42, %broadcast_in_dim3A_578], %gather3A_599 : memref<8x8x512xf32, #tpu.memory_space<vmem>>[vector<16xi32>, vector<16xi32>, vector<16xi32>], vector<16xf32>,
    %gather3A_600 = arith.constant 5 : i32
    %gather3A_601 = arith.constant 0 : i32
    %gather3A_602 = arith.constant 0 : i32
    %gather3A_603 = arith.constant 0 : i32
    %gather3A_604 = tpu.memref_slice %arg6[%gather3A_600, %gather3A_601, %gather3A_602, %gather3A_603] : memref<8x8x8x128xf32, #tpu.memory_space<vmem>> -> memref<1x8x8x128xf32, #tpu.memory_space<vmem>>
    %gather3A_605 = tpu.memref_squeeze %gather3A_604 : memref<1x8x8x128xf32, #tpu.memory_space<vmem>> -> memref<8x8x128xf32, #tpu.memory_space<vmem>>
    %gather3A_606 = tpu.vector_load_idx %gather3A_605[%shift_right_arithmetic3A_25, %and3A_48, %broadcast_in_dim3A_576] : memref<8x8x128xf32, #tpu.memory_space<vmem>>[vector<16xi32>, vector<16xi32>, vector<16xi32>], vector<16xf32>,
    tpu.vector_store_idx %arg7[%shift_right_arithmetic3A_25, %and3A_48, %broadcast_in_dim3A_578], %gather3A_606 : memref<8x8x512xf32, #tpu.memory_space<vmem>>[vector<16xi32>, vector<16xi32>, vector<16xi32>], vector<16xf32>,
    %slice3A_607 = vector.extract_strided_slice %get3A_267 {offsets = [6], sizes = [1], strides = [1]} : vector<16xi32> to vector<1xi32>
    %squeeze3A_608 = vector.extract %slice3A_607[0] : i32 from vector<1xi32>
    %dma_wait3A_609 = arith.constant 6 : i32
    %dma_wait3A_610 = arith.constant 6 : i32
    %dma_wait3A_611 = arith.constant 0 : i32
    %dma_wait3A_612 = arith.constant 0 : i32
    %dma_wait3A_613 = arith.constant 0 : i32
    %dma_wait3A_614 = tpu.memref_slice %arg6[%dma_wait3A_609, %dma_wait3A_611, %dma_wait3A_612, %dma_wait3A_613] : memref<8x8x8x128xf32, #tpu.memory_space<vmem>> -> memref<1x8x8x16xf32, #tpu.memory_space<vmem>>
    %dma_wait3A_615 = tpu.memref_squeeze %dma_wait3A_614 : memref<1x8x8x16xf32, #tpu.memory_space<vmem>> -> memref<8x8x16xf32, #tpu.memory_space<vmem>>
    %dma_wait3A_616 = arith.constant 0 : i32
    %dma_wait3A_617 = arith.constant 0 : i32
    %dma_wait3A_618 = arith.constant 0 : i32
    %dma_wait3A_619 = tpu.memref_slice %arg3[%dma_wait3A_616, %dma_wait3A_617, %dma_wait3A_618] : memref<8x8x1000000xf32, #tpu.memory_space<hbm>> -> memref<8x8x16xf32, #tpu.memory_space<hbm>>
    %dma_wait3A_620 = tpu.memref_slice %arg8[%dma_wait3A_610] : memref<8x!tpu.dma_semaphore, #tpu.memory_space<semaphore_mem>> -> memref<1x!tpu.dma_semaphore, #tpu.memory_space<semaphore_mem>>
    %dma_wait3A_621 = tpu.memref_squeeze %dma_wait3A_620 : memref<1x!tpu.dma_semaphore, #tpu.memory_space<semaphore_mem>> -> memref<!tpu.dma_semaphore, #tpu.memory_space<semaphore_mem>>
    %dma_wait3A_622 = arith.constant 0 : i32
    %dma_wait3A_623 = arith.constant 0 : i32
    %dma_wait3A_624 = arith.constant 0 : i32
    %dma_wait3A_625 = tpu.memref_slice %arg6[%dma_wait3A_609, %dma_wait3A_622, %dma_wait3A_623, %dma_wait3A_624] : memref<8x8x8x128xf32, #tpu.memory_space<vmem>> -> memref<1x8x8x16xf32, #tpu.memory_space<vmem>>
    %dma_wait3A_626 = tpu.memref_squeeze %dma_wait3A_625 : memref<1x8x8x16xf32, #tpu.memory_space<vmem>> -> memref<8x8x16xf32, #tpu.memory_space<vmem>>
    %dma_wait3A_627 = arith.constant 0 : i32
    %dma_wait3A_628 = arith.constant 0 : i32
    %dma_wait3A_629 = arith.constant 0 : i32
    %dma_wait3A_630 = tpu.memref_slice %arg3[%dma_wait3A_627, %dma_wait3A_628, %dma_wait3A_629] : memref<8x8x1000000xf32, #tpu.memory_space<hbm>> -> memref<8x8x16xf32, #tpu.memory_space<hbm>>
    tpu.wait_dma2 semaphore(%dma_wait3A_621 : memref<!tpu.dma_semaphore, #tpu.memory_space<semaphore_mem>>) src(%dma_wait3A_630 : memref<8x8x16xf32, #tpu.memory_space<hbm>>) dst(%dma_wait3A_626 : memref<8x8x16xf32, #tpu.memory_space<vmem>>)
    %and3A_631 = arith.constant 15 : i32
    %and3A_632 = arith.andi %squeeze3A_608, %and3A_631 : i32
    %broadcast_in_dim3A_633 = vector.broadcast %and3A_632 : i32 to vector<16xi32>
    %broadcast_in_dim3A_634 = arith.constant 510 : i32
    %broadcast_in_dim3A_635 = vector.broadcast %broadcast_in_dim3A_634 : i32 to vector<16xi32>
    %gather3A_636 = arith.constant 6 : i32
    %gather3A_637 = arith.constant 0 : i32
    %gather3A_638 = arith.constant 0 : i32
    %gather3A_639 = arith.constant 0 : i32
    %gather3A_640 = tpu.memref_slice %arg6[%gather3A_636, %gather3A_637, %gather3A_638, %gather3A_639] : memref<8x8x8x128xf32, #tpu.memory_space<vmem>> -> memref<1x8x8x128xf32, #tpu.memory_space<vmem>>
    %gather3A_641 = tpu.memref_squeeze %gather3A_640 : memref<1x8x8x128xf32, #tpu.memory_space<vmem>> -> memref<8x8x128xf32, #tpu.memory_space<vmem>>
    %gather3A_642 = tpu.vector_load_idx %gather3A_641[%shift_right_arithmetic3A_7, %and3A_30, %broadcast_in_dim3A_633] : memref<8x8x128xf32, #tpu.memory_space<vmem>>[vector<16xi32>, vector<16xi32>, vector<16xi32>], vector<16xf32>,
    tpu.vector_store_idx %arg7[%shift_right_arithmetic3A_7, %and3A_30, %broadcast_in_dim3A_635], %gather3A_642 : memref<8x8x512xf32, #tpu.memory_space<vmem>>[vector<16xi32>, vector<16xi32>, vector<16xi32>], vector<16xf32>,
    %gather3A_643 = arith.constant 6 : i32
    %gather3A_644 = arith.constant 0 : i32
    %gather3A_645 = arith.constant 0 : i32
    %gather3A_646 = arith.constant 0 : i32
    %gather3A_647 = tpu.memref_slice %arg6[%gather3A_643, %gather3A_644, %gather3A_645, %gather3A_646] : memref<8x8x8x128xf32, #tpu.memory_space<vmem>> -> memref<1x8x8x128xf32, #tpu.memory_space<vmem>>
    %gather3A_648 = tpu.memref_squeeze %gather3A_647 : memref<1x8x8x128xf32, #tpu.memory_space<vmem>> -> memref<8x8x128xf32, #tpu.memory_space<vmem>>
    %gather3A_649 = tpu.vector_load_idx %gather3A_648[%shift_right_arithmetic3A_13, %and3A_36, %broadcast_in_dim3A_633] : memref<8x8x128xf32, #tpu.memory_space<vmem>>[vector<16xi32>, vector<16xi32>, vector<16xi32>], vector<16xf32>,
    tpu.vector_store_idx %arg7[%shift_right_arithmetic3A_13, %and3A_36, %broadcast_in_dim3A_635], %gather3A_649 : memref<8x8x512xf32, #tpu.memory_space<vmem>>[vector<16xi32>, vector<16xi32>, vector<16xi32>], vector<16xf32>,
    %gather3A_650 = arith.constant 6 : i32
    %gather3A_651 = arith.constant 0 : i32
    %gather3A_652 = arith.constant 0 : i32
    %gather3A_653 = arith.constant 0 : i32
    %gather3A_654 = tpu.memref_slice %arg6[%gather3A_650, %gather3A_651, %gather3A_652, %gather3A_653] : memref<8x8x8x128xf32, #tpu.memory_space<vmem>> -> memref<1x8x8x128xf32, #tpu.memory_space<vmem>>
    %gather3A_655 = tpu.memref_squeeze %gather3A_654 : memref<1x8x8x128xf32, #tpu.memory_space<vmem>> -> memref<8x8x128xf32, #tpu.memory_space<vmem>>
    %gather3A_656 = tpu.vector_load_idx %gather3A_655[%shift_right_arithmetic3A_19, %and3A_42, %broadcast_in_dim3A_633] : memref<8x8x128xf32, #tpu.memory_space<vmem>>[vector<16xi32>, vector<16xi32>, vector<16xi32>], vector<16xf32>,
    tpu.vector_store_idx %arg7[%shift_right_arithmetic3A_19, %and3A_42, %broadcast_in_dim3A_635], %gather3A_656 : memref<8x8x512xf32, #tpu.memory_space<vmem>>[vector<16xi32>, vector<16xi32>, vector<16xi32>], vector<16xf32>,
    %gather3A_657 = arith.constant 6 : i32
    %gather3A_658 = arith.constant 0 : i32
    %gather3A_659 = arith.constant 0 : i32
    %gather3A_660 = arith.constant 0 : i32
    %gather3A_661 = tpu.memref_slice %arg6[%gather3A_657, %gather3A_658, %gather3A_659, %gather3A_660] : memref<8x8x8x128xf32, #tpu.memory_space<vmem>> -> memref<1x8x8x128xf32, #tpu.memory_space<vmem>>
    %gather3A_662 = tpu.memref_squeeze %gather3A_661 : memref<1x8x8x128xf32, #tpu.memory_space<vmem>> -> memref<8x8x128xf32, #tpu.memory_space<vmem>>
    %gather3A_663 = tpu.vector_load_idx %gather3A_662[%shift_right_arithmetic3A_25, %and3A_48, %broadcast_in_dim3A_633] : memref<8x8x128xf32, #tpu.memory_space<vmem>>[vector<16xi32>, vector<16xi32>, vector<16xi32>], vector<16xf32>,
    tpu.vector_store_idx %arg7[%shift_right_arithmetic3A_25, %and3A_48, %broadcast_in_dim3A_635], %gather3A_663 : memref<8x8x512xf32, #tpu.memory_space<vmem>>[vector<16xi32>, vector<16xi32>, vector<16xi32>], vector<16xf32>,
    %slice3A_664 = vector.extract_strided_slice %get3A_267 {offsets = [7], sizes = [1], strides = [1]} : vector<16xi32> to vector<1xi32>
    %squeeze3A_665 = vector.extract %slice3A_664[0] : i32 from vector<1xi32>
    %dma_wait3A_666 = arith.constant 7 : i32
    %dma_wait3A_667 = arith.constant 7 : i32
    %dma_wait3A_668 = arith.constant 0 : i32
    %dma_wait3A_669 = arith.constant 0 : i32
    %dma_wait3A_670 = arith.constant 0 : i32
    %dma_wait3A_671 = tpu.memref_slice %arg6[%dma_wait3A_666, %dma_wait3A_668, %dma_wait3A_669, %dma_wait3A_670] : memref<8x8x8x128xf32, #tpu.memory_space<vmem>> -> memref<1x8x8x16xf32, #tpu.memory_space<vmem>>
    %dma_wait3A_672 = tpu.memref_squeeze %dma_wait3A_671 : memref<1x8x8x16xf32, #tpu.memory_space<vmem>> -> memref<8x8x16xf32, #tpu.memory_space<vmem>>
    %dma_wait3A_673 = arith.constant 0 : i32
    %dma_wait3A_674 = arith.constant 0 : i32
    %dma_wait3A_675 = arith.constant 0 : i32
    %dma_wait3A_676 = tpu.memref_slice %arg3[%dma_wait3A_673, %dma_wait3A_674, %dma_wait3A_675] : memref<8x8x1000000xf32, #tpu.memory_space<hbm>> -> memref<8x8x16xf32, #tpu.memory_space<hbm>>
    %dma_wait3A_677 = tpu.memref_slice %arg8[%dma_wait3A_667] : memref<8x!tpu.dma_semaphore, #tpu.memory_space<semaphore_mem>> -> memref<1x!tpu.dma_semaphore, #tpu.memory_space<semaphore_mem>>
    %dma_wait3A_678 = tpu.memref_squeeze %dma_wait3A_677 : memref<1x!tpu.dma_semaphore, #tpu.memory_space<semaphore_mem>> -> memref<!tpu.dma_semaphore, #tpu.memory_space<semaphore_mem>>
    %dma_wait3A_679 = arith.constant 0 : i32
    %dma_wait3A_680 = arith.constant 0 : i32
    %dma_wait3A_681 = arith.constant 0 : i32
    %dma_wait3A_682 = tpu.memref_slice %arg6[%dma_wait3A_666, %dma_wait3A_679, %dma_wait3A_680, %dma_wait3A_681] : memref<8x8x8x128xf32, #tpu.memory_space<vmem>> -> memref<1x8x8x16xf32, #tpu.memory_space<vmem>>
    %dma_wait3A_683 = tpu.memref_squeeze %dma_wait3A_682 : memref<1x8x8x16xf32, #tpu.memory_space<vmem>> -> memref<8x8x16xf32, #tpu.memory_space<vmem>>
    %dma_wait3A_684 = arith.constant 0 : i32
    %dma_wait3A_685 = arith.constant 0 : i32
    %dma_wait3A_686 = arith.constant 0 : i32
    %dma_wait3A_687 = tpu.memref_slice %arg3[%dma_wait3A_684, %dma_wait3A_685, %dma_wait3A_686] : memref<8x8x1000000xf32, #tpu.memory_space<hbm>> -> memref<8x8x16xf32, #tpu.memory_space<hbm>>
    tpu.wait_dma2 semaphore(%dma_wait3A_678 : memref<!tpu.dma_semaphore, #tpu.memory_space<semaphore_mem>>) src(%dma_wait3A_687 : memref<8x8x16xf32, #tpu.memory_space<hbm>>) dst(%dma_wait3A_683 : memref<8x8x16xf32, #tpu.memory_space<vmem>>)
    %and3A_688 = arith.constant 15 : i32
    %and3A_689 = arith.andi %squeeze3A_665, %and3A_688 : i32
    %broadcast_in_dim3A_690 = vector.broadcast %and3A_689 : i32 to vector<16xi32>
    %broadcast_in_dim3A_691 = arith.constant 511 : i32
    %broadcast_in_dim3A_692 = vector.broadcast %broadcast_in_dim3A_691 : i32 to vector<16xi32>
    %gather3A_693 = arith.constant 7 : i32
    %gather3A_694 = arith.constant 0 : i32
    %gather3A_695 = arith.constant 0 : i32
    %gather3A_696 = arith.constant 0 : i32
    %gather3A_697 = tpu.memref_slice %arg6[%gather3A_693, %gather3A_694, %gather3A_695, %gather3A_696] : memref<8x8x8x128xf32, #tpu.memory_space<vmem>> -> memref<1x8x8x128xf32, #tpu.memory_space<vmem>>
    %gather3A_698 = tpu.memref_squeeze %gather3A_697 : memref<1x8x8x128xf32, #tpu.memory_space<vmem>> -> memref<8x8x128xf32, #tpu.memory_space<vmem>>
    %gather3A_699 = tpu.vector_load_idx %gather3A_698[%shift_right_arithmetic3A_7, %and3A_30, %broadcast_in_dim3A_690] : memref<8x8x128xf32, #tpu.memory_space<vmem>>[vector<16xi32>, vector<16xi32>, vector<16xi32>], vector<16xf32>,
    tpu.vector_store_idx %arg7[%shift_right_arithmetic3A_7, %and3A_30, %broadcast_in_dim3A_692], %gather3A_699 : memref<8x8x512xf32, #tpu.memory_space<vmem>>[vector<16xi32>, vector<16xi32>, vector<16xi32>], vector<16xf32>,
    %gather3A_700 = arith.constant 7 : i32
    %gather3A_701 = arith.constant 0 : i32
    %gather3A_702 = arith.constant 0 : i32
    %gather3A_703 = arith.constant 0 : i32
    %gather3A_704 = tpu.memref_slice %arg6[%gather3A_700, %gather3A_701, %gather3A_702, %gather3A_703] : memref<8x8x8x128xf32, #tpu.memory_space<vmem>> -> memref<1x8x8x128xf32, #tpu.memory_space<vmem>>
    %gather3A_705 = tpu.memref_squeeze %gather3A_704 : memref<1x8x8x128xf32, #tpu.memory_space<vmem>> -> memref<8x8x128xf32, #tpu.memory_space<vmem>>
    %gather3A_706 = tpu.vector_load_idx %gather3A_705[%shift_right_arithmetic3A_13, %and3A_36, %broadcast_in_dim3A_690] : memref<8x8x128xf32, #tpu.memory_space<vmem>>[vector<16xi32>, vector<16xi32>, vector<16xi32>], vector<16xf32>,
    tpu.vector_store_idx %arg7[%shift_right_arithmetic3A_13, %and3A_36, %broadcast_in_dim3A_692], %gather3A_706 : memref<8x8x512xf32, #tpu.memory_space<vmem>>[vector<16xi32>, vector<16xi32>, vector<16xi32>], vector<16xf32>,
    %gather3A_707 = arith.constant 7 : i32
    %gather3A_708 = arith.constant 0 : i32
    %gather3A_709 = arith.constant 0 : i32
    %gather3A_710 = arith.constant 0 : i32
    %gather3A_711 = tpu.memref_slice %arg6[%gather3A_707, %gather3A_708, %gather3A_709, %gather3A_710] : memref<8x8x8x128xf32, #tpu.memory_space<vmem>> -> memref<1x8x8x128xf32, #tpu.memory_space<vmem>>
    %gather3A_712 = tpu.memref_squeeze %gather3A_711 : memref<1x8x8x128xf32, #tpu.memory_space<vmem>> -> memref<8x8x128xf32, #tpu.memory_space<vmem>>
    %gather3A_713 = tpu.vector_load_idx %gather3A_712[%shift_right_arithmetic3A_19, %and3A_42, %broadcast_in_dim3A_690] : memref<8x8x128xf32, #tpu.memory_space<vmem>>[vector<16xi32>, vector<16xi32>, vector<16xi32>], vector<16xf32>,
    tpu.vector_store_idx %arg7[%shift_right_arithmetic3A_19, %and3A_42, %broadcast_in_dim3A_692], %gather3A_713 : memref<8x8x512xf32, #tpu.memory_space<vmem>>[vector<16xi32>, vector<16xi32>, vector<16xi32>], vector<16xf32>,
    %gather3A_714 = arith.constant 7 : i32
    %gather3A_715 = arith.constant 0 : i32
    %gather3A_716 = arith.constant 0 : i32
    %gather3A_717 = arith.constant 0 : i32
    %gather3A_718 = tpu.memref_slice %arg6[%gather3A_714, %gather3A_715, %gather3A_716, %gather3A_717] : memref<8x8x8x128xf32, #tpu.memory_space<vmem>> -> memref<1x8x8x128xf32, #tpu.memory_space<vmem>>
    %gather3A_719 = tpu.memref_squeeze %gather3A_718 : memref<1x8x8x128xf32, #tpu.memory_space<vmem>> -> memref<8x8x128xf32, #tpu.memory_space<vmem>>
    %gather3A_720 = tpu.vector_load_idx %gather3A_719[%shift_right_arithmetic3A_25, %and3A_48, %broadcast_in_dim3A_690] : memref<8x8x128xf32, #tpu.memory_space<vmem>>[vector<16xi32>, vector<16xi32>, vector<16xi32>], vector<16xf32>,
    tpu.vector_store_idx %arg7[%shift_right_arithmetic3A_25, %and3A_48, %broadcast_in_dim3A_692], %gather3A_720 : memref<8x8x512xf32, #tpu.memory_space<vmem>>[vector<16xi32>, vector<16xi32>, vector<16xi32>], vector<16xf32>,
    "tpu.region"() ({
      %run_scoped3A = tpu.sem_alloc : memref<!tpu.dma_semaphore, #tpu.memory_space<semaphore_mem>>
      %dma_start3A_721 = arith.constant 0 : i32
      %dma_start3A_722 = arith.constant 0 : i32
      %dma_start3A_723 = tpu.memref_slice %arg4[%dma_start3A_721, %dma_start3A_722, %mul3A_2] : memref<8x8x16384xf32, #tpu.memory_space<hbm>> -> memref<8x8x512xf32, #tpu.memory_space<hbm>>
      %dma_start3A_724 = arith.constant 0 : i32
      %dma_start3A_725 = arith.constant 0 : i32
      %dma_start3A_726 = tpu.memref_slice %arg4[%dma_start3A_724, %dma_start3A_725, %mul3A_2] : memref<8x8x16384xf32, #tpu.memory_space<hbm>> -> memref<8x8x512xf32, #tpu.memory_space<hbm>>
      tpu.enqueue_dma source(%arg7 : memref<8x8x512xf32, #tpu.memory_space<vmem>>) target(%dma_start3A_726 : memref<8x8x512xf32, #tpu.memory_space<hbm>>) target_semaphore(%run_scoped3A : memref<!tpu.dma_semaphore, #tpu.memory_space<semaphore_mem>>)
      %dma_wait3A_727 = arith.constant 0 : i32
      %dma_wait3A_728 = arith.constant 0 : i32
      %dma_wait3A_729 = tpu.memref_slice %arg4[%dma_wait3A_727, %dma_wait3A_728, %mul3A_2] : memref<8x8x16384xf32, #tpu.memory_space<hbm>> -> memref<8x8x512xf32, #tpu.memory_space<hbm>>
      %dma_wait3A_730 = arith.constant 0 : i32
      %dma_wait3A_731 = arith.constant 0 : i32
      %dma_wait3A_732 = tpu.memref_slice %arg4[%dma_wait3A_730, %dma_wait3A_731, %mul3A_2] : memref<8x8x16384xf32, #tpu.memory_space<hbm>> -> memref<8x8x512xf32, #tpu.memory_space<hbm>>
      tpu.wait_dma2 semaphore(%run_scoped3A : memref<!tpu.dma_semaphore, #tpu.memory_space<semaphore_mem>>) src(%arg7 : memref<8x8x512xf32, #tpu.memory_space<vmem>>) dst(%dma_wait3A_732 : memref<8x8x512xf32, #tpu.memory_space<hbm>>)
      tpu.yield
    }) : () -> ()
    return
  }
}

</mosaic_0001>

<sc_bundles>
// kernel: kernel.3.cloned.1.call-start
scs
__scs_entry_jumppad:
0x0: {  	(pc) =	sbr.rel $0x88, $3  }
0x1: {  	(tag) =	ssettag $0x0;
	lr =	simm.s32 $0x1  }
0x2: {  	[smem:$0x3F9F] =	sst lr;
	_ =	strace $0xD0000000  }
0x3: {  	_ = 	snop  }
0x4: {  	_ = 	snop  }
0x5: {  	_ = 	snop  }
0x6: {  	_ = 	snop  }
0x7: {  	_ = 	snop  }
__scs_overlays_trampoline_lowered:
0x8: {  	[smem:$0x3FAE] =	sst s0  }
0x9: {  	[smem:$0x3FAF] =	sst s1  }
0xa: {  	[smem:$0x3FB0] =	sst s2  }
0xb: {  	[smem:$0x3FB1] =	sst s3  }
0xc: {  	[smem:$0x3FB2] =	sst s4  }
0xd: {  	[smem:$0x3FB3] =	sst s5  }
0xe: {  	[smem:$0x3FB4] =	sst s6  }
0xf: {  	[smem:$0x3FB5] =	sst s7  }
0x10: {  	[smem:$0x3FB6] =	sst s8  }
0x11: {  	[smem:$0x3FB7] =	sst s9;
	s0 =	simm.s32 @!p0 $0x0  }
0x12: {  	s1 =	sld [smem:$0x3F9D];
	s0 =	simm.s32 @p0 $0x1  }
0x13: {  	[smem:$0x3FB8] =	sst s0;
	s0 =	simm.s32 @!p1 $0x0  }
0x14: {  	s2 =	sld [smem:$0x3F9C];
	s0 =	simm.s32 @p1 $0x1  }
0x15: {  	[smem:$0x3FB9] =	sst s0;
	s0 =	simm.s32 @!p2 $0x0  }
0x16: {  	s3 =	sld [smem:$0x3FDB];
	s0 =	simm.s32 @p2 $0x1  }
0x17: {  	s4 =	simm.s32 $0x1BF5;
	[smem:$0x3FBB] =	sst s0  }
0x18: {  	s0 =	sld [smem:$0x3F9E];
	_ =	swait.ge [sflag:s4], $0x0  }
0x19: {  	s7 =	sld [smem:$0x3F9F]  }
0x1a: {  	s8 =	sadd.s32 $0xFFFFE003, lr  }
0x1b: {  	s9 =	sadd.s32 $0xFFFFFEF7, lr;
	s5 =	simm.s32 $0xFFFFFFFF;
	p2 =	slt.u32 s8, $0xFFFFF086  }
0x1c: {  	p1 =	slt.u32 s9, $0xF7A;
	s5 =	simm.s32 @!p2 $0x0  }
0x1d: {  	s5 =	simm.s32 @p1 $0x1;
	p0 =	seq.s32 s7, s2  }
0x1e: {  	s7 =	smul.u32 @!p0 $0xF7A, s2;
	p2 =	seq.s32 @!p0 s5, $0x0  }
0x1f: {  	s9 =	smul.u32 $0xF7A, s1;
	s8 =	simm.s32 @!p0 $0x1BF5;
	p2 =	por !p2, p0  }
0x20: {  	[sflag:s8] =	ssyncset.s32 @!p0 $0xFFFFF086;
	s6 =	sadd.s32 @!p0 s3, s7;
	s7 =	simm.s32 @!p0 $0x108  }
0x21: {  	s3 =	sadd.s32 s3, s9;
	s6 =	sadd.s32 @!p0 $0x88, s6;
	s7 =	simm.s32 @p2 $0x1082  }
0x22: {  	[simem:s7], [sflag:s8] =	dma.local @!p0 [hbm:s6], $0xF7A  }
0x23: {  	s9 =	sor.u32 $0xD0000000, s2;
	s6 =	simm.s32 $0x108;
	_ =	swait.ge @!p0 [sflag:s8], $0x0  }
0x24: {  	s3 =	sadd.s32 $0x88, s3;
	s6 =	simm.s32 @!p1 $0x1082;
	[sflag:s4] =	ssyncset.s32 $0xFFFFF086  }
0x25: {  	[simem:s6], [sflag:s4] =	dma.local [hbm:s3], $0xF7A  }
0x26: {  	[smem:$0x3F9F] =	sst s1;
	(tag) =	ssettag s2;
	_ =	strace s9  }
0x27: {  	s1 =	sld [smem:$0x3FAF]  }
0x28: {  	s2 =	sld [smem:$0x3FB0]  }
0x29: {  	s4 =	sld [smem:$0x3FB2]  }
0x2a: {  	p0 =	seq.s32 s5, $0x0;
	s5 =	sld [smem:$0x3FB3]  }
0x2b: {  	s6 =	sld [smem:$0x3FB4]  }
0x2c: {  	s7 =	sld [smem:$0x3FB5]  }
0x2d: {  	s3 =	simm.s32 $0x108;
	s8 =	sld [smem:$0x3FB6]  }
0x2e: {  	s3 =	simm.s32 @!p0 $0x1082;
	s9 =	sld [smem:$0x3FB7]  }
0x2f: {  	lr =	sadd.s32 s0, s3;
	s0 =	sld [smem:$0x3FAE]  }
0x30: {  	s3 =	sld [smem:$0x3FB1]  }
0x31: {  	[smem:$0x3FBA] =	sst s10  }
0x32: {  	s10 =	sld [smem:$0x3FB8];
	_ =	sdelay $0x3  }
0x33: {  	p0 =	seq.s32 s10, $0x1;
	s10 =	sld [smem:$0x3FBA];
	_ =	sdelay $0x3  }
0x34: {  	[smem:$0x3FBA] =	sst s10  }
0x35: {  	s10 =	sld [smem:$0x3FB9];
	_ =	sdelay $0x3  }
0x36: {  	p1 =	seq.s32 s10, $0x1;
	s10 =	sld [smem:$0x3FBA];
	_ =	sdelay $0x3  }
0x37: {  	[smem:$0x3FBA] =	sst s10  }
0x38: {  	s10 =	sld [smem:$0x3FBB]  }
0x39: {  	_ = 	snop;
	(pc) =	sbr.ind lr, $3  }
0x3a: {  	_ = 	snop  }
0x3b: {  	_ = 	snop  }
0x3c: {  	p2 =	seq.s32 s10, $0x1;
	s10 =	sld [smem:$0x3FBA]  }
0x3d: {  	_ =	shalt  }
0x3e: {  	_ =	shalt  }
0x3f: {  	_ =	shalt  }
0x40: {  	_ =	shalt  }
0x41: {  	_ =	shalt  }
0x42: {  	_ =	shalt  }
0x43: {  	_ =	shalt  }
0x44: {  	_ =	shalt  }
0x45: {  	_ =	shalt  }
0x46: {  	_ =	shalt  }
0x47: {  	_ =	shalt  }
0x48: {  	_ =	shalt  }
0x49: {  	_ =	shalt  }
0x4a: {  	_ =	shalt  }
0x4b: {  	_ =	shalt  }
0x4c: {  	_ =	shalt  }
0x4d: {  	_ =	shalt  }
0x4e: {  	_ =	shalt  }
0x4f: {  	_ =	shalt  }
0x50: {  	_ =	shalt  }
0x51: {  	_ =	shalt  }
0x52: {  	_ =	shalt  }
0x53: {  	_ =	shalt  }
0x54: {  	_ =	shalt  }
0x55: {  	_ =	shalt  }
0x56: {  	_ =	shalt  }
0x57: {  	_ =	shalt  }
0x58: {  	_ =	shalt  }
0x59: {  	_ =	shalt  }
0x5a: {  	_ =	shalt  }
0x5b: {  	_ =	shalt  }
0x5c: {  	_ =	shalt  }
0x5d: {  	_ =	shalt  }
0x5e: {  	_ =	shalt  }
0x5f: {  	_ =	shalt  }
0x60: {  	_ =	shalt  }
0x61: {  	_ =	shalt  }
0x62: {  	_ =	shalt  }
0x63: {  	_ =	shalt  }
0x64: {  	_ =	shalt  }
0x65: {  	_ =	shalt  }
0x66: {  	_ =	shalt  }
0x67: {  	_ =	shalt  }
0x68: {  	_ =	shalt  }
0x69: {  	_ =	shalt  }
0x6a: {  	_ =	shalt  }
0x6b: {  	_ =	shalt  }
0x6c: {  	_ =	shalt  }
0x6d: {  	_ =	shalt  }
0x6e: {  	_ =	shalt  }
0x6f: {  	_ =	shalt  }
0x70: {  	_ =	shalt  }
0x71: {  	_ =	shalt  }
0x72: {  	_ =	shalt  }
0x73: {  	_ =	shalt  }
0x74: {  	_ =	shalt  }
0x75: {  	_ =	shalt  }
0x76: {  	_ =	shalt  }
0x77: {  	_ =	shalt  }
0x78: {  	_ =	shalt  }
0x79: {  	_ =	shalt  }
0x7a: {  	_ =	shalt  }
0x7b: {  	_ =	shalt  }
0x7c: {  	_ =	shalt  }
0x7d: {  	_ =	shalt  }
0x7e: {  	_ =	shalt  }
0x7f: {  	_ =	shalt  }
0x80: {  	_ =	shalt  }
0x81: {  	_ =	shalt  }
0x82: {  	_ =	shalt  }
0x83: {  	_ =	shalt  }
0x84: {  	_ =	shalt  }
0x85: {  	_ =	shalt  }
0x86: {  	_ =	shalt  }
0x87: {  	_ =	shalt  }
.Lfunc_end0:
.L_simem_size_0:
called_computation_lowered:
.L_overlay_start_0:
0x88: {  	s2 =	sld [smem:$0x3FD9]  }
0x89: {  	s3 =	sld [smem:$0x3FFE];
	_ =	sdelay $0x1  }
0x8a: {  	s1 =	srdreg.scid  }
0x8b: {  	s0 =	sand.u32 $0x1, s1  }
0x8c: {  	s18 =	sshll.u32 s0, $0xA;
	s2 =	sadd.s32 s3, s2  }
0x8d: {  	s2 =	sadd.s32 s2, s18  }
0x8e: {  	[smem:$0x3FC6] =	sst s2  }
0x8f: {  	_ = 	snop  }
0x90: {  	s2 =	sld [smem:$0x3FC9]  }
0x91: {  	s19 =	sld [smem:$0x3FC8]  }
0x92: {  	s4 =	sld [smem:$0x3FD0];
	(tm) =	ssettm $0x1  }
0x93: {  	s5 =	sld [smem:$0x3FFB];
	_ =	sdelay $0x3  }
0x94: {  	_ =	strace s5  }
0x95: {  	s5 =	sld [smem:$0x3FFC];
	_ =	sdelay $0x3  }
0x96: {  	_ =	strace s5  }
0x97: {  	s5 =	sld [smem:$0x3FFD];
	_ =	sdelay $0x3  }
0x98: {  	_ =	strace s5  }
0x99: {  	_ =	strace $0x8FFFFFFF  }
0x9a: {  	s20 =	sld [smem:$0x3FDB];
	_ =	sdelay $0x1  }
0x9b: {  	s6 =	simm.s32 $_scs_section_size  }
0x9c: {  	s7 =	simm.s32 $_size__tile_overlayer_lowered;
	s8 =	simm.s32 $_tile_overlayer_lowered  }
0x9d: {  	s23 =	simm.s32 $0x1BFF;
	s22 =	sshll.u32 s8, $0x1;
	s5 =	sadd.s32 s6, s20  }
0x9e: {  	s9 =	simm.s32 $0x0;
	s21 =	sshll.u32 s7, $0x1;
	s7 =	sadd.s32 s22, s5  }
0x9f: {  	[timem:s9], [sflag:s23] =	dma.local [hbm:s7], s21  }
0xa0: {  	_ =	swait.ge [sflag:s23], s21  }
0xa1: {  	s6 =	ssub.s32 $0x0, s21;
	[sflag:s23] =	ssyncset.done $0x0  }
0xa2: {  	[sflag:s23] =	ssyncadd.s32 s6;
	_ =	sdelay $0x1  }
0xa3: {  	s24 =	simm.s32 $0x1B8B  }
0xa4: {  	_ =	swait.ge [sflag:s24], $0x1  }
0xa5: {  	[sflag:s24] =	ssyncset.done $0x0  }
0xa6: {  	s25 =	simm.s32 $0x1B8E;
	[sflag:s24] =	ssyncadd.s32 $0xFFFFFFFF  }
0xa7: {  	s26 =	simm.s32 $execute0_lowered;
	[smem:$0x3FD2] =	sst s25  }
0xa8: {  	s6 =	sshll.u32 s26, $0x1;
	_ =	strace $0x80000046;
	[dreg:$0x1] =	wrdreg $0xFFFFFFFF  }
0xa9: {  	s28 =	simm.s32 $_size_execute0_lowered;
	s5 =	sadd.s32 s5, s6;
	[dreg:$0x0] =	wrdreg $0x0  }
0xaa: {  	s6 =	sshll.u32 s28, $0x1;
	[dreg:$0x2] =	wrdreg s5  }
0xab: {  	[dreg:$0x3] =	wrdreg s6  }
0xac: {  	[dreg:$0x4] =	wrdreg $0xC0  }
0xad: {  	_ =	task [dreg:s9], $0x5FFFF  }
0xae: {  	[dreg:$0x1] =	wrdreg $0xFFFFFFFF  }
0xaf: {  	[dreg:$0x0] =	wrdreg $0x60  }
0xb0: {  	[dreg:$0x2] =	wrdreg s2  }
0xb1: {  	[dreg:$0x3] =	wrdreg s19  }
0xb2: {  	[dreg:$0x4] =	wrdreg s4  }
0xb3: {  	[dreg:$0x5] =	wrdreg $0x9  }
0xb4: {  	_ =	task.clear_ibuf [dreg:s9], $0x6FFFF;
	_ =	strace $0x90000046  }
0xb5: {  	s29 =	simm.s32 $0x9;
	_ =	strace $0x80000048  }
0xb6: {  	_ =	swait.ge [sflag:s29], $0x1  }
0xb7: {  	[sflag:s29] =	ssyncadd.s32 $0xFFFFFFFF  }
0xb8: {  	_ =	strace $0x90000048  }
0xb9: {  	_ =	sfence  }
0xba: {  	s30 =	sld [smem:$0x0];
	_ =	sdelay $0x2  }
0xbb: {  	s31 =	sshll.u32 s1, $0xD;
	s1 =	sshrl.u32 s1, $0x2  }
0xbc: {  	s3 =	sand.u32 $0x4000, s31;
	s1 =	sadd.s32 s1, s30  }
0xbd: {  	s0 =	sor.u32 s3, s0;
	s1 =	sshll.u32 s1, $0x11  }
0xbe: {  	s0 =	sor.u32 s1, s0  }
0xbf: {  	s0 =	sadd.s32 $0x8F2B, s0  }
0xc0: {  	[sflag:s0] =	ssyncadd.remote.s32 $0x1  }
0xc1: {  	_ =	sfence.sel $0xFFFF  }
0xc2: {  	[dreg:$0x0] =	wrdreg $0xFFFFFFFF;
	(pc) =	sbr.abs _section_cstart, $3  }
0xc3: {  	[dreg:$0x1] =	wrdreg $0xFFFFFFFF  }
0xc4: {  	_ =	task.clear_ibuf [dreg:s9], $0x2FFFF;
	_ =	strace $0x9FFFFFFF  }
0xc5: {  	(tm) =	ssettm $0x7FFFFFFF  }
tec
execute0_lowered:
.L_overlay_start_1:
0x0: {  	(tag) =	ssettag $0x1  }
0x1: {  	v0 =	vimm.s32 $0x1380;
	vm14 =	vcmask $0x300  }
0x2: {  	vm13 =	vcmask $0x704;
	vm12 =	vcmask $0xB08;
	vm11 =	vcmask $0xF0C  }
0x3: {  	vm10 =	vcmask $0x1310;
	vm9 =	vcmask $0x1714;
	vm8 =	vcmask $0x1B18  }
0x4: {  	v1 =	vlaneseq.u32;
	vm6 =	vcmask $0x1F1C;
	vm0 =	vcmask $0x2320  }
0x5: {  	v3 =	vimm.s32 $0x5380;
	vm1 =	vcmask $0x2724;
	vm2 =	vcmask $0x2B28  }
0x6: {  	vm3 =	vcmask $0x2F2C;
	vm4 =	vcmask $0x3330;
	vm5 =	vcmask $0x3734  }
0x7: {  	vm7 =	vcmask $0x3B38;
	v7 =	vimm.s32 $0x7380;
	v8 =	vimm.s32 $0x1FF8  }
0x8: {  	v9 =	vimm.s32 $0x3FF8;
	v10 =	vimm.s32 $0x5FF8;
	v11 =	vimm.s32 $0x7FF8  }
0x9: {  	v12 =	vimm.s32 $0x1FF9;
	v13 =	vimm.s32 $0x3FF9;
	v14 =	vimm.s32 $0x5FF9  }
0xa: {  	v15 =	vimm.s32 $0x7FF9;
	v16 =	vimm.s32 $0x1FFA;
	v17 =	vimm.s32 $0x3FFA  }
0xb: {  	v18 =	vimm.s32 $0x5FFA;
	v19 =	vimm.s32 $0x7FFA;
	v20 =	vimm.s32 $0x1FFB  }
0xc: {  	v21 =	vimm.s32 $0x3FFB;
	v22 =	vimm.s32 $0x5FFB;
	v23 =	vimm.s32 $0x7FFB  }
0xd: {  	v24 =	vimm.s32 $0x1FFC;
	v25 =	vimm.s32 $0x3FFC;
	v26 =	vimm.s32 $0x5FFC  }
0xe: {  	v27 =	vimm.s32 $0x7FFC;
	v28 =	vimm.s32 $0x1FFD;
	v29 =	vimm.s32 $0x3FFD  }
0xf: {  	v30 =	vimm.s32 $0x5FFD;
	v31 =	vimm.s32 $0x7FFD;
	v32 =	vimm.s32 $0x1FFE  }
0x10: {  	v33 =	vimm.s32 $0x3FFE;
	v34 =	vimm.s32 $0x5FFE;
	v35 =	vimm.s32 $0x7FFE  }
0x11: {  	v36 =	vimm.s32 $0x1FFF;
	v37 =	vimm.s32 $0x3FFF;
	v38 =	vimm.s32 $0x5FFF  }
0x12: {  	v39 =	vimm.s32 $0x7FFF;
	v0 =	vsel vm14, $0x0, v0;
	v3 =	vsel vm14, $0x4000, v3  }
0x13: {  	v7 =	vsel vm14, $0x6000, v7;
	v8 =	vsel vm14, $0xC78, v8;
	v9 =	vsel vm14, $0x2C78, v9  }
0x14: {  	v10 =	vsel vm14, $0x4C78, v10;
	v11 =	vsel vm14, $0x6C78, v11;
	v12 =	vsel vm14, $0xC79, v12  }
0x15: {  	v13 =	vsel vm14, $0x2C79, v13;
	v14 =	vsel vm14, $0x4C79, v14;
	v15 =	vsel vm14, $0x6C79, v15  }
0x16: {  	v16 =	vsel vm14, $0xC7A, v16;
	v17 =	vsel vm14, $0x2C7A, v17;
	v18 =	vsel vm14, $0x4C7A, v18  }
0x17: {  	v19 =	vsel vm14, $0x6C7A, v19;
	v20 =	vsel vm14, $0xC7B, v20;
	v21 =	vsel vm14, $0x2C7B, v21  }
0x18: {  	v22 =	vsel vm14, $0x4C7B, v22;
	v23 =	vsel vm14, $0x6C7B, v23;
	v24 =	vsel vm14, $0xC7C, v24  }
0x19: {  	v25 =	vsel vm14, $0x2C7C, v25;
	v26 =	vsel vm14, $0x4C7C, v26;
	v27 =	vsel vm14, $0x6C7C, v27  }
0x1a: {  	v28 =	vsel vm14, $0xC7D, v28;
	v29 =	vsel vm14, $0x2C7D, v29;
	v30 =	vsel vm14, $0x4C7D, v30  }
0x1b: {  	v31 =	vsel vm14, $0x6C7D, v31;
	v32 =	vsel vm14, $0xC7E, v32;
	v33 =	vsel vm14, $0x2C7E, v33  }
0x1c: {  	v34 =	vsel vm14, $0x4C7E, v34;
	v35 =	vsel vm14, $0x6C7E, v35;
	v36 =	vsel vm14, $0xC7F, v36  }
0x1d: {  	v37 =	vsel vm14, $0x2C7F, v37;
	v38 =	vsel vm14, $0x4C7F, v38;
	v39 =	vsel vm14, $0x6C7F, v39  }
0x1e: {  	v0 =	vsel vm13, $0x80, v0;
	v3 =	vsel vm13, $0x4080, v3;
	v7 =	vsel vm13, $0x6080, v7  }
0x1f: {  	v8 =	vsel vm13, $0xCF8, v8;
	v9 =	vsel vm13, $0x2CF8, v9;
	v10 =	vsel vm13, $0x4CF8, v10  }
0x20: {  	v11 =	vsel vm13, $0x6CF8, v11;
	v12 =	vsel vm13, $0xCF9, v12;
	v13 =	vsel vm13, $0x2CF9, v13  }
0x21: {  	v14 =	vsel vm13, $0x4CF9, v14;
	v15 =	vsel vm13, $0x6CF9, v15;
	v16 =	vsel vm13, $0xCFA, v16  }
0x22: {  	v17 =	vsel vm13, $0x2CFA, v17;
	v18 =	vsel vm13, $0x4CFA, v18;
	v19 =	vsel vm13, $0x6CFA, v19  }
0x23: {  	v20 =	vsel vm13, $0xCFB, v20;
	v21 =	vsel vm13, $0x2CFB, v21;
	v22 =	vsel vm13, $0x4CFB, v22  }
0x24: {  	v23 =	vsel vm13, $0x6CFB, v23;
	v24 =	vsel vm13, $0xCFC, v24;
	v25 =	vsel vm13, $0x2CFC, v25  }
0x25: {  	v26 =	vsel vm13, $0x4CFC, v26;
	v27 =	vsel vm13, $0x6CFC, v27;
	v28 =	vsel vm13, $0xCFD, v28  }
0x26: {  	v29 =	vsel vm13, $0x2CFD, v29;
	v30 =	vsel vm13, $0x4CFD, v30;
	v31 =	vsel vm13, $0x6CFD, v31  }
0x27: {  	v32 =	vsel vm13, $0xCFE, v32;
	v33 =	vsel vm13, $0x2CFE, v33;
	v34 =	vsel vm13, $0x4CFE, v34  }
0x28: {  	v35 =	vsel vm13, $0x6CFE, v35;
	v36 =	vsel vm13, $0xCFF, v36;
	v37 =	vsel vm13, $0x2CFF, v37  }
0x29: {  	v38 =	vsel vm13, $0x4CFF, v38;
	v39 =	vsel vm13, $0x6CFF, v39;
	v0 =	vsel vm12, $0x100, v0  }
0x2a: {  	v3 =	vsel vm12, $0x4100, v3;
	v7 =	vsel vm12, $0x6100, v7;
	v8 =	vsel vm12, $0xD78, v8  }
0x2b: {  	v9 =	vsel vm12, $0x2D78, v9;
	v10 =	vsel vm12, $0x4D78, v10;
	v11 =	vsel vm12, $0x6D78, v11  }
0x2c: {  	v12 =	vsel vm12, $0xD79, v12;
	v13 =	vsel vm12, $0x2D79, v13;
	v14 =	vsel vm12, $0x4D79, v14  }
0x2d: {  	v15 =	vsel vm12, $0x6D79, v15;
	v16 =	vsel vm12, $0xD7A, v16;
	v17 =	vsel vm12, $0x2D7A, v17  }
0x2e: {  	v18 =	vsel vm12, $0x4D7A, v18;
	v19 =	vsel vm12, $0x6D7A, v19;
	v20 =	vsel vm12, $0xD7B, v20  }
0x2f: {  	v21 =	vsel vm12, $0x2D7B, v21;
	v22 =	vsel vm12, $0x4D7B, v22;
	v23 =	vsel vm12, $0x6D7B, v23  }
0x30: {  	v24 =	vsel vm12, $0xD7C, v24;
	v25 =	vsel vm12, $0x2D7C, v25;
	v26 =	vsel vm12, $0x4D7C, v26  }
0x31: {  	v27 =	vsel vm12, $0x6D7C, v27;
	v28 =	vsel vm12, $0xD7D, v28;
	v29 =	vsel vm12, $0x2D7D, v29  }
0x32: {  	v30 =	vsel vm12, $0x4D7D, v30;
	v31 =	vsel vm12, $0x6D7D, v31;
	v32 =	vsel vm12, $0xD7E, v32  }
0x33: {  	v33 =	vsel vm12, $0x2D7E, v33;
	v34 =	vsel vm12, $0x4D7E, v34;
	v35 =	vsel vm12, $0x6D7E, v35  }
0x34: {  	v36 =	vsel vm12, $0xD7F, v36;
	v37 =	vsel vm12, $0x2D7F, v37;
	v38 =	vsel vm12, $0x4D7F, v38  }
0x35: {  	v39 =	vsel vm12, $0x6D7F, v39;
	v0 =	vsel vm11, $0x180, v0;
	v3 =	vsel vm11, $0x4180, v3  }
0x36: {  	v7 =	vsel vm11, $0x6180, v7;
	v8 =	vsel vm11, $0xDF8, v8;
	v9 =	vsel vm11, $0x2DF8, v9  }
0x37: {  	v10 =	vsel vm11, $0x4DF8, v10;
	v11 =	vsel vm11, $0x6DF8, v11;
	v12 =	vsel vm11, $0xDF9, v12  }
0x38: {  	v13 =	vsel vm11, $0x2DF9, v13;
	v14 =	vsel vm11, $0x4DF9, v14;
	v15 =	vsel vm11, $0x6DF9, v15  }
0x39: {  	v16 =	vsel vm11, $0xDFA, v16;
	v17 =	vsel vm11, $0x2DFA, v17;
	v18 =	vsel vm11, $0x4DFA, v18  }
0x3a: {  	v19 =	vsel vm11, $0x6DFA, v19;
	v20 =	vsel vm11, $0xDFB, v20;
	v21 =	vsel vm11, $0x2DFB, v21  }
0x3b: {  	v22 =	vsel vm11, $0x4DFB, v22;
	v23 =	vsel vm11, $0x6DFB, v23;
	v24 =	vsel vm11, $0xDFC, v24  }
0x3c: {  	v25 =	vsel vm11, $0x2DFC, v25;
	v26 =	vsel vm11, $0x4DFC, v26;
	v27 =	vsel vm11, $0x6DFC, v27  }
0x3d: {  	v28 =	vsel vm11, $0xDFD, v28;
	v29 =	vsel vm11, $0x2DFD, v29;
	v30 =	vsel vm11, $0x4DFD, v30  }
0x3e: {  	v31 =	vsel vm11, $0x6DFD, v31;
	v32 =	vsel vm11, $0xDFE, v32;
	v33 =	vsel vm11, $0x2DFE, v33  }
0x3f: {  	v34 =	vsel vm11, $0x4DFE, v34;
	v35 =	vsel vm11, $0x6DFE, v35;
	v36 =	vsel vm11, $0xDFF, v36  }
0x40: {  	v37 =	vsel vm11, $0x2DFF, v37;
	v38 =	vsel vm11, $0x4DFF, v38;
	v39 =	vsel vm11, $0x6DFF, v39  }
0x41: {  	v0 =	vsel vm10, $0x200, v0;
	v3 =	vsel vm10, $0x4200, v3;
	v7 =	vsel vm10, $0x6200, v7  }
0x42: {  	v8 =	vsel vm10, $0xE78, v8;
	v9 =	vsel vm10, $0x2E78, v9;
	v10 =	vsel vm10, $0x4E78, v10  }
0x43: {  	v11 =	vsel vm10, $0x6E78, v11;
	v12 =	vsel vm10, $0xE79, v12;
	v13 =	vsel vm10, $0x2E79, v13  }
0x44: {  	v14 =	vsel vm10, $0x4E79, v14;
	v15 =	vsel vm10, $0x6E79, v15;
	v16 =	vsel vm10, $0xE7A, v16  }
0x45: {  	v17 =	vsel vm10, $0x2E7A, v17;
	v18 =	vsel vm10, $0x4E7A, v18;
	v19 =	vsel vm10, $0x6E7A, v19  }
0x46: {  	v20 =	vsel vm10, $0xE7B, v20;
	v21 =	vsel vm10, $0x2E7B, v21;
	v22 =	vsel vm10, $0x4E7B, v22  }
0x47: {  	v23 =	vsel vm10, $0x6E7B, v23;
	v24 =	vsel vm10, $0xE7C, v24;
	v25 =	vsel vm10, $0x2E7C, v25  }
0x48: {  	v26 =	vsel vm10, $0x4E7C, v26;
	v27 =	vsel vm10, $0x6E7C, v27;
	v28 =	vsel vm10, $0xE7D, v28  }
0x49: {  	v29 =	vsel vm10, $0x2E7D, v29;
	v30 =	vsel vm10, $0x4E7D, v30;
	v31 =	vsel vm10, $0x6E7D, v31  }
0x4a: {  	v32 =	vsel vm10, $0xE7E, v32;
	v33 =	vsel vm10, $0x2E7E, v33;
	v34 =	vsel vm10, $0x4E7E, v34  }
0x4b: {  	v35 =	vsel vm10, $0x6E7E, v35;
	v36 =	vsel vm10, $0xE7F, v36;
	v37 =	vsel vm10, $0x2E7F, v37  }
0x4c: {  	v38 =	vsel vm10, $0x4E7F, v38;
	v39 =	vsel vm10, $0x6E7F, v39;
	v0 =	vsel vm9, $0x280, v0  }
0x4d: {  	v3 =	vsel vm9, $0x4280, v3;
	v7 =	vsel vm9, $0x6280, v7;
	v8 =	vsel vm9, $0xEF8, v8  }
0x4e: {  	v9 =	vsel vm9, $0x2EF8, v9;
	v10 =	vsel vm9, $0x4EF8, v10;
	v11 =	vsel vm9, $0x6EF8, v11  }
0x4f: {  	v12 =	vsel vm9, $0xEF9, v12;
	v13 =	vsel vm9, $0x2EF9, v13;
	v14 =	vsel vm9, $0x4EF9, v14  }
0x50: {  	v15 =	vsel vm9, $0x6EF9, v15;
	v16 =	vsel vm9, $0xEFA, v16;
	v17 =	vsel vm9, $0x2EFA, v17  }
0x51: {  	v18 =	vsel vm9, $0x4EFA, v18;
	v19 =	vsel vm9, $0x6EFA, v19;
	v20 =	vsel vm9, $0xEFB, v20  }
0x52: {  	v21 =	vsel vm9, $0x2EFB, v21;
	v22 =	vsel vm9, $0x4EFB, v22;
	v23 =	vsel vm9, $0x6EFB, v23  }
0x53: {  	v24 =	vsel vm9, $0xEFC, v24;
	v25 =	vsel vm9, $0x2EFC, v25;
	v26 =	vsel vm9, $0x4EFC, v26  }
0x54: {  	v27 =	vsel vm9, $0x6EFC, v27;
	v28 =	vsel vm9, $0xEFD, v28;
	v29 =	vsel vm9, $0x2EFD, v29  }
0x55: {  	v30 =	vsel vm9, $0x4EFD, v30;
	v31 =	vsel vm9, $0x6EFD, v31;
	v32 =	vsel vm9, $0xEFE, v32  }
0x56: {  	v33 =	vsel vm9, $0x2EFE, v33;
	v34 =	vsel vm9, $0x4EFE, v34;
	v35 =	vsel vm9, $0x6EFE, v35  }
0x57: {  	v36 =	vsel vm9, $0xEFF, v36;
	v37 =	vsel vm9, $0x2EFF, v37;
	v38 =	vsel vm9, $0x4EFF, v38  }
0x58: {  	v39 =	vsel vm9, $0x6EFF, v39;
	v2 =	vsel vm8, $0x300, v0;
	v0 =	vmul.u32 $0x80, v1  }
0x59: {  	v3 =	vsel vm8, $0x4300, v3;
	v7 =	vsel vm8, $0x6300, v7;
	v8 =	vsel vm8, $0xF78, v8  }
0x5a: {  	v9 =	vsel vm8, $0x2F78, v9;
	v10 =	vsel vm8, $0x4F78, v10;
	v11 =	vsel vm8, $0x6F78, v11  }
0x5b: {  	v12 =	vsel vm8, $0xF79, v12;
	v13 =	vsel vm8, $0x2F79, v13;
	v14 =	vsel vm8, $0x4F79, v14  }
0x5c: {  	v15 =	vsel vm8, $0x6F79, v15;
	v16 =	vsel vm8, $0xF7A, v16;
	v17 =	vsel vm8, $0x2F7A, v17  }
0x5d: {  	v18 =	vsel vm8, $0x4F7A, v18;
	v19 =	vsel vm8, $0x6F7A, v19;
	v20 =	vsel vm8, $0xF7B, v20  }
0x5e: {  	v21 =	vsel vm8, $0x2F7B, v21;
	v22 =	vsel vm8, $0x4F7B, v22;
	v23 =	vsel vm8, $0x6F7B, v23  }
0x5f: {  	v24 =	vsel vm8, $0xF7C, v24;
	v25 =	vsel vm8, $0x2F7C, v25;
	v26 =	vsel vm8, $0x4F7C, v26  }
0x60: {  	v27 =	vsel vm8, $0x6F7C, v27;
	v28 =	vsel vm8, $0xF7D, v28;
	v29 =	vsel vm8, $0x2F7D, v29  }
0x61: {  	v30 =	vsel vm8, $0x4F7D, v30;
	v31 =	vsel vm8, $0x6F7D, v31;
	v32 =	vsel vm8, $0xF7E, v32  }
0x62: {  	v33 =	vsel vm8, $0x2F7E, v33;
	v34 =	vsel vm8, $0x4F7E, v34;
	v35 =	vsel vm8, $0x6F7E, v35  }
0x63: {  	v36 =	vsel vm8, $0xF7F, v36;
	v37 =	vsel vm8, $0x2F7F, v37;
	v38 =	vsel vm8, $0x4F7F, v38  }
0x64: {  	v39 =	vsel vm8, $0x6F7F, v39;
	v1 =	vsel vm6, $0x380, v2;
	v2 =	vimm.s32 $0x3380  }
0x65: {  	v3 =	vsel vm6, $0x4380, v3;
	v7 =	vsel vm6, $0x6380, v7;
	v8 =	vsel vm6, $0xFF8, v8  }
0x66: {  	v9 =	vsel vm6, $0x2FF8, v9;
	v10 =	vsel vm6, $0x4FF8, v10;
	v11 =	vsel vm6, $0x6FF8, v11  }
0x67: {  	v12 =	vsel vm6, $0xFF9, v12;
	v13 =	vsel vm6, $0x2FF9, v13;
	v14 =	vsel vm6, $0x4FF9, v14  }
0x68: {  	v15 =	vsel vm6, $0x6FF9, v15;
	v16 =	vsel vm6, $0xFFA, v16;
	v17 =	vsel vm6, $0x2FFA, v17  }
0x69: {  	v18 =	vsel vm6, $0x4FFA, v18;
	v19 =	vsel vm6, $0x6FFA, v19;
	v20 =	vsel vm6, $0xFFB, v20  }
0x6a: {  	v21 =	vsel vm6, $0x2FFB, v21;
	v22 =	vsel vm6, $0x4FFB, v22;
	v23 =	vsel vm6, $0x6FFB, v23  }
0x6b: {  	v24 =	vsel vm6, $0xFFC, v24;
	v25 =	vsel vm6, $0x2FFC, v25;
	v26 =	vsel vm6, $0x4FFC, v26  }
0x6c: {  	v27 =	vsel vm6, $0x6FFC, v27;
	v28 =	vsel vm6, $0xFFD, v28;
	v29 =	vsel vm6, $0x2FFD, v29  }
0x6d: {  	v30 =	vsel vm6, $0x4FFD, v30;
	v31 =	vsel vm6, $0x6FFD, v31;
	v32 =	vsel vm6, $0xFFE, v32  }
0x6e: {  	v33 =	vsel vm6, $0x2FFE, v33;
	v34 =	vsel vm6, $0x4FFE, v34;
	v35 =	vsel vm6, $0x6FFE, v35  }
0x6f: {  	v36 =	vsel vm6, $0xFFF, v36;
	v37 =	vsel vm6, $0x2FFF, v37;
	v38 =	vsel vm6, $0x4FFF, v38  }
0x70: {  	v39 =	vsel vm6, $0x6FFF, v39;
	v2 =	vsel vm14, $0x2000, v2;
	v1 =	vsel vm0, $0x1000, v1  }
0x71: {  	v3 =	vsel vm0, $0x5000, v3;
	v6 =	vor.u32 $0x1800, v0;
	v7 =	vsel vm0, $0x7000, v7  }
0x72: {  	v8 =	vsel vm0, $0x1C78, v8;
	v9 =	vsel vm0, $0x3C78, v9;
	v10 =	vsel vm0, $0x5C78, v10  }
0x73: {  	v11 =	vsel vm0, $0x7C78, v11;
	v12 =	vsel vm0, $0x1C79, v12;
	v13 =	vsel vm0, $0x3C79, v13  }
0x74: {  	v14 =	vsel vm0, $0x5C79, v14;
	v15 =	vsel vm0, $0x7C79, v15;
	v16 =	vsel vm0, $0x1C7A, v16  }
0x75: {  	v17 =	vsel vm0, $0x3C7A, v17;
	v18 =	vsel vm0, $0x5C7A, v18;
	v19 =	vsel vm0, $0x7C7A, v19  }
0x76: {  	v20 =	vsel vm0, $0x1C7B, v20;
	v21 =	vsel vm0, $0x3C7B, v21;
	v22 =	vsel vm0, $0x5C7B, v22  }
0x77: {  	v23 =	vsel vm0, $0x7C7B, v23;
	v24 =	vsel vm0, $0x1C7C, v24;
	v25 =	vsel vm0, $0x3C7C, v25  }
0x78: {  	v26 =	vsel vm0, $0x5C7C, v26;
	v27 =	vsel vm0, $0x7C7C, v27;
	v28 =	vsel vm0, $0x1C7D, v28  }
0x79: {  	v29 =	vsel vm0, $0x3C7D, v29;
	v30 =	vsel vm0, $0x5C7D, v30;
	v31 =	vsel vm0, $0x7C7D, v31  }
0x7a: {  	v32 =	vsel vm0, $0x1C7E, v32;
	v33 =	vsel vm0, $0x3C7E, v33;
	v34 =	vsel vm0, $0x5C7E, v34  }
0x7b: {  	v35 =	vsel vm0, $0x7C7E, v35;
	v36 =	vsel vm0, $0x1C7F, v36;
	v37 =	vsel vm0, $0x3C7F, v37  }
0x7c: {  	v38 =	vsel vm0, $0x5C7F, v38;
	v39 =	vsel vm0, $0x7C7F, v39;
	v2 =	vsel vm13, $0x2080, v2  }
0x7d: {  	v1 =	vsel vm1, $0x1080, v1;
	v3 =	vsel vm1, $0x5080, v3;
	v7 =	vsel vm1, $0x7080, v7  }
0x7e: {  	v8 =	vsel vm1, $0x1CF8, v8;
	v9 =	vsel vm1, $0x3CF8, v9;
	v10 =	vsel vm1, $0x5CF8, v10  }
0x7f: {  	v11 =	vsel vm1, $0x7CF8, v11;
	v12 =	vsel vm1, $0x1CF9, v12;
	v13 =	vsel vm1, $0x3CF9, v13  }
0x80: {  	v14 =	vsel vm1, $0x5CF9, v14;
	v15 =	vsel vm1, $0x7CF9, v15;
	v16 =	vsel vm1, $0x1CFA, v16  }
0x81: {  	v17 =	vsel vm1, $0x3CFA, v17;
	v18 =	vsel vm1, $0x5CFA, v18;
	v19 =	vsel vm1, $0x7CFA, v19  }
0x82: {  	v20 =	vsel vm1, $0x1CFB, v20;
	v21 =	vsel vm1, $0x3CFB, v21;
	v22 =	vsel vm1, $0x5CFB, v22  }
0x83: {  	v23 =	vsel vm1, $0x7CFB, v23;
	v24 =	vsel vm1, $0x1CFC, v24;
	v25 =	vsel vm1, $0x3CFC, v25  }
0x84: {  	v26 =	vsel vm1, $0x5CFC, v26;
	v27 =	vsel vm1, $0x7CFC, v27;
	v28 =	vsel vm1, $0x1CFD, v28  }
0x85: {  	v29 =	vsel vm1, $0x3CFD, v29;
	v30 =	vsel vm1, $0x5CFD, v30;
	v31 =	vsel vm1, $0x7CFD, v31  }
0x86: {  	v32 =	vsel vm1, $0x1CFE, v32;
	v33 =	vsel vm1, $0x3CFE, v33;
	v34 =	vsel vm1, $0x5CFE, v34  }
0x87: {  	v35 =	vsel vm1, $0x7CFE, v35;
	v36 =	vsel vm1, $0x1CFF, v36;
	v37 =	vsel vm1, $0x3CFF, v37  }
0x88: {  	v38 =	vsel vm1, $0x5CFF, v38;
	v39 =	vsel vm1, $0x7CFF, v39;
	v2 =	vsel vm12, $0x2100, v2  }
0x89: {  	v1 =	vsel vm2, $0x1100, v1;
	v3 =	vsel vm2, $0x5100, v3;
	v7 =	vsel vm2, $0x7100, v7  }
0x8a: {  	v8 =	vsel vm2, $0x1D78, v8;
	v9 =	vsel vm2, $0x3D78, v9;
	v10 =	vsel vm2, $0x5D78, v10  }
0x8b: {  	v11 =	vsel vm2, $0x7D78, v11;
	v12 =	vsel vm2, $0x1D79, v12;
	v13 =	vsel vm2, $0x3D79, v13  }
0x8c: {  	v14 =	vsel vm2, $0x5D79, v14;
	v15 =	vsel vm2, $0x7D79, v15;
	v16 =	vsel vm2, $0x1D7A, v16  }
0x8d: {  	v17 =	vsel vm2, $0x3D7A, v17;
	v18 =	vsel vm2, $0x5D7A, v18;
	v19 =	vsel vm2, $0x7D7A, v19  }
0x8e: {  	v20 =	vsel vm2, $0x1D7B, v20;
	v21 =	vsel vm2, $0x3D7B, v21;
	v22 =	vsel vm2, $0x5D7B, v22  }
0x8f: {  	v23 =	vsel vm2, $0x7D7B, v23;
	v24 =	vsel vm2, $0x1D7C, v24;
	v25 =	vsel vm2, $0x3D7C, v25  }
0x90: {  	v26 =	vsel vm2, $0x5D7C, v26;
	v27 =	vsel vm2, $0x7D7C, v27;
	v28 =	vsel vm2, $0x1D7D, v28  }
0x91: {  	v29 =	vsel vm2, $0x3D7D, v29;
	v30 =	vsel vm2, $0x5D7D, v30;
	v31 =	vsel vm2, $0x7D7D, v31  }
0x92: {  	v32 =	vsel vm2, $0x1D7E, v32;
	v33 =	vsel vm2, $0x3D7E, v33;
	v34 =	vsel vm2, $0x5D7E, v34  }
0x93: {  	v35 =	vsel vm2, $0x7D7E, v35;
	v36 =	vsel vm2, $0x1D7F, v36;
	v37 =	vsel vm2, $0x3D7F, v37  }
0x94: {  	v38 =	vsel vm2, $0x5D7F, v38;
	v39 =	vsel vm2, $0x7D7F, v39;
	v2 =	vsel vm11, $0x2180, v2  }
0x95: {  	v1 =	vsel vm3, $0x1180, v1;
	v3 =	vsel vm3, $0x5180, v3;
	v7 =	vsel vm3, $0x7180, v7  }
0x96: {  	v8 =	vsel vm3, $0x1DF8, v8;
	v9 =	vsel vm3, $0x3DF8, v9;
	v10 =	vsel vm3, $0x5DF8, v10  }
0x97: {  	v11 =	vsel vm3, $0x7DF8, v11;
	v12 =	vsel vm3, $0x1DF9, v12;
	v13 =	vsel vm3, $0x3DF9, v13  }
0x98: {  	v14 =	vsel vm3, $0x5DF9, v14;
	v15 =	vsel vm3, $0x7DF9, v15;
	v16 =	vsel vm3, $0x1DFA, v16  }
0x99: {  	v17 =	vsel vm3, $0x3DFA, v17;
	v18 =	vsel vm3, $0x5DFA, v18;
	v19 =	vsel vm3, $0x7DFA, v19  }
0x9a: {  	v20 =	vsel vm3, $0x1DFB, v20;
	v21 =	vsel vm3, $0x3DFB, v21;
	v22 =	vsel vm3, $0x5DFB, v22  }
0x9b: {  	v23 =	vsel vm3, $0x7DFB, v23;
	v24 =	vsel vm3, $0x1DFC, v24;
	v25 =	vsel vm3, $0x3DFC, v25  }
0x9c: {  	v26 =	vsel vm3, $0x5DFC, v26;
	v27 =	vsel vm3, $0x7DFC, v27;
	v28 =	vsel vm3, $0x1DFD, v28  }
0x9d: {  	v29 =	vsel vm3, $0x3DFD, v29;
	v30 =	vsel vm3, $0x5DFD, v30;
	v31 =	vsel vm3, $0x7DFD, v31  }
0x9e: {  	v32 =	vsel vm3, $0x1DFE, v32;
	v33 =	vsel vm3, $0x3DFE, v33;
	v34 =	vsel vm3, $0x5DFE, v34  }
0x9f: {  	v35 =	vsel vm3, $0x7DFE, v35;
	v36 =	vsel vm3, $0x1DFF, v36;
	v37 =	vsel vm3, $0x3DFF, v37  }
0xa0: {  	v38 =	vsel vm3, $0x5DFF, v38;
	v39 =	vsel vm3, $0x7DFF, v39;
	v2 =	vsel vm10, $0x2200, v2  }
0xa1: {  	v1 =	vsel vm4, $0x1200, v1;
	v5 =	vsel vm4, $0x5200, v3;
	v7 =	vsel vm4, $0x7200, v7  }
0xa2: {  	v8 =	vsel vm4, $0x1E78, v8;
	v9 =	vsel vm4, $0x3E78, v9;
	v10 =	vsel vm4, $0x5E78, v10  }
0xa3: {  	v11 =	vsel vm4, $0x7E78, v11;
	v12 =	vsel vm4, $0x1E79, v12;
	v13 =	vsel vm4, $0x3E79, v13  }
0xa4: {  	v14 =	vsel vm4, $0x5E79, v14;
	v15 =	vsel vm4, $0x7E79, v15;
	v16 =	vsel vm4, $0x1E7A, v16  }
0xa5: {  	v17 =	vsel vm4, $0x3E7A, v17;
	v18 =	vsel vm4, $0x5E7A, v18;
	v19 =	vsel vm4, $0x7E7A, v19  }
0xa6: {  	v20 =	vsel vm4, $0x1E7B, v20;
	v21 =	vsel vm4, $0x3E7B, v21;
	v22 =	vsel vm4, $0x5E7B, v22  }
0xa7: {  	v23 =	vsel vm4, $0x7E7B, v23;
	v24 =	vsel vm4, $0x1E7C, v24;
	v25 =	vsel vm4, $0x3E7C, v25  }
0xa8: {  	v26 =	vsel vm4, $0x5E7C, v26;
	v27 =	vsel vm4, $0x7E7C, v27;
	v28 =	vsel vm4, $0x1E7D, v28  }
0xa9: {  	v29 =	vsel vm4, $0x3E7D, v29;
	v30 =	vsel vm4, $0x5E7D, v30;
	v31 =	vsel vm4, $0x7E7D, v31  }
0xaa: {  	v32 =	vsel vm4, $0x1E7E, v32;
	v33 =	vsel vm4, $0x3E7E, v33;
	v34 =	vsel vm4, $0x5E7E, v34  }
0xab: {  	v35 =	vsel vm4, $0x7E7E, v35;
	v36 =	vsel vm4, $0x1E7F, v36;
	v37 =	vsel vm4, $0x3E7F, v37  }
0xac: {  	v38 =	vsel vm4, $0x5E7F, v38;
	v39 =	vsel vm4, $0x7E7F, v39;
	v2 =	vsel vm9, $0x2280, v2  }
0xad: {  	v1 =	vsel vm5, $0x1280, v1;
	v5 =	vsel vm5, $0x5280, v5;
	v7 =	vsel vm5, $0x7280, v7  }
0xae: {  	v8 =	vsel vm5, $0x1EF8, v8;
	v9 =	vsel vm5, $0x3EF8, v9;
	v10 =	vsel vm5, $0x5EF8, v10  }
0xaf: {  	v11 =	vsel vm5, $0x7EF8, v11;
	v12 =	vsel vm5, $0x1EF9, v12;
	v13 =	vsel vm5, $0x3EF9, v13  }
0xb0: {  	v14 =	vsel vm5, $0x5EF9, v14;
	v15 =	vsel vm5, $0x7EF9, v15;
	v16 =	vsel vm5, $0x1EFA, v16  }
0xb1: {  	v17 =	vsel vm5, $0x3EFA, v17;
	v18 =	vsel vm5, $0x5EFA, v18;
	v19 =	vsel vm5, $0x7EFA, v19  }
0xb2: {  	v20 =	vsel vm5, $0x1EFB, v20;
	v21 =	vsel vm5, $0x3EFB, v21;
	v22 =	vsel vm5, $0x5EFB, v22  }
0xb3: {  	v23 =	vsel vm5, $0x7EFB, v23;
	v24 =	vsel vm5, $0x1EFC, v24;
	v25 =	vsel vm5, $0x3EFC, v25  }
0xb4: {  	v26 =	vsel vm5, $0x5EFC, v26;
	v27 =	vsel vm5, $0x7EFC, v27;
	v28 =	vsel vm5, $0x1EFD, v28  }
0xb5: {  	v29 =	vsel vm5, $0x3EFD, v29;
	v30 =	vsel vm5, $0x5EFD, v30;
	v31 =	vsel vm5, $0x7EFD, v31  }
0xb6: {  	v32 =	vsel vm5, $0x1EFE, v32;
	v33 =	vsel vm5, $0x3EFE, v33;
	v34 =	vsel vm5, $0x5EFE, v34  }
0xb7: {  	v35 =	vsel vm5, $0x7EFE, v35;
	v36 =	vsel vm5, $0x1EFF, v36;
	v37 =	vsel vm5, $0x3EFF, v37  }
0xb8: {  	v38 =	vsel vm5, $0x5EFF, v38;
	v39 =	vsel vm5, $0x7EFF, v39;
	v2 =	vsel vm8, $0x2300, v2  }
0xb9: {  	s1 =	rddreg [dreg:$0x0];
	v1 =	vsel vm7, $0x1300, v1;
	v5 =	vsel vm7, $0x5300, v5;
	v7 =	vsel vm7, $0x7300, v7  }
0xba: {  	s0 =	rddreg [dreg:$0x1];
	v8 =	vsel vm7, $0x1F78, v8;
	v9 =	vsel vm7, $0x3F78, v9;
	v10 =	vsel vm7, $0x5F78, v10  }
0xbb: {  	s2 =	rddreg [dreg:$0x2];
	s4 =	srdreg.scid;
	v11 =	vsel vm7, $0x7F78, v11;
	v12 =	vsel vm7, $0x1F79, v12;
	v13 =	vsel vm7, $0x3F79, v13  }
0xbc: {  	s3 =	simm.s32 $0x0;
	s6 =	stileid.u32;
	s8 =	simm.s32 $0x1;
	v14 =	vsel vm7, $0x5F79, v14;
	v15 =	vsel vm7, $0x7F79, v15;
	v16 =	vsel vm7, $0x1F7A, v16  }
0xbd: {  	s9 =	simm.s32 $0x280;
	s10 =	simm.s32 $0x10280;
	s11 =	simm.s32 $0x2;
	v17 =	vsel vm7, $0x3F7A, v17;
	v18 =	vsel vm7, $0x5F7A, v18;
	v19 =	vsel vm7, $0x7F7A, v19  }
0xbe: {  	s12 =	simm.s32 $0x2280;
	s13 =	simm.s32 $0x3;
	s14 =	simm.s32 $0x4280;
	v20 =	vsel vm7, $0x1F7B, v20;
	v21 =	vsel vm7, $0x3F7B, v21;
	v22 =	vsel vm7, $0x5F7B, v22  }
0xbf: {  	s15 =	simm.s32 $0x4;
	s16 =	simm.s32 $0x6280;
	s17 =	simm.s32 $0x5;
	v23 =	vsel vm7, $0x7F7B, v23;
	v24 =	vsel vm7, $0x1F7C, v24;
	v25 =	vsel vm7, $0x3F7C, v25  }
0xc0: {  	s18 =	simm.s32 $0x8280;
	s19 =	simm.s32 $0x6;
	s20 =	simm.s32 $0xA280;
	v26 =	vsel vm7, $0x5F7C, v26;
	v27 =	vsel vm7, $0x7F7C, v27;
	v2 =	vsel vm6, $0x2380, v2  }
0xc1: {  	s21 =	simm.s32 $0x7;
	s22 =	simm.s32 $0xC280;
	s23 =	simm.s32 $0x8;
	v28 =	vsel vm7, $0x1F7D, v28;
	v29 =	vsel vm7, $0x3F7D, v29;
	v2 =	vsel vm0, $0x3000, v2  }
0xc2: {  	s24 =	simm.s32 $0xE280;
	s4 =	sand.u32 $0x1, s4;
	s6 =	sshll.u32 s6, $0xA;
	v30 =	vsel vm7, $0x5F7D, v30;
	v31 =	vsel vm7, $0x7F7D, v31;
	v2 =	vsel vm1, $0x3080, v2  }
0xc3: {  	[smem:$0x7FF] =	sst s3;
	s5 =	ssub.s32 $0x2, s4;
	s4 =	sshll.u32 s4, $0x9;
	v32 =	vsel vm7, $0x1F7E, v32;
	v33 =	vsel vm7, $0x3F7E, v33;
	v2 =	vsel vm2, $0x3100, v2  }
0xc4: {  	s28 =	simm.s32 $0x0;
	_ =	strace $0x80000047;
	s6 =	sor.u32 s4, s6;
	v34 =	vsel vm7, $0x5F7E, v34;
	v35 =	vsel vm7, $0x7F7E, v35;
	v2 =	vsel vm3, $0x3180, v2  }
0xc5: {  	s7 =	sshrl.u32 s5, $0x1;
	s4 =	sshrl.u32 s6, $0x3;
	s31 =	sadd.s32 s2, s6;
	v36 =	vsel vm7, $0x1F7F, v36;
	v37 =	vsel vm7, $0x3F7F, v37;
	v2 =	vsel vm4, $0x3200, v2  }
0xc6: {  	s7 =	ssub.s32 s5, s7;
	s1 =	sadd.s32 s1, s4;
	[dreg:$0x5] =	wrdreg s31;
	v38 =	vsel vm7, $0x5F7F, v38;
	v39 =	vsel vm7, $0x7F7F, v39;
	v4 =	vsel vm5, $0x3280, v2  }
0xc7: {  	s6 =	smax.u32 s7, $0x1;
	s7 =	simm.s32 $0x9;
	[dreg:$0x4] =	wrdreg s1;
	v2 =	vor.u32 $0x800, v0;
	v3 =	vsel vm7, $0x3300, v4;
	v4 =	vor.u32 $0x1000, v0  }
.LBB2_1:
0xc8: {  	s1 =	rddreg [dreg:$0x4]  }
0xc9: {  	[tilespmem:s3], [sflag:$0x9] =	stream.linear.gather [hbm4b:s1+s3], $0x200, $0x38;
	[tilespmem:$0x18280] =	vst v63  }
0xca: {  	_ =	swait.ge [sflag:s7], $0x200  }
0xcb: {  	[sflag:s7] =	ssyncset.done $0x0  }
0xcc: {  	[sflag:s7] =	ssyncadd.s32 $0xFFFFFE00  }
0xcd: {  	v40 =	vld [tilespmem:$0x0];
	_ =	sdelay $0x4  }
0xce: {  	(v2sf) =	vpush v40, $0x0;
	_ =	sdelay $0xe  }
0xcf: {  	s31 =	spop (v2sf)  }
0xd0: {  	s2 =	sshll.u32 s31, $0x3  }
0xd1: {  	s1 =	sand.u32 $0x70, s31;
	s2 =	sand.u32 $0xFFFFFC00, s2  }
0xd2: {  	s1 =	sor.u32 s1, s2  }
0xd3: {  	s1 =	sshrl.u32 s1, $0x3  }
0xd4: {  	s4 =	simm.s32 $0x280;
	s1 =	sadd.s32 s0, s1  }
0xd5: {  	[tilespmem:s4], [sflag:$0x1] =	stream.linear.gather [hbm4b:s1+s3], $0x10, $0x38;
	[tilespmem:$0x18280] =	vst v63  }
0xd6: {  	s25 =	simm.s32 $0x300;
	s5 =	sadd.s32 $0x10, s1  }
0xd7: {  	[tilespmem:s25], [sflag:$0x1] =	stream.linear.gather [hbm4b:s5+s3], $0x10, $0x38;
	[tilespmem:$0x18280] =	vst v63  }
0xd8: {  	s29 =	simm.s32 $0x400;
	s31 =	simm.s32 $0x380;
	s26 =	sadd.s32 $0x20, s1  }
0xd9: {  	[tilespmem:s31], [sflag:$0x1] =	stream.linear.gather [hbm4b:s26+s3], $0x10, $0x38;
	[tilespmem:$0x18280] =	vst v63  }
0xda: {  	s30 =	simm.s32 $0x2000;
	s4 =	sadd.s32 $0x30, s1;
	s5 =	simm.s32 $0x400  }
0xdb: {  	[tilespmem:s5], [sflag:$0x1] =	stream.linear.gather [hbm4b:s4+s3], $0x10, $0x38;
	[tilespmem:$0x18280] =	vst v63  }
0xdc: {  	s2 =	sadd.s32 $0x70, s1;
	s26 =	sadd.s32 $0x40, s1;
	s31 =	simm.s32 $0x480  }
0xdd: {  	[tilespmem:s31], [sflag:$0x1] =	stream.linear.gather [hbm4b:s26+s3], $0x10, $0x38;
	[tilespmem:$0x18280] =	vst v63  }
0xde: {  	s25 =	simm.s32 $0x600;
	s4 =	sadd.s32 $0x50, s1;
	s5 =	simm.s32 $0x500  }
0xdf: {  	[tilespmem:s5], [sflag:$0x1] =	stream.linear.gather [hbm4b:s4+s3], $0x10, $0x38;
	[tilespmem:$0x18280] =	vst v63  }
0xe0: {  	s26 =	sadd.s32 $0x60, s1;
	s31 =	simm.s32 $0x580;
	s1 =	sadd.s32 $0xF4280, s1  }
0xe1: {  	[tilespmem:s31], [sflag:$0x1] =	stream.linear.gather [hbm4b:s26+s3], $0x10, $0x38;
	[tilespmem:$0x18280] =	vst v63  }
.LBB2_2:
0xe2: {  	[tilespmem:s25], [sflag:$0x1] =	stream.linear.gather [hbm4b:s2+s3], $0x10, $0x38;
	[tilespmem:$0x18280] =	vst v63  }
0xe3: {  	s25 =	smov.u32 s29;
	s2 =	smov.u32 s30  }
0xe4: {  	s26 =	sadd.s32 $0x1000, s30;
	s29 =	sshra.s32 s2, $0x2;
	s2 =	sadd.s32 $0x280, s25  }
0xe5: {  	[tilespmem:s2], [sflag:$0x1] =	stream.linear.gather [hbm4b:s1+s3], $0x10, $0x38;
	[tilespmem:$0x18280] =	vst v63  }
0xe6: {  	p0 =	sne.s32 s30, $0x7000;
	s30 =	sadd.s32 $0x300, s25;
	s2 =	sadd.s32 $0x10, s1  }
0xe7: {  	[tilespmem:s30], [sflag:$0x1] =	stream.linear.gather [hbm4b:s2+s3], $0x10, $0x38;
	[tilespmem:$0x18280] =	vst v63  }
0xe8: {  	s2 =	sadd.s32 $0x20, s1;
	s30 =	sadd.s32 $0x380, s25  }
0xe9: {  	[tilespmem:s30], [sflag:$0x1] =	stream.linear.gather [hbm4b:s2+s3], $0x10, $0x38;
	[tilespmem:$0x18280] =	vst v63  }
0xea: {  	s2 =	sadd.s32 $0x30, s1;
	s30 =	sadd.s32 $0x400, s25  }
0xeb: {  	[tilespmem:s30], [sflag:$0x1] =	stream.linear.gather [hbm4b:s2+s3], $0x10, $0x38;
	[tilespmem:$0x18280] =	vst v63  }
0xec: {  	s2 =	sadd.s32 $0x40, s1;
	s30 =	sadd.s32 $0x480, s25  }
0xed: {  	[tilespmem:s30], [sflag:$0x1] =	stream.linear.gather [hbm4b:s2+s3], $0x10, $0x38;
	[tilespmem:$0x18280] =	vst v63  }
.Ltmp0:
0xee: {  	s2 =	sadd.s32 $0x50, s1;
	s30 =	sadd.s32 $0x500, s25;
	(pc) =	sbr.rel @p0 .LBB2_2-.Ltmp0, $4  }
0xef: {  	[tilespmem:s30], [sflag:$0x1] =	stream.linear.gather [hbm4b:s2+s3], $0x10, $0x38;
	[tilespmem:$0x18280] =	vst v63  }
0xf0: {  	s2 =	sadd.s32 $0x60, s1;
	s30 =	sadd.s32 $0x580, s25;
	s25 =	sadd.s32 $0x600, s25  }
0xf1: {  	[tilespmem:s30], [sflag:$0x1] =	stream.linear.gather [hbm4b:s2+s3], $0x10, $0x38;
	[tilespmem:$0x18280] =	vst v63  }
0xf2: {  	s2 =	sadd.s32 $0x70, s1;
	s1 =	sadd.s32 $0xF4280, s1;
	s30 =	smov.u32 s26  }
0xf3: {  	[tilespmem:s25], [sflag:$0x1] =	stream.linear.gather [hbm4b:s2+s3], $0x10, $0x38;
	(v2sf) =	vpush v40, $0x1;
	[tilespmem:$0x18280] =	vst v63  }
0xf4: {  	s31 =	sadd.s32 $0x280, s29  }
0xf5: {  	[tilespmem:s31], [sflag:$0x1] =	stream.linear.gather [hbm4b:s1+s3], $0x10, $0x38;
	[tilespmem:$0x18280] =	vst v63  }
0xf6: {  	s4 =	sadd.s32 $0x10, s1;
	s5 =	sadd.s32 $0x300, s29  }
0xf7: {  	[tilespmem:s5], [sflag:$0x1] =	stream.linear.gather [hbm4b:s4+s3], $0x10, $0x38;
	[tilespmem:$0x18280] =	vst v63  }
0xf8: {  	s26 =	sadd.s32 $0x20, s1;
	s31 =	sadd.s32 $0x380, s29  }
0xf9: {  	[tilespmem:s31], [sflag:$0x1] =	stream.linear.gather [hbm4b:s26+s3], $0x10, $0x38;
	[tilespmem:$0x18280] =	vst v63  }
0xfa: {  	s4 =	sadd.s32 $0x30, s1;
	s5 =	sadd.s32 $0x400, s29  }
0xfb: {  	[tilespmem:s5], [sflag:$0x1] =	stream.linear.gather [hbm4b:s4+s3], $0x10, $0x38;
	[tilespmem:$0x18280] =	vst v63  }
0xfc: {  	s26 =	sadd.s32 $0x40, s1;
	s31 =	sadd.s32 $0x480, s29  }
0xfd: {  	[tilespmem:s31], [sflag:$0x1] =	stream.linear.gather [hbm4b:s26+s3], $0x10, $0x38;
	[tilespmem:$0x18280] =	vst v63  }
0xfe: {  	s4 =	sadd.s32 $0x50, s1;
	s5 =	sadd.s32 $0x500, s29  }
0xff: {  	[tilespmem:s5], [sflag:$0x1] =	stream.linear.gather [hbm4b:s4+s3], $0x10, $0x38;
	[tilespmem:$0x18280] =	vst v63  }
0x100: {  	s26 =	sadd.s32 $0x60, s1;
	s31 =	sadd.s32 $0x580, s29  }
0x101: {  	[tilespmem:s31], [sflag:$0x1] =	stream.linear.gather [hbm4b:s26+s3], $0x10, $0x38;
	[tilespmem:$0x18280] =	vst v63  }
0x102: {  	s4 =	sadd.s32 $0x70, s1;
	s5 =	sadd.s32 $0x600, s29;
	s25 =	spop (v2sf)  }
0x103: {  	[tilespmem:s5], [sflag:$0x1] =	stream.linear.gather [hbm4b:s4+s3], $0x10, $0x38;
	[tilespmem:$0x18280] =	vst v63  }
0x104: {  	s26 =	sshll.u32 s25, $0x3  }
0x105: {  	s1 =	sand.u32 $0x70, s25;
	s2 =	sand.u32 $0xFFFFFC00, s26  }
0x106: {  	s1 =	sor.u32 s1, s2  }
0x107: {  	s1 =	sshrl.u32 s1, $0x3  }
0x108: {  	s31 =	simm.s32 $0x2280;
	s1 =	sadd.s32 s0, s1  }
0x109: {  	[tilespmem:s31], [sflag:$0x2] =	stream.linear.gather [hbm4b:s1+s3], $0x10, $0x38;
	[tilespmem:$0x18280] =	vst v63  }
0x10a: {  	s5 =	simm.s32 $0x2300;
	s4 =	sadd.s32 $0x10, s1  }
0x10b: {  	[tilespmem:s5], [sflag:$0x2] =	stream.linear.gather [hbm4b:s4+s3], $0x10, $0x38;
	[tilespmem:$0x18280] =	vst v63  }
0x10c: {  	s30 =	simm.s32 $0x2000;
	s26 =	sadd.s32 $0x20, s1;
	s31 =	simm.s32 $0x2380  }
0x10d: {  	[tilespmem:s31], [sflag:$0x2] =	stream.linear.gather [hbm4b:s26+s3], $0x10, $0x38;
	[tilespmem:$0x18280] =	vst v63  }
0x10e: {  	s29 =	simm.s32 $0x400;
	s4 =	sadd.s32 $0x30, s1;
	s5 =	simm.s32 $0x2400  }
0x10f: {  	[tilespmem:s5], [sflag:$0x2] =	stream.linear.gather [hbm4b:s4+s3], $0x10, $0x38;
	[tilespmem:$0x18280] =	vst v63  }
0x110: {  	s25 =	simm.s32 $0x2600;
	s26 =	sadd.s32 $0x40, s1;
	s31 =	simm.s32 $0x2480  }
0x111: {  	[tilespmem:s31], [sflag:$0x2] =	stream.linear.gather [hbm4b:s26+s3], $0x10, $0x38;
	[tilespmem:$0x18280] =	vst v63  }
0x112: {  	s2 =	sadd.s32 $0x70, s1;
	s4 =	sadd.s32 $0x50, s1;
	s5 =	simm.s32 $0x2500  }
0x113: {  	[tilespmem:s5], [sflag:$0x2] =	stream.linear.gather [hbm4b:s4+s3], $0x10, $0x38;
	[tilespmem:$0x18280] =	vst v63  }
0x114: {  	s26 =	sadd.s32 $0x60, s1;
	s31 =	simm.s32 $0x2580;
	s1 =	sadd.s32 $0xF4280, s1  }
0x115: {  	[tilespmem:s31], [sflag:$0x2] =	stream.linear.gather [hbm4b:s26+s3], $0x10, $0x38;
	[tilespmem:$0x18280] =	vst v63  }
.LBB2_4:
0x116: {  	[tilespmem:s25], [sflag:$0x2] =	stream.linear.gather [hbm4b:s2+s3], $0x10, $0x38;
	[tilespmem:$0x18280] =	vst v63  }
0x117: {  	s25 =	smov.u32 s29;
	s2 =	smov.u32 s30  }
0x118: {  	s26 =	sadd.s32 $0x1000, s30;
	s29 =	sshra.s32 s2, $0x2;
	s2 =	sadd.s32 $0x2280, s25  }
0x119: {  	[tilespmem:s2], [sflag:$0x2] =	stream.linear.gather [hbm4b:s1+s3], $0x10, $0x38;
	[tilespmem:$0x18280] =	vst v63  }
0x11a: {  	p0 =	sne.s32 s30, $0x7000;
	s30 =	sadd.s32 $0x2300, s25;
	s2 =	sadd.s32 $0x10, s1  }
0x11b: {  	[tilespmem:s30], [sflag:$0x2] =	stream.linear.gather [hbm4b:s2+s3], $0x10, $0x38;
	[tilespmem:$0x18280] =	vst v63  }
0x11c: {  	s2 =	sadd.s32 $0x20, s1;
	s30 =	sadd.s32 $0x2380, s25  }
0x11d: {  	[tilespmem:s30], [sflag:$0x2] =	stream.linear.gather [hbm4b:s2+s3], $0x10, $0x38;
	[tilespmem:$0x18280] =	vst v63  }
0x11e: {  	s2 =	sadd.s32 $0x30, s1;
	s30 =	sadd.s32 $0x2400, s25  }
0x11f: {  	[tilespmem:s30], [sflag:$0x2] =	stream.linear.gather [hbm4b:s2+s3], $0x10, $0x38;
	[tilespmem:$0x18280] =	vst v63  }
0x120: {  	s2 =	sadd.s32 $0x40, s1;
	s30 =	sadd.s32 $0x2480, s25  }
0x121: {  	[tilespmem:s30], [sflag:$0x2] =	stream.linear.gather [hbm4b:s2+s3], $0x10, $0x38;
	[tilespmem:$0x18280] =	vst v63  }
.Ltmp1:
0x122: {  	s2 =	sadd.s32 $0x50, s1;
	s30 =	sadd.s32 $0x2500, s25;
	(pc) =	sbr.rel @p0 .LBB2_4-.Ltmp1, $4  }
0x123: {  	[tilespmem:s30], [sflag:$0x2] =	stream.linear.gather [hbm4b:s2+s3], $0x10, $0x38;
	[tilespmem:$0x18280] =	vst v63  }
0x124: {  	s2 =	sadd.s32 $0x60, s1;
	s30 =	sadd.s32 $0x2580, s25;
	s25 =	sadd.s32 $0x2600, s25  }
0x125: {  	[tilespmem:s30], [sflag:$0x2] =	stream.linear.gather [hbm4b:s2+s3], $0x10, $0x38;
	[tilespmem:$0x18280] =	vst v63  }
0x126: {  	s2 =	sadd.s32 $0x70, s1;
	s1 =	sadd.s32 $0xF4280, s1;
	s30 =	smov.u32 s26  }
0x127: {  	[tilespmem:s25], [sflag:$0x2] =	stream.linear.gather [hbm4b:s2+s3], $0x10, $0x38;
	(v2sf) =	vpush v40, $0x2;
	[tilespmem:$0x18280] =	vst v63  }
0x128: {  	s31 =	sadd.s32 $0x2280, s29  }
0x129: {  	[tilespmem:s31], [sflag:$0x2] =	stream.linear.gather [hbm4b:s1+s3], $0x10, $0x38;
	[tilespmem:$0x18280] =	vst v63  }
0x12a: {  	s4 =	sadd.s32 $0x10, s1;
	s5 =	sadd.s32 $0x2300, s29  }
0x12b: {  	[tilespmem:s5], [sflag:$0x2] =	stream.linear.gather [hbm4b:s4+s3], $0x10, $0x38;
	[tilespmem:$0x18280] =	vst v63  }
0x12c: {  	s26 =	sadd.s32 $0x20, s1;
	s31 =	sadd.s32 $0x2380, s29  }
0x12d: {  	[tilespmem:s31], [sflag:$0x2] =	stream.linear.gather [hbm4b:s26+s3], $0x10, $0x38;
	[tilespmem:$0x18280] =	vst v63  }
0x12e: {  	s4 =	sadd.s32 $0x30, s1;
	s5 =	sadd.s32 $0x2400, s29  }
0x12f: {  	[tilespmem:s5], [sflag:$0x2] =	stream.linear.gather [hbm4b:s4+s3], $0x10, $0x38;
	[tilespmem:$0x18280] =	vst v63  }
0x130: {  	s26 =	sadd.s32 $0x40, s1;
	s31 =	sadd.s32 $0x2480, s29  }
0x131: {  	[tilespmem:s31], [sflag:$0x2] =	stream.linear.gather [hbm4b:s26+s3], $0x10, $0x38;
	[tilespmem:$0x18280] =	vst v63  }
0x132: {  	s4 =	sadd.s32 $0x50, s1;
	s5 =	sadd.s32 $0x2500, s29  }
0x133: {  	[tilespmem:s5], [sflag:$0x2] =	stream.linear.gather [hbm4b:s4+s3], $0x10, $0x38;
	[tilespmem:$0x18280] =	vst v63  }
0x134: {  	s26 =	sadd.s32 $0x60, s1;
	s31 =	sadd.s32 $0x2580, s29  }
0x135: {  	[tilespmem:s31], [sflag:$0x2] =	stream.linear.gather [hbm4b:s26+s3], $0x10, $0x38;
	[tilespmem:$0x18280] =	vst v63  }
0x136: {  	s4 =	sadd.s32 $0x70, s1;
	s5 =	sadd.s32 $0x2600, s29;
	s25 =	spop (v2sf)  }
0x137: {  	[tilespmem:s5], [sflag:$0x2] =	stream.linear.gather [hbm4b:s4+s3], $0x10, $0x38;
	[tilespmem:$0x18280] =	vst v63  }
0x138: {  	s26 =	sshll.u32 s25, $0x3  }
0x139: {  	s1 =	sand.u32 $0x70, s25;
	s2 =	sand.u32 $0xFFFFFC00, s26  }
0x13a: {  	s1 =	sor.u32 s1, s2  }
0x13b: {  	s1 =	sshrl.u32 s1, $0x3  }
0x13c: {  	s31 =	simm.s32 $0x4280;
	s1 =	sadd.s32 s0, s1  }
0x13d: {  	[tilespmem:s31], [sflag:$0x3] =	stream.linear.gather [hbm4b:s1+s3], $0x10, $0x38;
	[tilespmem:$0x18280] =	vst v63  }
0x13e: {  	s5 =	simm.s32 $0x4300;
	s4 =	sadd.s32 $0x10, s1  }
0x13f: {  	[tilespmem:s5], [sflag:$0x3] =	stream.linear.gather [hbm4b:s4+s3], $0x10, $0x38;
	[tilespmem:$0x18280] =	vst v63  }
0x140: {  	s30 =	simm.s32 $0x2000;
	s26 =	sadd.s32 $0x20, s1;
	s31 =	simm.s32 $0x4380  }
0x141: {  	[tilespmem:s31], [sflag:$0x3] =	stream.linear.gather [hbm4b:s26+s3], $0x10, $0x38;
	[tilespmem:$0x18280] =	vst v63  }
0x142: {  	s29 =	simm.s32 $0x400;
	s4 =	sadd.s32 $0x30, s1;
	s5 =	simm.s32 $0x4400  }
0x143: {  	[tilespmem:s5], [sflag:$0x3] =	stream.linear.gather [hbm4b:s4+s3], $0x10, $0x38;
	[tilespmem:$0x18280] =	vst v63  }
0x144: {  	s25 =	simm.s32 $0x4600;
	s26 =	sadd.s32 $0x40, s1;
	s31 =	simm.s32 $0x4480  }
0x145: {  	[tilespmem:s31], [sflag:$0x3] =	stream.linear.gather [hbm4b:s26+s3], $0x10, $0x38;
	[tilespmem:$0x18280] =	vst v63  }
0x146: {  	s2 =	sadd.s32 $0x70, s1;
	s4 =	sadd.s32 $0x50, s1;
	s5 =	simm.s32 $0x4500  }
0x147: {  	[tilespmem:s5], [sflag:$0x3] =	stream.linear.gather [hbm4b:s4+s3], $0x10, $0x38;
	[tilespmem:$0x18280] =	vst v63  }
0x148: {  	s26 =	sadd.s32 $0x60, s1;
	s31 =	simm.s32 $0x4580;
	s1 =	sadd.s32 $0xF4280, s1  }
0x149: {  	[tilespmem:s31], [sflag:$0x3] =	stream.linear.gather [hbm4b:s26+s3], $0x10, $0x38;
	[tilespmem:$0x18280] =	vst v63  }
.LBB2_6:
0x14a: {  	[tilespmem:s25], [sflag:$0x3] =	stream.linear.gather [hbm4b:s2+s3], $0x10, $0x38;
	[tilespmem:$0x18280] =	vst v63  }
0x14b: {  	s25 =	smov.u32 s29;
	s2 =	smov.u32 s30  }
0x14c: {  	s26 =	sadd.s32 $0x1000, s30;
	s29 =	sshra.s32 s2, $0x2;
	s2 =	sadd.s32 $0x4280, s25  }
0x14d: {  	[tilespmem:s2], [sflag:$0x3] =	stream.linear.gather [hbm4b:s1+s3], $0x10, $0x38;
	[tilespmem:$0x18280] =	vst v63  }
0x14e: {  	p0 =	sne.s32 s30, $0x7000;
	s30 =	sadd.s32 $0x4300, s25;
	s2 =	sadd.s32 $0x10, s1  }
0x14f: {  	[tilespmem:s30], [sflag:$0x3] =	stream.linear.gather [hbm4b:s2+s3], $0x10, $0x38;
	[tilespmem:$0x18280] =	vst v63  }
0x150: {  	s2 =	sadd.s32 $0x20, s1;
	s30 =	sadd.s32 $0x4380, s25  }
0x151: {  	[tilespmem:s30], [sflag:$0x3] =	stream.linear.gather [hbm4b:s2+s3], $0x10, $0x38;
	[tilespmem:$0x18280] =	vst v63  }
0x152: {  	s2 =	sadd.s32 $0x30, s1;
	s30 =	sadd.s32 $0x4400, s25  }
0x153: {  	[tilespmem:s30], [sflag:$0x3] =	stream.linear.gather [hbm4b:s2+s3], $0x10, $0x38;
	[tilespmem:$0x18280] =	vst v63  }
0x154: {  	s2 =	sadd.s32 $0x40, s1;
	s30 =	sadd.s32 $0x4480, s25  }
0x155: {  	[tilespmem:s30], [sflag:$0x3] =	stream.linear.gather [hbm4b:s2+s3], $0x10, $0x38;
	[tilespmem:$0x18280] =	vst v63  }
.Ltmp2:
0x156: {  	s2 =	sadd.s32 $0x50, s1;
	s30 =	sadd.s32 $0x4500, s25;
	(pc) =	sbr.rel @p0 .LBB2_6-.Ltmp2, $4  }
0x157: {  	[tilespmem:s30], [sflag:$0x3] =	stream.linear.gather [hbm4b:s2+s3], $0x10, $0x38;
	[tilespmem:$0x18280] =	vst v63  }
0x158: {  	s2 =	sadd.s32 $0x60, s1;
	s30 =	sadd.s32 $0x4580, s25;
	s25 =	sadd.s32 $0x4600, s25  }
0x159: {  	[tilespmem:s30], [sflag:$0x3] =	stream.linear.gather [hbm4b:s2+s3], $0x10, $0x38;
	[tilespmem:$0x18280] =	vst v63  }
0x15a: {  	s2 =	sadd.s32 $0x70, s1;
	s1 =	sadd.s32 $0xF4280, s1;
	s30 =	smov.u32 s26  }
0x15b: {  	[tilespmem:s25], [sflag:$0x3] =	stream.linear.gather [hbm4b:s2+s3], $0x10, $0x38;
	(v2sf) =	vpush v40, $0x3;
	[tilespmem:$0x18280] =	vst v63  }
0x15c: {  	s31 =	sadd.s32 $0x4280, s29  }
0x15d: {  	[tilespmem:s31], [sflag:$0x3] =	stream.linear.gather [hbm4b:s1+s3], $0x10, $0x38;
	[tilespmem:$0x18280] =	vst v63  }
0x15e: {  	s4 =	sadd.s32 $0x10, s1;
	s5 =	sadd.s32 $0x4300, s29  }
0x15f: {  	[tilespmem:s5], [sflag:$0x3] =	stream.linear.gather [hbm4b:s4+s3], $0x10, $0x38;
	[tilespmem:$0x18280] =	vst v63  }
0x160: {  	s26 =	sadd.s32 $0x20, s1;
	s31 =	sadd.s32 $0x4380, s29  }
0x161: {  	[tilespmem:s31], [sflag:$0x3] =	stream.linear.gather [hbm4b:s26+s3], $0x10, $0x38;
	[tilespmem:$0x18280] =	vst v63  }
0x162: {  	s4 =	sadd.s32 $0x30, s1;
	s5 =	sadd.s32 $0x4400, s29  }
0x163: {  	[tilespmem:s5], [sflag:$0x3] =	stream.linear.gather [hbm4b:s4+s3], $0x10, $0x38;
	[tilespmem:$0x18280] =	vst v63  }
0x164: {  	s26 =	sadd.s32 $0x40, s1;
	s31 =	sadd.s32 $0x4480, s29  }
0x165: {  	[tilespmem:s31], [sflag:$0x3] =	stream.linear.gather [hbm4b:s26+s3], $0x10, $0x38;
	[tilespmem:$0x18280] =	vst v63  }
0x166: {  	s4 =	sadd.s32 $0x50, s1;
	s5 =	sadd.s32 $0x4500, s29  }
0x167: {  	[tilespmem:s5], [sflag:$0x3] =	stream.linear.gather [hbm4b:s4+s3], $0x10, $0x38;
	[tilespmem:$0x18280] =	vst v63  }
0x168: {  	s26 =	sadd.s32 $0x60, s1;
	s31 =	sadd.s32 $0x4580, s29  }
0x169: {  	[tilespmem:s31], [sflag:$0x3] =	stream.linear.gather [hbm4b:s26+s3], $0x10, $0x38;
	[tilespmem:$0x18280] =	vst v63  }
0x16a: {  	s4 =	sadd.s32 $0x70, s1;
	s5 =	sadd.s32 $0x4600, s29;
	s25 =	spop (v2sf)  }
0x16b: {  	[tilespmem:s5], [sflag:$0x3] =	stream.linear.gather [hbm4b:s4+s3], $0x10, $0x38;
	[tilespmem:$0x18280] =	vst v63  }
0x16c: {  	s26 =	sshll.u32 s25, $0x3  }
0x16d: {  	s1 =	sand.u32 $0x70, s25;
	s2 =	sand.u32 $0xFFFFFC00, s26  }
0x16e: {  	s1 =	sor.u32 s1, s2  }
0x16f: {  	s1 =	sshrl.u32 s1, $0x3  }
0x170: {  	s31 =	simm.s32 $0x6280;
	s1 =	sadd.s32 s0, s1  }
0x171: {  	[tilespmem:s31], [sflag:$0x4] =	stream.linear.gather [hbm4b:s1+s3], $0x10, $0x38;
	[tilespmem:$0x18280] =	vst v63  }
0x172: {  	s5 =	simm.s32 $0x6300;
	s4 =	sadd.s32 $0x10, s1  }
0x173: {  	[tilespmem:s5], [sflag:$0x4] =	stream.linear.gather [hbm4b:s4+s3], $0x10, $0x38;
	[tilespmem:$0x18280] =	vst v63  }
0x174: {  	s30 =	simm.s32 $0x2000;
	s26 =	sadd.s32 $0x20, s1;
	s31 =	simm.s32 $0x6380  }
0x175: {  	[tilespmem:s31], [sflag:$0x4] =	stream.linear.gather [hbm4b:s26+s3], $0x10, $0x38;
	[tilespmem:$0x18280] =	vst v63  }
0x176: {  	s29 =	simm.s32 $0x400;
	s4 =	sadd.s32 $0x30, s1;
	s5 =	simm.s32 $0x6400  }
0x177: {  	[tilespmem:s5], [sflag:$0x4] =	stream.linear.gather [hbm4b:s4+s3], $0x10, $0x38;
	[tilespmem:$0x18280] =	vst v63  }
0x178: {  	s25 =	simm.s32 $0x6600;
	s26 =	sadd.s32 $0x40, s1;
	s31 =	simm.s32 $0x6480  }
0x179: {  	[tilespmem:s31], [sflag:$0x4] =	stream.linear.gather [hbm4b:s26+s3], $0x10, $0x38;
	[tilespmem:$0x18280] =	vst v63  }
0x17a: {  	s2 =	sadd.s32 $0x70, s1;
	s4 =	sadd.s32 $0x50, s1;
	s5 =	simm.s32 $0x6500  }
0x17b: {  	[tilespmem:s5], [sflag:$0x4] =	stream.linear.gather [hbm4b:s4+s3], $0x10, $0x38;
	[tilespmem:$0x18280] =	vst v63  }
0x17c: {  	s26 =	sadd.s32 $0x60, s1;
	s31 =	simm.s32 $0x6580;
	s1 =	sadd.s32 $0xF4280, s1  }
0x17d: {  	[tilespmem:s31], [sflag:$0x4] =	stream.linear.gather [hbm4b:s26+s3], $0x10, $0x38;
	[tilespmem:$0x18280] =	vst v63  }
.LBB2_8:
0x17e: {  	[tilespmem:s25], [sflag:$0x4] =	stream.linear.gather [hbm4b:s2+s3], $0x10, $0x38;
	[tilespmem:$0x18280] =	vst v63  }
0x17f: {  	s25 =	smov.u32 s29;
	s2 =	smov.u32 s30  }
0x180: {  	s26 =	sadd.s32 $0x1000, s30;
	s29 =	sshra.s32 s2, $0x2;
	s2 =	sadd.s32 $0x6280, s25  }
0x181: {  	[tilespmem:s2], [sflag:$0x4] =	stream.linear.gather [hbm4b:s1+s3], $0x10, $0x38;
	[tilespmem:$0x18280] =	vst v63  }
0x182: {  	p0 =	sne.s32 s30, $0x7000;
	s30 =	sadd.s32 $0x6300, s25;
	s2 =	sadd.s32 $0x10, s1  }
0x183: {  	[tilespmem:s30], [sflag:$0x4] =	stream.linear.gather [hbm4b:s2+s3], $0x10, $0x38;
	[tilespmem:$0x18280] =	vst v63  }
0x184: {  	s2 =	sadd.s32 $0x20, s1;
	s30 =	sadd.s32 $0x6380, s25  }
0x185: {  	[tilespmem:s30], [sflag:$0x4] =	stream.linear.gather [hbm4b:s2+s3], $0x10, $0x38;
	[tilespmem:$0x18280] =	vst v63  }
0x186: {  	s2 =	sadd.s32 $0x30, s1;
	s30 =	sadd.s32 $0x6400, s25  }
0x187: {  	[tilespmem:s30], [sflag:$0x4] =	stream.linear.gather [hbm4b:s2+s3], $0x10, $0x38;
	[tilespmem:$0x18280] =	vst v63  }
0x188: {  	s2 =	sadd.s32 $0x40, s1;
	s30 =	sadd.s32 $0x6480, s25  }
0x189: {  	[tilespmem:s30], [sflag:$0x4] =	stream.linear.gather [hbm4b:s2+s3], $0x10, $0x38;
	[tilespmem:$0x18280] =	vst v63  }
.Ltmp3:
0x18a: {  	s2 =	sadd.s32 $0x50, s1;
	s30 =	sadd.s32 $0x6500, s25;
	(pc) =	sbr.rel @p0 .LBB2_8-.Ltmp3, $4  }
0x18b: {  	[tilespmem:s30], [sflag:$0x4] =	stream.linear.gather [hbm4b:s2+s3], $0x10, $0x38;
	[tilespmem:$0x18280] =	vst v63  }
0x18c: {  	s2 =	sadd.s32 $0x60, s1;
	s30 =	sadd.s32 $0x6580, s25;
	s25 =	sadd.s32 $0x6600, s25  }
0x18d: {  	[tilespmem:s30], [sflag:$0x4] =	stream.linear.gather [hbm4b:s2+s3], $0x10, $0x38;
	[tilespmem:$0x18280] =	vst v63  }
0x18e: {  	s2 =	sadd.s32 $0x70, s1;
	s1 =	sadd.s32 $0xF4280, s1;
	s30 =	smov.u32 s26  }
0x18f: {  	[tilespmem:s25], [sflag:$0x4] =	stream.linear.gather [hbm4b:s2+s3], $0x10, $0x38;
	(v2sf) =	vpush v40, $0x4;
	[tilespmem:$0x18280] =	vst v63  }
0x190: {  	s31 =	sadd.s32 $0x6280, s29  }
0x191: {  	[tilespmem:s31], [sflag:$0x4] =	stream.linear.gather [hbm4b:s1+s3], $0x10, $0x38;
	[tilespmem:$0x18280] =	vst v63  }
0x192: {  	s4 =	sadd.s32 $0x10, s1;
	s5 =	sadd.s32 $0x6300, s29  }
0x193: {  	[tilespmem:s5], [sflag:$0x4] =	stream.linear.gather [hbm4b:s4+s3], $0x10, $0x38;
	[tilespmem:$0x18280] =	vst v63  }
0x194: {  	s26 =	sadd.s32 $0x20, s1;
	s31 =	sadd.s32 $0x6380, s29  }
0x195: {  	[tilespmem:s31], [sflag:$0x4] =	stream.linear.gather [hbm4b:s26+s3], $0x10, $0x38;
	[tilespmem:$0x18280] =	vst v63  }
0x196: {  	s4 =	sadd.s32 $0x30, s1;
	s5 =	sadd.s32 $0x6400, s29  }
0x197: {  	[tilespmem:s5], [sflag:$0x4] =	stream.linear.gather [hbm4b:s4+s3], $0x10, $0x38;
	[tilespmem:$0x18280] =	vst v63  }
0x198: {  	s26 =	sadd.s32 $0x40, s1;
	s31 =	sadd.s32 $0x6480, s29  }
0x199: {  	[tilespmem:s31], [sflag:$0x4] =	stream.linear.gather [hbm4b:s26+s3], $0x10, $0x38;
	[tilespmem:$0x18280] =	vst v63  }
0x19a: {  	s4 =	sadd.s32 $0x50, s1;
	s5 =	sadd.s32 $0x6500, s29  }
0x19b: {  	[tilespmem:s5], [sflag:$0x4] =	stream.linear.gather [hbm4b:s4+s3], $0x10, $0x38;
	[tilespmem:$0x18280] =	vst v63  }
0x19c: {  	s26 =	sadd.s32 $0x60, s1;
	s31 =	sadd.s32 $0x6580, s29  }
0x19d: {  	[tilespmem:s31], [sflag:$0x4] =	stream.linear.gather [hbm4b:s26+s3], $0x10, $0x38;
	[tilespmem:$0x18280] =	vst v63  }
0x19e: {  	s4 =	sadd.s32 $0x70, s1;
	s5 =	sadd.s32 $0x6600, s29;
	s25 =	spop (v2sf)  }
0x19f: {  	[tilespmem:s5], [sflag:$0x4] =	stream.linear.gather [hbm4b:s4+s3], $0x10, $0x38;
	[tilespmem:$0x18280] =	vst v63  }
0x1a0: {  	s26 =	sshll.u32 s25, $0x3  }
0x1a1: {  	s1 =	sand.u32 $0x70, s25;
	s2 =	sand.u32 $0xFFFFFC00, s26  }
0x1a2: {  	s1 =	sor.u32 s1, s2  }
0x1a3: {  	s1 =	sshrl.u32 s1, $0x3  }
0x1a4: {  	s31 =	simm.s32 $0x8280;
	s1 =	sadd.s32 s0, s1  }
0x1a5: {  	[tilespmem:s31], [sflag:$0x5] =	stream.linear.gather [hbm4b:s1+s3], $0x10, $0x38;
	[tilespmem:$0x18280] =	vst v63  }
0x1a6: {  	s5 =	simm.s32 $0x8300;
	s4 =	sadd.s32 $0x10, s1  }
0x1a7: {  	[tilespmem:s5], [sflag:$0x5] =	stream.linear.gather [hbm4b:s4+s3], $0x10, $0x38;
	[tilespmem:$0x18280] =	vst v63  }
0x1a8: {  	s30 =	simm.s32 $0x2000;
	s26 =	sadd.s32 $0x20, s1;
	s31 =	simm.s32 $0x8380  }
0x1a9: {  	[tilespmem:s31], [sflag:$0x5] =	stream.linear.gather [hbm4b:s26+s3], $0x10, $0x38;
	[tilespmem:$0x18280] =	vst v63  }
0x1aa: {  	s29 =	simm.s32 $0x400;
	s4 =	sadd.s32 $0x30, s1;
	s5 =	simm.s32 $0x8400  }
0x1ab: {  	[tilespmem:s5], [sflag:$0x5] =	stream.linear.gather [hbm4b:s4+s3], $0x10, $0x38;
	[tilespmem:$0x18280] =	vst v63  }
0x1ac: {  	s25 =	simm.s32 $0x8600;
	s26 =	sadd.s32 $0x40, s1;
	s31 =	simm.s32 $0x8480  }
0x1ad: {  	[tilespmem:s31], [sflag:$0x5] =	stream.linear.gather [hbm4b:s26+s3], $0x10, $0x38;
	[tilespmem:$0x18280] =	vst v63  }
0x1ae: {  	s2 =	sadd.s32 $0x70, s1;
	s4 =	sadd.s32 $0x50, s1;
	s5 =	simm.s32 $0x8500  }
0x1af: {  	[tilespmem:s5], [sflag:$0x5] =	stream.linear.gather [hbm4b:s4+s3], $0x10, $0x38;
	[tilespmem:$0x18280] =	vst v63  }
0x1b0: {  	s26 =	sadd.s32 $0x60, s1;
	s31 =	simm.s32 $0x8580;
	s1 =	sadd.s32 $0xF4280, s1  }
0x1b1: {  	[tilespmem:s31], [sflag:$0x5] =	stream.linear.gather [hbm4b:s26+s3], $0x10, $0x38;
	[tilespmem:$0x18280] =	vst v63  }
.LBB2_10:
0x1b2: {  	[tilespmem:s25], [sflag:$0x5] =	stream.linear.gather [hbm4b:s2+s3], $0x10, $0x38;
	[tilespmem:$0x18280] =	vst v63  }
0x1b3: {  	s25 =	smov.u32 s29;
	s2 =	smov.u32 s30  }
0x1b4: {  	s26 =	sadd.s32 $0x1000, s30;
	s29 =	sshra.s32 s2, $0x2;
	s2 =	sadd.s32 $0x8280, s25  }
0x1b5: {  	[tilespmem:s2], [sflag:$0x5] =	stream.linear.gather [hbm4b:s1+s3], $0x10, $0x38;
	[tilespmem:$0x18280] =	vst v63  }
0x1b6: {  	p0 =	sne.s32 s30, $0x7000;
	s30 =	sadd.s32 $0x8300, s25;
	s2 =	sadd.s32 $0x10, s1  }
0x1b7: {  	[tilespmem:s30], [sflag:$0x5] =	stream.linear.gather [hbm4b:s2+s3], $0x10, $0x38;
	[tilespmem:$0x18280] =	vst v63  }
0x1b8: {  	s2 =	sadd.s32 $0x20, s1;
	s30 =	sadd.s32 $0x8380, s25  }
0x1b9: {  	[tilespmem:s30], [sflag:$0x5] =	stream.linear.gather [hbm4b:s2+s3], $0x10, $0x38;
	[tilespmem:$0x18280] =	vst v63  }
0x1ba: {  	s2 =	sadd.s32 $0x30, s1;
	s30 =	sadd.s32 $0x8400, s25  }
0x1bb: {  	[tilespmem:s30], [sflag:$0x5] =	stream.linear.gather [hbm4b:s2+s3], $0x10, $0x38;
	[tilespmem:$0x18280] =	vst v63  }
0x1bc: {  	s2 =	sadd.s32 $0x40, s1;
	s30 =	sadd.s32 $0x8480, s25  }
0x1bd: {  	[tilespmem:s30], [sflag:$0x5] =	stream.linear.gather [hbm4b:s2+s3], $0x10, $0x38;
	[tilespmem:$0x18280] =	vst v63  }
.Ltmp4:
0x1be: {  	s2 =	sadd.s32 $0x50, s1;
	s30 =	sadd.s32 $0x8500, s25;
	(pc) =	sbr.rel @p0 .LBB2_10-.Ltmp4, $4  }
0x1bf: {  	[tilespmem:s30], [sflag:$0x5] =	stream.linear.gather [hbm4b:s2+s3], $0x10, $0x38;
	[tilespmem:$0x18280] =	vst v63  }
0x1c0: {  	s2 =	sadd.s32 $0x60, s1;
	s30 =	sadd.s32 $0x8580, s25;
	s25 =	sadd.s32 $0x8600, s25  }
0x1c1: {  	[tilespmem:s30], [sflag:$0x5] =	stream.linear.gather [hbm4b:s2+s3], $0x10, $0x38;
	[tilespmem:$0x18280] =	vst v63  }
0x1c2: {  	s2 =	sadd.s32 $0x70, s1;
	s1 =	sadd.s32 $0xF4280, s1;
	s30 =	smov.u32 s26  }
0x1c3: {  	[tilespmem:s25], [sflag:$0x5] =	stream.linear.gather [hbm4b:s2+s3], $0x10, $0x38;
	(v2sf) =	vpush v40, $0x5;
	[tilespmem:$0x18280] =	vst v63  }
0x1c4: {  	s31 =	sadd.s32 $0x8280, s29  }
0x1c5: {  	[tilespmem:s31], [sflag:$0x5] =	stream.linear.gather [hbm4b:s1+s3], $0x10, $0x38;
	[tilespmem:$0x18280] =	vst v63  }
0x1c6: {  	s4 =	sadd.s32 $0x10, s1;
	s5 =	sadd.s32 $0x8300, s29  }
0x1c7: {  	[tilespmem:s5], [sflag:$0x5] =	stream.linear.gather [hbm4b:s4+s3], $0x10, $0x38;
	[tilespmem:$0x18280] =	vst v63  }
0x1c8: {  	s26 =	sadd.s32 $0x20, s1;
	s31 =	sadd.s32 $0x8380, s29  }
0x1c9: {  	[tilespmem:s31], [sflag:$0x5] =	stream.linear.gather [hbm4b:s26+s3], $0x10, $0x38;
	[tilespmem:$0x18280] =	vst v63  }
0x1ca: {  	s4 =	sadd.s32 $0x30, s1;
	s5 =	sadd.s32 $0x8400, s29  }
0x1cb: {  	[tilespmem:s5], [sflag:$0x5] =	stream.linear.gather [hbm4b:s4+s3], $0x10, $0x38;
	[tilespmem:$0x18280] =	vst v63  }
0x1cc: {  	s26 =	sadd.s32 $0x40, s1;
	s31 =	sadd.s32 $0x8480, s29  }
0x1cd: {  	[tilespmem:s31], [sflag:$0x5] =	stream.linear.gather [hbm4b:s26+s3], $0x10, $0x38;
	[tilespmem:$0x18280] =	vst v63  }
0x1ce: {  	s4 =	sadd.s32 $0x50, s1;
	s5 =	sadd.s32 $0x8500, s29  }
0x1cf: {  	[tilespmem:s5], [sflag:$0x5] =	stream.linear.gather [hbm4b:s4+s3], $0x10, $0x38;
	[tilespmem:$0x18280] =	vst v63  }
0x1d0: {  	s26 =	sadd.s32 $0x60, s1;
	s31 =	sadd.s32 $0x8580, s29  }
0x1d1: {  	[tilespmem:s31], [sflag:$0x5] =	stream.linear.gather [hbm4b:s26+s3], $0x10, $0x38;
	[tilespmem:$0x18280] =	vst v63  }
0x1d2: {  	s4 =	sadd.s32 $0x70, s1;
	s5 =	sadd.s32 $0x8600, s29;
	s25 =	spop (v2sf)  }
0x1d3: {  	[tilespmem:s5], [sflag:$0x5] =	stream.linear.gather [hbm4b:s4+s3], $0x10, $0x38;
	[tilespmem:$0x18280] =	vst v63  }
0x1d4: {  	s26 =	sshll.u32 s25, $0x3  }
0x1d5: {  	s1 =	sand.u32 $0x70, s25;
	s2 =	sand.u32 $0xFFFFFC00, s26  }
0x1d6: {  	s1 =	sor.u32 s1, s2  }
0x1d7: {  	s1 =	sshrl.u32 s1, $0x3  }
0x1d8: {  	s31 =	simm.s32 $0xA280;
	s1 =	sadd.s32 s0, s1  }
0x1d9: {  	[tilespmem:s31], [sflag:$0x6] =	stream.linear.gather [hbm4b:s1+s3], $0x10, $0x38;
	[tilespmem:$0x18280] =	vst v63  }
0x1da: {  	s5 =	simm.s32 $0xA300;
	s4 =	sadd.s32 $0x10, s1  }
0x1db: {  	[tilespmem:s5], [sflag:$0x6] =	stream.linear.gather [hbm4b:s4+s3], $0x10, $0x38;
	[tilespmem:$0x18280] =	vst v63  }
0x1dc: {  	s30 =	simm.s32 $0x2000;
	s26 =	sadd.s32 $0x20, s1;
	s31 =	simm.s32 $0xA380  }
0x1dd: {  	[tilespmem:s31], [sflag:$0x6] =	stream.linear.gather [hbm4b:s26+s3], $0x10, $0x38;
	[tilespmem:$0x18280] =	vst v63  }
0x1de: {  	s29 =	simm.s32 $0x400;
	s4 =	sadd.s32 $0x30, s1;
	s5 =	simm.s32 $0xA400  }
0x1df: {  	[tilespmem:s5], [sflag:$0x6] =	stream.linear.gather [hbm4b:s4+s3], $0x10, $0x38;
	[tilespmem:$0x18280] =	vst v63  }
0x1e0: {  	s25 =	simm.s32 $0xA600;
	s26 =	sadd.s32 $0x40, s1;
	s31 =	simm.s32 $0xA480  }
0x1e1: {  	[tilespmem:s31], [sflag:$0x6] =	stream.linear.gather [hbm4b:s26+s3], $0x10, $0x38;
	[tilespmem:$0x18280] =	vst v63  }
0x1e2: {  	s2 =	sadd.s32 $0x70, s1;
	s4 =	sadd.s32 $0x50, s1;
	s5 =	simm.s32 $0xA500  }
0x1e3: {  	[tilespmem:s5], [sflag:$0x6] =	stream.linear.gather [hbm4b:s4+s3], $0x10, $0x38;
	[tilespmem:$0x18280] =	vst v63  }
0x1e4: {  	s26 =	sadd.s32 $0x60, s1;
	s31 =	simm.s32 $0xA580;
	s1 =	sadd.s32 $0xF4280, s1  }
0x1e5: {  	[tilespmem:s31], [sflag:$0x6] =	stream.linear.gather [hbm4b:s26+s3], $0x10, $0x38;
	[tilespmem:$0x18280] =	vst v63  }
.LBB2_12:
0x1e6: {  	[tilespmem:s25], [sflag:$0x6] =	stream.linear.gather [hbm4b:s2+s3], $0x10, $0x38;
	[tilespmem:$0x18280] =	vst v63  }
0x1e7: {  	s25 =	smov.u32 s29;
	s2 =	smov.u32 s30  }
0x1e8: {  	s26 =	sadd.s32 $0x1000, s30;
	s29 =	sshra.s32 s2, $0x2;
	s2 =	sadd.s32 $0xA280, s25  }
0x1e9: {  	[tilespmem:s2], [sflag:$0x6] =	stream.linear.gather [hbm4b:s1+s3], $0x10, $0x38;
	[tilespmem:$0x18280] =	vst v63  }
0x1ea: {  	p0 =	sne.s32 s30, $0x7000;
	s30 =	sadd.s32 $0xA300, s25;
	s2 =	sadd.s32 $0x10, s1  }
0x1eb: {  	[tilespmem:s30], [sflag:$0x6] =	stream.linear.gather [hbm4b:s2+s3], $0x10, $0x38;
	[tilespmem:$0x18280] =	vst v63  }
0x1ec: {  	s2 =	sadd.s32 $0x20, s1;
	s30 =	sadd.s32 $0xA380, s25  }
0x1ed: {  	[tilespmem:s30], [sflag:$0x6] =	stream.linear.gather [hbm4b:s2+s3], $0x10, $0x38;
	[tilespmem:$0x18280] =	vst v63  }
0x1ee: {  	s2 =	sadd.s32 $0x30, s1;
	s30 =	sadd.s32 $0xA400, s25  }
0x1ef: {  	[tilespmem:s30], [sflag:$0x6] =	stream.linear.gather [hbm4b:s2+s3], $0x10, $0x38;
	[tilespmem:$0x18280] =	vst v63  }
0x1f0: {  	s2 =	sadd.s32 $0x40, s1;
	s30 =	sadd.s32 $0xA480, s25  }
0x1f1: {  	[tilespmem:s30], [sflag:$0x6] =	stream.linear.gather [hbm4b:s2+s3], $0x10, $0x38;
	[tilespmem:$0x18280] =	vst v63  }
.Ltmp5:
0x1f2: {  	s2 =	sadd.s32 $0x50, s1;
	s30 =	sadd.s32 $0xA500, s25;
	(pc) =	sbr.rel @p0 .LBB2_12-.Ltmp5, $4  }
0x1f3: {  	[tilespmem:s30], [sflag:$0x6] =	stream.linear.gather [hbm4b:s2+s3], $0x10, $0x38;
	[tilespmem:$0x18280] =	vst v63  }
0x1f4: {  	s2 =	sadd.s32 $0x60, s1;
	s30 =	sadd.s32 $0xA580, s25;
	s25 =	sadd.s32 $0xA600, s25  }
0x1f5: {  	[tilespmem:s30], [sflag:$0x6] =	stream.linear.gather [hbm4b:s2+s3], $0x10, $0x38;
	[tilespmem:$0x18280] =	vst v63  }
0x1f6: {  	s2 =	sadd.s32 $0x70, s1;
	s1 =	sadd.s32 $0xF4280, s1;
	s30 =	smov.u32 s26  }
0x1f7: {  	[tilespmem:s25], [sflag:$0x6] =	stream.linear.gather [hbm4b:s2+s3], $0x10, $0x38;
	(v2sf) =	vpush v40, $0x6;
	[tilespmem:$0x18280] =	vst v63  }
0x1f8: {  	s31 =	sadd.s32 $0xA280, s29  }
0x1f9: {  	[tilespmem:s31], [sflag:$0x6] =	stream.linear.gather [hbm4b:s1+s3], $0x10, $0x38;
	[tilespmem:$0x18280] =	vst v63  }
0x1fa: {  	s4 =	sadd.s32 $0x10, s1;
	s5 =	sadd.s32 $0xA300, s29  }
0x1fb: {  	[tilespmem:s5], [sflag:$0x6] =	stream.linear.gather [hbm4b:s4+s3], $0x10, $0x38;
	[tilespmem:$0x18280] =	vst v63  }
0x1fc: {  	s26 =	sadd.s32 $0x20, s1;
	s31 =	sadd.s32 $0xA380, s29  }
0x1fd: {  	[tilespmem:s31], [sflag:$0x6] =	stream.linear.gather [hbm4b:s26+s3], $0x10, $0x38;
	[tilespmem:$0x18280] =	vst v63  }
0x1fe: {  	s4 =	sadd.s32 $0x30, s1;
	s5 =	sadd.s32 $0xA400, s29  }
0x1ff: {  	[tilespmem:s5], [sflag:$0x6] =	stream.linear.gather [hbm4b:s4+s3], $0x10, $0x38;
	[tilespmem:$0x18280] =	vst v63  }
0x200: {  	s26 =	sadd.s32 $0x40, s1;
	s31 =	sadd.s32 $0xA480, s29  }
0x201: {  	[tilespmem:s31], [sflag:$0x6] =	stream.linear.gather [hbm4b:s26+s3], $0x10, $0x38;
	[tilespmem:$0x18280] =	vst v63  }
0x202: {  	s4 =	sadd.s32 $0x50, s1;
	s5 =	sadd.s32 $0xA500, s29  }
0x203: {  	[tilespmem:s5], [sflag:$0x6] =	stream.linear.gather [hbm4b:s4+s3], $0x10, $0x38;
	[tilespmem:$0x18280] =	vst v63  }
0x204: {  	s26 =	sadd.s32 $0x60, s1;
	s31 =	sadd.s32 $0xA580, s29  }
0x205: {  	[tilespmem:s31], [sflag:$0x6] =	stream.linear.gather [hbm4b:s26+s3], $0x10, $0x38;
	[tilespmem:$0x18280] =	vst v63  }
0x206: {  	s4 =	sadd.s32 $0x70, s1;
	s5 =	sadd.s32 $0xA600, s29;
	s25 =	spop (v2sf)  }
0x207: {  	[tilespmem:s5], [sflag:$0x6] =	stream.linear.gather [hbm4b:s4+s3], $0x10, $0x38;
	[tilespmem:$0x18280] =	vst v63  }
0x208: {  	s26 =	sshll.u32 s25, $0x3  }
0x209: {  	s1 =	sand.u32 $0x70, s25;
	s2 =	sand.u32 $0xFFFFFC00, s26  }
0x20a: {  	s1 =	sor.u32 s1, s2  }
0x20b: {  	s1 =	sshrl.u32 s1, $0x3  }
0x20c: {  	s31 =	simm.s32 $0xC280;
	s1 =	sadd.s32 s0, s1  }
0x20d: {  	[tilespmem:s31], [sflag:$0x7] =	stream.linear.gather [hbm4b:s1+s3], $0x10, $0x38;
	[tilespmem:$0x18280] =	vst v63  }
0x20e: {  	s5 =	simm.s32 $0xC300;
	s4 =	sadd.s32 $0x10, s1  }
0x20f: {  	[tilespmem:s5], [sflag:$0x7] =	stream.linear.gather [hbm4b:s4+s3], $0x10, $0x38;
	[tilespmem:$0x18280] =	vst v63  }
0x210: {  	s30 =	simm.s32 $0x2000;
	s26 =	sadd.s32 $0x20, s1;
	s31 =	simm.s32 $0xC380  }
0x211: {  	[tilespmem:s31], [sflag:$0x7] =	stream.linear.gather [hbm4b:s26+s3], $0x10, $0x38;
	[tilespmem:$0x18280] =	vst v63  }
0x212: {  	s29 =	simm.s32 $0x400;
	s4 =	sadd.s32 $0x30, s1;
	s5 =	simm.s32 $0xC400  }
0x213: {  	[tilespmem:s5], [sflag:$0x7] =	stream.linear.gather [hbm4b:s4+s3], $0x10, $0x38;
	[tilespmem:$0x18280] =	vst v63  }
0x214: {  	s25 =	simm.s32 $0xC600;
	s26 =	sadd.s32 $0x40, s1;
	s31 =	simm.s32 $0xC480  }
0x215: {  	[tilespmem:s31], [sflag:$0x7] =	stream.linear.gather [hbm4b:s26+s3], $0x10, $0x38;
	[tilespmem:$0x18280] =	vst v63  }
0x216: {  	s2 =	sadd.s32 $0x70, s1;
	s4 =	sadd.s32 $0x50, s1;
	s5 =	simm.s32 $0xC500  }
0x217: {  	[tilespmem:s5], [sflag:$0x7] =	stream.linear.gather [hbm4b:s4+s3], $0x10, $0x38;
	[tilespmem:$0x18280] =	vst v63  }
0x218: {  	s26 =	sadd.s32 $0x60, s1;
	s31 =	simm.s32 $0xC580;
	s1 =	sadd.s32 $0xF4280, s1  }
0x219: {  	[tilespmem:s31], [sflag:$0x7] =	stream.linear.gather [hbm4b:s26+s3], $0x10, $0x38;
	[tilespmem:$0x18280] =	vst v63  }
.LBB2_14:
0x21a: {  	[tilespmem:s25], [sflag:$0x7] =	stream.linear.gather [hbm4b:s2+s3], $0x10, $0x38;
	[tilespmem:$0x18280] =	vst v63  }
0x21b: {  	s25 =	smov.u32 s29;
	s2 =	smov.u32 s30  }
0x21c: {  	s26 =	sadd.s32 $0x1000, s30;
	s29 =	sshra.s32 s2, $0x2;
	s2 =	sadd.s32 $0xC280, s25  }
0x21d: {  	[tilespmem:s2], [sflag:$0x7] =	stream.linear.gather [hbm4b:s1+s3], $0x10, $0x38;
	[tilespmem:$0x18280] =	vst v63  }
0x21e: {  	p0 =	sne.s32 s30, $0x7000;
	s30 =	sadd.s32 $0xC300, s25;
	s2 =	sadd.s32 $0x10, s1  }
0x21f: {  	[tilespmem:s30], [sflag:$0x7] =	stream.linear.gather [hbm4b:s2+s3], $0x10, $0x38;
	[tilespmem:$0x18280] =	vst v63  }
0x220: {  	s2 =	sadd.s32 $0x20, s1;
	s30 =	sadd.s32 $0xC380, s25  }
0x221: {  	[tilespmem:s30], [sflag:$0x7] =	stream.linear.gather [hbm4b:s2+s3], $0x10, $0x38;
	[tilespmem:$0x18280] =	vst v63  }
0x222: {  	s2 =	sadd.s32 $0x30, s1;
	s30 =	sadd.s32 $0xC400, s25  }
0x223: {  	[tilespmem:s30], [sflag:$0x7] =	stream.linear.gather [hbm4b:s2+s3], $0x10, $0x38;
	[tilespmem:$0x18280] =	vst v63  }
0x224: {  	s2 =	sadd.s32 $0x40, s1;
	s30 =	sadd.s32 $0xC480, s25  }
0x225: {  	[tilespmem:s30], [sflag:$0x7] =	stream.linear.gather [hbm4b:s2+s3], $0x10, $0x38;
	[tilespmem:$0x18280] =	vst v63  }
.Ltmp6:
0x226: {  	s2 =	sadd.s32 $0x50, s1;
	s30 =	sadd.s32 $0xC500, s25;
	(pc) =	sbr.rel @p0 .LBB2_14-.Ltmp6, $4  }
0x227: {  	[tilespmem:s30], [sflag:$0x7] =	stream.linear.gather [hbm4b:s2+s3], $0x10, $0x38;
	[tilespmem:$0x18280] =	vst v63  }
0x228: {  	s2 =	sadd.s32 $0x60, s1;
	s30 =	sadd.s32 $0xC580, s25;
	s25 =	sadd.s32 $0xC600, s25  }
0x229: {  	[tilespmem:s30], [sflag:$0x7] =	stream.linear.gather [hbm4b:s2+s3], $0x10, $0x38;
	[tilespmem:$0x18280] =	vst v63  }
0x22a: {  	s2 =	sadd.s32 $0x70, s1;
	s1 =	sadd.s32 $0xF4280, s1;
	s30 =	smov.u32 s26  }
0x22b: {  	[tilespmem:s25], [sflag:$0x7] =	stream.linear.gather [hbm4b:s2+s3], $0x10, $0x38;
	(v2sf) =	vpush v40, $0x7;
	[tilespmem:$0x18280] =	vst v63  }
0x22c: {  	s5 =	sadd.s32 $0xC280, s29  }
0x22d: {  	[tilespmem:s5], [sflag:$0x7] =	stream.linear.gather [hbm4b:s1+s3], $0x10, $0x38;
	[tilespmem:$0x18280] =	vst v63  }
0x22e: {  	s25 =	sadd.s32 $0x10, s1;
	s26 =	sadd.s32 $0xC300, s29  }
0x22f: {  	[tilespmem:s26], [sflag:$0x7] =	stream.linear.gather [hbm4b:s25+s3], $0x10, $0x38;
	[tilespmem:$0x18280] =	vst v63  }
0x230: {  	s4 =	sadd.s32 $0x20, s1;
	s5 =	sadd.s32 $0xC380, s29  }
0x231: {  	[tilespmem:s5], [sflag:$0x7] =	stream.linear.gather [hbm4b:s4+s3], $0x10, $0x38;
	[tilespmem:$0x18280] =	vst v63  }
0x232: {  	s25 =	sadd.s32 $0x30, s1;
	s26 =	sadd.s32 $0xC400, s29  }
0x233: {  	[tilespmem:s26], [sflag:$0x7] =	stream.linear.gather [hbm4b:s25+s3], $0x10, $0x38;
	[tilespmem:$0x18280] =	vst v63  }
0x234: {  	s4 =	sadd.s32 $0x40, s1;
	s5 =	sadd.s32 $0xC480, s29  }
0x235: {  	[tilespmem:s5], [sflag:$0x7] =	stream.linear.gather [hbm4b:s4+s3], $0x10, $0x38;
	[tilespmem:$0x18280] =	vst v63  }
0x236: {  	s25 =	sadd.s32 $0x50, s1;
	s26 =	sadd.s32 $0xC500, s29  }
0x237: {  	[tilespmem:s26], [sflag:$0x7] =	stream.linear.gather [hbm4b:s25+s3], $0x10, $0x38;
	[tilespmem:$0x18280] =	vst v63  }
0x238: {  	s4 =	sadd.s32 $0x60, s1;
	s5 =	sadd.s32 $0xC580, s29  }
0x239: {  	[tilespmem:s5], [sflag:$0x7] =	stream.linear.gather [hbm4b:s4+s3], $0x10, $0x38;
	[tilespmem:$0x18280] =	vst v63  }
0x23a: {  	s25 =	sadd.s32 $0x70, s1;
	s26 =	sadd.s32 $0xC600, s29;
	s4 =	spop (v2sf)  }
0x23b: {  	[tilespmem:s26], [sflag:$0x7] =	stream.linear.gather [hbm4b:s25+s3], $0x10, $0x38;
	[tilespmem:$0x18280] =	vst v63  }
0x23c: {  	s5 =	sshll.u32 s4, $0x3  }
0x23d: {  	s1 =	sand.u32 $0x70, s4;
	s2 =	sand.u32 $0xFFFFFC00, s5  }
0x23e: {  	s1 =	sor.u32 s1, s2  }
0x23f: {  	s1 =	sshrl.u32 s1, $0x3  }
0x240: {  	s29 =	simm.s32 $0x0;
	s25 =	simm.s32 $0xE280;
	s26 =	sadd.s32 s0, s1  }
0x241: {  	[tilespmem:s25], [sflag:$0x8] =	stream.linear.gather [hbm4b:s26+s29], $0x10, $0x38;
	[tilespmem:$0x18280] =	vst v63  }
0x242: {  	s4 =	simm.s32 $0xE300;
	s2 =	sadd.s32 $0x10, s26  }
0x243: {  	[tilespmem:s4], [sflag:$0x8] =	stream.linear.gather [hbm4b:s2+s29], $0x10, $0x38;
	[tilespmem:$0x18280] =	vst v63  }
0x244: {  	s5 =	sadd.s32 $0x20, s26;
	s25 =	simm.s32 $0xE380  }
0x245: {  	[tilespmem:s25], [sflag:$0x8] =	stream.linear.gather [hbm4b:s5+s29], $0x10, $0x38;
	[tilespmem:$0x18280] =	vst v63  }
0x246: {  	s2 =	sadd.s32 $0x30, s26;
	s4 =	simm.s32 $0xE400  }
0x247: {  	[tilespmem:s4], [sflag:$0x8] =	stream.linear.gather [hbm4b:s2+s29], $0x10, $0x38;
	[tilespmem:$0x18280] =	vst v63  }
0x248: {  	s5 =	sadd.s32 $0x40, s26;
	s25 =	simm.s32 $0xE480  }
0x249: {  	[tilespmem:s25], [sflag:$0x8] =	stream.linear.gather [hbm4b:s5+s29], $0x10, $0x38;
	[tilespmem:$0x18280] =	vst v63  }
0x24a: {  	s31 =	simm.s32 $0x2000;
	s2 =	sadd.s32 $0x50, s26;
	s4 =	simm.s32 $0xE500  }
0x24b: {  	[tilespmem:s4], [sflag:$0x8] =	stream.linear.gather [hbm4b:s2+s29], $0x10, $0x38;
	[tilespmem:$0x18280] =	vst v63  }
0x24c: {  	s1 =	simm.s32 $0x400;
	s5 =	sadd.s32 $0x60, s26;
	s25 =	simm.s32 $0xE580  }
0x24d: {  	[tilespmem:s25], [sflag:$0x8] =	stream.linear.gather [hbm4b:s5+s29], $0x10, $0x38;
	[tilespmem:$0x18280] =	vst v63  }
0x24e: {  	s30 =	sadd.s32 $0xF4280, s26;
	s2 =	sadd.s32 $0x70, s26;
	s25 =	simm.s32 $0xE600  }
.LBB2_16:
0x24f: {  	[tilespmem:s25], [sflag:$0x8] =	stream.linear.gather [hbm4b:s2+s29], $0x10, $0x38;
	[tilespmem:$0x18280] =	vst v63  }
0x250: {  	s25 =	smov.u32 s1;
	s1 =	smov.u32 s31  }
0x251: {  	s26 =	sadd.s32 $0x1000, s31;
	s1 =	sshra.s32 s1, $0x2;
	s2 =	sadd.s32 $0xE280, s25  }
0x252: {  	[tilespmem:s2], [sflag:$0x8] =	stream.linear.gather [hbm4b:s30+s29], $0x10, $0x38;
	[tilespmem:$0x18280] =	vst v63  }
0x253: {  	p0 =	sne.s32 s31, $0x7000;
	s31 =	sadd.s32 $0xE300, s25;
	s2 =	sadd.s32 $0x10, s30  }
0x254: {  	[tilespmem:s31], [sflag:$0x8] =	stream.linear.gather [hbm4b:s2+s29], $0x10, $0x38;
	[tilespmem:$0x18280] =	vst v63  }
0x255: {  	s2 =	sadd.s32 $0x20, s30;
	s31 =	sadd.s32 $0xE380, s25  }
0x256: {  	[tilespmem:s31], [sflag:$0x8] =	stream.linear.gather [hbm4b:s2+s29], $0x10, $0x38;
	[tilespmem:$0x18280] =	vst v63  }
0x257: {  	s2 =	sadd.s32 $0x30, s30;
	s31 =	sadd.s32 $0xE400, s25  }
0x258: {  	[tilespmem:s31], [sflag:$0x8] =	stream.linear.gather [hbm4b:s2+s29], $0x10, $0x38;
	[tilespmem:$0x18280] =	vst v63  }
0x259: {  	s2 =	sadd.s32 $0x40, s30;
	s31 =	sadd.s32 $0xE480, s25  }
0x25a: {  	[tilespmem:s31], [sflag:$0x8] =	stream.linear.gather [hbm4b:s2+s29], $0x10, $0x38;
	[tilespmem:$0x18280] =	vst v63  }
.Ltmp7:
0x25b: {  	s2 =	sadd.s32 $0x50, s30;
	s31 =	sadd.s32 $0xE500, s25;
	(pc) =	sbr.rel @p0 .LBB2_16-.Ltmp7, $4  }
0x25c: {  	[tilespmem:s31], [sflag:$0x8] =	stream.linear.gather [hbm4b:s2+s29], $0x10, $0x38;
	[tilespmem:$0x18280] =	vst v63  }
0x25d: {  	s2 =	sadd.s32 $0x60, s30;
	s31 =	sadd.s32 $0xE580, s25;
	s25 =	sadd.s32 $0xE600, s25  }
0x25e: {  	[tilespmem:s31], [sflag:$0x8] =	stream.linear.gather [hbm4b:s2+s29], $0x10, $0x38;
	[tilespmem:$0x18280] =	vst v63  }
0x25f: {  	s2 =	sadd.s32 $0x70, s30;
	s30 =	sadd.s32 $0xF4280, s30;
	s31 =	smov.u32 s26  }
0x260: {  	[tilespmem:s25], [sflag:$0x8] =	stream.linear.gather [hbm4b:s2+s29], $0x10, $0x38;
	[tilespmem:$0x18280] =	vst v63  }
0x261: {  	s31 =	sadd.s32 $0xE280, s1  }
0x262: {  	[tilespmem:s31], [sflag:$0x8] =	stream.linear.gather [hbm4b:s30+s29], $0x10, $0x38;
	[tilespmem:$0x18280] =	vst v63  }
0x263: {  	s4 =	sadd.s32 $0x10, s30;
	s5 =	sadd.s32 $0xE300, s1  }
0x264: {  	[tilespmem:s5], [sflag:$0x8] =	stream.linear.gather [hbm4b:s4+s29], $0x10, $0x38;
	[tilespmem:$0x18280] =	vst v63  }
0x265: {  	s26 =	sadd.s32 $0x20, s30;
	s31 =	sadd.s32 $0xE380, s1  }
0x266: {  	[tilespmem:s31], [sflag:$0x8] =	stream.linear.gather [hbm4b:s26+s29], $0x10, $0x38;
	[tilespmem:$0x18280] =	vst v63  }
0x267: {  	s4 =	sadd.s32 $0x30, s30;
	s5 =	sadd.s32 $0xE400, s1  }
0x268: {  	[tilespmem:s5], [sflag:$0x8] =	stream.linear.gather [hbm4b:s4+s29], $0x10, $0x38;
	[tilespmem:$0x18280] =	vst v63  }
0x269: {  	s26 =	sadd.s32 $0x40, s30;
	s31 =	sadd.s32 $0xE480, s1  }
0x26a: {  	[tilespmem:s31], [sflag:$0x8] =	stream.linear.gather [hbm4b:s26+s29], $0x10, $0x38;
	[tilespmem:$0x18280] =	vst v63  }
0x26b: {  	s4 =	sadd.s32 $0x50, s30;
	s5 =	sadd.s32 $0xE500, s1  }
0x26c: {  	[tilespmem:s5], [sflag:$0x8] =	stream.linear.gather [hbm4b:s4+s29], $0x10, $0x38;
	[tilespmem:$0x18280] =	vst v63  }
0x26d: {  	s25 =	sadd.s32 $0x60, s30;
	s26 =	sadd.s32 $0xE580, s1  }
0x26e: {  	[tilespmem:s26], [sflag:$0x8] =	stream.linear.gather [hbm4b:s25+s29], $0x10, $0x38;
	[tilespmem:$0x18280] =	vst v63  }
0x26f: {  	s30 =	sadd.s32 $0x70, s30;
	s31 =	sadd.s32 $0xE600, s1  }
0x270: {  	[tilespmem:s31], [sflag:$0x8] =	stream.linear.gather [hbm4b:s30+s29], $0x10, $0x38;
	[tilespmem:$0x18280] =	vst v63  }
.LBB2_18:
0x271: {  	s30 =	sshll.u32 s29, $0x3  }
0x272: {  	v41 =	vld [tilespmem:s30+$0x0];
	_ =	sdelay $0x4  }
0x273: {  	(v2sf) =	vpush v41, $0x0;
	_ =	sdelay $0xe  }
0x274: {  	s1 =	spop (v2sf)  }
0x275: {  	s1 =	sand.u32 $0xF, s1  }
0x276: {  	v42 =	vor.u32 s1, v0  }
0x277: {  	v43 =	vmov s30  }
0x278: {  	v40 =	vld [tilespmem:s30+$0x8];
	v44 =	vshll.u32 v43, $0x3;
	_ =	swait.ge [sflag:s8], $0x400  }
0x279: {  	v43 =	vand.u32 $0x78, v43;
	v44 =	vand.u32 $0xC00, v44;
	[sflag:s8] =	ssyncset.done $0x0  }
0x27a: {  	v43 =	vor.u32 v43, v44;
	[sflag:s8] =	ssyncadd.s32 $0xFFFFFC00  }
0x27b: {  	v44 =	vor.u32 v1, v43;
	v42 =	vld.idx.msk [tilespmem:v42+s9+$0x0], $0xffff  }
0x27c: {  	v45 =	vor.u32 s1, v2;
	_ =	sdelay $0x1  }
0x27d: {  	(v2sf) =	vpush v40, $0x0;
	_ =	sdelay $0x1  }
0x27e: {  	[tilespmem:v44+s10+$0x0] =	vst.idx.msk $0xffff, v42  }
0x27f: {  	v60 =	vor.u32 v3, v43;
	v42 =	vld.idx.msk [tilespmem:v45+s9+$0x0], $0xffff  }
0x280: {  	v61 =	vor.u32 s1, v4;
	_ =	sdelay $0x3  }
0x281: {  	[tilespmem:v60+s10+$0x0] =	vst.idx.msk $0xffff, v42  }
0x282: {  	v62 =	vor.u32 v5, v43;
	v42 =	vld.idx.msk [tilespmem:v61+s9+$0x0], $0xffff  }
0x283: {  	v63 =	vor.u32 s1, v6;
	_ =	sdelay $0x3  }
0x284: {  	[tilespmem:v62+s10+$0x0] =	vst.idx.msk $0xffff, v42  }
0x285: {  	v43 =	vor.u32 v7, v43;
	s26 =	spop (v2sf);
	v42 =	vld.idx.msk [tilespmem:v63+s9+$0x0], $0xffff  }
0x286: {  	s2 =	sshll.u32 s26, $0x3  }
0x287: {  	s1 =	sand.u32 $0x70, s26;
	s2 =	sand.u32 $0xFFFFFC00, s2  }
0x288: {  	s1 =	sor.u32 s1, s2  }
0x289: {  	s1 =	sshrl.u32 s1, $0x3  }
0x28a: {  	s4 =	simm.s32 $0x280;
	s1 =	sadd.s32 s0, s1;
	[tilespmem:v43+s10+$0x0] =	vst.idx.msk $0xffff, v42  }
0x28b: {  	[tilespmem:s4], [sflag:$0x1] =	stream.linear.gather [hbm4b:s1+s3], $0x10, $0x38;
	[tilespmem:$0x18280] =	vst v63  }
0x28c: {  	s25 =	simm.s32 $0x300;
	s5 =	sadd.s32 $0x10, s1  }
0x28d: {  	[tilespmem:s25], [sflag:$0x1] =	stream.linear.gather [hbm4b:s5+s3], $0x10, $0x38;
	[tilespmem:$0x18280] =	vst v63  }
0x28e: {  	s26 =	simm.s32 $0x380;
	s25 =	sadd.s32 $0x20, s1  }
0x28f: {  	[tilespmem:s26], [sflag:$0x1] =	stream.linear.gather [hbm4b:s25+s3], $0x10, $0x38;
	[tilespmem:$0x18280] =	vst v63  }
0x290: {  	s4 =	sadd.s32 $0x30, s1;
	s5 =	simm.s32 $0x400  }
0x291: {  	[tilespmem:s5], [sflag:$0x1] =	stream.linear.gather [hbm4b:s4+s3], $0x10, $0x38;
	[tilespmem:$0x18280] =	vst v63  }
0x292: {  	s25 =	sadd.s32 $0x40, s1;
	s26 =	simm.s32 $0x480  }
0x293: {  	[tilespmem:s26], [sflag:$0x1] =	stream.linear.gather [hbm4b:s25+s3], $0x10, $0x38;
	[tilespmem:$0x18280] =	vst v63  }
0x294: {  	s31 =	simm.s32 $0x400;
	s4 =	sadd.s32 $0x50, s1;
	s5 =	simm.s32 $0x500  }
0x295: {  	[tilespmem:s5], [sflag:$0x1] =	stream.linear.gather [hbm4b:s4+s3], $0x10, $0x38;
	[tilespmem:$0x18280] =	vst v63  }
0x296: {  	s2 =	simm.s32 $0x2000;
	s25 =	sadd.s32 $0x60, s1;
	s26 =	simm.s32 $0x580  }
0x297: {  	[tilespmem:s26], [sflag:$0x1] =	stream.linear.gather [hbm4b:s25+s3], $0x10, $0x38;
	[tilespmem:$0x18280] =	vst v63  }
0x298: {  	s25 =	sadd.s32 $0x70, s1;
	s26 =	simm.s32 $0x600;
	s1 =	sadd.s32 $0xF4280, s1  }
.LBB2_19:
0x299: {  	[tilespmem:s26], [sflag:$0x1] =	stream.linear.gather [hbm4b:s25+s3], $0x10, $0x38;
	[tilespmem:$0x18280] =	vst v63  }
0x29a: {  	s26 =	smov.u32 s31;
	s25 =	smov.u32 s2  }
0x29b: {  	s4 =	sadd.s32 $0x1000, s2;
	s31 =	sshra.s32 s25, $0x2;
	s25 =	sadd.s32 $0x280, s26  }
0x29c: {  	[tilespmem:s25], [sflag:$0x1] =	stream.linear.gather [hbm4b:s1+s3], $0x10, $0x38;
	[tilespmem:$0x18280] =	vst v63  }
0x29d: {  	p0 =	sne.s32 s2, $0x7000;
	s2 =	sadd.s32 $0x10, s1;
	s25 =	sadd.s32 $0x300, s26  }
0x29e: {  	[tilespmem:s25], [sflag:$0x1] =	stream.linear.gather [hbm4b:s2+s3], $0x10, $0x38;
	[tilespmem:$0x18280] =	vst v63  }
0x29f: {  	s2 =	sadd.s32 $0x20, s1;
	s25 =	sadd.s32 $0x380, s26  }
0x2a0: {  	[tilespmem:s25], [sflag:$0x1] =	stream.linear.gather [hbm4b:s2+s3], $0x10, $0x38;
	[tilespmem:$0x18280] =	vst v63  }
0x2a1: {  	s2 =	sadd.s32 $0x30, s1;
	s25 =	sadd.s32 $0x400, s26  }
0x2a2: {  	[tilespmem:s25], [sflag:$0x1] =	stream.linear.gather [hbm4b:s2+s3], $0x10, $0x38;
	[tilespmem:$0x18280] =	vst v63  }
0x2a3: {  	s2 =	sadd.s32 $0x40, s1;
	s25 =	sadd.s32 $0x480, s26  }
0x2a4: {  	[tilespmem:s25], [sflag:$0x1] =	stream.linear.gather [hbm4b:s2+s3], $0x10, $0x38;
	[tilespmem:$0x18280] =	vst v63  }
.Ltmp8:
0x2a5: {  	s2 =	sadd.s32 $0x50, s1;
	s25 =	sadd.s32 $0x500, s26;
	(pc) =	sbr.rel @p0 .LBB2_19-.Ltmp8, $4  }
0x2a6: {  	[tilespmem:s25], [sflag:$0x1] =	stream.linear.gather [hbm4b:s2+s3], $0x10, $0x38;
	[tilespmem:$0x18280] =	vst v63  }
0x2a7: {  	s2 =	sadd.s32 $0x60, s1;
	s25 =	sadd.s32 $0x580, s26;
	s26 =	sadd.s32 $0x600, s26  }
0x2a8: {  	[tilespmem:s25], [sflag:$0x1] =	stream.linear.gather [hbm4b:s2+s3], $0x10, $0x38;
	[tilespmem:$0x18280] =	vst v63  }
0x2a9: {  	s25 =	sadd.s32 $0x70, s1;
	s1 =	sadd.s32 $0xF4280, s1;
	s2 =	smov.u32 s4  }
0x2aa: {  	[tilespmem:s26], [sflag:$0x1] =	stream.linear.gather [hbm4b:s25+s3], $0x10, $0x38;
	(v2sf) =	vpush v41, $0x1;
	[tilespmem:$0x18280] =	vst v63  }
0x2ab: {  	s2 =	sadd.s32 $0x280, s31  }
0x2ac: {  	[tilespmem:s2], [sflag:$0x1] =	stream.linear.gather [hbm4b:s1+s3], $0x10, $0x38;
	[tilespmem:$0x18280] =	vst v63  }
0x2ad: {  	s5 =	sadd.s32 $0x10, s1;
	s4 =	sadd.s32 $0x300, s31  }
0x2ae: {  	[tilespmem:s4], [sflag:$0x1] =	stream.linear.gather [hbm4b:s5+s3], $0x10, $0x38;
	[tilespmem:$0x18280] =	vst v63  }
0x2af: {  	s25 =	sadd.s32 $0x20, s1;
	s26 =	sadd.s32 $0x380, s31  }
0x2b0: {  	[tilespmem:s26], [sflag:$0x1] =	stream.linear.gather [hbm4b:s25+s3], $0x10, $0x38;
	[tilespmem:$0x18280] =	vst v63  }
0x2b1: {  	s4 =	sadd.s32 $0x30, s1;
	s5 =	sadd.s32 $0x400, s31  }
0x2b2: {  	[tilespmem:s5], [sflag:$0x1] =	stream.linear.gather [hbm4b:s4+s3], $0x10, $0x38;
	[tilespmem:$0x18280] =	vst v63  }
0x2b3: {  	s25 =	sadd.s32 $0x40, s1;
	s26 =	sadd.s32 $0x480, s31  }
0x2b4: {  	[tilespmem:s26], [sflag:$0x1] =	stream.linear.gather [hbm4b:s25+s3], $0x10, $0x38;
	[tilespmem:$0x18280] =	vst v63  }
0x2b5: {  	s4 =	sadd.s32 $0x50, s1;
	s5 =	sadd.s32 $0x500, s31  }
0x2b6: {  	[tilespmem:s5], [sflag:$0x1] =	stream.linear.gather [hbm4b:s4+s3], $0x10, $0x38;
	[tilespmem:$0x18280] =	vst v63  }
0x2b7: {  	s25 =	sadd.s32 $0x60, s1;
	s26 =	sadd.s32 $0x580, s31  }
0x2b8: {  	[tilespmem:s26], [sflag:$0x1] =	stream.linear.gather [hbm4b:s25+s3], $0x10, $0x38;
	[tilespmem:$0x18280] =	vst v63  }
0x2b9: {  	s4 =	spop (v2sf)  }
0x2ba: {  	s2 =	sand.u32 $0xF, s4  }
0x2bb: {  	s5 =	sadd.s32 $0x70, s1;
	s25 =	sadd.s32 $0x600, s31;
	s26 =	sor.u32 $0x1, s30;
	v42 =	vor.u32 s2, v0  }
0x2bc: {  	v43 =	vmov s26;
	[tilespmem:s25], [sflag:$0x1] =	stream.linear.gather [hbm4b:s5+s3], $0x10, $0x38;
	[tilespmem:$0x18280] =	vst v63  }
0x2bd: {  	v44 =	vshll.u32 v43, $0x3;
	_ =	swait.ge [sflag:s11], $0x400  }
0x2be: {  	v43 =	vand.u32 $0x79, v43;
	v44 =	vand.u32 $0xC00, v44;
	[sflag:s11] =	ssyncset.done $0x0  }
0x2bf: {  	v43 =	vor.u32 v43, v44;
	[sflag:s11] =	ssyncadd.s32 $0xFFFFFC00  }
0x2c0: {  	v44 =	vor.u32 v1, v43;
	v42 =	vld.idx.msk [tilespmem:v42+s12+$0x0], $0xffff  }
0x2c1: {  	v45 =	vor.u32 s2, v2;
	_ =	sdelay $0x1  }
0x2c2: {  	(v2sf) =	vpush v40, $0x1;
	_ =	sdelay $0x1  }
0x2c3: {  	[tilespmem:v44+s10+$0x0] =	vst.idx.msk $0xffff, v42  }
0x2c4: {  	v60 =	vor.u32 v3, v43;
	v42 =	vld.idx.msk [tilespmem:v45+s12+$0x0], $0xffff  }
0x2c5: {  	v61 =	vor.u32 s2, v4;
	_ =	sdelay $0x3  }
0x2c6: {  	[tilespmem:v60+s10+$0x0] =	vst.idx.msk $0xffff, v42  }
0x2c7: {  	v62 =	vor.u32 v5, v43;
	v42 =	vld.idx.msk [tilespmem:v61+s12+$0x0], $0xffff  }
0x2c8: {  	v63 =	vor.u32 s2, v6;
	_ =	sdelay $0x3  }
0x2c9: {  	[tilespmem:v62+s10+$0x0] =	vst.idx.msk $0xffff, v42  }
0x2ca: {  	v43 =	vor.u32 v7, v43;
	s5 =	spop (v2sf);
	v42 =	vld.idx.msk [tilespmem:v63+s12+$0x0], $0xffff  }
0x2cb: {  	s25 =	sshll.u32 s5, $0x3  }
0x2cc: {  	s1 =	sand.u32 $0x70, s5;
	s2 =	sand.u32 $0xFFFFFC00, s25  }
0x2cd: {  	s1 =	sor.u32 s1, s2  }
0x2ce: {  	s1 =	sshrl.u32 s1, $0x3  }
0x2cf: {  	s26 =	simm.s32 $0x2280;
	s1 =	sadd.s32 s0, s1;
	[tilespmem:v43+s10+$0x0] =	vst.idx.msk $0xffff, v42  }
0x2d0: {  	[tilespmem:s26], [sflag:$0x2] =	stream.linear.gather [hbm4b:s1+s3], $0x10, $0x38;
	[tilespmem:$0x18280] =	vst v63  }
0x2d1: {  	s5 =	simm.s32 $0x2300;
	s4 =	sadd.s32 $0x10, s1  }
0x2d2: {  	[tilespmem:s5], [sflag:$0x2] =	stream.linear.gather [hbm4b:s4+s3], $0x10, $0x38;
	[tilespmem:$0x18280] =	vst v63  }
0x2d3: {  	s25 =	sadd.s32 $0x20, s1;
	s26 =	simm.s32 $0x2380  }
0x2d4: {  	[tilespmem:s26], [sflag:$0x2] =	stream.linear.gather [hbm4b:s25+s3], $0x10, $0x38;
	[tilespmem:$0x18280] =	vst v63  }
0x2d5: {  	s4 =	sadd.s32 $0x30, s1;
	s5 =	simm.s32 $0x2400  }
0x2d6: {  	[tilespmem:s5], [sflag:$0x2] =	stream.linear.gather [hbm4b:s4+s3], $0x10, $0x38;
	[tilespmem:$0x18280] =	vst v63  }
0x2d7: {  	s25 =	sadd.s32 $0x40, s1;
	s26 =	simm.s32 $0x2480  }
0x2d8: {  	[tilespmem:s26], [sflag:$0x2] =	stream.linear.gather [hbm4b:s25+s3], $0x10, $0x38;
	[tilespmem:$0x18280] =	vst v63  }
0x2d9: {  	s31 =	simm.s32 $0x400;
	s4 =	sadd.s32 $0x50, s1;
	s5 =	simm.s32 $0x2500  }
0x2da: {  	[tilespmem:s5], [sflag:$0x2] =	stream.linear.gather [hbm4b:s4+s3], $0x10, $0x38;
	[tilespmem:$0x18280] =	vst v63  }
0x2db: {  	s2 =	simm.s32 $0x2000;
	s25 =	sadd.s32 $0x60, s1;
	s26 =	simm.s32 $0x2580  }
0x2dc: {  	[tilespmem:s26], [sflag:$0x2] =	stream.linear.gather [hbm4b:s25+s3], $0x10, $0x38;
	[tilespmem:$0x18280] =	vst v63  }
0x2dd: {  	s25 =	sadd.s32 $0x70, s1;
	s26 =	simm.s32 $0x2600;
	s1 =	sadd.s32 $0xF4280, s1  }
.LBB2_21:
0x2de: {  	[tilespmem:s26], [sflag:$0x2] =	stream.linear.gather [hbm4b:s25+s3], $0x10, $0x38;
	[tilespmem:$0x18280] =	vst v63  }
0x2df: {  	s4 =	smov.u32 s31;
	s25 =	smov.u32 s2  }
0x2e0: {  	s5 =	sadd.s32 $0x1000, s2;
	s31 =	sshra.s32 s25, $0x2;
	s25 =	sadd.s32 $0x2280, s4  }
0x2e1: {  	[tilespmem:s25], [sflag:$0x2] =	stream.linear.gather [hbm4b:s1+s3], $0x10, $0x38;
	[tilespmem:$0x18280] =	vst v63  }
0x2e2: {  	p0 =	sne.s32 s2, $0x7000;
	s2 =	sadd.s32 $0x10, s1;
	s25 =	sadd.s32 $0x2300, s4  }
0x2e3: {  	[tilespmem:s25], [sflag:$0x2] =	stream.linear.gather [hbm4b:s2+s3], $0x10, $0x38;
	[tilespmem:$0x18280] =	vst v63  }
0x2e4: {  	s2 =	sadd.s32 $0x20, s1;
	s25 =	sadd.s32 $0x2380, s4  }
0x2e5: {  	[tilespmem:s25], [sflag:$0x2] =	stream.linear.gather [hbm4b:s2+s3], $0x10, $0x38;
	[tilespmem:$0x18280] =	vst v63  }
0x2e6: {  	s2 =	sadd.s32 $0x30, s1;
	s25 =	sadd.s32 $0x2400, s4  }
0x2e7: {  	[tilespmem:s25], [sflag:$0x2] =	stream.linear.gather [hbm4b:s2+s3], $0x10, $0x38;
	[tilespmem:$0x18280] =	vst v63  }
0x2e8: {  	s2 =	sadd.s32 $0x40, s1;
	s25 =	sadd.s32 $0x2480, s4  }
0x2e9: {  	[tilespmem:s25], [sflag:$0x2] =	stream.linear.gather [hbm4b:s2+s3], $0x10, $0x38;
	[tilespmem:$0x18280] =	vst v63  }
.Ltmp9:
0x2ea: {  	s2 =	sadd.s32 $0x50, s1;
	s25 =	sadd.s32 $0x2500, s4;
	(pc) =	sbr.rel @p0 .LBB2_21-.Ltmp9, $4  }
0x2eb: {  	[tilespmem:s25], [sflag:$0x2] =	stream.linear.gather [hbm4b:s2+s3], $0x10, $0x38;
	[tilespmem:$0x18280] =	vst v63  }
0x2ec: {  	s26 =	sadd.s32 $0x2600, s4;
	s2 =	sadd.s32 $0x60, s1;
	s25 =	sadd.s32 $0x2580, s4  }
0x2ed: {  	[tilespmem:s25], [sflag:$0x2] =	stream.linear.gather [hbm4b:s2+s3], $0x10, $0x38;
	[tilespmem:$0x18280] =	vst v63  }
0x2ee: {  	s25 =	sadd.s32 $0x70, s1;
	s1 =	sadd.s32 $0xF4280, s1;
	s2 =	smov.u32 s5  }
0x2ef: {  	[tilespmem:s26], [sflag:$0x2] =	stream.linear.gather [hbm4b:s25+s3], $0x10, $0x38;
	(v2sf) =	vpush v41, $0x2;
	[tilespmem:$0x18280] =	vst v63  }
0x2f0: {  	s2 =	sadd.s32 $0x2280, s31  }
0x2f1: {  	[tilespmem:s2], [sflag:$0x2] =	stream.linear.gather [hbm4b:s1+s3], $0x10, $0x38;
	[tilespmem:$0x18280] =	vst v63  }
0x2f2: {  	s5 =	sadd.s32 $0x10, s1;
	s4 =	sadd.s32 $0x2300, s31  }
0x2f3: {  	[tilespmem:s4], [sflag:$0x2] =	stream.linear.gather [hbm4b:s5+s3], $0x10, $0x38;
	[tilespmem:$0x18280] =	vst v63  }
0x2f4: {  	s25 =	sadd.s32 $0x20, s1;
	s26 =	sadd.s32 $0x2380, s31  }
0x2f5: {  	[tilespmem:s26], [sflag:$0x2] =	stream.linear.gather [hbm4b:s25+s3], $0x10, $0x38;
	[tilespmem:$0x18280] =	vst v63  }
0x2f6: {  	s4 =	sadd.s32 $0x30, s1;
	s5 =	sadd.s32 $0x2400, s31  }
0x2f7: {  	[tilespmem:s5], [sflag:$0x2] =	stream.linear.gather [hbm4b:s4+s3], $0x10, $0x38;
	[tilespmem:$0x18280] =	vst v63  }
0x2f8: {  	s25 =	sadd.s32 $0x40, s1;
	s26 =	sadd.s32 $0x2480, s31  }
0x2f9: {  	[tilespmem:s26], [sflag:$0x2] =	stream.linear.gather [hbm4b:s25+s3], $0x10, $0x38;
	[tilespmem:$0x18280] =	vst v63  }
0x2fa: {  	s4 =	sadd.s32 $0x50, s1;
	s5 =	sadd.s32 $0x2500, s31  }
0x2fb: {  	[tilespmem:s5], [sflag:$0x2] =	stream.linear.gather [hbm4b:s4+s3], $0x10, $0x38;
	[tilespmem:$0x18280] =	vst v63  }
0x2fc: {  	s25 =	sadd.s32 $0x60, s1;
	s26 =	sadd.s32 $0x2580, s31  }
0x2fd: {  	[tilespmem:s26], [sflag:$0x2] =	stream.linear.gather [hbm4b:s25+s3], $0x10, $0x38;
	[tilespmem:$0x18280] =	vst v63  }
0x2fe: {  	s5 =	spop (v2sf)  }
0x2ff: {  	s2 =	sand.u32 $0xF, s5  }
0x300: {  	s25 =	sadd.s32 $0x70, s1;
	s26 =	sadd.s32 $0x2600, s31;
	s5 =	sor.u32 $0x2, s30;
	v42 =	vor.u32 s2, v0  }
0x301: {  	[tilespmem:s26], [sflag:$0x2] =	stream.linear.gather [hbm4b:s25+s3], $0x10, $0x38;
	v43 =	vmov s5;
	[tilespmem:$0x18280] =	vst v63  }
0x302: {  	_ =	swait.ge [sflag:s13], $0x400;
	v44 =	vshll.u32 v43, $0x3  }
0x303: {  	[sflag:s13] =	ssyncset.done $0x0;
	v43 =	vand.u32 $0x7A, v43;
	v44 =	vand.u32 $0xC00, v44  }
0x304: {  	[sflag:s13] =	ssyncadd.s32 $0xFFFFFC00;
	v43 =	vor.u32 v43, v44  }
0x305: {  	v44 =	vor.u32 v1, v43;
	v42 =	vld.idx.msk [tilespmem:v42+s14+$0x0], $0xffff  }
0x306: {  	v45 =	vor.u32 s2, v2;
	_ =	sdelay $0x1  }
0x307: {  	(v2sf) =	vpush v40, $0x2;
	_ =	sdelay $0x1  }
0x308: {  	[tilespmem:v44+s10+$0x0] =	vst.idx.msk $0xffff, v42  }
0x309: {  	v60 =	vor.u32 v3, v43;
	v42 =	vld.idx.msk [tilespmem:v45+s14+$0x0], $0xffff  }
0x30a: {  	v61 =	vor.u32 s2, v4;
	_ =	sdelay $0x3  }
0x30b: {  	[tilespmem:v60+s10+$0x0] =	vst.idx.msk $0xffff, v42  }
0x30c: {  	v62 =	vor.u32 v5, v43;
	v42 =	vld.idx.msk [tilespmem:v61+s14+$0x0], $0xffff  }
0x30d: {  	v63 =	vor.u32 s2, v6;
	_ =	sdelay $0x3  }
0x30e: {  	[tilespmem:v62+s10+$0x0] =	vst.idx.msk $0xffff, v42  }
0x30f: {  	v43 =	vor.u32 v7, v43;
	s5 =	spop (v2sf);
	v42 =	vld.idx.msk [tilespmem:v63+s14+$0x0], $0xffff  }
0x310: {  	s25 =	sshll.u32 s5, $0x3  }
0x311: {  	s1 =	sand.u32 $0x70, s5;
	s2 =	sand.u32 $0xFFFFFC00, s25  }
0x312: {  	s1 =	sor.u32 s1, s2  }
0x313: {  	s1 =	sshrl.u32 s1, $0x3  }
0x314: {  	s26 =	simm.s32 $0x4280;
	s1 =	sadd.s32 s0, s1;
	[tilespmem:v43+s10+$0x0] =	vst.idx.msk $0xffff, v42  }
0x315: {  	[tilespmem:s26], [sflag:$0x3] =	stream.linear.gather [hbm4b:s1+s3], $0x10, $0x38;
	[tilespmem:$0x18280] =	vst v63  }
0x316: {  	s5 =	simm.s32 $0x4300;
	s4 =	sadd.s32 $0x10, s1  }
0x317: {  	[tilespmem:s5], [sflag:$0x3] =	stream.linear.gather [hbm4b:s4+s3], $0x10, $0x38;
	[tilespmem:$0x18280] =	vst v63  }
0x318: {  	s25 =	sadd.s32 $0x20, s1;
	s26 =	simm.s32 $0x4380  }
0x319: {  	[tilespmem:s26], [sflag:$0x3] =	stream.linear.gather [hbm4b:s25+s3], $0x10, $0x38;
	[tilespmem:$0x18280] =	vst v63  }
0x31a: {  	s4 =	sadd.s32 $0x30, s1;
	s5 =	simm.s32 $0x4400  }
0x31b: {  	[tilespmem:s5], [sflag:$0x3] =	stream.linear.gather [hbm4b:s4+s3], $0x10, $0x38;
	[tilespmem:$0x18280] =	vst v63  }
0x31c: {  	s25 =	sadd.s32 $0x40, s1;
	s26 =	simm.s32 $0x4480  }
0x31d: {  	[tilespmem:s26], [sflag:$0x3] =	stream.linear.gather [hbm4b:s25+s3], $0x10, $0x38;
	[tilespmem:$0x18280] =	vst v63  }
0x31e: {  	s31 =	simm.s32 $0x400;
	s4 =	sadd.s32 $0x50, s1;
	s5 =	simm.s32 $0x4500  }
0x31f: {  	[tilespmem:s5], [sflag:$0x3] =	stream.linear.gather [hbm4b:s4+s3], $0x10, $0x38;
	[tilespmem:$0x18280] =	vst v63  }
0x320: {  	s2 =	simm.s32 $0x2000;
	s25 =	sadd.s32 $0x60, s1;
	s26 =	simm.s32 $0x4580  }
0x321: {  	[tilespmem:s26], [sflag:$0x3] =	stream.linear.gather [hbm4b:s25+s3], $0x10, $0x38;
	[tilespmem:$0x18280] =	vst v63  }
0x322: {  	s25 =	sadd.s32 $0x70, s1;
	s26 =	simm.s32 $0x4600;
	s1 =	sadd.s32 $0xF4280, s1  }
.LBB2_23:
0x323: {  	[tilespmem:s26], [sflag:$0x3] =	stream.linear.gather [hbm4b:s25+s3], $0x10, $0x38;
	[tilespmem:$0x18280] =	vst v63  }
0x324: {  	s4 =	smov.u32 s31;
	s5 =	smov.u32 s2  }
0x325: {  	s31 =	sshra.s32 s5, $0x2;
	s5 =	sadd.s32 $0x1000, s2;
	s25 =	sadd.s32 $0x4280, s4  }
0x326: {  	[tilespmem:s25], [sflag:$0x3] =	stream.linear.gather [hbm4b:s1+s3], $0x10, $0x38;
	[tilespmem:$0x18280] =	vst v63  }
0x327: {  	p0 =	sne.s32 s2, $0x7000;
	s2 =	sadd.s32 $0x10, s1;
	s25 =	sadd.s32 $0x4300, s4  }
0x328: {  	[tilespmem:s25], [sflag:$0x3] =	stream.linear.gather [hbm4b:s2+s3], $0x10, $0x38;
	[tilespmem:$0x18280] =	vst v63  }
0x329: {  	s2 =	sadd.s32 $0x20, s1;
	s25 =	sadd.s32 $0x4380, s4  }
0x32a: {  	[tilespmem:s25], [sflag:$0x3] =	stream.linear.gather [hbm4b:s2+s3], $0x10, $0x38;
	[tilespmem:$0x18280] =	vst v63  }
0x32b: {  	s2 =	sadd.s32 $0x30, s1;
	s25 =	sadd.s32 $0x4400, s4  }
0x32c: {  	[tilespmem:s25], [sflag:$0x3] =	stream.linear.gather [hbm4b:s2+s3], $0x10, $0x38;
	[tilespmem:$0x18280] =	vst v63  }
0x32d: {  	s2 =	sadd.s32 $0x40, s1;
	s25 =	sadd.s32 $0x4480, s4  }
0x32e: {  	[tilespmem:s25], [sflag:$0x3] =	stream.linear.gather [hbm4b:s2+s3], $0x10, $0x38;
	[tilespmem:$0x18280] =	vst v63  }
.Ltmp10:
0x32f: {  	s2 =	sadd.s32 $0x50, s1;
	s25 =	sadd.s32 $0x4500, s4;
	(pc) =	sbr.rel @p0 .LBB2_23-.Ltmp10, $4  }
0x330: {  	[tilespmem:s25], [sflag:$0x3] =	stream.linear.gather [hbm4b:s2+s3], $0x10, $0x38;
	[tilespmem:$0x18280] =	vst v63  }
0x331: {  	s26 =	sadd.s32 $0x4600, s4;
	s2 =	sadd.s32 $0x60, s1;
	s25 =	sadd.s32 $0x4580, s4  }
0x332: {  	[tilespmem:s25], [sflag:$0x3] =	stream.linear.gather [hbm4b:s2+s3], $0x10, $0x38;
	[tilespmem:$0x18280] =	vst v63  }
0x333: {  	s25 =	sadd.s32 $0x70, s1;
	s1 =	sadd.s32 $0xF4280, s1;
	s2 =	smov.u32 s5  }
0x334: {  	[tilespmem:s26], [sflag:$0x3] =	stream.linear.gather [hbm4b:s25+s3], $0x10, $0x38;
	(v2sf) =	vpush v41, $0x3;
	[tilespmem:$0x18280] =	vst v63  }
0x335: {  	s2 =	sadd.s32 $0x4280, s31  }
0x336: {  	[tilespmem:s2], [sflag:$0x3] =	stream.linear.gather [hbm4b:s1+s3], $0x10, $0x38;
	[tilespmem:$0x18280] =	vst v63  }
0x337: {  	s5 =	sadd.s32 $0x10, s1;
	s4 =	sadd.s32 $0x4300, s31  }
0x338: {  	[tilespmem:s4], [sflag:$0x3] =	stream.linear.gather [hbm4b:s5+s3], $0x10, $0x38;
	[tilespmem:$0x18280] =	vst v63  }
0x339: {  	s25 =	sadd.s32 $0x20, s1;
	s26 =	sadd.s32 $0x4380, s31  }
0x33a: {  	[tilespmem:s26], [sflag:$0x3] =	stream.linear.gather [hbm4b:s25+s3], $0x10, $0x38;
	[tilespmem:$0x18280] =	vst v63  }
0x33b: {  	s4 =	sadd.s32 $0x30, s1;
	s5 =	sadd.s32 $0x4400, s31  }
0x33c: {  	[tilespmem:s5], [sflag:$0x3] =	stream.linear.gather [hbm4b:s4+s3], $0x10, $0x38;
	[tilespmem:$0x18280] =	vst v63  }
0x33d: {  	s25 =	sadd.s32 $0x40, s1;
	s26 =	sadd.s32 $0x4480, s31  }
0x33e: {  	[tilespmem:s26], [sflag:$0x3] =	stream.linear.gather [hbm4b:s25+s3], $0x10, $0x38;
	[tilespmem:$0x18280] =	vst v63  }
0x33f: {  	s4 =	sadd.s32 $0x50, s1;
	s5 =	sadd.s32 $0x4500, s31  }
0x340: {  	[tilespmem:s5], [sflag:$0x3] =	stream.linear.gather [hbm4b:s4+s3], $0x10, $0x38;
	[tilespmem:$0x18280] =	vst v63  }
0x341: {  	s25 =	sadd.s32 $0x60, s1;
	s26 =	sadd.s32 $0x4580, s31  }
0x342: {  	[tilespmem:s26], [sflag:$0x3] =	stream.linear.gather [hbm4b:s25+s3], $0x10, $0x38;
	[tilespmem:$0x18280] =	vst v63  }
0x343: {  	s5 =	spop (v2sf)  }
0x344: {  	s2 =	sand.u32 $0xF, s5  }
0x345: {  	s25 =	sadd.s32 $0x70, s1;
	s26 =	sadd.s32 $0x4600, s31;
	s5 =	sor.u32 $0x3, s30;
	v42 =	vor.u32 s2, v0  }
0x346: {  	[tilespmem:s26], [sflag:$0x3] =	stream.linear.gather [hbm4b:s25+s3], $0x10, $0x38;
	v43 =	vmov s5;
	[tilespmem:$0x18280] =	vst v63  }
0x347: {  	_ =	swait.ge [sflag:s15], $0x400;
	v44 =	vshll.u32 v43, $0x3  }
0x348: {  	[sflag:s15] =	ssyncset.done $0x0;
	v43 =	vand.u32 $0x7B, v43;
	v44 =	vand.u32 $0xC00, v44  }
0x349: {  	[sflag:s15] =	ssyncadd.s32 $0xFFFFFC00;
	v43 =	vor.u32 v43, v44  }
0x34a: {  	v44 =	vor.u32 v1, v43;
	v42 =	vld.idx.msk [tilespmem:v42+s16+$0x0], $0xffff  }
0x34b: {  	v45 =	vor.u32 s2, v2;
	_ =	sdelay $0x1  }
0x34c: {  	(v2sf) =	vpush v40, $0x3;
	_ =	sdelay $0x1  }
0x34d: {  	[tilespmem:v44+s10+$0x0] =	vst.idx.msk $0xffff, v42  }
0x34e: {  	v60 =	vor.u32 v3, v43;
	v42 =	vld.idx.msk [tilespmem:v45+s16+$0x0], $0xffff  }
0x34f: {  	v61 =	vor.u32 s2, v4;
	_ =	sdelay $0x3  }
0x350: {  	[tilespmem:v60+s10+$0x0] =	vst.idx.msk $0xffff, v42  }
0x351: {  	v62 =	vor.u32 v5, v43;
	v42 =	vld.idx.msk [tilespmem:v61+s16+$0x0], $0xffff  }
0x352: {  	v63 =	vor.u32 s2, v6;
	_ =	sdelay $0x3  }
0x353: {  	[tilespmem:v62+s10+$0x0] =	vst.idx.msk $0xffff, v42  }
0x354: {  	v43 =	vor.u32 v7, v43;
	s5 =	spop (v2sf);
	v42 =	vld.idx.msk [tilespmem:v63+s16+$0x0], $0xffff  }
0x355: {  	s25 =	sshll.u32 s5, $0x3  }
0x356: {  	s1 =	sand.u32 $0x70, s5;
	s2 =	sand.u32 $0xFFFFFC00, s25  }
0x357: {  	s1 =	sor.u32 s1, s2  }
0x358: {  	s1 =	sshrl.u32 s1, $0x3  }
0x359: {  	s26 =	simm.s32 $0x6280;
	s1 =	sadd.s32 s0, s1;
	[tilespmem:v43+s10+$0x0] =	vst.idx.msk $0xffff, v42  }
0x35a: {  	[tilespmem:s26], [sflag:$0x4] =	stream.linear.gather [hbm4b:s1+s3], $0x10, $0x38;
	[tilespmem:$0x18280] =	vst v63  }
0x35b: {  	s5 =	simm.s32 $0x6300;
	s4 =	sadd.s32 $0x10, s1  }
0x35c: {  	[tilespmem:s5], [sflag:$0x4] =	stream.linear.gather [hbm4b:s4+s3], $0x10, $0x38;
	[tilespmem:$0x18280] =	vst v63  }
0x35d: {  	s25 =	sadd.s32 $0x20, s1;
	s26 =	simm.s32 $0x6380  }
0x35e: {  	[tilespmem:s26], [sflag:$0x4] =	stream.linear.gather [hbm4b:s25+s3], $0x10, $0x38;
	[tilespmem:$0x18280] =	vst v63  }
0x35f: {  	s4 =	sadd.s32 $0x30, s1;
	s5 =	simm.s32 $0x6400  }
0x360: {  	[tilespmem:s5], [sflag:$0x4] =	stream.linear.gather [hbm4b:s4+s3], $0x10, $0x38;
	[tilespmem:$0x18280] =	vst v63  }
0x361: {  	s25 =	sadd.s32 $0x40, s1;
	s26 =	simm.s32 $0x6480  }
0x362: {  	[tilespmem:s26], [sflag:$0x4] =	stream.linear.gather [hbm4b:s25+s3], $0x10, $0x38;
	[tilespmem:$0x18280] =	vst v63  }
0x363: {  	s31 =	simm.s32 $0x400;
	s4 =	sadd.s32 $0x50, s1;
	s5 =	simm.s32 $0x6500  }
0x364: {  	[tilespmem:s5], [sflag:$0x4] =	stream.linear.gather [hbm4b:s4+s3], $0x10, $0x38;
	[tilespmem:$0x18280] =	vst v63  }
0x365: {  	s2 =	simm.s32 $0x2000;
	s25 =	sadd.s32 $0x60, s1;
	s26 =	simm.s32 $0x6580  }
0x366: {  	[tilespmem:s26], [sflag:$0x4] =	stream.linear.gather [hbm4b:s25+s3], $0x10, $0x38;
	[tilespmem:$0x18280] =	vst v63  }
0x367: {  	s25 =	sadd.s32 $0x70, s1;
	s26 =	simm.s32 $0x6600;
	s1 =	sadd.s32 $0xF4280, s1  }
.LBB2_25:
0x368: {  	[tilespmem:s26], [sflag:$0x4] =	stream.linear.gather [hbm4b:s25+s3], $0x10, $0x38;
	[tilespmem:$0x18280] =	vst v63  }
0x369: {  	s4 =	smov.u32 s31;
	s5 =	smov.u32 s2  }
0x36a: {  	s31 =	sshra.s32 s5, $0x2;
	s5 =	sadd.s32 $0x1000, s2;
	s25 =	sadd.s32 $0x6280, s4  }
0x36b: {  	[tilespmem:s25], [sflag:$0x4] =	stream.linear.gather [hbm4b:s1+s3], $0x10, $0x38;
	[tilespmem:$0x18280] =	vst v63  }
0x36c: {  	p0 =	sne.s32 s2, $0x7000;
	s2 =	sadd.s32 $0x10, s1;
	s25 =	sadd.s32 $0x6300, s4  }
0x36d: {  	[tilespmem:s25], [sflag:$0x4] =	stream.linear.gather [hbm4b:s2+s3], $0x10, $0x38;
	[tilespmem:$0x18280] =	vst v63  }
0x36e: {  	s2 =	sadd.s32 $0x20, s1;
	s25 =	sadd.s32 $0x6380, s4  }
0x36f: {  	[tilespmem:s25], [sflag:$0x4] =	stream.linear.gather [hbm4b:s2+s3], $0x10, $0x38;
	[tilespmem:$0x18280] =	vst v63  }
0x370: {  	s2 =	sadd.s32 $0x30, s1;
	s25 =	sadd.s32 $0x6400, s4  }
0x371: {  	[tilespmem:s25], [sflag:$0x4] =	stream.linear.gather [hbm4b:s2+s3], $0x10, $0x38;
	[tilespmem:$0x18280] =	vst v63  }
0x372: {  	s2 =	sadd.s32 $0x40, s1;
	s25 =	sadd.s32 $0x6480, s4  }
0x373: {  	[tilespmem:s25], [sflag:$0x4] =	stream.linear.gather [hbm4b:s2+s3], $0x10, $0x38;
	[tilespmem:$0x18280] =	vst v63  }
.Ltmp11:
0x374: {  	s2 =	sadd.s32 $0x50, s1;
	s25 =	sadd.s32 $0x6500, s4;
	(pc) =	sbr.rel @p0 .LBB2_25-.Ltmp11, $4  }
0x375: {  	[tilespmem:s25], [sflag:$0x4] =	stream.linear.gather [hbm4b:s2+s3], $0x10, $0x38;
	[tilespmem:$0x18280] =	vst v63  }
0x376: {  	s26 =	sadd.s32 $0x6600, s4;
	s2 =	sadd.s32 $0x60, s1;
	s25 =	sadd.s32 $0x6580, s4  }
0x377: {  	[tilespmem:s25], [sflag:$0x4] =	stream.linear.gather [hbm4b:s2+s3], $0x10, $0x38;
	[tilespmem:$0x18280] =	vst v63  }
0x378: {  	s25 =	sadd.s32 $0x70, s1;
	s1 =	sadd.s32 $0xF4280, s1;
	s2 =	smov.u32 s5  }
0x379: {  	[tilespmem:s26], [sflag:$0x4] =	stream.linear.gather [hbm4b:s25+s3], $0x10, $0x38;
	(v2sf) =	vpush v41, $0x4;
	[tilespmem:$0x18280] =	vst v63  }
0x37a: {  	s2 =	sadd.s32 $0x6280, s31  }
0x37b: {  	[tilespmem:s2], [sflag:$0x4] =	stream.linear.gather [hbm4b:s1+s3], $0x10, $0x38;
	[tilespmem:$0x18280] =	vst v63  }
0x37c: {  	s5 =	sadd.s32 $0x10, s1;
	s4 =	sadd.s32 $0x6300, s31  }
0x37d: {  	[tilespmem:s4], [sflag:$0x4] =	stream.linear.gather [hbm4b:s5+s3], $0x10, $0x38;
	[tilespmem:$0x18280] =	vst v63  }
0x37e: {  	s25 =	sadd.s32 $0x20, s1;
	s26 =	sadd.s32 $0x6380, s31  }
0x37f: {  	[tilespmem:s26], [sflag:$0x4] =	stream.linear.gather [hbm4b:s25+s3], $0x10, $0x38;
	[tilespmem:$0x18280] =	vst v63  }
0x380: {  	s4 =	sadd.s32 $0x30, s1;
	s5 =	sadd.s32 $0x6400, s31  }
0x381: {  	[tilespmem:s5], [sflag:$0x4] =	stream.linear.gather [hbm4b:s4+s3], $0x10, $0x38;
	[tilespmem:$0x18280] =	vst v63  }
0x382: {  	s25 =	sadd.s32 $0x40, s1;
	s26 =	sadd.s32 $0x6480, s31  }
0x383: {  	[tilespmem:s26], [sflag:$0x4] =	stream.linear.gather [hbm4b:s25+s3], $0x10, $0x38;
	[tilespmem:$0x18280] =	vst v63  }
0x384: {  	s4 =	sadd.s32 $0x50, s1;
	s5 =	sadd.s32 $0x6500, s31  }
0x385: {  	[tilespmem:s5], [sflag:$0x4] =	stream.linear.gather [hbm4b:s4+s3], $0x10, $0x38;
	[tilespmem:$0x18280] =	vst v63  }
0x386: {  	s25 =	sadd.s32 $0x60, s1;
	s26 =	sadd.s32 $0x6580, s31  }
0x387: {  	[tilespmem:s26], [sflag:$0x4] =	stream.linear.gather [hbm4b:s25+s3], $0x10, $0x38;
	[tilespmem:$0x18280] =	vst v63  }
0x388: {  	s5 =	spop (v2sf)  }
0x389: {  	s2 =	sand.u32 $0xF, s5  }
0x38a: {  	s25 =	sadd.s32 $0x70, s1;
	s26 =	sadd.s32 $0x6600, s31;
	s5 =	sor.u32 $0x4, s30;
	v42 =	vor.u32 s2, v0  }
0x38b: {  	[tilespmem:s26], [sflag:$0x4] =	stream.linear.gather [hbm4b:s25+s3], $0x10, $0x38;
	v43 =	vmov s5;
	[tilespmem:$0x18280] =	vst v63  }
0x38c: {  	_ =	swait.ge [sflag:s17], $0x400;
	v44 =	vshll.u32 v43, $0x3  }
0x38d: {  	[sflag:s17] =	ssyncset.done $0x0;
	v43 =	vand.u32 $0x7C, v43;
	v44 =	vand.u32 $0xC00, v44  }
0x38e: {  	[sflag:s17] =	ssyncadd.s32 $0xFFFFFC00;
	v43 =	vor.u32 v43, v44  }
0x38f: {  	v44 =	vor.u32 v1, v43;
	v42 =	vld.idx.msk [tilespmem:v42+s18+$0x0], $0xffff  }
0x390: {  	v45 =	vor.u32 s2, v2;
	_ =	sdelay $0x1  }
0x391: {  	(v2sf) =	vpush v40, $0x4;
	_ =	sdelay $0x1  }
0x392: {  	[tilespmem:v44+s10+$0x0] =	vst.idx.msk $0xffff, v42  }
0x393: {  	v60 =	vor.u32 v3, v43;
	v42 =	vld.idx.msk [tilespmem:v45+s18+$0x0], $0xffff  }
0x394: {  	v61 =	vor.u32 s2, v4;
	_ =	sdelay $0x3  }
0x395: {  	[tilespmem:v60+s10+$0x0] =	vst.idx.msk $0xffff, v42  }
0x396: {  	v62 =	vor.u32 v5, v43;
	v42 =	vld.idx.msk [tilespmem:v61+s18+$0x0], $0xffff  }
0x397: {  	v63 =	vor.u32 s2, v6;
	_ =	sdelay $0x3  }
0x398: {  	[tilespmem:v62+s10+$0x0] =	vst.idx.msk $0xffff, v42  }
0x399: {  	v43 =	vor.u32 v7, v43;
	s5 =	spop (v2sf);
	v42 =	vld.idx.msk [tilespmem:v63+s18+$0x0], $0xffff  }
0x39a: {  	s25 =	sshll.u32 s5, $0x3  }
0x39b: {  	s1 =	sand.u32 $0x70, s5;
	s2 =	sand.u32 $0xFFFFFC00, s25  }
0x39c: {  	s1 =	sor.u32 s1, s2  }
0x39d: {  	s1 =	sshrl.u32 s1, $0x3  }
0x39e: {  	s26 =	simm.s32 $0x8280;
	s1 =	sadd.s32 s0, s1;
	[tilespmem:v43+s10+$0x0] =	vst.idx.msk $0xffff, v42  }
0x39f: {  	[tilespmem:s26], [sflag:$0x5] =	stream.linear.gather [hbm4b:s1+s3], $0x10, $0x38;
	[tilespmem:$0x18280] =	vst v63  }
0x3a0: {  	s5 =	simm.s32 $0x8300;
	s4 =	sadd.s32 $0x10, s1  }
0x3a1: {  	[tilespmem:s5], [sflag:$0x5] =	stream.linear.gather [hbm4b:s4+s3], $0x10, $0x38;
	[tilespmem:$0x18280] =	vst v63  }
0x3a2: {  	s25 =	sadd.s32 $0x20, s1;
	s26 =	simm.s32 $0x8380  }
0x3a3: {  	[tilespmem:s26], [sflag:$0x5] =	stream.linear.gather [hbm4b:s25+s3], $0x10, $0x38;
	[tilespmem:$0x18280] =	vst v63  }
0x3a4: {  	s4 =	sadd.s32 $0x30, s1;
	s5 =	simm.s32 $0x8400  }
0x3a5: {  	[tilespmem:s5], [sflag:$0x5] =	stream.linear.gather [hbm4b:s4+s3], $0x10, $0x38;
	[tilespmem:$0x18280] =	vst v63  }
0x3a6: {  	s25 =	sadd.s32 $0x40, s1;
	s26 =	simm.s32 $0x8480  }
0x3a7: {  	[tilespmem:s26], [sflag:$0x5] =	stream.linear.gather [hbm4b:s25+s3], $0x10, $0x38;
	[tilespmem:$0x18280] =	vst v63  }
0x3a8: {  	s31 =	simm.s32 $0x400;
	s4 =	sadd.s32 $0x50, s1;
	s5 =	simm.s32 $0x8500  }
0x3a9: {  	[tilespmem:s5], [sflag:$0x5] =	stream.linear.gather [hbm4b:s4+s3], $0x10, $0x38;
	[tilespmem:$0x18280] =	vst v63  }
0x3aa: {  	s2 =	simm.s32 $0x2000;
	s25 =	sadd.s32 $0x60, s1;
	s26 =	simm.s32 $0x8580  }
0x3ab: {  	[tilespmem:s26], [sflag:$0x5] =	stream.linear.gather [hbm4b:s25+s3], $0x10, $0x38;
	[tilespmem:$0x18280] =	vst v63  }
0x3ac: {  	s25 =	sadd.s32 $0x70, s1;
	s26 =	simm.s32 $0x8600;
	s1 =	sadd.s32 $0xF4280, s1  }
.LBB2_27:
0x3ad: {  	[tilespmem:s26], [sflag:$0x5] =	stream.linear.gather [hbm4b:s25+s3], $0x10, $0x38;
	[tilespmem:$0x18280] =	vst v63  }
0x3ae: {  	s4 =	smov.u32 s31;
	s5 =	smov.u32 s2  }
0x3af: {  	s31 =	sshra.s32 s5, $0x2;
	s5 =	sadd.s32 $0x1000, s2;
	s25 =	sadd.s32 $0x8280, s4  }
0x3b0: {  	[tilespmem:s25], [sflag:$0x5] =	stream.linear.gather [hbm4b:s1+s3], $0x10, $0x38;
	[tilespmem:$0x18280] =	vst v63  }
0x3b1: {  	p0 =	sne.s32 s2, $0x7000;
	s2 =	sadd.s32 $0x10, s1;
	s25 =	sadd.s32 $0x8300, s4  }
0x3b2: {  	[tilespmem:s25], [sflag:$0x5] =	stream.linear.gather [hbm4b:s2+s3], $0x10, $0x38;
	[tilespmem:$0x18280] =	vst v63  }
0x3b3: {  	s2 =	sadd.s32 $0x20, s1;
	s25 =	sadd.s32 $0x8380, s4  }
0x3b4: {  	[tilespmem:s25], [sflag:$0x5] =	stream.linear.gather [hbm4b:s2+s3], $0x10, $0x38;
	[tilespmem:$0x18280] =	vst v63  }
0x3b5: {  	s2 =	sadd.s32 $0x30, s1;
	s25 =	sadd.s32 $0x8400, s4  }
0x3b6: {  	[tilespmem:s25], [sflag:$0x5] =	stream.linear.gather [hbm4b:s2+s3], $0x10, $0x38;
	[tilespmem:$0x18280] =	vst v63  }
0x3b7: {  	s2 =	sadd.s32 $0x40, s1;
	s25 =	sadd.s32 $0x8480, s4  }
0x3b8: {  	[tilespmem:s25], [sflag:$0x5] =	stream.linear.gather [hbm4b:s2+s3], $0x10, $0x38;
	[tilespmem:$0x18280] =	vst v63  }
.Ltmp12:
0x3b9: {  	s2 =	sadd.s32 $0x50, s1;
	s25 =	sadd.s32 $0x8500, s4;
	(pc) =	sbr.rel @p0 .LBB2_27-.Ltmp12, $4  }
0x3ba: {  	[tilespmem:s25], [sflag:$0x5] =	stream.linear.gather [hbm4b:s2+s3], $0x10, $0x38;
	[tilespmem:$0x18280] =	vst v63  }
0x3bb: {  	s26 =	sadd.s32 $0x8600, s4;
	s2 =	sadd.s32 $0x60, s1;
	s25 =	sadd.s32 $0x8580, s4  }
0x3bc: {  	[tilespmem:s25], [sflag:$0x5] =	stream.linear.gather [hbm4b:s2+s3], $0x10, $0x38;
	[tilespmem:$0x18280] =	vst v63  }
0x3bd: {  	s25 =	sadd.s32 $0x70, s1;
	s1 =	sadd.s32 $0xF4280, s1;
	s2 =	smov.u32 s5  }
0x3be: {  	[tilespmem:s26], [sflag:$0x5] =	stream.linear.gather [hbm4b:s25+s3], $0x10, $0x38;
	(v2sf) =	vpush v41, $0x5;
	[tilespmem:$0x18280] =	vst v63  }
0x3bf: {  	s2 =	sadd.s32 $0x8280, s31  }
0x3c0: {  	[tilespmem:s2], [sflag:$0x5] =	stream.linear.gather [hbm4b:s1+s3], $0x10, $0x38;
	[tilespmem:$0x18280] =	vst v63  }
0x3c1: {  	s5 =	sadd.s32 $0x10, s1;
	s4 =	sadd.s32 $0x8300, s31  }
0x3c2: {  	[tilespmem:s4], [sflag:$0x5] =	stream.linear.gather [hbm4b:s5+s3], $0x10, $0x38;
	[tilespmem:$0x18280] =	vst v63  }
0x3c3: {  	s25 =	sadd.s32 $0x20, s1;
	s26 =	sadd.s32 $0x8380, s31  }
0x3c4: {  	[tilespmem:s26], [sflag:$0x5] =	stream.linear.gather [hbm4b:s25+s3], $0x10, $0x38;
	[tilespmem:$0x18280] =	vst v63  }
0x3c5: {  	s4 =	sadd.s32 $0x30, s1;
	s5 =	sadd.s32 $0x8400, s31  }
0x3c6: {  	[tilespmem:s5], [sflag:$0x5] =	stream.linear.gather [hbm4b:s4+s3], $0x10, $0x38;
	[tilespmem:$0x18280] =	vst v63  }
0x3c7: {  	s25 =	sadd.s32 $0x40, s1;
	s26 =	sadd.s32 $0x8480, s31  }
0x3c8: {  	[tilespmem:s26], [sflag:$0x5] =	stream.linear.gather [hbm4b:s25+s3], $0x10, $0x38;
	[tilespmem:$0x18280] =	vst v63  }
0x3c9: {  	s4 =	sadd.s32 $0x50, s1;
	s5 =	sadd.s32 $0x8500, s31  }
0x3ca: {  	[tilespmem:s5], [sflag:$0x5] =	stream.linear.gather [hbm4b:s4+s3], $0x10, $0x38;
	[tilespmem:$0x18280] =	vst v63  }
0x3cb: {  	s25 =	sadd.s32 $0x60, s1;
	s26 =	sadd.s32 $0x8580, s31  }
0x3cc: {  	[tilespmem:s26], [sflag:$0x5] =	stream.linear.gather [hbm4b:s25+s3], $0x10, $0x38;
	[tilespmem:$0x18280] =	vst v63  }
0x3cd: {  	s5 =	spop (v2sf)  }
0x3ce: {  	s2 =	sand.u32 $0xF, s5  }
0x3cf: {  	s25 =	sadd.s32 $0x70, s1;
	s26 =	sadd.s32 $0x8600, s31;
	s5 =	sor.u32 $0x5, s30;
	v42 =	vor.u32 s2, v0  }
0x3d0: {  	[tilespmem:s26], [sflag:$0x5] =	stream.linear.gather [hbm4b:s25+s3], $0x10, $0x38;
	v43 =	vmov s5;
	[tilespmem:$0x18280] =	vst v63  }
0x3d1: {  	_ =	swait.ge [sflag:s19], $0x400;
	v44 =	vshll.u32 v43, $0x3  }
0x3d2: {  	[sflag:s19] =	ssyncset.done $0x0;
	v43 =	vand.u32 $0x7D, v43;
	v44 =	vand.u32 $0xC00, v44  }
0x3d3: {  	[sflag:s19] =	ssyncadd.s32 $0xFFFFFC00;
	v43 =	vor.u32 v43, v44  }
0x3d4: {  	v44 =	vor.u32 v1, v43;
	v42 =	vld.idx.msk [tilespmem:v42+s20+$0x0], $0xffff  }
0x3d5: {  	v45 =	vor.u32 s2, v2;
	_ =	sdelay $0x1  }
0x3d6: {  	(v2sf) =	vpush v40, $0x5;
	_ =	sdelay $0x1  }
0x3d7: {  	[tilespmem:v44+s10+$0x0] =	vst.idx.msk $0xffff, v42  }
0x3d8: {  	v60 =	vor.u32 v3, v43;
	v42 =	vld.idx.msk [tilespmem:v45+s20+$0x0], $0xffff  }
0x3d9: {  	v61 =	vor.u32 s2, v4;
	_ =	sdelay $0x3  }
0x3da: {  	[tilespmem:v60+s10+$0x0] =	vst.idx.msk $0xffff, v42  }
0x3db: {  	v62 =	vor.u32 v5, v43;
	v42 =	vld.idx.msk [tilespmem:v61+s20+$0x0], $0xffff  }
0x3dc: {  	v63 =	vor.u32 s2, v6;
	_ =	sdelay $0x3  }
0x3dd: {  	[tilespmem:v62+s10+$0x0] =	vst.idx.msk $0xffff, v42  }
0x3de: {  	v43 =	vor.u32 v7, v43;
	s5 =	spop (v2sf);
	v42 =	vld.idx.msk [tilespmem:v63+s20+$0x0], $0xffff  }
0x3df: {  	s25 =	sshll.u32 s5, $0x3  }
0x3e0: {  	s1 =	sand.u32 $0x70, s5;
	s2 =	sand.u32 $0xFFFFFC00, s25  }
0x3e1: {  	s1 =	sor.u32 s1, s2  }
0x3e2: {  	s1 =	sshrl.u32 s1, $0x3  }
0x3e3: {  	s26 =	simm.s32 $0xA280;
	s1 =	sadd.s32 s0, s1;
	[tilespmem:v43+s10+$0x0] =	vst.idx.msk $0xffff, v42  }
0x3e4: {  	[tilespmem:s26], [sflag:$0x6] =	stream.linear.gather [hbm4b:s1+s3], $0x10, $0x38;
	[tilespmem:$0x18280] =	vst v63  }
0x3e5: {  	s5 =	simm.s32 $0xA300;
	s4 =	sadd.s32 $0x10, s1  }
0x3e6: {  	[tilespmem:s5], [sflag:$0x6] =	stream.linear.gather [hbm4b:s4+s3], $0x10, $0x38;
	[tilespmem:$0x18280] =	vst v63  }
0x3e7: {  	s25 =	sadd.s32 $0x20, s1;
	s26 =	simm.s32 $0xA380  }
0x3e8: {  	[tilespmem:s26], [sflag:$0x6] =	stream.linear.gather [hbm4b:s25+s3], $0x10, $0x38;
	[tilespmem:$0x18280] =	vst v63  }
0x3e9: {  	s4 =	sadd.s32 $0x30, s1;
	s5 =	simm.s32 $0xA400  }
0x3ea: {  	[tilespmem:s5], [sflag:$0x6] =	stream.linear.gather [hbm4b:s4+s3], $0x10, $0x38;
	[tilespmem:$0x18280] =	vst v63  }
0x3eb: {  	s25 =	sadd.s32 $0x40, s1;
	s26 =	simm.s32 $0xA480  }
0x3ec: {  	[tilespmem:s26], [sflag:$0x6] =	stream.linear.gather [hbm4b:s25+s3], $0x10, $0x38;
	[tilespmem:$0x18280] =	vst v63  }
0x3ed: {  	s31 =	simm.s32 $0x400;
	s4 =	sadd.s32 $0x50, s1;
	s5 =	simm.s32 $0xA500  }
0x3ee: {  	[tilespmem:s5], [sflag:$0x6] =	stream.linear.gather [hbm4b:s4+s3], $0x10, $0x38;
	[tilespmem:$0x18280] =	vst v63  }
0x3ef: {  	s2 =	simm.s32 $0x2000;
	s25 =	sadd.s32 $0x60, s1;
	s26 =	simm.s32 $0xA580  }
0x3f0: {  	[tilespmem:s26], [sflag:$0x6] =	stream.linear.gather [hbm4b:s25+s3], $0x10, $0x38;
	[tilespmem:$0x18280] =	vst v63  }
0x3f1: {  	s25 =	sadd.s32 $0x70, s1;
	s26 =	simm.s32 $0xA600;
	s1 =	sadd.s32 $0xF4280, s1  }
.LBB2_29:
0x3f2: {  	[tilespmem:s26], [sflag:$0x6] =	stream.linear.gather [hbm4b:s25+s3], $0x10, $0x38;
	[tilespmem:$0x18280] =	vst v63  }
0x3f3: {  	s4 =	smov.u32 s31;
	s5 =	smov.u32 s2  }
0x3f4: {  	s31 =	sshra.s32 s5, $0x2;
	s5 =	sadd.s32 $0x1000, s2;
	s25 =	sadd.s32 $0xA280, s4  }
0x3f5: {  	[tilespmem:s25], [sflag:$0x6] =	stream.linear.gather [hbm4b:s1+s3], $0x10, $0x38;
	[tilespmem:$0x18280] =	vst v63  }
0x3f6: {  	p0 =	sne.s32 s2, $0x7000;
	s2 =	sadd.s32 $0x10, s1;
	s25 =	sadd.s32 $0xA300, s4  }
0x3f7: {  	[tilespmem:s25], [sflag:$0x6] =	stream.linear.gather [hbm4b:s2+s3], $0x10, $0x38;
	[tilespmem:$0x18280] =	vst v63  }
0x3f8: {  	s2 =	sadd.s32 $0x20, s1;
	s25 =	sadd.s32 $0xA380, s4  }
0x3f9: {  	[tilespmem:s25], [sflag:$0x6] =	stream.linear.gather [hbm4b:s2+s3], $0x10, $0x38;
	[tilespmem:$0x18280] =	vst v63  }
0x3fa: {  	s2 =	sadd.s32 $0x30, s1;
	s25 =	sadd.s32 $0xA400, s4  }
0x3fb: {  	[tilespmem:s25], [sflag:$0x6] =	stream.linear.gather [hbm4b:s2+s3], $0x10, $0x38;
	[tilespmem:$0x18280] =	vst v63  }
0x3fc: {  	s2 =	sadd.s32 $0x40, s1;
	s25 =	sadd.s32 $0xA480, s4  }
0x3fd: {  	[tilespmem:s25], [sflag:$0x6] =	stream.linear.gather [hbm4b:s2+s3], $0x10, $0x38;
	[tilespmem:$0x18280] =	vst v63  }
.Ltmp13:
0x3fe: {  	s2 =	sadd.s32 $0x50, s1;
	s25 =	sadd.s32 $0xA500, s4;
	(pc) =	sbr.rel @p0 .LBB2_29-.Ltmp13, $4  }
0x3ff: {  	[tilespmem:s25], [sflag:$0x6] =	stream.linear.gather [hbm4b:s2+s3], $0x10, $0x38;
	[tilespmem:$0x18280] =	vst v63  }
0x400: {  	s26 =	sadd.s32 $0xA600, s4;
	s2 =	sadd.s32 $0x60, s1;
	s25 =	sadd.s32 $0xA580, s4  }
0x401: {  	[tilespmem:s25], [sflag:$0x6] =	stream.linear.gather [hbm4b:s2+s3], $0x10, $0x38;
	[tilespmem:$0x18280] =	vst v63  }
0x402: {  	s25 =	sadd.s32 $0x70, s1;
	s1 =	sadd.s32 $0xF4280, s1;
	s2 =	smov.u32 s5  }
0x403: {  	[tilespmem:s26], [sflag:$0x6] =	stream.linear.gather [hbm4b:s25+s3], $0x10, $0x38;
	(v2sf) =	vpush v41, $0x6;
	[tilespmem:$0x18280] =	vst v63  }
0x404: {  	s2 =	sadd.s32 $0xA280, s31  }
0x405: {  	[tilespmem:s2], [sflag:$0x6] =	stream.linear.gather [hbm4b:s1+s3], $0x10, $0x38;
	[tilespmem:$0x18280] =	vst v63  }
0x406: {  	s5 =	sadd.s32 $0x10, s1;
	s4 =	sadd.s32 $0xA300, s31  }
0x407: {  	[tilespmem:s4], [sflag:$0x6] =	stream.linear.gather [hbm4b:s5+s3], $0x10, $0x38;
	[tilespmem:$0x18280] =	vst v63  }
0x408: {  	s25 =	sadd.s32 $0x20, s1;
	s26 =	sadd.s32 $0xA380, s31  }
0x409: {  	[tilespmem:s26], [sflag:$0x6] =	stream.linear.gather [hbm4b:s25+s3], $0x10, $0x38;
	[tilespmem:$0x18280] =	vst v63  }
0x40a: {  	s4 =	sadd.s32 $0x30, s1;
	s5 =	sadd.s32 $0xA400, s31  }
0x40b: {  	[tilespmem:s5], [sflag:$0x6] =	stream.linear.gather [hbm4b:s4+s3], $0x10, $0x38;
	[tilespmem:$0x18280] =	vst v63  }
0x40c: {  	s25 =	sadd.s32 $0x40, s1;
	s26 =	sadd.s32 $0xA480, s31  }
0x40d: {  	[tilespmem:s26], [sflag:$0x6] =	stream.linear.gather [hbm4b:s25+s3], $0x10, $0x38;
	[tilespmem:$0x18280] =	vst v63  }
0x40e: {  	s4 =	sadd.s32 $0x50, s1;
	s5 =	sadd.s32 $0xA500, s31  }
0x40f: {  	[tilespmem:s5], [sflag:$0x6] =	stream.linear.gather [hbm4b:s4+s3], $0x10, $0x38;
	[tilespmem:$0x18280] =	vst v63  }
0x410: {  	s25 =	sadd.s32 $0x60, s1;
	s26 =	sadd.s32 $0xA580, s31  }
0x411: {  	[tilespmem:s26], [sflag:$0x6] =	stream.linear.gather [hbm4b:s25+s3], $0x10, $0x38;
	[tilespmem:$0x18280] =	vst v63  }
0x412: {  	s5 =	spop (v2sf)  }
0x413: {  	s2 =	sand.u32 $0xF, s5  }
0x414: {  	s25 =	sadd.s32 $0x70, s1;
	s26 =	sadd.s32 $0xA600, s31;
	s5 =	sor.u32 $0x6, s30;
	v42 =	vor.u32 s2, v0  }
0x415: {  	[tilespmem:s26], [sflag:$0x6] =	stream.linear.gather [hbm4b:s25+s3], $0x10, $0x38;
	v43 =	vmov s5;
	[tilespmem:$0x18280] =	vst v63  }
0x416: {  	_ =	swait.ge [sflag:s21], $0x400;
	v44 =	vshll.u32 v43, $0x3  }
0x417: {  	[sflag:s21] =	ssyncset.done $0x0;
	v43 =	vand.u32 $0x7E, v43;
	v44 =	vand.u32 $0xC00, v44  }
0x418: {  	[sflag:s21] =	ssyncadd.s32 $0xFFFFFC00;
	v43 =	vor.u32 v43, v44  }
0x419: {  	v44 =	vor.u32 v1, v43;
	v42 =	vld.idx.msk [tilespmem:v42+s22+$0x0], $0xffff  }
0x41a: {  	v45 =	vor.u32 s2, v2;
	_ =	sdelay $0x1  }
0x41b: {  	(v2sf) =	vpush v40, $0x6;
	_ =	sdelay $0x1  }
0x41c: {  	[tilespmem:v44+s10+$0x0] =	vst.idx.msk $0xffff, v42  }
0x41d: {  	v60 =	vor.u32 v3, v43;
	v42 =	vld.idx.msk [tilespmem:v45+s22+$0x0], $0xffff  }
0x41e: {  	v61 =	vor.u32 s2, v4;
	_ =	sdelay $0x3  }
0x41f: {  	[tilespmem:v60+s10+$0x0] =	vst.idx.msk $0xffff, v42  }
0x420: {  	v62 =	vor.u32 v5, v43;
	v42 =	vld.idx.msk [tilespmem:v61+s22+$0x0], $0xffff  }
0x421: {  	v63 =	vor.u32 s2, v6;
	_ =	sdelay $0x3  }
0x422: {  	[tilespmem:v62+s10+$0x0] =	vst.idx.msk $0xffff, v42  }
0x423: {  	v43 =	vor.u32 v7, v43;
	s5 =	spop (v2sf);
	v42 =	vld.idx.msk [tilespmem:v63+s22+$0x0], $0xffff  }
0x424: {  	s25 =	sshll.u32 s5, $0x3  }
0x425: {  	s1 =	sand.u32 $0x70, s5;
	s2 =	sand.u32 $0xFFFFFC00, s25  }
0x426: {  	s1 =	sor.u32 s1, s2  }
0x427: {  	s1 =	sshrl.u32 s1, $0x3  }
0x428: {  	s26 =	simm.s32 $0xC280;
	s1 =	sadd.s32 s0, s1;
	[tilespmem:v43+s10+$0x0] =	vst.idx.msk $0xffff, v42  }
0x429: {  	[tilespmem:s26], [sflag:$0x7] =	stream.linear.gather [hbm4b:s1+s3], $0x10, $0x38;
	[tilespmem:$0x18280] =	vst v63  }
0x42a: {  	s5 =	simm.s32 $0xC300;
	s4 =	sadd.s32 $0x10, s1  }
0x42b: {  	[tilespmem:s5], [sflag:$0x7] =	stream.linear.gather [hbm4b:s4+s3], $0x10, $0x38;
	[tilespmem:$0x18280] =	vst v63  }
0x42c: {  	s25 =	sadd.s32 $0x20, s1;
	s26 =	simm.s32 $0xC380  }
0x42d: {  	[tilespmem:s26], [sflag:$0x7] =	stream.linear.gather [hbm4b:s25+s3], $0x10, $0x38;
	[tilespmem:$0x18280] =	vst v63  }
0x42e: {  	s4 =	sadd.s32 $0x30, s1;
	s5 =	simm.s32 $0xC400  }
0x42f: {  	[tilespmem:s5], [sflag:$0x7] =	stream.linear.gather [hbm4b:s4+s3], $0x10, $0x38;
	[tilespmem:$0x18280] =	vst v63  }
0x430: {  	s25 =	sadd.s32 $0x40, s1;
	s26 =	simm.s32 $0xC480  }
0x431: {  	[tilespmem:s26], [sflag:$0x7] =	stream.linear.gather [hbm4b:s25+s3], $0x10, $0x38;
	[tilespmem:$0x18280] =	vst v63  }
0x432: {  	s31 =	simm.s32 $0x400;
	s4 =	sadd.s32 $0x50, s1;
	s5 =	simm.s32 $0xC500  }
0x433: {  	[tilespmem:s5], [sflag:$0x7] =	stream.linear.gather [hbm4b:s4+s3], $0x10, $0x38;
	[tilespmem:$0x18280] =	vst v63  }
0x434: {  	s2 =	simm.s32 $0x2000;
	s25 =	sadd.s32 $0x60, s1;
	s26 =	simm.s32 $0xC580  }
0x435: {  	[tilespmem:s26], [sflag:$0x7] =	stream.linear.gather [hbm4b:s25+s3], $0x10, $0x38;
	[tilespmem:$0x18280] =	vst v63  }
0x436: {  	s25 =	sadd.s32 $0x70, s1;
	s26 =	simm.s32 $0xC600;
	s1 =	sadd.s32 $0xF4280, s1  }
.LBB2_31:
0x437: {  	[tilespmem:s26], [sflag:$0x7] =	stream.linear.gather [hbm4b:s25+s3], $0x10, $0x38;
	[tilespmem:$0x18280] =	vst v63  }
0x438: {  	s4 =	smov.u32 s31;
	s5 =	smov.u32 s2  }
0x439: {  	s31 =	sshra.s32 s5, $0x2;
	s5 =	sadd.s32 $0x1000, s2;
	s25 =	sadd.s32 $0xC280, s4  }
0x43a: {  	[tilespmem:s25], [sflag:$0x7] =	stream.linear.gather [hbm4b:s1+s3], $0x10, $0x38;
	[tilespmem:$0x18280] =	vst v63  }
0x43b: {  	p0 =	sne.s32 s2, $0x7000;
	s2 =	sadd.s32 $0x10, s1;
	s25 =	sadd.s32 $0xC300, s4  }
0x43c: {  	[tilespmem:s25], [sflag:$0x7] =	stream.linear.gather [hbm4b:s2+s3], $0x10, $0x38;
	[tilespmem:$0x18280] =	vst v63  }
0x43d: {  	s2 =	sadd.s32 $0x20, s1;
	s25 =	sadd.s32 $0xC380, s4  }
0x43e: {  	[tilespmem:s25], [sflag:$0x7] =	stream.linear.gather [hbm4b:s2+s3], $0x10, $0x38;
	[tilespmem:$0x18280] =	vst v63  }
0x43f: {  	s2 =	sadd.s32 $0x30, s1;
	s25 =	sadd.s32 $0xC400, s4  }
0x440: {  	[tilespmem:s25], [sflag:$0x7] =	stream.linear.gather [hbm4b:s2+s3], $0x10, $0x38;
	[tilespmem:$0x18280] =	vst v63  }
0x441: {  	s2 =	sadd.s32 $0x40, s1;
	s25 =	sadd.s32 $0xC480, s4  }
0x442: {  	[tilespmem:s25], [sflag:$0x7] =	stream.linear.gather [hbm4b:s2+s3], $0x10, $0x38;
	[tilespmem:$0x18280] =	vst v63  }
.Ltmp14:
0x443: {  	s2 =	sadd.s32 $0x50, s1;
	s25 =	sadd.s32 $0xC500, s4;
	(pc) =	sbr.rel @p0 .LBB2_31-.Ltmp14, $4  }
0x444: {  	[tilespmem:s25], [sflag:$0x7] =	stream.linear.gather [hbm4b:s2+s3], $0x10, $0x38;
	[tilespmem:$0x18280] =	vst v63  }
0x445: {  	s26 =	sadd.s32 $0xC600, s4;
	s2 =	sadd.s32 $0x60, s1;
	s25 =	sadd.s32 $0xC580, s4  }
0x446: {  	[tilespmem:s25], [sflag:$0x7] =	stream.linear.gather [hbm4b:s2+s3], $0x10, $0x38;
	[tilespmem:$0x18280] =	vst v63  }
0x447: {  	s25 =	sadd.s32 $0x70, s1;
	s1 =	sadd.s32 $0xF4280, s1;
	s2 =	smov.u32 s5  }
0x448: {  	[tilespmem:s26], [sflag:$0x7] =	stream.linear.gather [hbm4b:s25+s3], $0x10, $0x38;
	(v2sf) =	vpush v41, $0x7;
	[tilespmem:$0x18280] =	vst v63  }
0x449: {  	s2 =	sadd.s32 $0xC280, s31  }
0x44a: {  	[tilespmem:s2], [sflag:$0x7] =	stream.linear.gather [hbm4b:s1+s3], $0x10, $0x38;
	[tilespmem:$0x18280] =	vst v63  }
0x44b: {  	s26 =	sadd.s32 $0x10, s1;
	s4 =	sadd.s32 $0xC300, s31  }
0x44c: {  	[tilespmem:s4], [sflag:$0x7] =	stream.linear.gather [hbm4b:s26+s3], $0x10, $0x38;
	[tilespmem:$0x18280] =	vst v63  }
0x44d: {  	s5 =	sadd.s32 $0xC380, s31;
	s4 =	sadd.s32 $0x20, s1  }
0x44e: {  	[tilespmem:s5], [sflag:$0x7] =	stream.linear.gather [hbm4b:s4+s3], $0x10, $0x38;
	[tilespmem:$0x18280] =	vst v63  }
0x44f: {  	s25 =	sadd.s32 $0x30, s1;
	s26 =	sadd.s32 $0xC400, s31  }
0x450: {  	[tilespmem:s26], [sflag:$0x7] =	stream.linear.gather [hbm4b:s25+s3], $0x10, $0x38;
	[tilespmem:$0x18280] =	vst v63  }
0x451: {  	s4 =	sadd.s32 $0x40, s1;
	s5 =	sadd.s32 $0xC480, s31  }
0x452: {  	[tilespmem:s5], [sflag:$0x7] =	stream.linear.gather [hbm4b:s4+s3], $0x10, $0x38;
	[tilespmem:$0x18280] =	vst v63  }
0x453: {  	s25 =	sadd.s32 $0x50, s1;
	s26 =	sadd.s32 $0xC500, s31  }
0x454: {  	[tilespmem:s26], [sflag:$0x7] =	stream.linear.gather [hbm4b:s25+s3], $0x10, $0x38;
	[tilespmem:$0x18280] =	vst v63  }
0x455: {  	s5 =	sadd.s32 $0x60, s1;
	s25 =	sadd.s32 $0xC580, s31  }
0x456: {  	[tilespmem:s25], [sflag:$0x7] =	stream.linear.gather [hbm4b:s5+s3], $0x10, $0x38;
	[tilespmem:$0x18280] =	vst v63  }
0x457: {  	s26 =	spop (v2sf)  }
0x458: {  	s2 =	sand.u32 $0xF, s26  }
0x459: {  	s4 =	sadd.s32 $0x70, s1;
	s25 =	sadd.s32 $0xC600, s31;
	s5 =	sor.u32 $0x7, s30;
	v57 =	vor.u32 s2, v0  }
0x45a: {  	v42 =	vmov s5;
	[tilespmem:s25], [sflag:$0x7] =	stream.linear.gather [hbm4b:s4+s3], $0x10, $0x38;
	[tilespmem:$0x18280] =	vst v63  }
0x45b: {  	v43 =	vshll.u32 v42, $0x3;
	_ =	swait.ge [sflag:s23], $0x400  }
0x45c: {  	v42 =	vand.u32 $0x7F, v42;
	v43 =	vand.u32 $0xC00, v43;
	[sflag:s23] =	ssyncset.done $0x0  }
0x45d: {  	v42 =	vor.u32 v42, v43;
	[sflag:s23] =	ssyncadd.s32 $0xFFFFFC00  }
0x45e: {  	v43 =	vor.u32 v1, v42;
	v41 =	vld.idx.msk [tilespmem:v57+s24+$0x0], $0xffff  }
0x45f: {  	v44 =	vor.u32 s2, v2;
	_ =	sdelay $0x1  }
0x460: {  	(v2sf) =	vpush v40, $0x7;
	_ =	sdelay $0x1  }
0x461: {  	[tilespmem:v43+s10+$0x0] =	vst.idx.msk $0xffff, v41  }
0x462: {  	v59 =	vor.u32 v3, v42;
	v58 =	vld.idx.msk [tilespmem:v44+s24+$0x0], $0xffff  }
0x463: {  	v60 =	vor.u32 s2, v4;
	_ =	sdelay $0x3  }
0x464: {  	[tilespmem:v59+s10+$0x0] =	vst.idx.msk $0xffff, v58  }
0x465: {  	v61 =	vor.u32 v5, v42;
	v40 =	vld.idx.msk [tilespmem:v60+s24+$0x0], $0xffff  }
0x466: {  	v62 =	vor.u32 s2, v6;
	_ =	sdelay $0x3  }
0x467: {  	[tilespmem:v61+s10+$0x0] =	vst.idx.msk $0xffff, v40  }
0x468: {  	v63 =	vor.u32 v7, v42;
	s26 =	spop (v2sf);
	v40 =	vld.idx.msk [tilespmem:v62+s24+$0x0], $0xffff  }
0x469: {  	s31 =	sshll.u32 s26, $0x3  }
0x46a: {  	s1 =	sand.u32 $0x70, s26;
	s2 =	sand.u32 $0xFFFFFC00, s31  }
0x46b: {  	s1 =	sor.u32 s1, s2  }
0x46c: {  	s1 =	sshrl.u32 s1, $0x3  }
0x46d: {  	s2 =	simm.s32 $0xE280;
	s4 =	sadd.s32 s0, s1;
	[tilespmem:v63+s10+$0x0] =	vst.idx.msk $0xffff, v40  }
0x46e: {  	[tilespmem:s2], [sflag:$0x8] =	stream.linear.gather [hbm4b:s4+s3], $0x10, $0x38;
	[tilespmem:$0x18280] =	vst v63  }
0x46f: {  	s25 =	simm.s32 $0xE300;
	s5 =	sadd.s32 $0x10, s4  }
0x470: {  	[tilespmem:s25], [sflag:$0x8] =	stream.linear.gather [hbm4b:s5+s3], $0x10, $0x38;
	[tilespmem:$0x18280] =	vst v63  }
0x471: {  	s31 =	simm.s32 $0xE380;
	s26 =	sadd.s32 $0x20, s4  }
0x472: {  	[tilespmem:s31], [sflag:$0x8] =	stream.linear.gather [hbm4b:s26+s3], $0x10, $0x38;
	[tilespmem:$0x18280] =	vst v63  }
0x473: {  	s5 =	sadd.s32 $0x30, s4;
	s25 =	simm.s32 $0xE400  }
0x474: {  	[tilespmem:s25], [sflag:$0x8] =	stream.linear.gather [hbm4b:s5+s3], $0x10, $0x38;
	[tilespmem:$0x18280] =	vst v63  }
0x475: {  	s26 =	sadd.s32 $0x40, s4;
	s31 =	simm.s32 $0xE480  }
0x476: {  	[tilespmem:s31], [sflag:$0x8] =	stream.linear.gather [hbm4b:s26+s3], $0x10, $0x38;
	[tilespmem:$0x18280] =	vst v63  }
0x477: {  	s1 =	simm.s32 $0x400;
	s5 =	sadd.s32 $0x50, s4;
	s25 =	simm.s32 $0xE500  }
0x478: {  	[tilespmem:s25], [sflag:$0x8] =	stream.linear.gather [hbm4b:s5+s3], $0x10, $0x38;
	[tilespmem:$0x18280] =	vst v63  }
0x479: {  	s30 =	sadd.s32 $0xF4280, s4;
	s26 =	sadd.s32 $0x60, s4;
	s31 =	simm.s32 $0xE580  }
0x47a: {  	[tilespmem:s31], [sflag:$0x8] =	stream.linear.gather [hbm4b:s26+s3], $0x10, $0x38;
	[tilespmem:$0x18280] =	vst v63  }
0x47b: {  	s2 =	simm.s32 $0x2000;
	s25 =	sadd.s32 $0x70, s4;
	s26 =	simm.s32 $0xE600  }
.LBB2_33:
0x47c: {  	[tilespmem:s26], [sflag:$0x8] =	stream.linear.gather [hbm4b:s25+s3], $0x10, $0x38;
	[tilespmem:$0x18280] =	vst v63  }
0x47d: {  	s4 =	smov.u32 s1;
	s1 =	smov.u32 s2  }
0x47e: {  	s5 =	sadd.s32 $0x1000, s2;
	s1 =	sshra.s32 s1, $0x2;
	s25 =	sadd.s32 $0xE280, s4  }
0x47f: {  	[tilespmem:s25], [sflag:$0x8] =	stream.linear.gather [hbm4b:s30+s3], $0x10, $0x38;
	[tilespmem:$0x18280] =	vst v63  }
0x480: {  	p0 =	sne.s32 s2, $0x7000;
	s2 =	sadd.s32 $0x10, s30;
	s25 =	sadd.s32 $0xE300, s4  }
0x481: {  	[tilespmem:s25], [sflag:$0x8] =	stream.linear.gather [hbm4b:s2+s3], $0x10, $0x38;
	[tilespmem:$0x18280] =	vst v63  }
0x482: {  	s2 =	sadd.s32 $0x20, s30;
	s25 =	sadd.s32 $0xE380, s4  }
0x483: {  	[tilespmem:s25], [sflag:$0x8] =	stream.linear.gather [hbm4b:s2+s3], $0x10, $0x38;
	[tilespmem:$0x18280] =	vst v63  }
0x484: {  	s2 =	sadd.s32 $0x30, s30;
	s25 =	sadd.s32 $0xE400, s4  }
0x485: {  	[tilespmem:s25], [sflag:$0x8] =	stream.linear.gather [hbm4b:s2+s3], $0x10, $0x38;
	[tilespmem:$0x18280] =	vst v63  }
0x486: {  	s2 =	sadd.s32 $0x40, s30;
	s25 =	sadd.s32 $0xE480, s4  }
0x487: {  	[tilespmem:s25], [sflag:$0x8] =	stream.linear.gather [hbm4b:s2+s3], $0x10, $0x38;
	[tilespmem:$0x18280] =	vst v63  }
.Ltmp15:
0x488: {  	s2 =	sadd.s32 $0x50, s30;
	s25 =	sadd.s32 $0xE500, s4;
	(pc) =	sbr.rel @p0 .LBB2_33-.Ltmp15, $4  }
0x489: {  	[tilespmem:s25], [sflag:$0x8] =	stream.linear.gather [hbm4b:s2+s3], $0x10, $0x38;
	[tilespmem:$0x18280] =	vst v63  }
0x48a: {  	s26 =	sadd.s32 $0xE600, s4;
	s2 =	sadd.s32 $0x60, s30;
	s25 =	sadd.s32 $0xE580, s4  }
0x48b: {  	[tilespmem:s25], [sflag:$0x8] =	stream.linear.gather [hbm4b:s2+s3], $0x10, $0x38;
	[tilespmem:$0x18280] =	vst v63  }
0x48c: {  	s25 =	sadd.s32 $0x70, s30;
	s30 =	sadd.s32 $0xF4280, s30;
	s2 =	smov.u32 s5  }
0x48d: {  	[tilespmem:s26], [sflag:$0x8] =	stream.linear.gather [hbm4b:s25+s3], $0x10, $0x38;
	[tilespmem:$0x18280] =	vst v63  }
0x48e: {  	s2 =	sadd.s32 $0xE280, s1  }
0x48f: {  	[tilespmem:s2], [sflag:$0x8] =	stream.linear.gather [hbm4b:s30+s3], $0x10, $0x38;
	[tilespmem:$0x18280] =	vst v63  }
0x490: {  	s25 =	sadd.s32 $0x10, s30;
	s4 =	sadd.s32 $0xE300, s1  }
0x491: {  	[tilespmem:s4], [sflag:$0x8] =	stream.linear.gather [hbm4b:s25+s3], $0x10, $0x38;
	[tilespmem:$0x18280] =	vst v63  }
0x492: {  	s26 =	sadd.s32 $0x20, s30;
	s31 =	sadd.s32 $0xE380, s1  }
0x493: {  	[tilespmem:s31], [sflag:$0x8] =	stream.linear.gather [hbm4b:s26+s3], $0x10, $0x38;
	[tilespmem:$0x18280] =	vst v63  }
0x494: {  	s5 =	sadd.s32 $0x30, s30;
	s25 =	sadd.s32 $0xE400, s1  }
0x495: {  	[tilespmem:s25], [sflag:$0x8] =	stream.linear.gather [hbm4b:s5+s3], $0x10, $0x38;
	[tilespmem:$0x18280] =	vst v63  }
0x496: {  	s29 =	sadd.s32 $0x1, s29;
	s26 =	sadd.s32 $0x40, s30;
	s31 =	sadd.s32 $0xE480, s1  }
0x497: {  	[tilespmem:s31], [sflag:$0x8] =	stream.linear.gather [hbm4b:s26+s3], $0x10, $0x38;
	[tilespmem:$0x18280] =	vst v63  }
0x498: {  	p0 =	sne.s32 s29, $0x3F;
	s4 =	sadd.s32 $0x50, s30;
	s5 =	sadd.s32 $0xE500, s1  }
0x499: {  	[tilespmem:s5], [sflag:$0x8] =	stream.linear.gather [hbm4b:s4+s3], $0x10, $0x38;
	[tilespmem:$0x18280] =	vst v63  }
.Ltmp16:
0x49a: {  	_ = 	snop;
	(pc) =	sbr.rel @p0 .LBB2_18-.Ltmp16, $4  }
0x49b: {  	s25 =	sadd.s32 $0x60, s30;
	s26 =	sadd.s32 $0xE580, s1  }
0x49c: {  	[tilespmem:s26], [sflag:$0x8] =	stream.linear.gather [hbm4b:s25+s3], $0x10, $0x38;
	[tilespmem:$0x18280] =	vst v63  }
0x49d: {  	s30 =	sadd.s32 $0x70, s30;
	s31 =	sadd.s32 $0xE600, s1  }
0x49e: {  	[tilespmem:s31], [sflag:$0x8] =	stream.linear.gather [hbm4b:s30+s3], $0x10, $0x38;
	[tilespmem:$0x18280] =	vst v63  }
0x49f: {  	v40 =	vld [tilespmem:$0x1F8];
	_ =	sdelay $0x4  }
0x4a0: {  	(v2sf) =	vpush v40, $0x0;
	_ =	sdelay $0xe  }
0x4a1: {  	s1 =	spop (v2sf)  }
0x4a2: {  	s1 =	sand.u32 $0xF, s1  }
0x4a3: {  	v41 =	vor.u32 s1, v0;
	_ =	sdelay $0x1  }
0x4a4: {  	_ =	swait.ge [sflag:s8], $0x400  }
0x4a5: {  	[sflag:s8] =	ssyncset.done $0x0  }
0x4a6: {  	[sflag:s8] =	ssyncadd.s32 $0xFFFFFC00  }
0x4a7: {  	v41 =	vld.idx.msk [tilespmem:v41+s9+$0x0], $0xffff  }
0x4a8: {  	v42 =	vor.u32 s1, v2;
	_ =	sdelay $0x3  }
0x4a9: {  	(v2sf) =	vpush v40, $0x1;
	[tilespmem:v8+s10+$0x0] =	vst.idx.msk $0xffff, v41  }
0x4aa: {  	v41 =	vld.idx.msk [tilespmem:v42+s9+$0x0], $0xffff  }
0x4ab: {  	v45 =	vor.u32 s1, v4;
	_ =	sdelay $0x3  }
0x4ac: {  	[tilespmem:v9+s10+$0x0] =	vst.idx.msk $0xffff, v41  }
0x4ad: {  	v41 =	vld.idx.msk [tilespmem:v45+s9+$0x0], $0xffff  }
0x4ae: {  	v46 =	vor.u32 s1, v6;
	_ =	sdelay $0x3  }
0x4af: {  	[tilespmem:v10+s10+$0x0] =	vst.idx.msk $0xffff, v41  }
0x4b0: {  	v41 =	vld.idx.msk [tilespmem:v46+s9+$0x0], $0xffff;
	_ =	sdelay $0x1  }
0x4b1: {  	s2 =	spop (v2sf)  }
0x4b2: {  	s1 =	sand.u32 $0xF, s2  }
0x4b3: {  	v47 =	vor.u32 s1, v0  }
0x4b4: {  	[tilespmem:v11+s10+$0x0] =	vst.idx.msk $0xffff, v41  }
0x4b5: {  	_ =	swait.ge [sflag:s11], $0x400  }
0x4b6: {  	[sflag:s11] =	ssyncset.done $0x0  }
0x4b7: {  	[sflag:s11] =	ssyncadd.s32 $0xFFFFFC00  }
0x4b8: {  	v48 =	vld.idx.msk [tilespmem:v47+s12+$0x0], $0xffff  }
0x4b9: {  	v49 =	vor.u32 s1, v2;
	_ =	sdelay $0x3  }
0x4ba: {  	(v2sf) =	vpush v40, $0x2;
	[tilespmem:v12+s10+$0x0] =	vst.idx.msk $0xffff, v48  }
0x4bb: {  	v41 =	vld.idx.msk [tilespmem:v49+s12+$0x0], $0xffff  }
0x4bc: {  	v50 =	vor.u32 s1, v4;
	_ =	sdelay $0x3  }
0x4bd: {  	[tilespmem:v13+s10+$0x0] =	vst.idx.msk $0xffff, v41  }
0x4be: {  	v41 =	vld.idx.msk [tilespmem:v50+s12+$0x0], $0xffff  }
0x4bf: {  	v51 =	vor.u32 s1, v6;
	_ =	sdelay $0x3  }
0x4c0: {  	[tilespmem:v14+s10+$0x0] =	vst.idx.msk $0xffff, v41  }
0x4c1: {  	v41 =	vld.idx.msk [tilespmem:v51+s12+$0x0], $0xffff;
	_ =	sdelay $0x1  }
0x4c2: {  	s4 =	spop (v2sf)  }
0x4c3: {  	s1 =	sand.u32 $0xF, s4  }
0x4c4: {  	v52 =	vor.u32 s1, v0  }
0x4c5: {  	[tilespmem:v15+s10+$0x0] =	vst.idx.msk $0xffff, v41  }
0x4c6: {  	_ =	swait.ge [sflag:s13], $0x400  }
0x4c7: {  	[sflag:s13] =	ssyncset.done $0x0  }
0x4c8: {  	[sflag:s13] =	ssyncadd.s32 $0xFFFFFC00  }
0x4c9: {  	v53 =	vld.idx.msk [tilespmem:v52+s14+$0x0], $0xffff  }
0x4ca: {  	v54 =	vor.u32 s1, v2;
	_ =	sdelay $0x3  }
0x4cb: {  	(v2sf) =	vpush v40, $0x3;
	[tilespmem:v16+s10+$0x0] =	vst.idx.msk $0xffff, v53  }
0x4cc: {  	v41 =	vld.idx.msk [tilespmem:v54+s14+$0x0], $0xffff  }
0x4cd: {  	v55 =	vor.u32 s1, v4;
	_ =	sdelay $0x3  }
0x4ce: {  	[tilespmem:v17+s10+$0x0] =	vst.idx.msk $0xffff, v41  }
0x4cf: {  	v41 =	vld.idx.msk [tilespmem:v55+s14+$0x0], $0xffff  }
0x4d0: {  	v56 =	vor.u32 s1, v6;
	_ =	sdelay $0x3  }
0x4d1: {  	[tilespmem:v18+s10+$0x0] =	vst.idx.msk $0xffff, v41  }
0x4d2: {  	v41 =	vld.idx.msk [tilespmem:v56+s14+$0x0], $0xffff;
	_ =	sdelay $0x1  }
0x4d3: {  	s5 =	spop (v2sf)  }
0x4d4: {  	s1 =	sand.u32 $0xF, s5  }
0x4d5: {  	v57 =	vor.u32 s1, v0  }
0x4d6: {  	[tilespmem:v19+s10+$0x0] =	vst.idx.msk $0xffff, v41  }
0x4d7: {  	_ =	swait.ge [sflag:s15], $0x400  }
0x4d8: {  	[sflag:s15] =	ssyncset.done $0x0  }
0x4d9: {  	[sflag:s15] =	ssyncadd.s32 $0xFFFFFC00  }
0x4da: {  	v58 =	vld.idx.msk [tilespmem:v57+s16+$0x0], $0xffff  }
0x4db: {  	v59 =	vor.u32 s1, v2;
	_ =	sdelay $0x3  }
0x4dc: {  	(v2sf) =	vpush v40, $0x4;
	[tilespmem:v20+s10+$0x0] =	vst.idx.msk $0xffff, v58  }
0x4dd: {  	v41 =	vld.idx.msk [tilespmem:v59+s16+$0x0], $0xffff  }
0x4de: {  	v60 =	vor.u32 s1, v4;
	_ =	sdelay $0x3  }
0x4df: {  	[tilespmem:v21+s10+$0x0] =	vst.idx.msk $0xffff, v41  }
0x4e0: {  	v41 =	vld.idx.msk [tilespmem:v60+s16+$0x0], $0xffff  }
0x4e1: {  	v61 =	vor.u32 s1, v6;
	_ =	sdelay $0x3  }
0x4e2: {  	[tilespmem:v22+s10+$0x0] =	vst.idx.msk $0xffff, v41  }
0x4e3: {  	v41 =	vld.idx.msk [tilespmem:v61+s16+$0x0], $0xffff;
	_ =	sdelay $0x1  }
0x4e4: {  	s25 =	spop (v2sf)  }
0x4e5: {  	s1 =	sand.u32 $0xF, s25  }
0x4e6: {  	v62 =	vor.u32 s1, v0  }
0x4e7: {  	[tilespmem:v23+s10+$0x0] =	vst.idx.msk $0xffff, v41  }
0x4e8: {  	_ =	swait.ge [sflag:s17], $0x400  }
0x4e9: {  	[sflag:s17] =	ssyncset.done $0x0  }
0x4ea: {  	[sflag:s17] =	ssyncadd.s32 $0xFFFFFC00  }
0x4eb: {  	v63 =	vld.idx.msk [tilespmem:v62+s18+$0x0], $0xffff  }
0x4ec: {  	v45 =	vor.u32 s1, v2;
	_ =	sdelay $0x3  }
0x4ed: {  	(v2sf) =	vpush v40, $0x5;
	[tilespmem:v24+s10+$0x0] =	vst.idx.msk $0xffff, v63  }
0x4ee: {  	v41 =	vld.idx.msk [tilespmem:v45+s18+$0x0], $0xffff  }
0x4ef: {  	v46 =	vor.u32 s1, v4;
	_ =	sdelay $0x3  }
0x4f0: {  	[tilespmem:v25+s10+$0x0] =	vst.idx.msk $0xffff, v41  }
0x4f1: {  	v41 =	vld.idx.msk [tilespmem:v46+s18+$0x0], $0xffff  }
0x4f2: {  	v47 =	vor.u32 s1, v6;
	_ =	sdelay $0x3  }
0x4f3: {  	[tilespmem:v26+s10+$0x0] =	vst.idx.msk $0xffff, v41  }
0x4f4: {  	v41 =	vld.idx.msk [tilespmem:v47+s18+$0x0], $0xffff;
	_ =	sdelay $0x1  }
0x4f5: {  	s26 =	spop (v2sf)  }
0x4f6: {  	s1 =	sand.u32 $0xF, s26  }
0x4f7: {  	v48 =	vor.u32 s1, v0  }
0x4f8: {  	[tilespmem:v27+s10+$0x0] =	vst.idx.msk $0xffff, v41  }
0x4f9: {  	_ =	swait.ge [sflag:s19], $0x400  }
0x4fa: {  	[sflag:s19] =	ssyncset.done $0x0  }
0x4fb: {  	[sflag:s19] =	ssyncadd.s32 $0xFFFFFC00  }
0x4fc: {  	v49 =	vld.idx.msk [tilespmem:v48+s20+$0x0], $0xffff  }
0x4fd: {  	v50 =	vor.u32 s1, v2;
	_ =	sdelay $0x3  }
0x4fe: {  	(v2sf) =	vpush v40, $0x6;
	[tilespmem:v28+s10+$0x0] =	vst.idx.msk $0xffff, v49  }
0x4ff: {  	v41 =	vld.idx.msk [tilespmem:v50+s20+$0x0], $0xffff  }
0x500: {  	v51 =	vor.u32 s1, v4;
	_ =	sdelay $0x3  }
0x501: {  	[tilespmem:v29+s10+$0x0] =	vst.idx.msk $0xffff, v41  }
0x502: {  	v41 =	vld.idx.msk [tilespmem:v51+s20+$0x0], $0xffff  }
0x503: {  	v52 =	vor.u32 s1, v6;
	_ =	sdelay $0x3  }
0x504: {  	[tilespmem:v30+s10+$0x0] =	vst.idx.msk $0xffff, v41  }
0x505: {  	v41 =	vld.idx.msk [tilespmem:v52+s20+$0x0], $0xffff;
	_ =	sdelay $0x1  }
0x506: {  	s29 =	spop (v2sf)  }
0x507: {  	s1 =	sand.u32 $0xF, s29  }
0x508: {  	v53 =	vor.u32 s1, v0  }
0x509: {  	[tilespmem:v31+s10+$0x0] =	vst.idx.msk $0xffff, v41  }
0x50a: {  	_ =	swait.ge [sflag:s21], $0x400  }
0x50b: {  	[sflag:s21] =	ssyncset.done $0x0  }
0x50c: {  	[sflag:s21] =	ssyncadd.s32 $0xFFFFFC00  }
0x50d: {  	v54 =	vld.idx.msk [tilespmem:v53+s22+$0x0], $0xffff  }
0x50e: {  	v55 =	vor.u32 s1, v2;
	_ =	sdelay $0x3  }
0x50f: {  	(v2sf) =	vpush v40, $0x7;
	[tilespmem:v32+s10+$0x0] =	vst.idx.msk $0xffff, v54  }
0x510: {  	v56 =	vld.idx.msk [tilespmem:v55+s22+$0x0], $0xffff  }
0x511: {  	v57 =	vor.u32 s1, v4;
	_ =	sdelay $0x3  }
0x512: {  	[tilespmem:v33+s10+$0x0] =	vst.idx.msk $0xffff, v56  }
0x513: {  	v40 =	vld.idx.msk [tilespmem:v57+s22+$0x0], $0xffff  }
0x514: {  	v58 =	vor.u32 s1, v6;
	_ =	sdelay $0x3  }
0x515: {  	[tilespmem:v34+s10+$0x0] =	vst.idx.msk $0xffff, v40  }
0x516: {  	v40 =	vld.idx.msk [tilespmem:v58+s22+$0x0], $0xffff;
	_ =	sdelay $0x1  }
0x517: {  	s30 =	spop (v2sf)  }
0x518: {  	s1 =	sand.u32 $0xF, s30  }
0x519: {  	v59 =	vor.u32 s1, v0  }
0x51a: {  	[tilespmem:v35+s10+$0x0] =	vst.idx.msk $0xffff, v40  }
0x51b: {  	_ =	swait.ge [sflag:s23], $0x400  }
0x51c: {  	[sflag:s23] =	ssyncset.done $0x0  }
0x51d: {  	[sflag:s23] =	ssyncadd.s32 $0xFFFFFC00  }
0x51e: {  	v60 =	vld.idx.msk [tilespmem:v59+s24+$0x0], $0xffff  }
0x51f: {  	v61 =	vor.u32 s1, v2;
	_ =	sdelay $0x3  }
0x520: {  	[tilespmem:v36+s10+$0x0] =	vst.idx.msk $0xffff, v60  }
0x521: {  	v40 =	vld.idx.msk [tilespmem:v61+s24+$0x0], $0xffff  }
0x522: {  	v62 =	vor.u32 s1, v4;
	_ =	sdelay $0x3  }
0x523: {  	[tilespmem:v37+s10+$0x0] =	vst.idx.msk $0xffff, v40  }
0x524: {  	v40 =	vld.idx.msk [tilespmem:v62+s24+$0x0], $0xffff  }
0x525: {  	v63 =	vor.u32 s1, v6;
	_ =	sdelay $0x3  }
0x526: {  	[tilespmem:v38+s10+$0x0] =	vst.idx.msk $0xffff, v40  }
0x527: {  	v40 =	vld.idx.msk [tilespmem:v63+s24+$0x0], $0xffff;
	_ =	sdelay $0x2  }
0x528: {  	s28 =	sadd.s32 $0x1, s28  }
0x529: {  	p0 =	sne.s32 s28, s6;
	s2 =	simm.s32 $0x1000  }
.Ltmp17:
0x52a: {  	s4 =	simm.s32 $0x20000;
	s31 =	rddreg [dreg:$0x5];
	[tilespmem:v39+s10+$0x0] =	vst.idx.msk $0xffff, v40;
	(pc) =	sbr.rel @p0 .LBB2_1-.Ltmp17, $4  }
0x52b: {  	[hbm4b:s31+s2] =	stream.strided.scatter [tilespmem:s10], [sflag:$0x9], $0x8000, s4, s2, $0x38;
	[tilespmem:$0x18280] =	vst v63  }
0x52c: {  	_ =	swait.ge [sflag:s7], $0x8000  }
0x52d: {  	[sflag:s7] =	ssyncset.done $0x0  }
0x52e: {  	[sflag:s7] =	ssyncadd.s32 $0xFFFF8000  }
0x52f: {  	_ =	sfence.sel $0x180000  }
0x530: {  	[bflag:$0x0] =	sbarrier.arrive $0xFFFF  }
0x531: {  	_ =	strace $0x90000047  }
0x532: {  	s0 =	stileid.u32;
	[bflag:$0x2] =	sbarrier.arrive $0xFFFF  }
0x533: {  	p0 =	sne.s32 s0, $0x0;
	s0 =	rddreg [dreg:$0x3]  }
0x534: {  	s0 =	sadd.s32 @!p0 $0x100000, s0  }
0x535: {  	[sflag:s0] =	ssyncadd.tile.s32 @!p0 $0x1;
	_ =	shalt  }
.Lfunc_end2:
_tile_overlayer_lowered:
.L_overlay_start_2:
0x536: {  	(tag) =	ssettag $0x2  }
0x537: {  	s0 =	rddreg [dreg:$0x0];
	s2 =	stileid.u32  }
0x538: {  	s1 =	rddreg [dreg:$0x1];
	p0 =	sne.s32 s2, $0x0  }
0x539: {  	s3 =	rddreg [dreg:$0x2];
	[bflag:$0x3] =	sbarrier.arrive $0xFFFF;
	s2 =	simm.s32 @!p0 $0x1C09  }
0x53a: {  	[timem:s3], [sflag:s2] =	dma.local @!p0 [hbm:s0], s1  }
0x53b: {  	s0 =	simm.s32 @!p0 $0x9  }
0x53c: {  	_ =	swait.ge @!p0 [sflag:s0], s1  }
0x53d: {  	s1 =	ssub.s32 @!p0 $0x0, s1;
	[sflag:s0] =	ssyncset.done @!p0 $0x0  }
0x53e: {  	[sflag:s0] =	ssyncadd.s32 @!p0 s1  }
0x53f: {  	[bflag:$0x3] =	sbarrier.arrive $0xFFFF  }
0x540: {  	_ =	shalt  }

</sc_bundles>
